<compile_context>
chip_gen: v7x
topology: tpu7x:2x2x1
jax: 0.10.2.dev20260603
libtpu: 0.0.44.dev20260713+nightly
codegen_flags: <defaults>
</compile_context>

<pallas_src>
import functools

import jax
import jax.numpy as jnp
from jax import lax
from jax.experimental import pallas as pl
from jax.experimental.pallas import tpu as pltpu
from jax.experimental.pallas import tpu_sc as plsc

N = 10000
E = 320000
NP = 10240
PT = NP // 16
CH = 128
TCH = 2560
EP = TCH * CH
CPT0 = 80
CPT1 = 80
BMAX = 80
K = 4
NA = 10112
PA = NA // 16

_mesh = plsc.VectorSubcoreMesh(core_axis_name="c", subcore_axis_name="s")
_sc_params = pltpu.CompilerParams(use_tc_tiling_on_sc=False)


def _chunk_start(c, s):
    return jnp.where(c == 0, s * CPT0, 16 * CPT0 + s * CPT1)


@functools.partial(
    pl.kernel,
    mesh=_mesh,
    out_type=jax.ShapeDtypeStruct((2, NP), jnp.float32),
    compiler_params=_sc_params,
    scratch_types=[
        pltpu.VMEM((BMAX, CH), jnp.int32),
        pltpu.VMEM((CH,), jnp.float32),
        pltpu.VMEM_SHARED((NP,), jnp.float32),
        pltpu.SemaphoreType.DMA,
        pltpu.SemaphoreType.DMA,
    ],
)
def _deg(dst_hbm, ones_hbm, z_hbm, out_hbm, dbuf, ones_v, acc, s0, s1):
    c = lax.axis_index("c")
    s = lax.axis_index("s")
    pltpu.sync_copy(z_hbm, acc.at[pl.ds(s * PT, PT)])
    pltpu.sync_copy(ones_hbm, ones_v)
    pltpu.sync_copy(dst_hbm.at[pl.ds(_chunk_start(c, s), BMAX)], dbuf)
    plsc.subcore_barrier()
    sems = [s0, s1]
    SW = 2 * K

    def fire_set(st, sem):
        for k in range(SW):
            pltpu.async_copy(ones_v, acc.at[dbuf.at[st * SW + k]], sem,
                             add=True)

    def drain_set(sem):
        for _ in range(SW):
            pltpu.make_async_copy(ones_v, acc.at[dbuf.at[0]], sem).wait()

    npairs = jnp.where(c == 0, CPT0 // SW // 2 - 1, CPT1 // SW // 2 - 1)
    fire_set(0, sems[0])
    fire_set(1, sems[1])

    def body(p, carry):
        drain_set(sems[0])
        fire_set(2 * p + 2, sems[0])
        drain_set(sems[1])
        fire_set(2 * p + 3, sems[1])
        return carry

    lax.fori_loop(0, npairs, body, 0)
    drain_set(sems[0])
    drain_set(sems[1])
    plsc.subcore_barrier()
    pltpu.sync_copy(acc.at[pl.ds(s * PT, PT)], out_hbm.at[c, pl.ds(s * PT, PT)])


def _make_agg(D, SK):
    rows_t = [pltpu.VMEM((CH, D), jnp.float32) for _ in range(2 * SK)]

    @functools.partial(
        pl.kernel,
        mesh=_mesh,
        out_type=jax.ShapeDtypeStruct((2, NA, D), jnp.float32),
        compiler_params=_sc_params,
        scratch_types=[
            pltpu.VMEM((BMAX, CH), jnp.int32),
            pltpu.VMEM((BMAX, CH), jnp.int32),
            pltpu.VMEM_SHARED((NA, D), jnp.float32),
            pltpu.VMEM_SHARED((NA, D), jnp.float32),
            pltpu.SemaphoreType.DMA,
            pltpu.SemaphoreType.DMA,
            pltpu.SemaphoreType.DMA,
            pltpu.SemaphoreType.DMA,
        ]
        + rows_t,
    )
    def agg(src_hbm, dst_hbm, g_hbm, z_hbm, out_hbm, sbuf, dbuf, acc, tbl,
            sg0, sg1, ss0, ss1, *rows):
        c = lax.axis_index("c")
        s = lax.axis_index("s")
        start = _chunk_start(c, s)
        pltpu.sync_copy(z_hbm, acc.at[pl.ds(s * PA, PA)])
        pltpu.sync_copy(g_hbm.at[pl.ds(s * PA, PA)], tbl.at[pl.ds(s * PA, PA)])
        pltpu.sync_copy(src_hbm.at[pl.ds(start, BMAX)], sbuf)
        pltpu.sync_copy(dst_hbm.at[pl.ds(start, BMAX)], dbuf)
        plsc.subcore_barrier()
        sg = [sg0, sg1]
        ss = [ss0, ss1]
        banks = [rows[0:SK], rows[SK:2 * SK]]

        def fire_gathers(st, bank, sem):
            for k in range(SK):
                pltpu.async_copy(tbl.at[sbuf.at[st * SK + k]], bank[k], sem)

        def wait_gathers(bank, sem):
            for k in range(SK):
                pltpu.make_async_copy(tbl.at[sbuf.at[0]], bank[k], sem).wait()

        def fire_scatters(st, bank, sem):
            for k in range(SK):
                pltpu.async_copy(bank[k], acc.at[dbuf.at[st * SK + k]], sem,
                                 add=True)

        def drain_scatters(bank, sem):
            for k in range(SK):
                pltpu.make_async_copy(bank[k], acc.at[dbuf.at[0]], sem).wait()

        def half(t, parity, first=False, last=False):
            X, Y = parity, 1 - parity
            if not last:
                if not first:
                    drain_scatters(banks[Y], ss[Y])
                fire_gathers(t + 1, banks[Y], sg[Y])
            wait_gathers(banks[X], sg[X])
            fire_scatters(t, banks[X], ss[X])

        ns0, ns1 = CPT0 // SK, CPT1 // SK
        ns = jnp.where(c == 0, ns0, ns1)
        npairs = jnp.where(c == 0, (ns0 - 2) // 2, (ns1 - 2) // 2)
        fire_gathers(0, banks[0], sg[0])
        half(0, 0, first=True)

        def body(p, carry):
            t = 2 * p + 1
            half(t, 1)
            half(t + 1, 0)
            return carry

        lax.fori_loop(0, npairs, body, 0)
        half(ns - 1, 1, last=True)
        drain_scatters(banks[0], ss[0])
        drain_scatters(banks[1], ss[1])
        plsc.subcore_barrier()
        pltpu.sync_copy(
            acc.at[pl.ds(s * PA, PA)], out_hbm.at[c, pl.ds(s * PA, PA)]
        )

    return agg


_agg64 = _make_agg(64, 1)
_agg32 = _make_agg(32, 4)


def _tc0(x, W1):
    def body(x_ref, w_ref, u_ref):
        u_ref[...] = jnp.dot(x_ref[...], w_ref[...],
                             preferred_element_type=jnp.float32)

    return pl.pallas_call(
        body,
        out_shape=jax.ShapeDtypeStruct((N, 64), jnp.float32),
    )(x, W1)


def _tc1(u1, degT):
    def body(u_ref, dg_ref, g1_ref, dinv_ref):
        dsum = dg_ref[:, 0:1] + dg_ref[:, 1:2] + 1.0
        dinv = lax.rsqrt(dsum[0:N, :])
        g1_ref[...] = u_ref[...] * dinv
        dinv_ref[...] = dinv

    return pl.pallas_call(
        body,
        out_shape=(
            jax.ShapeDtypeStruct((N, 64), jnp.float32),
            jax.ShapeDtypeStruct((N, 1), jnp.float32),
        ),
    )(u1, degT)


def _tc2(p0, p1, g1, dinv, W2, b1):
    def body(p0_ref, p1_ref, g1_ref, dinv_ref, w_ref, b_ref, g2_ref):
        agg = p0_ref[0:N, :] + p1_ref[0:N, :] + g1_ref[...]
        h1 = jnp.maximum(dinv_ref[...] * agg + b_ref[...], 0.0)
        u = jnp.dot(h1, w_ref[...], preferred_element_type=jnp.float32)
        g2_ref[...] = u * dinv_ref[...]

    return pl.pallas_call(
        body,
        out_shape=jax.ShapeDtypeStruct((N, 32), jnp.float32),
    )(p0, p1, g1, dinv, W2, b1)


def _tc3(q0, q1, g2, dinv, w3r, b2, b3):
    def body(q0_ref, q1_ref, g2_ref, dinv_ref, w_ref, b2_ref, b3_ref, o_ref):
        agg = q0_ref[0:N, :] + q1_ref[0:N, :] + g2_ref[...]
        h2 = jnp.maximum(dinv_ref[...] * agg + b2_ref[...], 0.0)
        o_ref[...] = (
            jnp.sum(h2 * w_ref[...], axis=1, keepdims=True) + b3_ref[...]
        )

    return pl.pallas_call(
        body,
        out_shape=jax.ShapeDtypeStruct((N, 1), jnp.float32),
    )(q0, q1, g2, dinv, w3r, b2, b3)


def kernel(x, edge_index, W1, b1, W2, b2, W3, b3):
    src = edge_index[0].astype(jnp.int32)
    dst = edge_index[1].astype(jnp.int32)
    pad = EP - E
    src_p = jnp.concatenate([src, jnp.zeros((pad,), jnp.int32)])
    dst_p = jnp.concatenate([dst, jnp.full((pad,), N, jnp.int32)])
    src2 = src_p.reshape(TCH, CH)
    dst2 = dst_p.reshape(TCH, CH)
    ones = jnp.ones((CH,), jnp.float32)
    z1 = jnp.zeros((PT,), jnp.float32)
    z64 = jnp.zeros((PA, 64), jnp.float32)
    z32 = jnp.zeros((PA, 32), jnp.float32)

    degp = _deg(dst2, ones, z1)
    u1 = _tc0(x, W1)
    g1, dinv = _tc1(u1, degp.T)
    g1p = jnp.concatenate([g1, jnp.zeros((NA - N, 64), jnp.float32)])
    p = _agg64(src2, dst2, g1p, z64)
    g2 = _tc2(p[0], p[1], g1, dinv, W2, b1.reshape(1, 64))
    g2p = jnp.concatenate([g2, jnp.zeros((NA - N, 32), jnp.float32)])
    q = _agg32(src2, dst2, g2p, z32)
    out = _tc3(q[0], q[1], g2, dinv, W3.reshape(1, 32), b2.reshape(1, 32),
               b3.reshape(1, 1))
    return out

# --- scband reference (transcript-rebuilt; emitter-appended) ---
"""Pipeline reference for scband-simple-gnn-28338194219589 (READ-ONLY COPY).

The authoritative reference and input builder live on the scoring server;
editing this copy changes nothing except your own understanding.
"""

import jax, jax.numpy as jnp
import numpy as np

N_NODES = 10000
N_EDGES = 320000
D_IN = 128
D_H1 = 64
D_H2 = 32


def setup_inputs(seed: int = 0) -> dict:
    key = jax.random.key(seed)
    ks = jax.random.split(key, 8)
    x = jax.random.normal(ks[0], (N_NODES, D_IN), dtype=jnp.float32)
    edge_index = jax.random.randint(ks[1], (2, N_EDGES), 0, N_NODES, dtype=jnp.int64)
    # GCNConv weights (glorot-style scaled normals) and zero biases, Linear head
    W1 = jax.random.normal(ks[2], (D_IN, D_H1), dtype=jnp.float32) * (1.0 / np.sqrt(D_IN))
    b1 = jnp.zeros((D_H1,), dtype=jnp.float32)
    W2 = jax.random.normal(ks[3], (D_H1, D_H2), dtype=jnp.float32) * (1.0 / np.sqrt(D_H1))
    b2 = jnp.zeros((D_H2,), dtype=jnp.float32)
    W3 = jax.random.normal(ks[4], (D_H2, 1), dtype=jnp.float32) * (1.0 / np.sqrt(D_H2))
    b3 = jnp.zeros((1,), dtype=jnp.float32)
    return {"x": x, "edge_index": edge_index, "W1": W1, "b1": b1, "W2": W2, "b2": b2, "W3": W3, "b3": b3}


def _gcn_conv(x, src, dst, norm, W, b, num_nodes):
    h = x @ W
    msg = h[src] * norm[:, None]
    out = jnp.zeros((num_nodes, W.shape[1]), dtype=x.dtype).at[dst].add(msg)
    return out + b


def reference(x, edge_index, W1, b1, W2, b2, W3, b3):
    num_nodes = x.shape[0]
    loop = jnp.arange(num_nodes, dtype=edge_index.dtype)
    src = jnp.concatenate([edge_index[0], loop])
    dst = jnp.concatenate([edge_index[1], loop])
    # symmetric GCN normalization with self-loops
    deg = jnp.zeros((num_nodes,), dtype=x.dtype).at[dst].add(1.0)
    dinv = jax.lax.rsqrt(deg)
    norm = dinv[src] * dinv[dst]
    h = _gcn_conv(x, src, dst, norm, W1, b1, num_nodes)
    h = jax.nn.relu(h)
    h = _gcn_conv(h, src, dst, norm, W2, b2, num_nodes)
    h = jax.nn.relu(h)
    out = h @ W3 + b3
    return out

if __name__ == "__main__":
    import jax
    _d = setup_inputs()
    print(jax.jit(kernel)(*tuple(_d.values())))

</pallas_src>

<mosaic_0001>
#map = affine_map<(d0, d1) -> (0, 0)>
#map1 = affine_map<(d0, d1) -> (0)>
module attributes {stable_mosaic.version = 14 : i64} {
  func.func @_deg(%arg0: i32, %arg1: i32, %arg2: memref<2560x128xi32, #tpu.memory_space<hbm>>, %arg3: memref<128xf32, #tpu.memory_space<hbm>>, %arg4: memref<640xf32, #tpu.memory_space<hbm>>, %arg5: memref<2x10240xf32, #tpu.memory_space<hbm>>, %arg6: memref<80x128xi32, #tpu.memory_space<vmem>>, %arg7: memref<128xf32, #tpu.memory_space<vmem>>, %arg8: memref<10240xf32, #tpu.memory_space<vmem_shared>>, %arg9: memref<!tpu.dma_semaphore, #tpu.memory_space<semaphore_mem>>, %arg10: memref<!tpu.dma_semaphore, #tpu.memory_space<semaphore_mem>>) attributes {dimension_semantics = [#tpu.dimension_semantics<core_parallel>, #tpu.dimension_semantics<subcore_parallel>], iteration_bounds = array<i64: 2, 16>, scalar_prefetch = 0 : i64, scratch_operands = 5 : i64, tpu.core_type = #tpu.core_type<sc_vector_subcore>, window_params = [{transform_indices = #map}, {transform_indices = #map1}, {transform_indices = #map1}, {transform_indices = #map}]} {
    %mul3A = arith.constant 640 : i32
    %mul3A_0 = arith.muli %arg1, %mul3A : i32
    "tpu.region"() ({
      %run_scoped3A = tpu.sem_alloc : memref<!tpu.dma_semaphore, #tpu.memory_space<semaphore_mem>>
      %dma_start3A_215 = tpu.memref_slice %arg8[%mul3A_0] : memref<10240xf32, #tpu.memory_space<vmem_shared>> -> memref<640xf32, #tpu.memory_space<vmem_shared>>
      tpu.enqueue_dma source(%arg4 : memref<640xf32, #tpu.memory_space<hbm>>) target(%dma_start3A_215 : memref<640xf32, #tpu.memory_space<vmem_shared>>) target_semaphore(%run_scoped3A : memref<!tpu.dma_semaphore, #tpu.memory_space<semaphore_mem>>)
      %dma_wait3A_216 = tpu.memref_slice %arg8[%mul3A_0] : memref<10240xf32, #tpu.memory_space<vmem_shared>> -> memref<640xf32, #tpu.memory_space<vmem_shared>>
      tpu.wait_dma2 semaphore(%run_scoped3A : memref<!tpu.dma_semaphore, #tpu.memory_space<semaphore_mem>>) src(%arg4 : memref<640xf32, #tpu.memory_space<hbm>>) dst(%dma_wait3A_216 : memref<640xf32, #tpu.memory_space<vmem_shared>>)
      tpu.yield
    }) : () -> ()
    "tpu.region"() ({
      %run_scoped3A = tpu.sem_alloc : memref<!tpu.dma_semaphore, #tpu.memory_space<semaphore_mem>>
      tpu.enqueue_dma source(%arg3 : memref<128xf32, #tpu.memory_space<hbm>>) target(%arg7 : memref<128xf32, #tpu.memory_space<vmem>>) target_semaphore(%run_scoped3A : memref<!tpu.dma_semaphore, #tpu.memory_space<semaphore_mem>>)
      tpu.wait_dma2 semaphore(%run_scoped3A : memref<!tpu.dma_semaphore, #tpu.memory_space<semaphore_mem>>) src(%arg3 : memref<128xf32, #tpu.memory_space<hbm>>) dst(%arg7 : memref<128xf32, #tpu.memory_space<vmem>>)
      tpu.yield
    }) : () -> ()
    %eq3A = arith.constant 0 : i32
    %eq3A_1 = arith.cmpi eq, %arg0, %eq3A : i32
    %mul3A_2 = arith.constant 80 : i32
    %mul3A_3 = arith.muli %arg1, %mul3A_2 : i32
    %mul3A_4 = arith.constant 80 : i32
    %mul3A_5 = arith.muli %arg1, %mul3A_4 : i32
    %add3A = arith.constant 1280 : i32
    %add3A_6 = arith.addi %add3A, %mul3A_5 : i32
    %select_n3A = arith.select %eq3A_1, %mul3A_3, %add3A_6 : i32
    "tpu.region"() ({
      %run_scoped3A = tpu.sem_alloc : memref<!tpu.dma_semaphore, #tpu.memory_space<semaphore_mem>>
      %dma_start3A_215 = arith.constant 0 : i32
      %dma_start3A_216 = tpu.memref_slice %arg2[%select_n3A, %dma_start3A_215] : memref<2560x128xi32, #tpu.memory_space<hbm>> -> memref<80x128xi32, #tpu.memory_space<hbm>>
      %dma_start3A_217 = arith.constant 0 : i32
      %dma_start3A_218 = tpu.memref_slice %arg2[%select_n3A, %dma_start3A_217] : memref<2560x128xi32, #tpu.memory_space<hbm>> -> memref<80x128xi32, #tpu.memory_space<hbm>>
      tpu.enqueue_dma source(%dma_start3A_218 : memref<80x128xi32, #tpu.memory_space<hbm>>) target(%arg6 : memref<80x128xi32, #tpu.memory_space<vmem>>) target_semaphore(%run_scoped3A : memref<!tpu.dma_semaphore, #tpu.memory_space<semaphore_mem>>)
      %dma_wait3A_219 = arith.constant 0 : i32
      %dma_wait3A_220 = tpu.memref_slice %arg2[%select_n3A, %dma_wait3A_219] : memref<2560x128xi32, #tpu.memory_space<hbm>> -> memref<80x128xi32, #tpu.memory_space<hbm>>
      %dma_wait3A_221 = arith.constant 0 : i32
      %dma_wait3A_222 = tpu.memref_slice %arg2[%select_n3A, %dma_wait3A_221] : memref<2560x128xi32, #tpu.memory_space<hbm>> -> memref<80x128xi32, #tpu.memory_space<hbm>>
      tpu.wait_dma2 semaphore(%run_scoped3A : memref<!tpu.dma_semaphore, #tpu.memory_space<semaphore_mem>>) src(%dma_wait3A_222 : memref<80x128xi32, #tpu.memory_space<hbm>>) dst(%arg6 : memref<80x128xi32, #tpu.memory_space<vmem>>)
      tpu.yield
    }) : () -> ()
    %barrier3A = arith.constant 0 : index
    tpu.barrier barrier_id(%barrier3A)
    %eq3A_7 = arith.constant 0 : i32
    %eq3A_8 = arith.cmpi eq, %arg0, %eq3A_7 : i32
    %jit3A = arith.constant 4 : i32
    %jit3A_9 = arith.constant 4 : i32
    %select_n3A_10 = arith.select %eq3A_8, %jit3A, %jit3A_9 : i32
    %dma_start3A = arith.constant 0 : i32
    %dma_start3A_11 = arith.constant 0 : i32
    %dma_start3A_12 = tpu.memref_slice %arg6[%dma_start3A, %dma_start3A_11] : memref<80x128xi32, #tpu.memory_space<vmem>> -> memref<1x128xi32, #tpu.memory_space<vmem>>
    %dma_start3A_13 = tpu.memref_squeeze %dma_start3A_12 : memref<1x128xi32, #tpu.memory_space<vmem>> -> memref<128xi32, #tpu.memory_space<vmem>>
    %dma_start3A_14 = arith.constant 0 : i32
    %dma_start3A_15 = tpu.memref_slice %arg8[%dma_start3A_14] : memref<10240xf32, #tpu.memory_space<vmem_shared>> -> memref<10240xf32, #tpu.memory_space<vmem_shared>>
    tpu.enqueue_indirect_dma source(%arg7 : memref<128xf32, #tpu.memory_space<vmem>>) target(%dma_start3A_15 : memref<10240xf32, #tpu.memory_space<vmem_shared>>) offsets(%dma_start3A_13 : memref<128xi32, #tpu.memory_space<vmem>>) semaphore(%arg9 : memref<!tpu.dma_semaphore, #tpu.memory_space<semaphore_mem>>) {add = true}
    %dma_start3A_16 = arith.constant 1 : i32
    %dma_start3A_17 = arith.constant 0 : i32
    %dma_start3A_18 = tpu.memref_slice %arg6[%dma_start3A_16, %dma_start3A_17] : memref<80x128xi32, #tpu.memory_space<vmem>> -> memref<1x128xi32, #tpu.memory_space<vmem>>
    %dma_start3A_19 = tpu.memref_squeeze %dma_start3A_18 : memref<1x128xi32, #tpu.memory_space<vmem>> -> memref<128xi32, #tpu.memory_space<vmem>>
    %dma_start3A_20 = arith.constant 0 : i32
    %dma_start3A_21 = tpu.memref_slice %arg8[%dma_start3A_20] : memref<10240xf32, #tpu.memory_space<vmem_shared>> -> memref<10240xf32, #tpu.memory_space<vmem_shared>>
    tpu.enqueue_indirect_dma source(%arg7 : memref<128xf32, #tpu.memory_space<vmem>>) target(%dma_start3A_21 : memref<10240xf32, #tpu.memory_space<vmem_shared>>) offsets(%dma_start3A_19 : memref<128xi32, #tpu.memory_space<vmem>>) semaphore(%arg9 : memref<!tpu.dma_semaphore, #tpu.memory_space<semaphore_mem>>) {add = true}
    %dma_start3A_22 = arith.constant 2 : i32
    %dma_start3A_23 = arith.constant 0 : i32
    %dma_start3A_24 = tpu.memref_slice %arg6[%dma_start3A_22, %dma_start3A_23] : memref<80x128xi32, #tpu.memory_space<vmem>> -> memref<1x128xi32, #tpu.memory_space<vmem>>
    %dma_start3A_25 = tpu.memref_squeeze %dma_start3A_24 : memref<1x128xi32, #tpu.memory_space<vmem>> -> memref<128xi32, #tpu.memory_space<vmem>>
    %dma_start3A_26 = arith.constant 0 : i32
    %dma_start3A_27 = tpu.memref_slice %arg8[%dma_start3A_26] : memref<10240xf32, #tpu.memory_space<vmem_shared>> -> memref<10240xf32, #tpu.memory_space<vmem_shared>>
    tpu.enqueue_indirect_dma source(%arg7 : memref<128xf32, #tpu.memory_space<vmem>>) target(%dma_start3A_27 : memref<10240xf32, #tpu.memory_space<vmem_shared>>) offsets(%dma_start3A_25 : memref<128xi32, #tpu.memory_space<vmem>>) semaphore(%arg9 : memref<!tpu.dma_semaphore, #tpu.memory_space<semaphore_mem>>) {add = true}
    %dma_start3A_28 = arith.constant 3 : i32
    %dma_start3A_29 = arith.constant 0 : i32
    %dma_start3A_30 = tpu.memref_slice %arg6[%dma_start3A_28, %dma_start3A_29] : memref<80x128xi32, #tpu.memory_space<vmem>> -> memref<1x128xi32, #tpu.memory_space<vmem>>
    %dma_start3A_31 = tpu.memref_squeeze %dma_start3A_30 : memref<1x128xi32, #tpu.memory_space<vmem>> -> memref<128xi32, #tpu.memory_space<vmem>>
    %dma_start3A_32 = arith.constant 0 : i32
    %dma_start3A_33 = tpu.memref_slice %arg8[%dma_start3A_32] : memref<10240xf32, #tpu.memory_space<vmem_shared>> -> memref<10240xf32, #tpu.memory_space<vmem_shared>>
    tpu.enqueue_indirect_dma source(%arg7 : memref<128xf32, #tpu.memory_space<vmem>>) target(%dma_start3A_33 : memref<10240xf32, #tpu.memory_space<vmem_shared>>) offsets(%dma_start3A_31 : memref<128xi32, #tpu.memory_space<vmem>>) semaphore(%arg9 : memref<!tpu.dma_semaphore, #tpu.memory_space<semaphore_mem>>) {add = true}
    %dma_start3A_34 = arith.constant 4 : i32
    %dma_start3A_35 = arith.constant 0 : i32
    %dma_start3A_36 = tpu.memref_slice %arg6[%dma_start3A_34, %dma_start3A_35] : memref<80x128xi32, #tpu.memory_space<vmem>> -> memref<1x128xi32, #tpu.memory_space<vmem>>
    %dma_start3A_37 = tpu.memref_squeeze %dma_start3A_36 : memref<1x128xi32, #tpu.memory_space<vmem>> -> memref<128xi32, #tpu.memory_space<vmem>>
    %dma_start3A_38 = arith.constant 0 : i32
    %dma_start3A_39 = tpu.memref_slice %arg8[%dma_start3A_38] : memref<10240xf32, #tpu.memory_space<vmem_shared>> -> memref<10240xf32, #tpu.memory_space<vmem_shared>>
    tpu.enqueue_indirect_dma source(%arg7 : memref<128xf32, #tpu.memory_space<vmem>>) target(%dma_start3A_39 : memref<10240xf32, #tpu.memory_space<vmem_shared>>) offsets(%dma_start3A_37 : memref<128xi32, #tpu.memory_space<vmem>>) semaphore(%arg9 : memref<!tpu.dma_semaphore, #tpu.memory_space<semaphore_mem>>) {add = true}
    %dma_start3A_40 = arith.constant 5 : i32
    %dma_start3A_41 = arith.constant 0 : i32
    %dma_start3A_42 = tpu.memref_slice %arg6[%dma_start3A_40, %dma_start3A_41] : memref<80x128xi32, #tpu.memory_space<vmem>> -> memref<1x128xi32, #tpu.memory_space<vmem>>
    %dma_start3A_43 = tpu.memref_squeeze %dma_start3A_42 : memref<1x128xi32, #tpu.memory_space<vmem>> -> memref<128xi32, #tpu.memory_space<vmem>>
    %dma_start3A_44 = arith.constant 0 : i32
    %dma_start3A_45 = tpu.memref_slice %arg8[%dma_start3A_44] : memref<10240xf32, #tpu.memory_space<vmem_shared>> -> memref<10240xf32, #tpu.memory_space<vmem_shared>>
    tpu.enqueue_indirect_dma source(%arg7 : memref<128xf32, #tpu.memory_space<vmem>>) target(%dma_start3A_45 : memref<10240xf32, #tpu.memory_space<vmem_shared>>) offsets(%dma_start3A_43 : memref<128xi32, #tpu.memory_space<vmem>>) semaphore(%arg9 : memref<!tpu.dma_semaphore, #tpu.memory_space<semaphore_mem>>) {add = true}
    %dma_start3A_46 = arith.constant 6 : i32
    %dma_start3A_47 = arith.constant 0 : i32
    %dma_start3A_48 = tpu.memref_slice %arg6[%dma_start3A_46, %dma_start3A_47] : memref<80x128xi32, #tpu.memory_space<vmem>> -> memref<1x128xi32, #tpu.memory_space<vmem>>
    %dma_start3A_49 = tpu.memref_squeeze %dma_start3A_48 : memref<1x128xi32, #tpu.memory_space<vmem>> -> memref<128xi32, #tpu.memory_space<vmem>>
    %dma_start3A_50 = arith.constant 0 : i32
    %dma_start3A_51 = tpu.memref_slice %arg8[%dma_start3A_50] : memref<10240xf32, #tpu.memory_space<vmem_shared>> -> memref<10240xf32, #tpu.memory_space<vmem_shared>>
    tpu.enqueue_indirect_dma source(%arg7 : memref<128xf32, #tpu.memory_space<vmem>>) target(%dma_start3A_51 : memref<10240xf32, #tpu.memory_space<vmem_shared>>) offsets(%dma_start3A_49 : memref<128xi32, #tpu.memory_space<vmem>>) semaphore(%arg9 : memref<!tpu.dma_semaphore, #tpu.memory_space<semaphore_mem>>) {add = true}
    %dma_start3A_52 = arith.constant 7 : i32
    %dma_start3A_53 = arith.constant 0 : i32
    %dma_start3A_54 = tpu.memref_slice %arg6[%dma_start3A_52, %dma_start3A_53] : memref<80x128xi32, #tpu.memory_space<vmem>> -> memref<1x128xi32, #tpu.memory_space<vmem>>
    %dma_start3A_55 = tpu.memref_squeeze %dma_start3A_54 : memref<1x128xi32, #tpu.memory_space<vmem>> -> memref<128xi32, #tpu.memory_space<vmem>>
    %dma_start3A_56 = arith.constant 0 : i32
    %dma_start3A_57 = tpu.memref_slice %arg8[%dma_start3A_56] : memref<10240xf32, #tpu.memory_space<vmem_shared>> -> memref<10240xf32, #tpu.memory_space<vmem_shared>>
    tpu.enqueue_indirect_dma source(%arg7 : memref<128xf32, #tpu.memory_space<vmem>>) target(%dma_start3A_57 : memref<10240xf32, #tpu.memory_space<vmem_shared>>) offsets(%dma_start3A_55 : memref<128xi32, #tpu.memory_space<vmem>>) semaphore(%arg9 : memref<!tpu.dma_semaphore, #tpu.memory_space<semaphore_mem>>) {add = true}
    %dma_start3A_58 = arith.constant 8 : i32
    %dma_start3A_59 = arith.constant 0 : i32
    %dma_start3A_60 = tpu.memref_slice %arg6[%dma_start3A_58, %dma_start3A_59] : memref<80x128xi32, #tpu.memory_space<vmem>> -> memref<1x128xi32, #tpu.memory_space<vmem>>
    %dma_start3A_61 = tpu.memref_squeeze %dma_start3A_60 : memref<1x128xi32, #tpu.memory_space<vmem>> -> memref<128xi32, #tpu.memory_space<vmem>>
    %dma_start3A_62 = arith.constant 0 : i32
    %dma_start3A_63 = tpu.memref_slice %arg8[%dma_start3A_62] : memref<10240xf32, #tpu.memory_space<vmem_shared>> -> memref<10240xf32, #tpu.memory_space<vmem_shared>>
    tpu.enqueue_indirect_dma source(%arg7 : memref<128xf32, #tpu.memory_space<vmem>>) target(%dma_start3A_63 : memref<10240xf32, #tpu.memory_space<vmem_shared>>) offsets(%dma_start3A_61 : memref<128xi32, #tpu.memory_space<vmem>>) semaphore(%arg10 : memref<!tpu.dma_semaphore, #tpu.memory_space<semaphore_mem>>) {add = true}
    %dma_start3A_64 = arith.constant 9 : i32
    %dma_start3A_65 = arith.constant 0 : i32
    %dma_start3A_66 = tpu.memref_slice %arg6[%dma_start3A_64, %dma_start3A_65] : memref<80x128xi32, #tpu.memory_space<vmem>> -> memref<1x128xi32, #tpu.memory_space<vmem>>
    %dma_start3A_67 = tpu.memref_squeeze %dma_start3A_66 : memref<1x128xi32, #tpu.memory_space<vmem>> -> memref<128xi32, #tpu.memory_space<vmem>>
    %dma_start3A_68 = arith.constant 0 : i32
    %dma_start3A_69 = tpu.memref_slice %arg8[%dma_start3A_68] : memref<10240xf32, #tpu.memory_space<vmem_shared>> -> memref<10240xf32, #tpu.memory_space<vmem_shared>>
    tpu.enqueue_indirect_dma source(%arg7 : memref<128xf32, #tpu.memory_space<vmem>>) target(%dma_start3A_69 : memref<10240xf32, #tpu.memory_space<vmem_shared>>) offsets(%dma_start3A_67 : memref<128xi32, #tpu.memory_space<vmem>>) semaphore(%arg10 : memref<!tpu.dma_semaphore, #tpu.memory_space<semaphore_mem>>) {add = true}
    %dma_start3A_70 = arith.constant 10 : i32
    %dma_start3A_71 = arith.constant 0 : i32
    %dma_start3A_72 = tpu.memref_slice %arg6[%dma_start3A_70, %dma_start3A_71] : memref<80x128xi32, #tpu.memory_space<vmem>> -> memref<1x128xi32, #tpu.memory_space<vmem>>
    %dma_start3A_73 = tpu.memref_squeeze %dma_start3A_72 : memref<1x128xi32, #tpu.memory_space<vmem>> -> memref<128xi32, #tpu.memory_space<vmem>>
    %dma_start3A_74 = arith.constant 0 : i32
    %dma_start3A_75 = tpu.memref_slice %arg8[%dma_start3A_74] : memref<10240xf32, #tpu.memory_space<vmem_shared>> -> memref<10240xf32, #tpu.memory_space<vmem_shared>>
    tpu.enqueue_indirect_dma source(%arg7 : memref<128xf32, #tpu.memory_space<vmem>>) target(%dma_start3A_75 : memref<10240xf32, #tpu.memory_space<vmem_shared>>) offsets(%dma_start3A_73 : memref<128xi32, #tpu.memory_space<vmem>>) semaphore(%arg10 : memref<!tpu.dma_semaphore, #tpu.memory_space<semaphore_mem>>) {add = true}
    %dma_start3A_76 = arith.constant 11 : i32
    %dma_start3A_77 = arith.constant 0 : i32
    %dma_start3A_78 = tpu.memref_slice %arg6[%dma_start3A_76, %dma_start3A_77] : memref<80x128xi32, #tpu.memory_space<vmem>> -> memref<1x128xi32, #tpu.memory_space<vmem>>
    %dma_start3A_79 = tpu.memref_squeeze %dma_start3A_78 : memref<1x128xi32, #tpu.memory_space<vmem>> -> memref<128xi32, #tpu.memory_space<vmem>>
    %dma_start3A_80 = arith.constant 0 : i32
    %dma_start3A_81 = tpu.memref_slice %arg8[%dma_start3A_80] : memref<10240xf32, #tpu.memory_space<vmem_shared>> -> memref<10240xf32, #tpu.memory_space<vmem_shared>>
    tpu.enqueue_indirect_dma source(%arg7 : memref<128xf32, #tpu.memory_space<vmem>>) target(%dma_start3A_81 : memref<10240xf32, #tpu.memory_space<vmem_shared>>) offsets(%dma_start3A_79 : memref<128xi32, #tpu.memory_space<vmem>>) semaphore(%arg10 : memref<!tpu.dma_semaphore, #tpu.memory_space<semaphore_mem>>) {add = true}
    %dma_start3A_82 = arith.constant 12 : i32
    %dma_start3A_83 = arith.constant 0 : i32
    %dma_start3A_84 = tpu.memref_slice %arg6[%dma_start3A_82, %dma_start3A_83] : memref<80x128xi32, #tpu.memory_space<vmem>> -> memref<1x128xi32, #tpu.memory_space<vmem>>
    %dma_start3A_85 = tpu.memref_squeeze %dma_start3A_84 : memref<1x128xi32, #tpu.memory_space<vmem>> -> memref<128xi32, #tpu.memory_space<vmem>>
    %dma_start3A_86 = arith.constant 0 : i32
    %dma_start3A_87 = tpu.memref_slice %arg8[%dma_start3A_86] : memref<10240xf32, #tpu.memory_space<vmem_shared>> -> memref<10240xf32, #tpu.memory_space<vmem_shared>>
    tpu.enqueue_indirect_dma source(%arg7 : memref<128xf32, #tpu.memory_space<vmem>>) target(%dma_start3A_87 : memref<10240xf32, #tpu.memory_space<vmem_shared>>) offsets(%dma_start3A_85 : memref<128xi32, #tpu.memory_space<vmem>>) semaphore(%arg10 : memref<!tpu.dma_semaphore, #tpu.memory_space<semaphore_mem>>) {add = true}
    %dma_start3A_88 = arith.constant 13 : i32
    %dma_start3A_89 = arith.constant 0 : i32
    %dma_start3A_90 = tpu.memref_slice %arg6[%dma_start3A_88, %dma_start3A_89] : memref<80x128xi32, #tpu.memory_space<vmem>> -> memref<1x128xi32, #tpu.memory_space<vmem>>
    %dma_start3A_91 = tpu.memref_squeeze %dma_start3A_90 : memref<1x128xi32, #tpu.memory_space<vmem>> -> memref<128xi32, #tpu.memory_space<vmem>>
    %dma_start3A_92 = arith.constant 0 : i32
    %dma_start3A_93 = tpu.memref_slice %arg8[%dma_start3A_92] : memref<10240xf32, #tpu.memory_space<vmem_shared>> -> memref<10240xf32, #tpu.memory_space<vmem_shared>>
    tpu.enqueue_indirect_dma source(%arg7 : memref<128xf32, #tpu.memory_space<vmem>>) target(%dma_start3A_93 : memref<10240xf32, #tpu.memory_space<vmem_shared>>) offsets(%dma_start3A_91 : memref<128xi32, #tpu.memory_space<vmem>>) semaphore(%arg10 : memref<!tpu.dma_semaphore, #tpu.memory_space<semaphore_mem>>) {add = true}
    %dma_start3A_94 = arith.constant 14 : i32
    %dma_start3A_95 = arith.constant 0 : i32
    %dma_start3A_96 = tpu.memref_slice %arg6[%dma_start3A_94, %dma_start3A_95] : memref<80x128xi32, #tpu.memory_space<vmem>> -> memref<1x128xi32, #tpu.memory_space<vmem>>
    %dma_start3A_97 = tpu.memref_squeeze %dma_start3A_96 : memref<1x128xi32, #tpu.memory_space<vmem>> -> memref<128xi32, #tpu.memory_space<vmem>>
    %dma_start3A_98 = arith.constant 0 : i32
    %dma_start3A_99 = tpu.memref_slice %arg8[%dma_start3A_98] : memref<10240xf32, #tpu.memory_space<vmem_shared>> -> memref<10240xf32, #tpu.memory_space<vmem_shared>>
    tpu.enqueue_indirect_dma source(%arg7 : memref<128xf32, #tpu.memory_space<vmem>>) target(%dma_start3A_99 : memref<10240xf32, #tpu.memory_space<vmem_shared>>) offsets(%dma_start3A_97 : memref<128xi32, #tpu.memory_space<vmem>>) semaphore(%arg10 : memref<!tpu.dma_semaphore, #tpu.memory_space<semaphore_mem>>) {add = true}
    %dma_start3A_100 = arith.constant 15 : i32
    %dma_start3A_101 = arith.constant 0 : i32
    %dma_start3A_102 = tpu.memref_slice %arg6[%dma_start3A_100, %dma_start3A_101] : memref<80x128xi32, #tpu.memory_space<vmem>> -> memref<1x128xi32, #tpu.memory_space<vmem>>
    %dma_start3A_103 = tpu.memref_squeeze %dma_start3A_102 : memref<1x128xi32, #tpu.memory_space<vmem>> -> memref<128xi32, #tpu.memory_space<vmem>>
    %dma_start3A_104 = arith.constant 0 : i32
    %dma_start3A_105 = tpu.memref_slice %arg8[%dma_start3A_104] : memref<10240xf32, #tpu.memory_space<vmem_shared>> -> memref<10240xf32, #tpu.memory_space<vmem_shared>>
    tpu.enqueue_indirect_dma source(%arg7 : memref<128xf32, #tpu.memory_space<vmem>>) target(%dma_start3A_105 : memref<10240xf32, #tpu.memory_space<vmem_shared>>) offsets(%dma_start3A_103 : memref<128xi32, #tpu.memory_space<vmem>>) semaphore(%arg10 : memref<!tpu.dma_semaphore, #tpu.memory_space<semaphore_mem>>) {add = true}
    %while3A = arith.constant 0 : i32
    %while3A_106 = arith.constant 0 : i32
    %while3A_107 = arith.subi %select_n3A_10, %while3A_106 : i32
    %while3A_108 = arith.addi %while3A_106, %while3A_107 : i32
    %while3A_109 = arith.constant 1 : i32
    %while3A_110 = arith.divsi %while3A_107, %while3A_109 : i32
    %while3A_111 = arith.muli %while3A_110, %while3A_109 : i32
    %while3A_112 = arith.addi %while3A_106, %while3A_111 : i32
    %while3A_113 = arith.constant 1 : i32
    scf.for %while3A_215 = %while3A_106 to %while3A_112 step %while3A_113  : i32 {
      %dma_wait3A_216 = arith.constant 0 : i32
      %dma_wait3A_217 = arith.constant 0 : i32
      %dma_wait3A_218 = tpu.memref_slice %arg6[%dma_wait3A_216, %dma_wait3A_217] : memref<80x128xi32, #tpu.memory_space<vmem>> -> memref<1x128xi32, #tpu.memory_space<vmem>>
      %dma_wait3A_219 = tpu.memref_squeeze %dma_wait3A_218 : memref<1x128xi32, #tpu.memory_space<vmem>> -> memref<128xi32, #tpu.memory_space<vmem>>
      %dma_wait3A_220 = arith.constant 0 : i32
      %dma_wait3A_221 = tpu.memref_slice %arg8[%dma_wait3A_220] : memref<10240xf32, #tpu.memory_space<vmem_shared>> -> memref<10240xf32, #tpu.memory_space<vmem_shared>>
      tpu.wait_indirect_dma semaphore(%arg9 : memref<!tpu.dma_semaphore, #tpu.memory_space<semaphore_mem>>) src(%arg7 : memref<128xf32, #tpu.memory_space<vmem>>) dst(%dma_wait3A_221 : memref<10240xf32, #tpu.memory_space<vmem_shared>>)
      %dma_wait3A_222 = arith.constant 0 : i32
      %dma_wait3A_223 = arith.constant 0 : i32
      %dma_wait3A_224 = tpu.memref_slice %arg6[%dma_wait3A_222, %dma_wait3A_223] : memref<80x128xi32, #tpu.memory_space<vmem>> -> memref<1x128xi32, #tpu.memory_space<vmem>>
      %dma_wait3A_225 = tpu.memref_squeeze %dma_wait3A_224 : memref<1x128xi32, #tpu.memory_space<vmem>> -> memref<128xi32, #tpu.memory_space<vmem>>
      %dma_wait3A_226 = arith.constant 0 : i32
      %dma_wait3A_227 = tpu.memref_slice %arg8[%dma_wait3A_226] : memref<10240xf32, #tpu.memory_space<vmem_shared>> -> memref<10240xf32, #tpu.memory_space<vmem_shared>>
      tpu.wait_indirect_dma semaphore(%arg9 : memref<!tpu.dma_semaphore, #tpu.memory_space<semaphore_mem>>) src(%arg7 : memref<128xf32, #tpu.memory_space<vmem>>) dst(%dma_wait3A_227 : memref<10240xf32, #tpu.memory_space<vmem_shared>>)
      %dma_wait3A_228 = arith.constant 0 : i32
      %dma_wait3A_229 = arith.constant 0 : i32
      %dma_wait3A_230 = tpu.memref_slice %arg6[%dma_wait3A_228, %dma_wait3A_229] : memref<80x128xi32, #tpu.memory_space<vmem>> -> memref<1x128xi32, #tpu.memory_space<vmem>>
      %dma_wait3A_231 = tpu.memref_squeeze %dma_wait3A_230 : memref<1x128xi32, #tpu.memory_space<vmem>> -> memref<128xi32, #tpu.memory_space<vmem>>
      %dma_wait3A_232 = arith.constant 0 : i32
      %dma_wait3A_233 = tpu.memref_slice %arg8[%dma_wait3A_232] : memref<10240xf32, #tpu.memory_space<vmem_shared>> -> memref<10240xf32, #tpu.memory_space<vmem_shared>>
      tpu.wait_indirect_dma semaphore(%arg9 : memref<!tpu.dma_semaphore, #tpu.memory_space<semaphore_mem>>) src(%arg7 : memref<128xf32, #tpu.memory_space<vmem>>) dst(%dma_wait3A_233 : memref<10240xf32, #tpu.memory_space<vmem_shared>>)
      %dma_wait3A_234 = arith.constant 0 : i32
      %dma_wait3A_235 = arith.constant 0 : i32
      %dma_wait3A_236 = tpu.memref_slice %arg6[%dma_wait3A_234, %dma_wait3A_235] : memref<80x128xi32, #tpu.memory_space<vmem>> -> memref<1x128xi32, #tpu.memory_space<vmem>>
      %dma_wait3A_237 = tpu.memref_squeeze %dma_wait3A_236 : memref<1x128xi32, #tpu.memory_space<vmem>> -> memref<128xi32, #tpu.memory_space<vmem>>
      %dma_wait3A_238 = arith.constant 0 : i32
      %dma_wait3A_239 = tpu.memref_slice %arg8[%dma_wait3A_238] : memref<10240xf32, #tpu.memory_space<vmem_shared>> -> memref<10240xf32, #tpu.memory_space<vmem_shared>>
      tpu.wait_indirect_dma semaphore(%arg9 : memref<!tpu.dma_semaphore, #tpu.memory_space<semaphore_mem>>) src(%arg7 : memref<128xf32, #tpu.memory_space<vmem>>) dst(%dma_wait3A_239 : memref<10240xf32, #tpu.memory_space<vmem_shared>>)
      %dma_wait3A_240 = arith.constant 0 : i32
      %dma_wait3A_241 = arith.constant 0 : i32
      %dma_wait3A_242 = tpu.memref_slice %arg6[%dma_wait3A_240, %dma_wait3A_241] : memref<80x128xi32, #tpu.memory_space<vmem>> -> memref<1x128xi32, #tpu.memory_space<vmem>>
      %dma_wait3A_243 = tpu.memref_squeeze %dma_wait3A_242 : memref<1x128xi32, #tpu.memory_space<vmem>> -> memref<128xi32, #tpu.memory_space<vmem>>
      %dma_wait3A_244 = arith.constant 0 : i32
      %dma_wait3A_245 = tpu.memref_slice %arg8[%dma_wait3A_244] : memref<10240xf32, #tpu.memory_space<vmem_shared>> -> memref<10240xf32, #tpu.memory_space<vmem_shared>>
      tpu.wait_indirect_dma semaphore(%arg9 : memref<!tpu.dma_semaphore, #tpu.memory_space<semaphore_mem>>) src(%arg7 : memref<128xf32, #tpu.memory_space<vmem>>) dst(%dma_wait3A_245 : memref<10240xf32, #tpu.memory_space<vmem_shared>>)
      %dma_wait3A_246 = arith.constant 0 : i32
      %dma_wait3A_247 = arith.constant 0 : i32
      %dma_wait3A_248 = tpu.memref_slice %arg6[%dma_wait3A_246, %dma_wait3A_247] : memref<80x128xi32, #tpu.memory_space<vmem>> -> memref<1x128xi32, #tpu.memory_space<vmem>>
      %dma_wait3A_249 = tpu.memref_squeeze %dma_wait3A_248 : memref<1x128xi32, #tpu.memory_space<vmem>> -> memref<128xi32, #tpu.memory_space<vmem>>
      %dma_wait3A_250 = arith.constant 0 : i32
      %dma_wait3A_251 = tpu.memref_slice %arg8[%dma_wait3A_250] : memref<10240xf32, #tpu.memory_space<vmem_shared>> -> memref<10240xf32, #tpu.memory_space<vmem_shared>>
      tpu.wait_indirect_dma semaphore(%arg9 : memref<!tpu.dma_semaphore, #tpu.memory_space<semaphore_mem>>) src(%arg7 : memref<128xf32, #tpu.memory_space<vmem>>) dst(%dma_wait3A_251 : memref<10240xf32, #tpu.memory_space<vmem_shared>>)
      %dma_wait3A_252 = arith.constant 0 : i32
      %dma_wait3A_253 = arith.constant 0 : i32
      %dma_wait3A_254 = tpu.memref_slice %arg6[%dma_wait3A_252, %dma_wait3A_253] : memref<80x128xi32, #tpu.memory_space<vmem>> -> memref<1x128xi32, #tpu.memory_space<vmem>>
      %dma_wait3A_255 = tpu.memref_squeeze %dma_wait3A_254 : memref<1x128xi32, #tpu.memory_space<vmem>> -> memref<128xi32, #tpu.memory_space<vmem>>
      %dma_wait3A_256 = arith.constant 0 : i32
      %dma_wait3A_257 = tpu.memref_slice %arg8[%dma_wait3A_256] : memref<10240xf32, #tpu.memory_space<vmem_shared>> -> memref<10240xf32, #tpu.memory_space<vmem_shared>>
      tpu.wait_indirect_dma semaphore(%arg9 : memref<!tpu.dma_semaphore, #tpu.memory_space<semaphore_mem>>) src(%arg7 : memref<128xf32, #tpu.memory_space<vmem>>) dst(%dma_wait3A_257 : memref<10240xf32, #tpu.memory_space<vmem_shared>>)
      %dma_wait3A_258 = arith.constant 0 : i32
      %dma_wait3A_259 = arith.constant 0 : i32
      %dma_wait3A_260 = tpu.memref_slice %arg6[%dma_wait3A_258, %dma_wait3A_259] : memref<80x128xi32, #tpu.memory_space<vmem>> -> memref<1x128xi32, #tpu.memory_space<vmem>>
      %dma_wait3A_261 = tpu.memref_squeeze %dma_wait3A_260 : memref<1x128xi32, #tpu.memory_space<vmem>> -> memref<128xi32, #tpu.memory_space<vmem>>
      %dma_wait3A_262 = arith.constant 0 : i32
      %dma_wait3A_263 = tpu.memref_slice %arg8[%dma_wait3A_262] : memref<10240xf32, #tpu.memory_space<vmem_shared>> -> memref<10240xf32, #tpu.memory_space<vmem_shared>>
      tpu.wait_indirect_dma semaphore(%arg9 : memref<!tpu.dma_semaphore, #tpu.memory_space<semaphore_mem>>) src(%arg7 : memref<128xf32, #tpu.memory_space<vmem>>) dst(%dma_wait3A_263 : memref<10240xf32, #tpu.memory_space<vmem_shared>>)
      %mul3A_264 = arith.constant 2 : i32
      %mul3A_265 = arith.muli %mul3A_264, %while3A_215 : i32
      %add3A_266 = arith.constant 2 : i32
      %add3A_267 = arith.addi %mul3A_265, %add3A_266 : i32
      %mul3A_268 = arith.constant 8 : i32
      %mul3A_269 = arith.muli %add3A_267, %mul3A_268 : i32
      %add3A_270 = arith.constant 0 : i32
      %add3A_271 = arith.addi %mul3A_269, %add3A_270 : i32
      %dma_start3A_272 = arith.constant 0 : i32
      %dma_start3A_273 = tpu.memref_slice %arg6[%add3A_271, %dma_start3A_272] : memref<80x128xi32, #tpu.memory_space<vmem>> -> memref<1x128xi32, #tpu.memory_space<vmem>>
      %dma_start3A_274 = tpu.memref_squeeze %dma_start3A_273 : memref<1x128xi32, #tpu.memory_space<vmem>> -> memref<128xi32, #tpu.memory_space<vmem>>
      %dma_start3A_275 = arith.constant 0 : i32
      %dma_start3A_276 = tpu.memref_slice %arg8[%dma_start3A_275] : memref<10240xf32, #tpu.memory_space<vmem_shared>> -> memref<10240xf32, #tpu.memory_space<vmem_shared>>
      tpu.enqueue_indirect_dma source(%arg7 : memref<128xf32, #tpu.memory_space<vmem>>) target(%dma_start3A_276 : memref<10240xf32, #tpu.memory_space<vmem_shared>>) offsets(%dma_start3A_274 : memref<128xi32, #tpu.memory_space<vmem>>) semaphore(%arg9 : memref<!tpu.dma_semaphore, #tpu.memory_space<semaphore_mem>>) {add = true}
      %mul3A_277 = arith.constant 8 : i32
      %mul3A_278 = arith.muli %add3A_267, %mul3A_277 : i32
      %add3A_279 = arith.constant 1 : i32
      %add3A_280 = arith.addi %mul3A_278, %add3A_279 : i32
      %dma_start3A_281 = arith.constant 0 : i32
      %dma_start3A_282 = tpu.memref_slice %arg6[%add3A_280, %dma_start3A_281] : memref<80x128xi32, #tpu.memory_space<vmem>> -> memref<1x128xi32, #tpu.memory_space<vmem>>
      %dma_start3A_283 = tpu.memref_squeeze %dma_start3A_282 : memref<1x128xi32, #tpu.memory_space<vmem>> -> memref<128xi32, #tpu.memory_space<vmem>>
      %dma_start3A_284 = arith.constant 0 : i32
      %dma_start3A_285 = tpu.memref_slice %arg8[%dma_start3A_284] : memref<10240xf32, #tpu.memory_space<vmem_shared>> -> memref<10240xf32, #tpu.memory_space<vmem_shared>>
      tpu.enqueue_indirect_dma source(%arg7 : memref<128xf32, #tpu.memory_space<vmem>>) target(%dma_start3A_285 : memref<10240xf32, #tpu.memory_space<vmem_shared>>) offsets(%dma_start3A_283 : memref<128xi32, #tpu.memory_space<vmem>>) semaphore(%arg9 : memref<!tpu.dma_semaphore, #tpu.memory_space<semaphore_mem>>) {add = true}
      %mul3A_286 = arith.constant 8 : i32
      %mul3A_287 = arith.muli %add3A_267, %mul3A_286 : i32
      %add3A_288 = arith.constant 2 : i32
      %add3A_289 = arith.addi %mul3A_287, %add3A_288 : i32
      %dma_start3A_290 = arith.constant 0 : i32
      %dma_start3A_291 = tpu.memref_slice %arg6[%add3A_289, %dma_start3A_290] : memref<80x128xi32, #tpu.memory_space<vmem>> -> memref<1x128xi32, #tpu.memory_space<vmem>>
      %dma_start3A_292 = tpu.memref_squeeze %dma_start3A_291 : memref<1x128xi32, #tpu.memory_space<vmem>> -> memref<128xi32, #tpu.memory_space<vmem>>
      %dma_start3A_293 = arith.constant 0 : i32
      %dma_start3A_294 = tpu.memref_slice %arg8[%dma_start3A_293] : memref<10240xf32, #tpu.memory_space<vmem_shared>> -> memref<10240xf32, #tpu.memory_space<vmem_shared>>
      tpu.enqueue_indirect_dma source(%arg7 : memref<128xf32, #tpu.memory_space<vmem>>) target(%dma_start3A_294 : memref<10240xf32, #tpu.memory_space<vmem_shared>>) offsets(%dma_start3A_292 : memref<128xi32, #tpu.memory_space<vmem>>) semaphore(%arg9 : memref<!tpu.dma_semaphore, #tpu.memory_space<semaphore_mem>>) {add = true}
      %mul3A_295 = arith.constant 8 : i32
      %mul3A_296 = arith.muli %add3A_267, %mul3A_295 : i32
      %add3A_297 = arith.constant 3 : i32
      %add3A_298 = arith.addi %mul3A_296, %add3A_297 : i32
      %dma_start3A_299 = arith.constant 0 : i32
      %dma_start3A_300 = tpu.memref_slice %arg6[%add3A_298, %dma_start3A_299] : memref<80x128xi32, #tpu.memory_space<vmem>> -> memref<1x128xi32, #tpu.memory_space<vmem>>
      %dma_start3A_301 = tpu.memref_squeeze %dma_start3A_300 : memref<1x128xi32, #tpu.memory_space<vmem>> -> memref<128xi32, #tpu.memory_space<vmem>>
      %dma_start3A_302 = arith.constant 0 : i32
      %dma_start3A_303 = tpu.memref_slice %arg8[%dma_start3A_302] : memref<10240xf32, #tpu.memory_space<vmem_shared>> -> memref<10240xf32, #tpu.memory_space<vmem_shared>>
      tpu.enqueue_indirect_dma source(%arg7 : memref<128xf32, #tpu.memory_space<vmem>>) target(%dma_start3A_303 : memref<10240xf32, #tpu.memory_space<vmem_shared>>) offsets(%dma_start3A_301 : memref<128xi32, #tpu.memory_space<vmem>>) semaphore(%arg9 : memref<!tpu.dma_semaphore, #tpu.memory_space<semaphore_mem>>) {add = true}
      %mul3A_304 = arith.constant 8 : i32
      %mul3A_305 = arith.muli %add3A_267, %mul3A_304 : i32
      %add3A_306 = arith.constant 4 : i32
      %add3A_307 = arith.addi %mul3A_305, %add3A_306 : i32
      %dma_start3A_308 = arith.constant 0 : i32
      %dma_start3A_309 = tpu.memref_slice %arg6[%add3A_307, %dma_start3A_308] : memref<80x128xi32, #tpu.memory_space<vmem>> -> memref<1x128xi32, #tpu.memory_space<vmem>>
      %dma_start3A_310 = tpu.memref_squeeze %dma_start3A_309 : memref<1x128xi32, #tpu.memory_space<vmem>> -> memref<128xi32, #tpu.memory_space<vmem>>
      %dma_start3A_311 = arith.constant 0 : i32
      %dma_start3A_312 = tpu.memref_slice %arg8[%dma_start3A_311] : memref<10240xf32, #tpu.memory_space<vmem_shared>> -> memref<10240xf32, #tpu.memory_space<vmem_shared>>
      tpu.enqueue_indirect_dma source(%arg7 : memref<128xf32, #tpu.memory_space<vmem>>) target(%dma_start3A_312 : memref<10240xf32, #tpu.memory_space<vmem_shared>>) offsets(%dma_start3A_310 : memref<128xi32, #tpu.memory_space<vmem>>) semaphore(%arg9 : memref<!tpu.dma_semaphore, #tpu.memory_space<semaphore_mem>>) {add = true}
      %mul3A_313 = arith.constant 8 : i32
      %mul3A_314 = arith.muli %add3A_267, %mul3A_313 : i32
      %add3A_315 = arith.constant 5 : i32
      %add3A_316 = arith.addi %mul3A_314, %add3A_315 : i32
      %dma_start3A_317 = arith.constant 0 : i32
      %dma_start3A_318 = tpu.memref_slice %arg6[%add3A_316, %dma_start3A_317] : memref<80x128xi32, #tpu.memory_space<vmem>> -> memref<1x128xi32, #tpu.memory_space<vmem>>
      %dma_start3A_319 = tpu.memref_squeeze %dma_start3A_318 : memref<1x128xi32, #tpu.memory_space<vmem>> -> memref<128xi32, #tpu.memory_space<vmem>>
      %dma_start3A_320 = arith.constant 0 : i32
      %dma_start3A_321 = tpu.memref_slice %arg8[%dma_start3A_320] : memref<10240xf32, #tpu.memory_space<vmem_shared>> -> memref<10240xf32, #tpu.memory_space<vmem_shared>>
      tpu.enqueue_indirect_dma source(%arg7 : memref<128xf32, #tpu.memory_space<vmem>>) target(%dma_start3A_321 : memref<10240xf32, #tpu.memory_space<vmem_shared>>) offsets(%dma_start3A_319 : memref<128xi32, #tpu.memory_space<vmem>>) semaphore(%arg9 : memref<!tpu.dma_semaphore, #tpu.memory_space<semaphore_mem>>) {add = true}
      %mul3A_322 = arith.constant 8 : i32
      %mul3A_323 = arith.muli %add3A_267, %mul3A_322 : i32
      %add3A_324 = arith.constant 6 : i32
      %add3A_325 = arith.addi %mul3A_323, %add3A_324 : i32
      %dma_start3A_326 = arith.constant 0 : i32
      %dma_start3A_327 = tpu.memref_slice %arg6[%add3A_325, %dma_start3A_326] : memref<80x128xi32, #tpu.memory_space<vmem>> -> memref<1x128xi32, #tpu.memory_space<vmem>>
      %dma_start3A_328 = tpu.memref_squeeze %dma_start3A_327 : memref<1x128xi32, #tpu.memory_space<vmem>> -> memref<128xi32, #tpu.memory_space<vmem>>
      %dma_start3A_329 = arith.constant 0 : i32
      %dma_start3A_330 = tpu.memref_slice %arg8[%dma_start3A_329] : memref<10240xf32, #tpu.memory_space<vmem_shared>> -> memref<10240xf32, #tpu.memory_space<vmem_shared>>
      tpu.enqueue_indirect_dma source(%arg7 : memref<128xf32, #tpu.memory_space<vmem>>) target(%dma_start3A_330 : memref<10240xf32, #tpu.memory_space<vmem_shared>>) offsets(%dma_start3A_328 : memref<128xi32, #tpu.memory_space<vmem>>) semaphore(%arg9 : memref<!tpu.dma_semaphore, #tpu.memory_space<semaphore_mem>>) {add = true}
      %mul3A_331 = arith.constant 8 : i32
      %mul3A_332 = arith.muli %add3A_267, %mul3A_331 : i32
      %add3A_333 = arith.constant 7 : i32
      %add3A_334 = arith.addi %mul3A_332, %add3A_333 : i32
      %dma_start3A_335 = arith.constant 0 : i32
      %dma_start3A_336 = tpu.memref_slice %arg6[%add3A_334, %dma_start3A_335] : memref<80x128xi32, #tpu.memory_space<vmem>> -> memref<1x128xi32, #tpu.memory_space<vmem>>
      %dma_start3A_337 = tpu.memref_squeeze %dma_start3A_336 : memref<1x128xi32, #tpu.memory_space<vmem>> -> memref<128xi32, #tpu.memory_space<vmem>>
      %dma_start3A_338 = arith.constant 0 : i32
      %dma_start3A_339 = tpu.memref_slice %arg8[%dma_start3A_338] : memref<10240xf32, #tpu.memory_space<vmem_shared>> -> memref<10240xf32, #tpu.memory_space<vmem_shared>>
      tpu.enqueue_indirect_dma source(%arg7 : memref<128xf32, #tpu.memory_space<vmem>>) target(%dma_start3A_339 : memref<10240xf32, #tpu.memory_space<vmem_shared>>) offsets(%dma_start3A_337 : memref<128xi32, #tpu.memory_space<vmem>>) semaphore(%arg9 : memref<!tpu.dma_semaphore, #tpu.memory_space<semaphore_mem>>) {add = true}
      %dma_wait3A_340 = arith.constant 0 : i32
      %dma_wait3A_341 = arith.constant 0 : i32
      %dma_wait3A_342 = tpu.memref_slice %arg6[%dma_wait3A_340, %dma_wait3A_341] : memref<80x128xi32, #tpu.memory_space<vmem>> -> memref<1x128xi32, #tpu.memory_space<vmem>>
      %dma_wait3A_343 = tpu.memref_squeeze %dma_wait3A_342 : memref<1x128xi32, #tpu.memory_space<vmem>> -> memref<128xi32, #tpu.memory_space<vmem>>
      %dma_wait3A_344 = arith.constant 0 : i32
      %dma_wait3A_345 = tpu.memref_slice %arg8[%dma_wait3A_344] : memref<10240xf32, #tpu.memory_space<vmem_shared>> -> memref<10240xf32, #tpu.memory_space<vmem_shared>>
      tpu.wait_indirect_dma semaphore(%arg10 : memref<!tpu.dma_semaphore, #tpu.memory_space<semaphore_mem>>) src(%arg7 : memref<128xf32, #tpu.memory_space<vmem>>) dst(%dma_wait3A_345 : memref<10240xf32, #tpu.memory_space<vmem_shared>>)
      %dma_wait3A_346 = arith.constant 0 : i32
      %dma_wait3A_347 = arith.constant 0 : i32
      %dma_wait3A_348 = tpu.memref_slice %arg6[%dma_wait3A_346, %dma_wait3A_347] : memref<80x128xi32, #tpu.memory_space<vmem>> -> memref<1x128xi32, #tpu.memory_space<vmem>>
      %dma_wait3A_349 = tpu.memref_squeeze %dma_wait3A_348 : memref<1x128xi32, #tpu.memory_space<vmem>> -> memref<128xi32, #tpu.memory_space<vmem>>
      %dma_wait3A_350 = arith.constant 0 : i32
      %dma_wait3A_351 = tpu.memref_slice %arg8[%dma_wait3A_350] : memref<10240xf32, #tpu.memory_space<vmem_shared>> -> memref<10240xf32, #tpu.memory_space<vmem_shared>>
      tpu.wait_indirect_dma semaphore(%arg10 : memref<!tpu.dma_semaphore, #tpu.memory_space<semaphore_mem>>) src(%arg7 : memref<128xf32, #tpu.memory_space<vmem>>) dst(%dma_wait3A_351 : memref<10240xf32, #tpu.memory_space<vmem_shared>>)
      %dma_wait3A_352 = arith.constant 0 : i32
      %dma_wait3A_353 = arith.constant 0 : i32
      %dma_wait3A_354 = tpu.memref_slice %arg6[%dma_wait3A_352, %dma_wait3A_353] : memref<80x128xi32, #tpu.memory_space<vmem>> -> memref<1x128xi32, #tpu.memory_space<vmem>>
      %dma_wait3A_355 = tpu.memref_squeeze %dma_wait3A_354 : memref<1x128xi32, #tpu.memory_space<vmem>> -> memref<128xi32, #tpu.memory_space<vmem>>
      %dma_wait3A_356 = arith.constant 0 : i32
      %dma_wait3A_357 = tpu.memref_slice %arg8[%dma_wait3A_356] : memref<10240xf32, #tpu.memory_space<vmem_shared>> -> memref<10240xf32, #tpu.memory_space<vmem_shared>>
      tpu.wait_indirect_dma semaphore(%arg10 : memref<!tpu.dma_semaphore, #tpu.memory_space<semaphore_mem>>) src(%arg7 : memref<128xf32, #tpu.memory_space<vmem>>) dst(%dma_wait3A_357 : memref<10240xf32, #tpu.memory_space<vmem_shared>>)
      %dma_wait3A_358 = arith.constant 0 : i32
      %dma_wait3A_359 = arith.constant 0 : i32
      %dma_wait3A_360 = tpu.memref_slice %arg6[%dma_wait3A_358, %dma_wait3A_359] : memref<80x128xi32, #tpu.memory_space<vmem>> -> memref<1x128xi32, #tpu.memory_space<vmem>>
      %dma_wait3A_361 = tpu.memref_squeeze %dma_wait3A_360 : memref<1x128xi32, #tpu.memory_space<vmem>> -> memref<128xi32, #tpu.memory_space<vmem>>
      %dma_wait3A_362 = arith.constant 0 : i32
      %dma_wait3A_363 = tpu.memref_slice %arg8[%dma_wait3A_362] : memref<10240xf32, #tpu.memory_space<vmem_shared>> -> memref<10240xf32, #tpu.memory_space<vmem_shared>>
      tpu.wait_indirect_dma semaphore(%arg10 : memref<!tpu.dma_semaphore, #tpu.memory_space<semaphore_mem>>) src(%arg7 : memref<128xf32, #tpu.memory_space<vmem>>) dst(%dma_wait3A_363 : memref<10240xf32, #tpu.memory_space<vmem_shared>>)
      %dma_wait3A_364 = arith.constant 0 : i32
      %dma_wait3A_365 = arith.constant 0 : i32
      %dma_wait3A_366 = tpu.memref_slice %arg6[%dma_wait3A_364, %dma_wait3A_365] : memref<80x128xi32, #tpu.memory_space<vmem>> -> memref<1x128xi32, #tpu.memory_space<vmem>>
      %dma_wait3A_367 = tpu.memref_squeeze %dma_wait3A_366 : memref<1x128xi32, #tpu.memory_space<vmem>> -> memref<128xi32, #tpu.memory_space<vmem>>
      %dma_wait3A_368 = arith.constant 0 : i32
      %dma_wait3A_369 = tpu.memref_slice %arg8[%dma_wait3A_368] : memref<10240xf32, #tpu.memory_space<vmem_shared>> -> memref<10240xf32, #tpu.memory_space<vmem_shared>>
      tpu.wait_indirect_dma semaphore(%arg10 : memref<!tpu.dma_semaphore, #tpu.memory_space<semaphore_mem>>) src(%arg7 : memref<128xf32, #tpu.memory_space<vmem>>) dst(%dma_wait3A_369 : memref<10240xf32, #tpu.memory_space<vmem_shared>>)
      %dma_wait3A_370 = arith.constant 0 : i32
      %dma_wait3A_371 = arith.constant 0 : i32
      %dma_wait3A_372 = tpu.memref_slice %arg6[%dma_wait3A_370, %dma_wait3A_371] : memref<80x128xi32, #tpu.memory_space<vmem>> -> memref<1x128xi32, #tpu.memory_space<vmem>>
      %dma_wait3A_373 = tpu.memref_squeeze %dma_wait3A_372 : memref<1x128xi32, #tpu.memory_space<vmem>> -> memref<128xi32, #tpu.memory_space<vmem>>
      %dma_wait3A_374 = arith.constant 0 : i32
      %dma_wait3A_375 = tpu.memref_slice %arg8[%dma_wait3A_374] : memref<10240xf32, #tpu.memory_space<vmem_shared>> -> memref<10240xf32, #tpu.memory_space<vmem_shared>>
      tpu.wait_indirect_dma semaphore(%arg10 : memref<!tpu.dma_semaphore, #tpu.memory_space<semaphore_mem>>) src(%arg7 : memref<128xf32, #tpu.memory_space<vmem>>) dst(%dma_wait3A_375 : memref<10240xf32, #tpu.memory_space<vmem_shared>>)
      %dma_wait3A_376 = arith.constant 0 : i32
      %dma_wait3A_377 = arith.constant 0 : i32
      %dma_wait3A_378 = tpu.memref_slice %arg6[%dma_wait3A_376, %dma_wait3A_377] : memref<80x128xi32, #tpu.memory_space<vmem>> -> memref<1x128xi32, #tpu.memory_space<vmem>>
      %dma_wait3A_379 = tpu.memref_squeeze %dma_wait3A_378 : memref<1x128xi32, #tpu.memory_space<vmem>> -> memref<128xi32, #tpu.memory_space<vmem>>
      %dma_wait3A_380 = arith.constant 0 : i32
      %dma_wait3A_381 = tpu.memref_slice %arg8[%dma_wait3A_380] : memref<10240xf32, #tpu.memory_space<vmem_shared>> -> memref<10240xf32, #tpu.memory_space<vmem_shared>>
      tpu.wait_indirect_dma semaphore(%arg10 : memref<!tpu.dma_semaphore, #tpu.memory_space<semaphore_mem>>) src(%arg7 : memref<128xf32, #tpu.memory_space<vmem>>) dst(%dma_wait3A_381 : memref<10240xf32, #tpu.memory_space<vmem_shared>>)
      %dma_wait3A_382 = arith.constant 0 : i32
      %dma_wait3A_383 = arith.constant 0 : i32
      %dma_wait3A_384 = tpu.memref_slice %arg6[%dma_wait3A_382, %dma_wait3A_383] : memref<80x128xi32, #tpu.memory_space<vmem>> -> memref<1x128xi32, #tpu.memory_space<vmem>>
      %dma_wait3A_385 = tpu.memref_squeeze %dma_wait3A_384 : memref<1x128xi32, #tpu.memory_space<vmem>> -> memref<128xi32, #tpu.memory_space<vmem>>
      %dma_wait3A_386 = arith.constant 0 : i32
      %dma_wait3A_387 = tpu.memref_slice %arg8[%dma_wait3A_386] : memref<10240xf32, #tpu.memory_space<vmem_shared>> -> memref<10240xf32, #tpu.memory_space<vmem_shared>>
      tpu.wait_indirect_dma semaphore(%arg10 : memref<!tpu.dma_semaphore, #tpu.memory_space<semaphore_mem>>) src(%arg7 : memref<128xf32, #tpu.memory_space<vmem>>) dst(%dma_wait3A_387 : memref<10240xf32, #tpu.memory_space<vmem_shared>>)
      %mul3A_388 = arith.constant 2 : i32
      %mul3A_389 = arith.muli %mul3A_388, %while3A_215 : i32
      %add3A_390 = arith.constant 3 : i32
      %add3A_391 = arith.addi %mul3A_389, %add3A_390 : i32
      %mul3A_392 = arith.constant 8 : i32
      %mul3A_393 = arith.muli %add3A_391, %mul3A_392 : i32
      %add3A_394 = arith.constant 0 : i32
      %add3A_395 = arith.addi %mul3A_393, %add3A_394 : i32
      %dma_start3A_396 = arith.constant 0 : i32
      %dma_start3A_397 = tpu.memref_slice %arg6[%add3A_395, %dma_start3A_396] : memref<80x128xi32, #tpu.memory_space<vmem>> -> memref<1x128xi32, #tpu.memory_space<vmem>>
      %dma_start3A_398 = tpu.memref_squeeze %dma_start3A_397 : memref<1x128xi32, #tpu.memory_space<vmem>> -> memref<128xi32, #tpu.memory_space<vmem>>
      %dma_start3A_399 = arith.constant 0 : i32
      %dma_start3A_400 = tpu.memref_slice %arg8[%dma_start3A_399] : memref<10240xf32, #tpu.memory_space<vmem_shared>> -> memref<10240xf32, #tpu.memory_space<vmem_shared>>
      tpu.enqueue_indirect_dma source(%arg7 : memref<128xf32, #tpu.memory_space<vmem>>) target(%dma_start3A_400 : memref<10240xf32, #tpu.memory_space<vmem_shared>>) offsets(%dma_start3A_398 : memref<128xi32, #tpu.memory_space<vmem>>) semaphore(%arg10 : memref<!tpu.dma_semaphore, #tpu.memory_space<semaphore_mem>>) {add = true}
      %mul3A_401 = arith.constant 8 : i32
      %mul3A_402 = arith.muli %add3A_391, %mul3A_401 : i32
      %add3A_403 = arith.constant 1 : i32
      %add3A_404 = arith.addi %mul3A_402, %add3A_403 : i32
      %dma_start3A_405 = arith.constant 0 : i32
      %dma_start3A_406 = tpu.memref_slice %arg6[%add3A_404, %dma_start3A_405] : memref<80x128xi32, #tpu.memory_space<vmem>> -> memref<1x128xi32, #tpu.memory_space<vmem>>
      %dma_start3A_407 = tpu.memref_squeeze %dma_start3A_406 : memref<1x128xi32, #tpu.memory_space<vmem>> -> memref<128xi32, #tpu.memory_space<vmem>>
      %dma_start3A_408 = arith.constant 0 : i32
      %dma_start3A_409 = tpu.memref_slice %arg8[%dma_start3A_408] : memref<10240xf32, #tpu.memory_space<vmem_shared>> -> memref<10240xf32, #tpu.memory_space<vmem_shared>>
      tpu.enqueue_indirect_dma source(%arg7 : memref<128xf32, #tpu.memory_space<vmem>>) target(%dma_start3A_409 : memref<10240xf32, #tpu.memory_space<vmem_shared>>) offsets(%dma_start3A_407 : memref<128xi32, #tpu.memory_space<vmem>>) semaphore(%arg10 : memref<!tpu.dma_semaphore, #tpu.memory_space<semaphore_mem>>) {add = true}
      %mul3A_410 = arith.constant 8 : i32
      %mul3A_411 = arith.muli %add3A_391, %mul3A_410 : i32
      %add3A_412 = arith.constant 2 : i32
      %add3A_413 = arith.addi %mul3A_411, %add3A_412 : i32
      %dma_start3A_414 = arith.constant 0 : i32
      %dma_start3A_415 = tpu.memref_slice %arg6[%add3A_413, %dma_start3A_414] : memref<80x128xi32, #tpu.memory_space<vmem>> -> memref<1x128xi32, #tpu.memory_space<vmem>>
      %dma_start3A_416 = tpu.memref_squeeze %dma_start3A_415 : memref<1x128xi32, #tpu.memory_space<vmem>> -> memref<128xi32, #tpu.memory_space<vmem>>
      %dma_start3A_417 = arith.constant 0 : i32
      %dma_start3A_418 = tpu.memref_slice %arg8[%dma_start3A_417] : memref<10240xf32, #tpu.memory_space<vmem_shared>> -> memref<10240xf32, #tpu.memory_space<vmem_shared>>
      tpu.enqueue_indirect_dma source(%arg7 : memref<128xf32, #tpu.memory_space<vmem>>) target(%dma_start3A_418 : memref<10240xf32, #tpu.memory_space<vmem_shared>>) offsets(%dma_start3A_416 : memref<128xi32, #tpu.memory_space<vmem>>) semaphore(%arg10 : memref<!tpu.dma_semaphore, #tpu.memory_space<semaphore_mem>>) {add = true}
      %mul3A_419 = arith.constant 8 : i32
      %mul3A_420 = arith.muli %add3A_391, %mul3A_419 : i32
      %add3A_421 = arith.constant 3 : i32
      %add3A_422 = arith.addi %mul3A_420, %add3A_421 : i32
      %dma_start3A_423 = arith.constant 0 : i32
      %dma_start3A_424 = tpu.memref_slice %arg6[%add3A_422, %dma_start3A_423] : memref<80x128xi32, #tpu.memory_space<vmem>> -> memref<1x128xi32, #tpu.memory_space<vmem>>
      %dma_start3A_425 = tpu.memref_squeeze %dma_start3A_424 : memref<1x128xi32, #tpu.memory_space<vmem>> -> memref<128xi32, #tpu.memory_space<vmem>>
      %dma_start3A_426 = arith.constant 0 : i32
      %dma_start3A_427 = tpu.memref_slice %arg8[%dma_start3A_426] : memref<10240xf32, #tpu.memory_space<vmem_shared>> -> memref<10240xf32, #tpu.memory_space<vmem_shared>>
      tpu.enqueue_indirect_dma source(%arg7 : memref<128xf32, #tpu.memory_space<vmem>>) target(%dma_start3A_427 : memref<10240xf32, #tpu.memory_space<vmem_shared>>) offsets(%dma_start3A_425 : memref<128xi32, #tpu.memory_space<vmem>>) semaphore(%arg10 : memref<!tpu.dma_semaphore, #tpu.memory_space<semaphore_mem>>) {add = true}
      %mul3A_428 = arith.constant 8 : i32
      %mul3A_429 = arith.muli %add3A_391, %mul3A_428 : i32
      %add3A_430 = arith.constant 4 : i32
      %add3A_431 = arith.addi %mul3A_429, %add3A_430 : i32
      %dma_start3A_432 = arith.constant 0 : i32
      %dma_start3A_433 = tpu.memref_slice %arg6[%add3A_431, %dma_start3A_432] : memref<80x128xi32, #tpu.memory_space<vmem>> -> memref<1x128xi32, #tpu.memory_space<vmem>>
      %dma_start3A_434 = tpu.memref_squeeze %dma_start3A_433 : memref<1x128xi32, #tpu.memory_space<vmem>> -> memref<128xi32, #tpu.memory_space<vmem>>
      %dma_start3A_435 = arith.constant 0 : i32
      %dma_start3A_436 = tpu.memref_slice %arg8[%dma_start3A_435] : memref<10240xf32, #tpu.memory_space<vmem_shared>> -> memref<10240xf32, #tpu.memory_space<vmem_shared>>
      tpu.enqueue_indirect_dma source(%arg7 : memref<128xf32, #tpu.memory_space<vmem>>) target(%dma_start3A_436 : memref<10240xf32, #tpu.memory_space<vmem_shared>>) offsets(%dma_start3A_434 : memref<128xi32, #tpu.memory_space<vmem>>) semaphore(%arg10 : memref<!tpu.dma_semaphore, #tpu.memory_space<semaphore_mem>>) {add = true}
      %mul3A_437 = arith.constant 8 : i32
      %mul3A_438 = arith.muli %add3A_391, %mul3A_437 : i32
      %add3A_439 = arith.constant 5 : i32
      %add3A_440 = arith.addi %mul3A_438, %add3A_439 : i32
      %dma_start3A_441 = arith.constant 0 : i32
      %dma_start3A_442 = tpu.memref_slice %arg6[%add3A_440, %dma_start3A_441] : memref<80x128xi32, #tpu.memory_space<vmem>> -> memref<1x128xi32, #tpu.memory_space<vmem>>
      %dma_start3A_443 = tpu.memref_squeeze %dma_start3A_442 : memref<1x128xi32, #tpu.memory_space<vmem>> -> memref<128xi32, #tpu.memory_space<vmem>>
      %dma_start3A_444 = arith.constant 0 : i32
      %dma_start3A_445 = tpu.memref_slice %arg8[%dma_start3A_444] : memref<10240xf32, #tpu.memory_space<vmem_shared>> -> memref<10240xf32, #tpu.memory_space<vmem_shared>>
      tpu.enqueue_indirect_dma source(%arg7 : memref<128xf32, #tpu.memory_space<vmem>>) target(%dma_start3A_445 : memref<10240xf32, #tpu.memory_space<vmem_shared>>) offsets(%dma_start3A_443 : memref<128xi32, #tpu.memory_space<vmem>>) semaphore(%arg10 : memref<!tpu.dma_semaphore, #tpu.memory_space<semaphore_mem>>) {add = true}
      %mul3A_446 = arith.constant 8 : i32
      %mul3A_447 = arith.muli %add3A_391, %mul3A_446 : i32
      %add3A_448 = arith.constant 6 : i32
      %add3A_449 = arith.addi %mul3A_447, %add3A_448 : i32
      %dma_start3A_450 = arith.constant 0 : i32
      %dma_start3A_451 = tpu.memref_slice %arg6[%add3A_449, %dma_start3A_450] : memref<80x128xi32, #tpu.memory_space<vmem>> -> memref<1x128xi32, #tpu.memory_space<vmem>>
      %dma_start3A_452 = tpu.memref_squeeze %dma_start3A_451 : memref<1x128xi32, #tpu.memory_space<vmem>> -> memref<128xi32, #tpu.memory_space<vmem>>
      %dma_start3A_453 = arith.constant 0 : i32
      %dma_start3A_454 = tpu.memref_slice %arg8[%dma_start3A_453] : memref<10240xf32, #tpu.memory_space<vmem_shared>> -> memref<10240xf32, #tpu.memory_space<vmem_shared>>
      tpu.enqueue_indirect_dma source(%arg7 : memref<128xf32, #tpu.memory_space<vmem>>) target(%dma_start3A_454 : memref<10240xf32, #tpu.memory_space<vmem_shared>>) offsets(%dma_start3A_452 : memref<128xi32, #tpu.memory_space<vmem>>) semaphore(%arg10 : memref<!tpu.dma_semaphore, #tpu.memory_space<semaphore_mem>>) {add = true}
      %mul3A_455 = arith.constant 8 : i32
      %mul3A_456 = arith.muli %add3A_391, %mul3A_455 : i32
      %add3A_457 = arith.constant 7 : i32
      %add3A_458 = arith.addi %mul3A_456, %add3A_457 : i32
      %dma_start3A_459 = arith.constant 0 : i32
      %dma_start3A_460 = tpu.memref_slice %arg6[%add3A_458, %dma_start3A_459] : memref<80x128xi32, #tpu.memory_space<vmem>> -> memref<1x128xi32, #tpu.memory_space<vmem>>
      %dma_start3A_461 = tpu.memref_squeeze %dma_start3A_460 : memref<1x128xi32, #tpu.memory_space<vmem>> -> memref<128xi32, #tpu.memory_space<vmem>>
      %dma_start3A_462 = arith.constant 0 : i32
      %dma_start3A_463 = tpu.memref_slice %arg8[%dma_start3A_462] : memref<10240xf32, #tpu.memory_space<vmem_shared>> -> memref<10240xf32, #tpu.memory_space<vmem_shared>>
      tpu.enqueue_indirect_dma source(%arg7 : memref<128xf32, #tpu.memory_space<vmem>>) target(%dma_start3A_463 : memref<10240xf32, #tpu.memory_space<vmem_shared>>) offsets(%dma_start3A_461 : memref<128xi32, #tpu.memory_space<vmem>>) semaphore(%arg10 : memref<!tpu.dma_semaphore, #tpu.memory_space<semaphore_mem>>) {add = true}
    }
    %while3A_114 = arith.constant 1 : i32
    scf.for %while3A_215 = %while3A_112 to %while3A_108 step %while3A_114  : i32 {
      %dma_wait3A_216 = arith.constant 0 : i32
      %dma_wait3A_217 = arith.constant 0 : i32
      %dma_wait3A_218 = tpu.memref_slice %arg6[%dma_wait3A_216, %dma_wait3A_217] : memref<80x128xi32, #tpu.memory_space<vmem>> -> memref<1x128xi32, #tpu.memory_space<vmem>>
      %dma_wait3A_219 = tpu.memref_squeeze %dma_wait3A_218 : memref<1x128xi32, #tpu.memory_space<vmem>> -> memref<128xi32, #tpu.memory_space<vmem>>
      %dma_wait3A_220 = arith.constant 0 : i32
      %dma_wait3A_221 = tpu.memref_slice %arg8[%dma_wait3A_220] : memref<10240xf32, #tpu.memory_space<vmem_shared>> -> memref<10240xf32, #tpu.memory_space<vmem_shared>>
      tpu.wait_indirect_dma semaphore(%arg9 : memref<!tpu.dma_semaphore, #tpu.memory_space<semaphore_mem>>) src(%arg7 : memref<128xf32, #tpu.memory_space<vmem>>) dst(%dma_wait3A_221 : memref<10240xf32, #tpu.memory_space<vmem_shared>>)
      %dma_wait3A_222 = arith.constant 0 : i32
      %dma_wait3A_223 = arith.constant 0 : i32
      %dma_wait3A_224 = tpu.memref_slice %arg6[%dma_wait3A_222, %dma_wait3A_223] : memref<80x128xi32, #tpu.memory_space<vmem>> -> memref<1x128xi32, #tpu.memory_space<vmem>>
      %dma_wait3A_225 = tpu.memref_squeeze %dma_wait3A_224 : memref<1x128xi32, #tpu.memory_space<vmem>> -> memref<128xi32, #tpu.memory_space<vmem>>
      %dma_wait3A_226 = arith.constant 0 : i32
      %dma_wait3A_227 = tpu.memref_slice %arg8[%dma_wait3A_226] : memref<10240xf32, #tpu.memory_space<vmem_shared>> -> memref<10240xf32, #tpu.memory_space<vmem_shared>>
      tpu.wait_indirect_dma semaphore(%arg9 : memref<!tpu.dma_semaphore, #tpu.memory_space<semaphore_mem>>) src(%arg7 : memref<128xf32, #tpu.memory_space<vmem>>) dst(%dma_wait3A_227 : memref<10240xf32, #tpu.memory_space<vmem_shared>>)
      %dma_wait3A_228 = arith.constant 0 : i32
      %dma_wait3A_229 = arith.constant 0 : i32
      %dma_wait3A_230 = tpu.memref_slice %arg6[%dma_wait3A_228, %dma_wait3A_229] : memref<80x128xi32, #tpu.memory_space<vmem>> -> memref<1x128xi32, #tpu.memory_space<vmem>>
      %dma_wait3A_231 = tpu.memref_squeeze %dma_wait3A_230 : memref<1x128xi32, #tpu.memory_space<vmem>> -> memref<128xi32, #tpu.memory_space<vmem>>
      %dma_wait3A_232 = arith.constant 0 : i32
      %dma_wait3A_233 = tpu.memref_slice %arg8[%dma_wait3A_232] : memref<10240xf32, #tpu.memory_space<vmem_shared>> -> memref<10240xf32, #tpu.memory_space<vmem_shared>>
      tpu.wait_indirect_dma semaphore(%arg9 : memref<!tpu.dma_semaphore, #tpu.memory_space<semaphore_mem>>) src(%arg7 : memref<128xf32, #tpu.memory_space<vmem>>) dst(%dma_wait3A_233 : memref<10240xf32, #tpu.memory_space<vmem_shared>>)
      %dma_wait3A_234 = arith.constant 0 : i32
      %dma_wait3A_235 = arith.constant 0 : i32
      %dma_wait3A_236 = tpu.memref_slice %arg6[%dma_wait3A_234, %dma_wait3A_235] : memref<80x128xi32, #tpu.memory_space<vmem>> -> memref<1x128xi32, #tpu.memory_space<vmem>>
      %dma_wait3A_237 = tpu.memref_squeeze %dma_wait3A_236 : memref<1x128xi32, #tpu.memory_space<vmem>> -> memref<128xi32, #tpu.memory_space<vmem>>
      %dma_wait3A_238 = arith.constant 0 : i32
      %dma_wait3A_239 = tpu.memref_slice %arg8[%dma_wait3A_238] : memref<10240xf32, #tpu.memory_space<vmem_shared>> -> memref<10240xf32, #tpu.memory_space<vmem_shared>>
      tpu.wait_indirect_dma semaphore(%arg9 : memref<!tpu.dma_semaphore, #tpu.memory_space<semaphore_mem>>) src(%arg7 : memref<128xf32, #tpu.memory_space<vmem>>) dst(%dma_wait3A_239 : memref<10240xf32, #tpu.memory_space<vmem_shared>>)
      %dma_wait3A_240 = arith.constant 0 : i32
      %dma_wait3A_241 = arith.constant 0 : i32
      %dma_wait3A_242 = tpu.memref_slice %arg6[%dma_wait3A_240, %dma_wait3A_241] : memref<80x128xi32, #tpu.memory_space<vmem>> -> memref<1x128xi32, #tpu.memory_space<vmem>>
      %dma_wait3A_243 = tpu.memref_squeeze %dma_wait3A_242 : memref<1x128xi32, #tpu.memory_space<vmem>> -> memref<128xi32, #tpu.memory_space<vmem>>
      %dma_wait3A_244 = arith.constant 0 : i32
      %dma_wait3A_245 = tpu.memref_slice %arg8[%dma_wait3A_244] : memref<10240xf32, #tpu.memory_space<vmem_shared>> -> memref<10240xf32, #tpu.memory_space<vmem_shared>>
      tpu.wait_indirect_dma semaphore(%arg9 : memref<!tpu.dma_semaphore, #tpu.memory_space<semaphore_mem>>) src(%arg7 : memref<128xf32, #tpu.memory_space<vmem>>) dst(%dma_wait3A_245 : memref<10240xf32, #tpu.memory_space<vmem_shared>>)
      %dma_wait3A_246 = arith.constant 0 : i32
      %dma_wait3A_247 = arith.constant 0 : i32
      %dma_wait3A_248 = tpu.memref_slice %arg6[%dma_wait3A_246, %dma_wait3A_247] : memref<80x128xi32, #tpu.memory_space<vmem>> -> memref<1x128xi32, #tpu.memory_space<vmem>>
      %dma_wait3A_249 = tpu.memref_squeeze %dma_wait3A_248 : memref<1x128xi32, #tpu.memory_space<vmem>> -> memref<128xi32, #tpu.memory_space<vmem>>
      %dma_wait3A_250 = arith.constant 0 : i32
      %dma_wait3A_251 = tpu.memref_slice %arg8[%dma_wait3A_250] : memref<10240xf32, #tpu.memory_space<vmem_shared>> -> memref<10240xf32, #tpu.memory_space<vmem_shared>>
      tpu.wait_indirect_dma semaphore(%arg9 : memref<!tpu.dma_semaphore, #tpu.memory_space<semaphore_mem>>) src(%arg7 : memref<128xf32, #tpu.memory_space<vmem>>) dst(%dma_wait3A_251 : memref<10240xf32, #tpu.memory_space<vmem_shared>>)
      %dma_wait3A_252 = arith.constant 0 : i32
      %dma_wait3A_253 = arith.constant 0 : i32
      %dma_wait3A_254 = tpu.memref_slice %arg6[%dma_wait3A_252, %dma_wait3A_253] : memref<80x128xi32, #tpu.memory_space<vmem>> -> memref<1x128xi32, #tpu.memory_space<vmem>>
      %dma_wait3A_255 = tpu.memref_squeeze %dma_wait3A_254 : memref<1x128xi32, #tpu.memory_space<vmem>> -> memref<128xi32, #tpu.memory_space<vmem>>
      %dma_wait3A_256 = arith.constant 0 : i32
      %dma_wait3A_257 = tpu.memref_slice %arg8[%dma_wait3A_256] : memref<10240xf32, #tpu.memory_space<vmem_shared>> -> memref<10240xf32, #tpu.memory_space<vmem_shared>>
      tpu.wait_indirect_dma semaphore(%arg9 : memref<!tpu.dma_semaphore, #tpu.memory_space<semaphore_mem>>) src(%arg7 : memref<128xf32, #tpu.memory_space<vmem>>) dst(%dma_wait3A_257 : memref<10240xf32, #tpu.memory_space<vmem_shared>>)
      %dma_wait3A_258 = arith.constant 0 : i32
      %dma_wait3A_259 = arith.constant 0 : i32
      %dma_wait3A_260 = tpu.memref_slice %arg6[%dma_wait3A_258, %dma_wait3A_259] : memref<80x128xi32, #tpu.memory_space<vmem>> -> memref<1x128xi32, #tpu.memory_space<vmem>>
      %dma_wait3A_261 = tpu.memref_squeeze %dma_wait3A_260 : memref<1x128xi32, #tpu.memory_space<vmem>> -> memref<128xi32, #tpu.memory_space<vmem>>
      %dma_wait3A_262 = arith.constant 0 : i32
      %dma_wait3A_263 = tpu.memref_slice %arg8[%dma_wait3A_262] : memref<10240xf32, #tpu.memory_space<vmem_shared>> -> memref<10240xf32, #tpu.memory_space<vmem_shared>>
      tpu.wait_indirect_dma semaphore(%arg9 : memref<!tpu.dma_semaphore, #tpu.memory_space<semaphore_mem>>) src(%arg7 : memref<128xf32, #tpu.memory_space<vmem>>) dst(%dma_wait3A_263 : memref<10240xf32, #tpu.memory_space<vmem_shared>>)
      %mul3A_264 = arith.constant 2 : i32
      %mul3A_265 = arith.muli %mul3A_264, %while3A_215 : i32
      %add3A_266 = arith.constant 2 : i32
      %add3A_267 = arith.addi %mul3A_265, %add3A_266 : i32
      %mul3A_268 = arith.constant 8 : i32
      %mul3A_269 = arith.muli %add3A_267, %mul3A_268 : i32
      %add3A_270 = arith.constant 0 : i32
      %add3A_271 = arith.addi %mul3A_269, %add3A_270 : i32
      %dma_start3A_272 = arith.constant 0 : i32
      %dma_start3A_273 = tpu.memref_slice %arg6[%add3A_271, %dma_start3A_272] : memref<80x128xi32, #tpu.memory_space<vmem>> -> memref<1x128xi32, #tpu.memory_space<vmem>>
      %dma_start3A_274 = tpu.memref_squeeze %dma_start3A_273 : memref<1x128xi32, #tpu.memory_space<vmem>> -> memref<128xi32, #tpu.memory_space<vmem>>
      %dma_start3A_275 = arith.constant 0 : i32
      %dma_start3A_276 = tpu.memref_slice %arg8[%dma_start3A_275] : memref<10240xf32, #tpu.memory_space<vmem_shared>> -> memref<10240xf32, #tpu.memory_space<vmem_shared>>
      tpu.enqueue_indirect_dma source(%arg7 : memref<128xf32, #tpu.memory_space<vmem>>) target(%dma_start3A_276 : memref<10240xf32, #tpu.memory_space<vmem_shared>>) offsets(%dma_start3A_274 : memref<128xi32, #tpu.memory_space<vmem>>) semaphore(%arg9 : memref<!tpu.dma_semaphore, #tpu.memory_space<semaphore_mem>>) {add = true}
      %mul3A_277 = arith.constant 8 : i32
      %mul3A_278 = arith.muli %add3A_267, %mul3A_277 : i32
      %add3A_279 = arith.constant 1 : i32
      %add3A_280 = arith.addi %mul3A_278, %add3A_279 : i32
      %dma_start3A_281 = arith.constant 0 : i32
      %dma_start3A_282 = tpu.memref_slice %arg6[%add3A_280, %dma_start3A_281] : memref<80x128xi32, #tpu.memory_space<vmem>> -> memref<1x128xi32, #tpu.memory_space<vmem>>
      %dma_start3A_283 = tpu.memref_squeeze %dma_start3A_282 : memref<1x128xi32, #tpu.memory_space<vmem>> -> memref<128xi32, #tpu.memory_space<vmem>>
      %dma_start3A_284 = arith.constant 0 : i32
      %dma_start3A_285 = tpu.memref_slice %arg8[%dma_start3A_284] : memref<10240xf32, #tpu.memory_space<vmem_shared>> -> memref<10240xf32, #tpu.memory_space<vmem_shared>>
      tpu.enqueue_indirect_dma source(%arg7 : memref<128xf32, #tpu.memory_space<vmem>>) target(%dma_start3A_285 : memref<10240xf32, #tpu.memory_space<vmem_shared>>) offsets(%dma_start3A_283 : memref<128xi32, #tpu.memory_space<vmem>>) semaphore(%arg9 : memref<!tpu.dma_semaphore, #tpu.memory_space<semaphore_mem>>) {add = true}
      %mul3A_286 = arith.constant 8 : i32
      %mul3A_287 = arith.muli %add3A_267, %mul3A_286 : i32
      %add3A_288 = arith.constant 2 : i32
      %add3A_289 = arith.addi %mul3A_287, %add3A_288 : i32
      %dma_start3A_290 = arith.constant 0 : i32
      %dma_start3A_291 = tpu.memref_slice %arg6[%add3A_289, %dma_start3A_290] : memref<80x128xi32, #tpu.memory_space<vmem>> -> memref<1x128xi32, #tpu.memory_space<vmem>>
      %dma_start3A_292 = tpu.memref_squeeze %dma_start3A_291 : memref<1x128xi32, #tpu.memory_space<vmem>> -> memref<128xi32, #tpu.memory_space<vmem>>
      %dma_start3A_293 = arith.constant 0 : i32
      %dma_start3A_294 = tpu.memref_slice %arg8[%dma_start3A_293] : memref<10240xf32, #tpu.memory_space<vmem_shared>> -> memref<10240xf32, #tpu.memory_space<vmem_shared>>
      tpu.enqueue_indirect_dma source(%arg7 : memref<128xf32, #tpu.memory_space<vmem>>) target(%dma_start3A_294 : memref<10240xf32, #tpu.memory_space<vmem_shared>>) offsets(%dma_start3A_292 : memref<128xi32, #tpu.memory_space<vmem>>) semaphore(%arg9 : memref<!tpu.dma_semaphore, #tpu.memory_space<semaphore_mem>>) {add = true}
      %mul3A_295 = arith.constant 8 : i32
      %mul3A_296 = arith.muli %add3A_267, %mul3A_295 : i32
      %add3A_297 = arith.constant 3 : i32
      %add3A_298 = arith.addi %mul3A_296, %add3A_297 : i32
      %dma_start3A_299 = arith.constant 0 : i32
      %dma_start3A_300 = tpu.memref_slice %arg6[%add3A_298, %dma_start3A_299] : memref<80x128xi32, #tpu.memory_space<vmem>> -> memref<1x128xi32, #tpu.memory_space<vmem>>
      %dma_start3A_301 = tpu.memref_squeeze %dma_start3A_300 : memref<1x128xi32, #tpu.memory_space<vmem>> -> memref<128xi32, #tpu.memory_space<vmem>>
      %dma_start3A_302 = arith.constant 0 : i32
      %dma_start3A_303 = tpu.memref_slice %arg8[%dma_start3A_302] : memref<10240xf32, #tpu.memory_space<vmem_shared>> -> memref<10240xf32, #tpu.memory_space<vmem_shared>>
      tpu.enqueue_indirect_dma source(%arg7 : memref<128xf32, #tpu.memory_space<vmem>>) target(%dma_start3A_303 : memref<10240xf32, #tpu.memory_space<vmem_shared>>) offsets(%dma_start3A_301 : memref<128xi32, #tpu.memory_space<vmem>>) semaphore(%arg9 : memref<!tpu.dma_semaphore, #tpu.memory_space<semaphore_mem>>) {add = true}
      %mul3A_304 = arith.constant 8 : i32
      %mul3A_305 = arith.muli %add3A_267, %mul3A_304 : i32
      %add3A_306 = arith.constant 4 : i32
      %add3A_307 = arith.addi %mul3A_305, %add3A_306 : i32
      %dma_start3A_308 = arith.constant 0 : i32
      %dma_start3A_309 = tpu.memref_slice %arg6[%add3A_307, %dma_start3A_308] : memref<80x128xi32, #tpu.memory_space<vmem>> -> memref<1x128xi32, #tpu.memory_space<vmem>>
      %dma_start3A_310 = tpu.memref_squeeze %dma_start3A_309 : memref<1x128xi32, #tpu.memory_space<vmem>> -> memref<128xi32, #tpu.memory_space<vmem>>
      %dma_start3A_311 = arith.constant 0 : i32
      %dma_start3A_312 = tpu.memref_slice %arg8[%dma_start3A_311] : memref<10240xf32, #tpu.memory_space<vmem_shared>> -> memref<10240xf32, #tpu.memory_space<vmem_shared>>
      tpu.enqueue_indirect_dma source(%arg7 : memref<128xf32, #tpu.memory_space<vmem>>) target(%dma_start3A_312 : memref<10240xf32, #tpu.memory_space<vmem_shared>>) offsets(%dma_start3A_310 : memref<128xi32, #tpu.memory_space<vmem>>) semaphore(%arg9 : memref<!tpu.dma_semaphore, #tpu.memory_space<semaphore_mem>>) {add = true}
      %mul3A_313 = arith.constant 8 : i32
      %mul3A_314 = arith.muli %add3A_267, %mul3A_313 : i32
      %add3A_315 = arith.constant 5 : i32
      %add3A_316 = arith.addi %mul3A_314, %add3A_315 : i32
      %dma_start3A_317 = arith.constant 0 : i32
      %dma_start3A_318 = tpu.memref_slice %arg6[%add3A_316, %dma_start3A_317] : memref<80x128xi32, #tpu.memory_space<vmem>> -> memref<1x128xi32, #tpu.memory_space<vmem>>
      %dma_start3A_319 = tpu.memref_squeeze %dma_start3A_318 : memref<1x128xi32, #tpu.memory_space<vmem>> -> memref<128xi32, #tpu.memory_space<vmem>>
      %dma_start3A_320 = arith.constant 0 : i32
      %dma_start3A_321 = tpu.memref_slice %arg8[%dma_start3A_320] : memref<10240xf32, #tpu.memory_space<vmem_shared>> -> memref<10240xf32, #tpu.memory_space<vmem_shared>>
      tpu.enqueue_indirect_dma source(%arg7 : memref<128xf32, #tpu.memory_space<vmem>>) target(%dma_start3A_321 : memref<10240xf32, #tpu.memory_space<vmem_shared>>) offsets(%dma_start3A_319 : memref<128xi32, #tpu.memory_space<vmem>>) semaphore(%arg9 : memref<!tpu.dma_semaphore, #tpu.memory_space<semaphore_mem>>) {add = true}
      %mul3A_322 = arith.constant 8 : i32
      %mul3A_323 = arith.muli %add3A_267, %mul3A_322 : i32
      %add3A_324 = arith.constant 6 : i32
      %add3A_325 = arith.addi %mul3A_323, %add3A_324 : i32
      %dma_start3A_326 = arith.constant 0 : i32
      %dma_start3A_327 = tpu.memref_slice %arg6[%add3A_325, %dma_start3A_326] : memref<80x128xi32, #tpu.memory_space<vmem>> -> memref<1x128xi32, #tpu.memory_space<vmem>>
      %dma_start3A_328 = tpu.memref_squeeze %dma_start3A_327 : memref<1x128xi32, #tpu.memory_space<vmem>> -> memref<128xi32, #tpu.memory_space<vmem>>
      %dma_start3A_329 = arith.constant 0 : i32
      %dma_start3A_330 = tpu.memref_slice %arg8[%dma_start3A_329] : memref<10240xf32, #tpu.memory_space<vmem_shared>> -> memref<10240xf32, #tpu.memory_space<vmem_shared>>
      tpu.enqueue_indirect_dma source(%arg7 : memref<128xf32, #tpu.memory_space<vmem>>) target(%dma_start3A_330 : memref<10240xf32, #tpu.memory_space<vmem_shared>>) offsets(%dma_start3A_328 : memref<128xi32, #tpu.memory_space<vmem>>) semaphore(%arg9 : memref<!tpu.dma_semaphore, #tpu.memory_space<semaphore_mem>>) {add = true}
      %mul3A_331 = arith.constant 8 : i32
      %mul3A_332 = arith.muli %add3A_267, %mul3A_331 : i32
      %add3A_333 = arith.constant 7 : i32
      %add3A_334 = arith.addi %mul3A_332, %add3A_333 : i32
      %dma_start3A_335 = arith.constant 0 : i32
      %dma_start3A_336 = tpu.memref_slice %arg6[%add3A_334, %dma_start3A_335] : memref<80x128xi32, #tpu.memory_space<vmem>> -> memref<1x128xi32, #tpu.memory_space<vmem>>
      %dma_start3A_337 = tpu.memref_squeeze %dma_start3A_336 : memref<1x128xi32, #tpu.memory_space<vmem>> -> memref<128xi32, #tpu.memory_space<vmem>>
      %dma_start3A_338 = arith.constant 0 : i32
      %dma_start3A_339 = tpu.memref_slice %arg8[%dma_start3A_338] : memref<10240xf32, #tpu.memory_space<vmem_shared>> -> memref<10240xf32, #tpu.memory_space<vmem_shared>>
      tpu.enqueue_indirect_dma source(%arg7 : memref<128xf32, #tpu.memory_space<vmem>>) target(%dma_start3A_339 : memref<10240xf32, #tpu.memory_space<vmem_shared>>) offsets(%dma_start3A_337 : memref<128xi32, #tpu.memory_space<vmem>>) semaphore(%arg9 : memref<!tpu.dma_semaphore, #tpu.memory_space<semaphore_mem>>) {add = true}
      %dma_wait3A_340 = arith.constant 0 : i32
      %dma_wait3A_341 = arith.constant 0 : i32
      %dma_wait3A_342 = tpu.memref_slice %arg6[%dma_wait3A_340, %dma_wait3A_341] : memref<80x128xi32, #tpu.memory_space<vmem>> -> memref<1x128xi32, #tpu.memory_space<vmem>>
      %dma_wait3A_343 = tpu.memref_squeeze %dma_wait3A_342 : memref<1x128xi32, #tpu.memory_space<vmem>> -> memref<128xi32, #tpu.memory_space<vmem>>
      %dma_wait3A_344 = arith.constant 0 : i32
      %dma_wait3A_345 = tpu.memref_slice %arg8[%dma_wait3A_344] : memref<10240xf32, #tpu.memory_space<vmem_shared>> -> memref<10240xf32, #tpu.memory_space<vmem_shared>>
      tpu.wait_indirect_dma semaphore(%arg10 : memref<!tpu.dma_semaphore, #tpu.memory_space<semaphore_mem>>) src(%arg7 : memref<128xf32, #tpu.memory_space<vmem>>) dst(%dma_wait3A_345 : memref<10240xf32, #tpu.memory_space<vmem_shared>>)
      %dma_wait3A_346 = arith.constant 0 : i32
      %dma_wait3A_347 = arith.constant 0 : i32
      %dma_wait3A_348 = tpu.memref_slice %arg6[%dma_wait3A_346, %dma_wait3A_347] : memref<80x128xi32, #tpu.memory_space<vmem>> -> memref<1x128xi32, #tpu.memory_space<vmem>>
      %dma_wait3A_349 = tpu.memref_squeeze %dma_wait3A_348 : memref<1x128xi32, #tpu.memory_space<vmem>> -> memref<128xi32, #tpu.memory_space<vmem>>
      %dma_wait3A_350 = arith.constant 0 : i32
      %dma_wait3A_351 = tpu.memref_slice %arg8[%dma_wait3A_350] : memref<10240xf32, #tpu.memory_space<vmem_shared>> -> memref<10240xf32, #tpu.memory_space<vmem_shared>>
      tpu.wait_indirect_dma semaphore(%arg10 : memref<!tpu.dma_semaphore, #tpu.memory_space<semaphore_mem>>) src(%arg7 : memref<128xf32, #tpu.memory_space<vmem>>) dst(%dma_wait3A_351 : memref<10240xf32, #tpu.memory_space<vmem_shared>>)
      %dma_wait3A_352 = arith.constant 0 : i32
      %dma_wait3A_353 = arith.constant 0 : i32
      %dma_wait3A_354 = tpu.memref_slice %arg6[%dma_wait3A_352, %dma_wait3A_353] : memref<80x128xi32, #tpu.memory_space<vmem>> -> memref<1x128xi32, #tpu.memory_space<vmem>>
      %dma_wait3A_355 = tpu.memref_squeeze %dma_wait3A_354 : memref<1x128xi32, #tpu.memory_space<vmem>> -> memref<128xi32, #tpu.memory_space<vmem>>
      %dma_wait3A_356 = arith.constant 0 : i32
      %dma_wait3A_357 = tpu.memref_slice %arg8[%dma_wait3A_356] : memref<10240xf32, #tpu.memory_space<vmem_shared>> -> memref<10240xf32, #tpu.memory_space<vmem_shared>>
      tpu.wait_indirect_dma semaphore(%arg10 : memref<!tpu.dma_semaphore, #tpu.memory_space<semaphore_mem>>) src(%arg7 : memref<128xf32, #tpu.memory_space<vmem>>) dst(%dma_wait3A_357 : memref<10240xf32, #tpu.memory_space<vmem_shared>>)
      %dma_wait3A_358 = arith.constant 0 : i32
      %dma_wait3A_359 = arith.constant 0 : i32
      %dma_wait3A_360 = tpu.memref_slice %arg6[%dma_wait3A_358, %dma_wait3A_359] : memref<80x128xi32, #tpu.memory_space<vmem>> -> memref<1x128xi32, #tpu.memory_space<vmem>>
      %dma_wait3A_361 = tpu.memref_squeeze %dma_wait3A_360 : memref<1x128xi32, #tpu.memory_space<vmem>> -> memref<128xi32, #tpu.memory_space<vmem>>
      %dma_wait3A_362 = arith.constant 0 : i32
      %dma_wait3A_363 = tpu.memref_slice %arg8[%dma_wait3A_362] : memref<10240xf32, #tpu.memory_space<vmem_shared>> -> memref<10240xf32, #tpu.memory_space<vmem_shared>>
      tpu.wait_indirect_dma semaphore(%arg10 : memref<!tpu.dma_semaphore, #tpu.memory_space<semaphore_mem>>) src(%arg7 : memref<128xf32, #tpu.memory_space<vmem>>) dst(%dma_wait3A_363 : memref<10240xf32, #tpu.memory_space<vmem_shared>>)
      %dma_wait3A_364 = arith.constant 0 : i32
      %dma_wait3A_365 = arith.constant 0 : i32
      %dma_wait3A_366 = tpu.memref_slice %arg6[%dma_wait3A_364, %dma_wait3A_365] : memref<80x128xi32, #tpu.memory_space<vmem>> -> memref<1x128xi32, #tpu.memory_space<vmem>>
      %dma_wait3A_367 = tpu.memref_squeeze %dma_wait3A_366 : memref<1x128xi32, #tpu.memory_space<vmem>> -> memref<128xi32, #tpu.memory_space<vmem>>
      %dma_wait3A_368 = arith.constant 0 : i32
      %dma_wait3A_369 = tpu.memref_slice %arg8[%dma_wait3A_368] : memref<10240xf32, #tpu.memory_space<vmem_shared>> -> memref<10240xf32, #tpu.memory_space<vmem_shared>>
      tpu.wait_indirect_dma semaphore(%arg10 : memref<!tpu.dma_semaphore, #tpu.memory_space<semaphore_mem>>) src(%arg7 : memref<128xf32, #tpu.memory_space<vmem>>) dst(%dma_wait3A_369 : memref<10240xf32, #tpu.memory_space<vmem_shared>>)
      %dma_wait3A_370 = arith.constant 0 : i32
      %dma_wait3A_371 = arith.constant 0 : i32
      %dma_wait3A_372 = tpu.memref_slice %arg6[%dma_wait3A_370, %dma_wait3A_371] : memref<80x128xi32, #tpu.memory_space<vmem>> -> memref<1x128xi32, #tpu.memory_space<vmem>>
      %dma_wait3A_373 = tpu.memref_squeeze %dma_wait3A_372 : memref<1x128xi32, #tpu.memory_space<vmem>> -> memref<128xi32, #tpu.memory_space<vmem>>
      %dma_wait3A_374 = arith.constant 0 : i32
      %dma_wait3A_375 = tpu.memref_slice %arg8[%dma_wait3A_374] : memref<10240xf32, #tpu.memory_space<vmem_shared>> -> memref<10240xf32, #tpu.memory_space<vmem_shared>>
      tpu.wait_indirect_dma semaphore(%arg10 : memref<!tpu.dma_semaphore, #tpu.memory_space<semaphore_mem>>) src(%arg7 : memref<128xf32, #tpu.memory_space<vmem>>) dst(%dma_wait3A_375 : memref<10240xf32, #tpu.memory_space<vmem_shared>>)
      %dma_wait3A_376 = arith.constant 0 : i32
      %dma_wait3A_377 = arith.constant 0 : i32
      %dma_wait3A_378 = tpu.memref_slice %arg6[%dma_wait3A_376, %dma_wait3A_377] : memref<80x128xi32, #tpu.memory_space<vmem>> -> memref<1x128xi32, #tpu.memory_space<vmem>>
      %dma_wait3A_379 = tpu.memref_squeeze %dma_wait3A_378 : memref<1x128xi32, #tpu.memory_space<vmem>> -> memref<128xi32, #tpu.memory_space<vmem>>
      %dma_wait3A_380 = arith.constant 0 : i32
      %dma_wait3A_381 = tpu.memref_slice %arg8[%dma_wait3A_380] : memref<10240xf32, #tpu.memory_space<vmem_shared>> -> memref<10240xf32, #tpu.memory_space<vmem_shared>>
      tpu.wait_indirect_dma semaphore(%arg10 : memref<!tpu.dma_semaphore, #tpu.memory_space<semaphore_mem>>) src(%arg7 : memref<128xf32, #tpu.memory_space<vmem>>) dst(%dma_wait3A_381 : memref<10240xf32, #tpu.memory_space<vmem_shared>>)
      %dma_wait3A_382 = arith.constant 0 : i32
      %dma_wait3A_383 = arith.constant 0 : i32
      %dma_wait3A_384 = tpu.memref_slice %arg6[%dma_wait3A_382, %dma_wait3A_383] : memref<80x128xi32, #tpu.memory_space<vmem>> -> memref<1x128xi32, #tpu.memory_space<vmem>>
      %dma_wait3A_385 = tpu.memref_squeeze %dma_wait3A_384 : memref<1x128xi32, #tpu.memory_space<vmem>> -> memref<128xi32, #tpu.memory_space<vmem>>
      %dma_wait3A_386 = arith.constant 0 : i32
      %dma_wait3A_387 = tpu.memref_slice %arg8[%dma_wait3A_386] : memref<10240xf32, #tpu.memory_space<vmem_shared>> -> memref<10240xf32, #tpu.memory_space<vmem_shared>>
      tpu.wait_indirect_dma semaphore(%arg10 : memref<!tpu.dma_semaphore, #tpu.memory_space<semaphore_mem>>) src(%arg7 : memref<128xf32, #tpu.memory_space<vmem>>) dst(%dma_wait3A_387 : memref<10240xf32, #tpu.memory_space<vmem_shared>>)
      %mul3A_388 = arith.constant 2 : i32
      %mul3A_389 = arith.muli %mul3A_388, %while3A_215 : i32
      %add3A_390 = arith.constant 3 : i32
      %add3A_391 = arith.addi %mul3A_389, %add3A_390 : i32
      %mul3A_392 = arith.constant 8 : i32
      %mul3A_393 = arith.muli %add3A_391, %mul3A_392 : i32
      %add3A_394 = arith.constant 0 : i32
      %add3A_395 = arith.addi %mul3A_393, %add3A_394 : i32
      %dma_start3A_396 = arith.constant 0 : i32
      %dma_start3A_397 = tpu.memref_slice %arg6[%add3A_395, %dma_start3A_396] : memref<80x128xi32, #tpu.memory_space<vmem>> -> memref<1x128xi32, #tpu.memory_space<vmem>>
      %dma_start3A_398 = tpu.memref_squeeze %dma_start3A_397 : memref<1x128xi32, #tpu.memory_space<vmem>> -> memref<128xi32, #tpu.memory_space<vmem>>
      %dma_start3A_399 = arith.constant 0 : i32
      %dma_start3A_400 = tpu.memref_slice %arg8[%dma_start3A_399] : memref<10240xf32, #tpu.memory_space<vmem_shared>> -> memref<10240xf32, #tpu.memory_space<vmem_shared>>
      tpu.enqueue_indirect_dma source(%arg7 : memref<128xf32, #tpu.memory_space<vmem>>) target(%dma_start3A_400 : memref<10240xf32, #tpu.memory_space<vmem_shared>>) offsets(%dma_start3A_398 : memref<128xi32, #tpu.memory_space<vmem>>) semaphore(%arg10 : memref<!tpu.dma_semaphore, #tpu.memory_space<semaphore_mem>>) {add = true}
      %mul3A_401 = arith.constant 8 : i32
      %mul3A_402 = arith.muli %add3A_391, %mul3A_401 : i32
      %add3A_403 = arith.constant 1 : i32
      %add3A_404 = arith.addi %mul3A_402, %add3A_403 : i32
      %dma_start3A_405 = arith.constant 0 : i32
      %dma_start3A_406 = tpu.memref_slice %arg6[%add3A_404, %dma_start3A_405] : memref<80x128xi32, #tpu.memory_space<vmem>> -> memref<1x128xi32, #tpu.memory_space<vmem>>
      %dma_start3A_407 = tpu.memref_squeeze %dma_start3A_406 : memref<1x128xi32, #tpu.memory_space<vmem>> -> memref<128xi32, #tpu.memory_space<vmem>>
      %dma_start3A_408 = arith.constant 0 : i32
      %dma_start3A_409 = tpu.memref_slice %arg8[%dma_start3A_408] : memref<10240xf32, #tpu.memory_space<vmem_shared>> -> memref<10240xf32, #tpu.memory_space<vmem_shared>>
      tpu.enqueue_indirect_dma source(%arg7 : memref<128xf32, #tpu.memory_space<vmem>>) target(%dma_start3A_409 : memref<10240xf32, #tpu.memory_space<vmem_shared>>) offsets(%dma_start3A_407 : memref<128xi32, #tpu.memory_space<vmem>>) semaphore(%arg10 : memref<!tpu.dma_semaphore, #tpu.memory_space<semaphore_mem>>) {add = true}
      %mul3A_410 = arith.constant 8 : i32
      %mul3A_411 = arith.muli %add3A_391, %mul3A_410 : i32
      %add3A_412 = arith.constant 2 : i32
      %add3A_413 = arith.addi %mul3A_411, %add3A_412 : i32
      %dma_start3A_414 = arith.constant 0 : i32
      %dma_start3A_415 = tpu.memref_slice %arg6[%add3A_413, %dma_start3A_414] : memref<80x128xi32, #tpu.memory_space<vmem>> -> memref<1x128xi32, #tpu.memory_space<vmem>>
      %dma_start3A_416 = tpu.memref_squeeze %dma_start3A_415 : memref<1x128xi32, #tpu.memory_space<vmem>> -> memref<128xi32, #tpu.memory_space<vmem>>
      %dma_start3A_417 = arith.constant 0 : i32
      %dma_start3A_418 = tpu.memref_slice %arg8[%dma_start3A_417] : memref<10240xf32, #tpu.memory_space<vmem_shared>> -> memref<10240xf32, #tpu.memory_space<vmem_shared>>
      tpu.enqueue_indirect_dma source(%arg7 : memref<128xf32, #tpu.memory_space<vmem>>) target(%dma_start3A_418 : memref<10240xf32, #tpu.memory_space<vmem_shared>>) offsets(%dma_start3A_416 : memref<128xi32, #tpu.memory_space<vmem>>) semaphore(%arg10 : memref<!tpu.dma_semaphore, #tpu.memory_space<semaphore_mem>>) {add = true}
      %mul3A_419 = arith.constant 8 : i32
      %mul3A_420 = arith.muli %add3A_391, %mul3A_419 : i32
      %add3A_421 = arith.constant 3 : i32
      %add3A_422 = arith.addi %mul3A_420, %add3A_421 : i32
      %dma_start3A_423 = arith.constant 0 : i32
      %dma_start3A_424 = tpu.memref_slice %arg6[%add3A_422, %dma_start3A_423] : memref<80x128xi32, #tpu.memory_space<vmem>> -> memref<1x128xi32, #tpu.memory_space<vmem>>
      %dma_start3A_425 = tpu.memref_squeeze %dma_start3A_424 : memref<1x128xi32, #tpu.memory_space<vmem>> -> memref<128xi32, #tpu.memory_space<vmem>>
      %dma_start3A_426 = arith.constant 0 : i32
      %dma_start3A_427 = tpu.memref_slice %arg8[%dma_start3A_426] : memref<10240xf32, #tpu.memory_space<vmem_shared>> -> memref<10240xf32, #tpu.memory_space<vmem_shared>>
      tpu.enqueue_indirect_dma source(%arg7 : memref<128xf32, #tpu.memory_space<vmem>>) target(%dma_start3A_427 : memref<10240xf32, #tpu.memory_space<vmem_shared>>) offsets(%dma_start3A_425 : memref<128xi32, #tpu.memory_space<vmem>>) semaphore(%arg10 : memref<!tpu.dma_semaphore, #tpu.memory_space<semaphore_mem>>) {add = true}
      %mul3A_428 = arith.constant 8 : i32
      %mul3A_429 = arith.muli %add3A_391, %mul3A_428 : i32
      %add3A_430 = arith.constant 4 : i32
      %add3A_431 = arith.addi %mul3A_429, %add3A_430 : i32
      %dma_start3A_432 = arith.constant 0 : i32
      %dma_start3A_433 = tpu.memref_slice %arg6[%add3A_431, %dma_start3A_432] : memref<80x128xi32, #tpu.memory_space<vmem>> -> memref<1x128xi32, #tpu.memory_space<vmem>>
      %dma_start3A_434 = tpu.memref_squeeze %dma_start3A_433 : memref<1x128xi32, #tpu.memory_space<vmem>> -> memref<128xi32, #tpu.memory_space<vmem>>
      %dma_start3A_435 = arith.constant 0 : i32
      %dma_start3A_436 = tpu.memref_slice %arg8[%dma_start3A_435] : memref<10240xf32, #tpu.memory_space<vmem_shared>> -> memref<10240xf32, #tpu.memory_space<vmem_shared>>
      tpu.enqueue_indirect_dma source(%arg7 : memref<128xf32, #tpu.memory_space<vmem>>) target(%dma_start3A_436 : memref<10240xf32, #tpu.memory_space<vmem_shared>>) offsets(%dma_start3A_434 : memref<128xi32, #tpu.memory_space<vmem>>) semaphore(%arg10 : memref<!tpu.dma_semaphore, #tpu.memory_space<semaphore_mem>>) {add = true}
      %mul3A_437 = arith.constant 8 : i32
      %mul3A_438 = arith.muli %add3A_391, %mul3A_437 : i32
      %add3A_439 = arith.constant 5 : i32
      %add3A_440 = arith.addi %mul3A_438, %add3A_439 : i32
      %dma_start3A_441 = arith.constant 0 : i32
      %dma_start3A_442 = tpu.memref_slice %arg6[%add3A_440, %dma_start3A_441] : memref<80x128xi32, #tpu.memory_space<vmem>> -> memref<1x128xi32, #tpu.memory_space<vmem>>
      %dma_start3A_443 = tpu.memref_squeeze %dma_start3A_442 : memref<1x128xi32, #tpu.memory_space<vmem>> -> memref<128xi32, #tpu.memory_space<vmem>>
      %dma_start3A_444 = arith.constant 0 : i32
      %dma_start3A_445 = tpu.memref_slice %arg8[%dma_start3A_444] : memref<10240xf32, #tpu.memory_space<vmem_shared>> -> memref<10240xf32, #tpu.memory_space<vmem_shared>>
      tpu.enqueue_indirect_dma source(%arg7 : memref<128xf32, #tpu.memory_space<vmem>>) target(%dma_start3A_445 : memref<10240xf32, #tpu.memory_space<vmem_shared>>) offsets(%dma_start3A_443 : memref<128xi32, #tpu.memory_space<vmem>>) semaphore(%arg10 : memref<!tpu.dma_semaphore, #tpu.memory_space<semaphore_mem>>) {add = true}
      %mul3A_446 = arith.constant 8 : i32
      %mul3A_447 = arith.muli %add3A_391, %mul3A_446 : i32
      %add3A_448 = arith.constant 6 : i32
      %add3A_449 = arith.addi %mul3A_447, %add3A_448 : i32
      %dma_start3A_450 = arith.constant 0 : i32
      %dma_start3A_451 = tpu.memref_slice %arg6[%add3A_449, %dma_start3A_450] : memref<80x128xi32, #tpu.memory_space<vmem>> -> memref<1x128xi32, #tpu.memory_space<vmem>>
      %dma_start3A_452 = tpu.memref_squeeze %dma_start3A_451 : memref<1x128xi32, #tpu.memory_space<vmem>> -> memref<128xi32, #tpu.memory_space<vmem>>
      %dma_start3A_453 = arith.constant 0 : i32
      %dma_start3A_454 = tpu.memref_slice %arg8[%dma_start3A_453] : memref<10240xf32, #tpu.memory_space<vmem_shared>> -> memref<10240xf32, #tpu.memory_space<vmem_shared>>
      tpu.enqueue_indirect_dma source(%arg7 : memref<128xf32, #tpu.memory_space<vmem>>) target(%dma_start3A_454 : memref<10240xf32, #tpu.memory_space<vmem_shared>>) offsets(%dma_start3A_452 : memref<128xi32, #tpu.memory_space<vmem>>) semaphore(%arg10 : memref<!tpu.dma_semaphore, #tpu.memory_space<semaphore_mem>>) {add = true}
      %mul3A_455 = arith.constant 8 : i32
      %mul3A_456 = arith.muli %add3A_391, %mul3A_455 : i32
      %add3A_457 = arith.constant 7 : i32
      %add3A_458 = arith.addi %mul3A_456, %add3A_457 : i32
      %dma_start3A_459 = arith.constant 0 : i32
      %dma_start3A_460 = tpu.memref_slice %arg6[%add3A_458, %dma_start3A_459] : memref<80x128xi32, #tpu.memory_space<vmem>> -> memref<1x128xi32, #tpu.memory_space<vmem>>
      %dma_start3A_461 = tpu.memref_squeeze %dma_start3A_460 : memref<1x128xi32, #tpu.memory_space<vmem>> -> memref<128xi32, #tpu.memory_space<vmem>>
      %dma_start3A_462 = arith.constant 0 : i32
      %dma_start3A_463 = tpu.memref_slice %arg8[%dma_start3A_462] : memref<10240xf32, #tpu.memory_space<vmem_shared>> -> memref<10240xf32, #tpu.memory_space<vmem_shared>>
      tpu.enqueue_indirect_dma source(%arg7 : memref<128xf32, #tpu.memory_space<vmem>>) target(%dma_start3A_463 : memref<10240xf32, #tpu.memory_space<vmem_shared>>) offsets(%dma_start3A_461 : memref<128xi32, #tpu.memory_space<vmem>>) semaphore(%arg10 : memref<!tpu.dma_semaphore, #tpu.memory_space<semaphore_mem>>) {add = true}
    }
    %dma_wait3A = arith.constant 0 : i32
    %dma_wait3A_115 = arith.constant 0 : i32
    %dma_wait3A_116 = tpu.memref_slice %arg6[%dma_wait3A, %dma_wait3A_115] : memref<80x128xi32, #tpu.memory_space<vmem>> -> memref<1x128xi32, #tpu.memory_space<vmem>>
    %dma_wait3A_117 = tpu.memref_squeeze %dma_wait3A_116 : memref<1x128xi32, #tpu.memory_space<vmem>> -> memref<128xi32, #tpu.memory_space<vmem>>
    %dma_wait3A_118 = arith.constant 0 : i32
    %dma_wait3A_119 = tpu.memref_slice %arg8[%dma_wait3A_118] : memref<10240xf32, #tpu.memory_space<vmem_shared>> -> memref<10240xf32, #tpu.memory_space<vmem_shared>>
    tpu.wait_indirect_dma semaphore(%arg9 : memref<!tpu.dma_semaphore, #tpu.memory_space<semaphore_mem>>) src(%arg7 : memref<128xf32, #tpu.memory_space<vmem>>) dst(%dma_wait3A_119 : memref<10240xf32, #tpu.memory_space<vmem_shared>>)
    %dma_wait3A_120 = arith.constant 0 : i32
    %dma_wait3A_121 = arith.constant 0 : i32
    %dma_wait3A_122 = tpu.memref_slice %arg6[%dma_wait3A_120, %dma_wait3A_121] : memref<80x128xi32, #tpu.memory_space<vmem>> -> memref<1x128xi32, #tpu.memory_space<vmem>>
    %dma_wait3A_123 = tpu.memref_squeeze %dma_wait3A_122 : memref<1x128xi32, #tpu.memory_space<vmem>> -> memref<128xi32, #tpu.memory_space<vmem>>
    %dma_wait3A_124 = arith.constant 0 : i32
    %dma_wait3A_125 = tpu.memref_slice %arg8[%dma_wait3A_124] : memref<10240xf32, #tpu.memory_space<vmem_shared>> -> memref<10240xf32, #tpu.memory_space<vmem_shared>>
    tpu.wait_indirect_dma semaphore(%arg9 : memref<!tpu.dma_semaphore, #tpu.memory_space<semaphore_mem>>) src(%arg7 : memref<128xf32, #tpu.memory_space<vmem>>) dst(%dma_wait3A_125 : memref<10240xf32, #tpu.memory_space<vmem_shared>>)
    %dma_wait3A_126 = arith.constant 0 : i32
    %dma_wait3A_127 = arith.constant 0 : i32
    %dma_wait3A_128 = tpu.memref_slice %arg6[%dma_wait3A_126, %dma_wait3A_127] : memref<80x128xi32, #tpu.memory_space<vmem>> -> memref<1x128xi32, #tpu.memory_space<vmem>>
    %dma_wait3A_129 = tpu.memref_squeeze %dma_wait3A_128 : memref<1x128xi32, #tpu.memory_space<vmem>> -> memref<128xi32, #tpu.memory_space<vmem>>
    %dma_wait3A_130 = arith.constant 0 : i32
    %dma_wait3A_131 = tpu.memref_slice %arg8[%dma_wait3A_130] : memref<10240xf32, #tpu.memory_space<vmem_shared>> -> memref<10240xf32, #tpu.memory_space<vmem_shared>>
    tpu.wait_indirect_dma semaphore(%arg9 : memref<!tpu.dma_semaphore, #tpu.memory_space<semaphore_mem>>) src(%arg7 : memref<128xf32, #tpu.memory_space<vmem>>) dst(%dma_wait3A_131 : memref<10240xf32, #tpu.memory_space<vmem_shared>>)
    %dma_wait3A_132 = arith.constant 0 : i32
    %dma_wait3A_133 = arith.constant 0 : i32
    %dma_wait3A_134 = tpu.memref_slice %arg6[%dma_wait3A_132, %dma_wait3A_133] : memref<80x128xi32, #tpu.memory_space<vmem>> -> memref<1x128xi32, #tpu.memory_space<vmem>>
    %dma_wait3A_135 = tpu.memref_squeeze %dma_wait3A_134 : memref<1x128xi32, #tpu.memory_space<vmem>> -> memref<128xi32, #tpu.memory_space<vmem>>
    %dma_wait3A_136 = arith.constant 0 : i32
    %dma_wait3A_137 = tpu.memref_slice %arg8[%dma_wait3A_136] : memref<10240xf32, #tpu.memory_space<vmem_shared>> -> memref<10240xf32, #tpu.memory_space<vmem_shared>>
    tpu.wait_indirect_dma semaphore(%arg9 : memref<!tpu.dma_semaphore, #tpu.memory_space<semaphore_mem>>) src(%arg7 : memref<128xf32, #tpu.memory_space<vmem>>) dst(%dma_wait3A_137 : memref<10240xf32, #tpu.memory_space<vmem_shared>>)
    %dma_wait3A_138 = arith.constant 0 : i32
    %dma_wait3A_139 = arith.constant 0 : i32
    %dma_wait3A_140 = tpu.memref_slice %arg6[%dma_wait3A_138, %dma_wait3A_139] : memref<80x128xi32, #tpu.memory_space<vmem>> -> memref<1x128xi32, #tpu.memory_space<vmem>>
    %dma_wait3A_141 = tpu.memref_squeeze %dma_wait3A_140 : memref<1x128xi32, #tpu.memory_space<vmem>> -> memref<128xi32, #tpu.memory_space<vmem>>
    %dma_wait3A_142 = arith.constant 0 : i32
    %dma_wait3A_143 = tpu.memref_slice %arg8[%dma_wait3A_142] : memref<10240xf32, #tpu.memory_space<vmem_shared>> -> memref<10240xf32, #tpu.memory_space<vmem_shared>>
    tpu.wait_indirect_dma semaphore(%arg9 : memref<!tpu.dma_semaphore, #tpu.memory_space<semaphore_mem>>) src(%arg7 : memref<128xf32, #tpu.memory_space<vmem>>) dst(%dma_wait3A_143 : memref<10240xf32, #tpu.memory_space<vmem_shared>>)
    %dma_wait3A_144 = arith.constant 0 : i32
    %dma_wait3A_145 = arith.constant 0 : i32
    %dma_wait3A_146 = tpu.memref_slice %arg6[%dma_wait3A_144, %dma_wait3A_145] : memref<80x128xi32, #tpu.memory_space<vmem>> -> memref<1x128xi32, #tpu.memory_space<vmem>>
    %dma_wait3A_147 = tpu.memref_squeeze %dma_wait3A_146 : memref<1x128xi32, #tpu.memory_space<vmem>> -> memref<128xi32, #tpu.memory_space<vmem>>
    %dma_wait3A_148 = arith.constant 0 : i32
    %dma_wait3A_149 = tpu.memref_slice %arg8[%dma_wait3A_148] : memref<10240xf32, #tpu.memory_space<vmem_shared>> -> memref<10240xf32, #tpu.memory_space<vmem_shared>>
    tpu.wait_indirect_dma semaphore(%arg9 : memref<!tpu.dma_semaphore, #tpu.memory_space<semaphore_mem>>) src(%arg7 : memref<128xf32, #tpu.memory_space<vmem>>) dst(%dma_wait3A_149 : memref<10240xf32, #tpu.memory_space<vmem_shared>>)
    %dma_wait3A_150 = arith.constant 0 : i32
    %dma_wait3A_151 = arith.constant 0 : i32
    %dma_wait3A_152 = tpu.memref_slice %arg6[%dma_wait3A_150, %dma_wait3A_151] : memref<80x128xi32, #tpu.memory_space<vmem>> -> memref<1x128xi32, #tpu.memory_space<vmem>>
    %dma_wait3A_153 = tpu.memref_squeeze %dma_wait3A_152 : memref<1x128xi32, #tpu.memory_space<vmem>> -> memref<128xi32, #tpu.memory_space<vmem>>
    %dma_wait3A_154 = arith.constant 0 : i32
    %dma_wait3A_155 = tpu.memref_slice %arg8[%dma_wait3A_154] : memref<10240xf32, #tpu.memory_space<vmem_shared>> -> memref<10240xf32, #tpu.memory_space<vmem_shared>>
    tpu.wait_indirect_dma semaphore(%arg9 : memref<!tpu.dma_semaphore, #tpu.memory_space<semaphore_mem>>) src(%arg7 : memref<128xf32, #tpu.memory_space<vmem>>) dst(%dma_wait3A_155 : memref<10240xf32, #tpu.memory_space<vmem_shared>>)
    %dma_wait3A_156 = arith.constant 0 : i32
    %dma_wait3A_157 = arith.constant 0 : i32
    %dma_wait3A_158 = tpu.memref_slice %arg6[%dma_wait3A_156, %dma_wait3A_157] : memref<80x128xi32, #tpu.memory_space<vmem>> -> memref<1x128xi32, #tpu.memory_space<vmem>>
    %dma_wait3A_159 = tpu.memref_squeeze %dma_wait3A_158 : memref<1x128xi32, #tpu.memory_space<vmem>> -> memref<128xi32, #tpu.memory_space<vmem>>
    %dma_wait3A_160 = arith.constant 0 : i32
    %dma_wait3A_161 = tpu.memref_slice %arg8[%dma_wait3A_160] : memref<10240xf32, #tpu.memory_space<vmem_shared>> -> memref<10240xf32, #tpu.memory_space<vmem_shared>>
    tpu.wait_indirect_dma semaphore(%arg9 : memref<!tpu.dma_semaphore, #tpu.memory_space<semaphore_mem>>) src(%arg7 : memref<128xf32, #tpu.memory_space<vmem>>) dst(%dma_wait3A_161 : memref<10240xf32, #tpu.memory_space<vmem_shared>>)
    %dma_wait3A_162 = arith.constant 0 : i32
    %dma_wait3A_163 = arith.constant 0 : i32
    %dma_wait3A_164 = tpu.memref_slice %arg6[%dma_wait3A_162, %dma_wait3A_163] : memref<80x128xi32, #tpu.memory_space<vmem>> -> memref<1x128xi32, #tpu.memory_space<vmem>>
    %dma_wait3A_165 = tpu.memref_squeeze %dma_wait3A_164 : memref<1x128xi32, #tpu.memory_space<vmem>> -> memref<128xi32, #tpu.memory_space<vmem>>
    %dma_wait3A_166 = arith.constant 0 : i32
    %dma_wait3A_167 = tpu.memref_slice %arg8[%dma_wait3A_166] : memref<10240xf32, #tpu.memory_space<vmem_shared>> -> memref<10240xf32, #tpu.memory_space<vmem_shared>>
    tpu.wait_indirect_dma semaphore(%arg10 : memref<!tpu.dma_semaphore, #tpu.memory_space<semaphore_mem>>) src(%arg7 : memref<128xf32, #tpu.memory_space<vmem>>) dst(%dma_wait3A_167 : memref<10240xf32, #tpu.memory_space<vmem_shared>>)
    %dma_wait3A_168 = arith.constant 0 : i32
    %dma_wait3A_169 = arith.constant 0 : i32
    %dma_wait3A_170 = tpu.memref_slice %arg6[%dma_wait3A_168, %dma_wait3A_169] : memref<80x128xi32, #tpu.memory_space<vmem>> -> memref<1x128xi32, #tpu.memory_space<vmem>>
    %dma_wait3A_171 = tpu.memref_squeeze %dma_wait3A_170 : memref<1x128xi32, #tpu.memory_space<vmem>> -> memref<128xi32, #tpu.memory_space<vmem>>
    %dma_wait3A_172 = arith.constant 0 : i32
    %dma_wait3A_173 = tpu.memref_slice %arg8[%dma_wait3A_172] : memref<10240xf32, #tpu.memory_space<vmem_shared>> -> memref<10240xf32, #tpu.memory_space<vmem_shared>>
    tpu.wait_indirect_dma semaphore(%arg10 : memref<!tpu.dma_semaphore, #tpu.memory_space<semaphore_mem>>) src(%arg7 : memref<128xf32, #tpu.memory_space<vmem>>) dst(%dma_wait3A_173 : memref<10240xf32, #tpu.memory_space<vmem_shared>>)
    %dma_wait3A_174 = arith.constant 0 : i32
    %dma_wait3A_175 = arith.constant 0 : i32
    %dma_wait3A_176 = tpu.memref_slice %arg6[%dma_wait3A_174, %dma_wait3A_175] : memref<80x128xi32, #tpu.memory_space<vmem>> -> memref<1x128xi32, #tpu.memory_space<vmem>>
    %dma_wait3A_177 = tpu.memref_squeeze %dma_wait3A_176 : memref<1x128xi32, #tpu.memory_space<vmem>> -> memref<128xi32, #tpu.memory_space<vmem>>
    %dma_wait3A_178 = arith.constant 0 : i32
    %dma_wait3A_179 = tpu.memref_slice %arg8[%dma_wait3A_178] : memref<10240xf32, #tpu.memory_space<vmem_shared>> -> memref<10240xf32, #tpu.memory_space<vmem_shared>>
    tpu.wait_indirect_dma semaphore(%arg10 : memref<!tpu.dma_semaphore, #tpu.memory_space<semaphore_mem>>) src(%arg7 : memref<128xf32, #tpu.memory_space<vmem>>) dst(%dma_wait3A_179 : memref<10240xf32, #tpu.memory_space<vmem_shared>>)
    %dma_wait3A_180 = arith.constant 0 : i32
    %dma_wait3A_181 = arith.constant 0 : i32
    %dma_wait3A_182 = tpu.memref_slice %arg6[%dma_wait3A_180, %dma_wait3A_181] : memref<80x128xi32, #tpu.memory_space<vmem>> -> memref<1x128xi32, #tpu.memory_space<vmem>>
    %dma_wait3A_183 = tpu.memref_squeeze %dma_wait3A_182 : memref<1x128xi32, #tpu.memory_space<vmem>> -> memref<128xi32, #tpu.memory_space<vmem>>
    %dma_wait3A_184 = arith.constant 0 : i32
    %dma_wait3A_185 = tpu.memref_slice %arg8[%dma_wait3A_184] : memref<10240xf32, #tpu.memory_space<vmem_shared>> -> memref<10240xf32, #tpu.memory_space<vmem_shared>>
    tpu.wait_indirect_dma semaphore(%arg10 : memref<!tpu.dma_semaphore, #tpu.memory_space<semaphore_mem>>) src(%arg7 : memref<128xf32, #tpu.memory_space<vmem>>) dst(%dma_wait3A_185 : memref<10240xf32, #tpu.memory_space<vmem_shared>>)
    %dma_wait3A_186 = arith.constant 0 : i32
    %dma_wait3A_187 = arith.constant 0 : i32
    %dma_wait3A_188 = tpu.memref_slice %arg6[%dma_wait3A_186, %dma_wait3A_187] : memref<80x128xi32, #tpu.memory_space<vmem>> -> memref<1x128xi32, #tpu.memory_space<vmem>>
    %dma_wait3A_189 = tpu.memref_squeeze %dma_wait3A_188 : memref<1x128xi32, #tpu.memory_space<vmem>> -> memref<128xi32, #tpu.memory_space<vmem>>
    %dma_wait3A_190 = arith.constant 0 : i32
    %dma_wait3A_191 = tpu.memref_slice %arg8[%dma_wait3A_190] : memref<10240xf32, #tpu.memory_space<vmem_shared>> -> memref<10240xf32, #tpu.memory_space<vmem_shared>>
    tpu.wait_indirect_dma semaphore(%arg10 : memref<!tpu.dma_semaphore, #tpu.memory_space<semaphore_mem>>) src(%arg7 : memref<128xf32, #tpu.memory_space<vmem>>) dst(%dma_wait3A_191 : memref<10240xf32, #tpu.memory_space<vmem_shared>>)
    %dma_wait3A_192 = arith.constant 0 : i32
    %dma_wait3A_193 = arith.constant 0 : i32
    %dma_wait3A_194 = tpu.memref_slice %arg6[%dma_wait3A_192, %dma_wait3A_193] : memref<80x128xi32, #tpu.memory_space<vmem>> -> memref<1x128xi32, #tpu.memory_space<vmem>>
    %dma_wait3A_195 = tpu.memref_squeeze %dma_wait3A_194 : memref<1x128xi32, #tpu.memory_space<vmem>> -> memref<128xi32, #tpu.memory_space<vmem>>
    %dma_wait3A_196 = arith.constant 0 : i32
    %dma_wait3A_197 = tpu.memref_slice %arg8[%dma_wait3A_196] : memref<10240xf32, #tpu.memory_space<vmem_shared>> -> memref<10240xf32, #tpu.memory_space<vmem_shared>>
    tpu.wait_indirect_dma semaphore(%arg10 : memref<!tpu.dma_semaphore, #tpu.memory_space<semaphore_mem>>) src(%arg7 : memref<128xf32, #tpu.memory_space<vmem>>) dst(%dma_wait3A_197 : memref<10240xf32, #tpu.memory_space<vmem_shared>>)
    %dma_wait3A_198 = arith.constant 0 : i32
    %dma_wait3A_199 = arith.constant 0 : i32
    %dma_wait3A_200 = tpu.memref_slice %arg6[%dma_wait3A_198, %dma_wait3A_199] : memref<80x128xi32, #tpu.memory_space<vmem>> -> memref<1x128xi32, #tpu.memory_space<vmem>>
    %dma_wait3A_201 = tpu.memref_squeeze %dma_wait3A_200 : memref<1x128xi32, #tpu.memory_space<vmem>> -> memref<128xi32, #tpu.memory_space<vmem>>
    %dma_wait3A_202 = arith.constant 0 : i32
    %dma_wait3A_203 = tpu.memref_slice %arg8[%dma_wait3A_202] : memref<10240xf32, #tpu.memory_space<vmem_shared>> -> memref<10240xf32, #tpu.memory_space<vmem_shared>>
    tpu.wait_indirect_dma semaphore(%arg10 : memref<!tpu.dma_semaphore, #tpu.memory_space<semaphore_mem>>) src(%arg7 : memref<128xf32, #tpu.memory_space<vmem>>) dst(%dma_wait3A_203 : memref<10240xf32, #tpu.memory_space<vmem_shared>>)
    %dma_wait3A_204 = arith.constant 0 : i32
    %dma_wait3A_205 = arith.constant 0 : i32
    %dma_wait3A_206 = tpu.memref_slice %arg6[%dma_wait3A_204, %dma_wait3A_205] : memref<80x128xi32, #tpu.memory_space<vmem>> -> memref<1x128xi32, #tpu.memory_space<vmem>>
    %dma_wait3A_207 = tpu.memref_squeeze %dma_wait3A_206 : memref<1x128xi32, #tpu.memory_space<vmem>> -> memref<128xi32, #tpu.memory_space<vmem>>
    %dma_wait3A_208 = arith.constant 0 : i32
    %dma_wait3A_209 = tpu.memref_slice %arg8[%dma_wait3A_208] : memref<10240xf32, #tpu.memory_space<vmem_shared>> -> memref<10240xf32, #tpu.memory_space<vmem_shared>>
    tpu.wait_indirect_dma semaphore(%arg10 : memref<!tpu.dma_semaphore, #tpu.memory_space<semaphore_mem>>) src(%arg7 : memref<128xf32, #tpu.memory_space<vmem>>) dst(%dma_wait3A_209 : memref<10240xf32, #tpu.memory_space<vmem_shared>>)
    %barrier3A_210 = arith.constant 0 : index
    tpu.barrier barrier_id(%barrier3A_210)
    %mul3A_211 = arith.constant 640 : i32
    %mul3A_212 = arith.muli %arg1, %mul3A_211 : i32
    %mul3A_213 = arith.constant 640 : i32
    %mul3A_214 = arith.muli %arg1, %mul3A_213 : i32
    "tpu.region"() ({
      %run_scoped3A = tpu.sem_alloc : memref<!tpu.dma_semaphore, #tpu.memory_space<semaphore_mem>>
      %dma_start3A_215 = tpu.memref_slice %arg5[%arg0, %mul3A_214] : memref<2x10240xf32, #tpu.memory_space<hbm>> -> memref<1x640xf32, #tpu.memory_space<hbm>>
      %dma_start3A_216 = tpu.memref_squeeze %dma_start3A_215 : memref<1x640xf32, #tpu.memory_space<hbm>> -> memref<640xf32, #tpu.memory_space<hbm>>
      %dma_start3A_217 = tpu.memref_slice %arg8[%mul3A_212] : memref<10240xf32, #tpu.memory_space<vmem_shared>> -> memref<640xf32, #tpu.memory_space<vmem_shared>>
      tpu.enqueue_dma source(%dma_start3A_217 : memref<640xf32, #tpu.memory_space<vmem_shared>>) target(%dma_start3A_216 : memref<640xf32, #tpu.memory_space<hbm>>) target_semaphore(%run_scoped3A : memref<!tpu.dma_semaphore, #tpu.memory_space<semaphore_mem>>)
      %dma_wait3A_218 = tpu.memref_slice %arg5[%arg0, %mul3A_214] : memref<2x10240xf32, #tpu.memory_space<hbm>> -> memref<1x640xf32, #tpu.memory_space<hbm>>
      %dma_wait3A_219 = tpu.memref_squeeze %dma_wait3A_218 : memref<1x640xf32, #tpu.memory_space<hbm>> -> memref<640xf32, #tpu.memory_space<hbm>>
      %dma_wait3A_220 = tpu.memref_slice %arg8[%mul3A_212] : memref<10240xf32, #tpu.memory_space<vmem_shared>> -> memref<640xf32, #tpu.memory_space<vmem_shared>>
      tpu.wait_dma2 semaphore(%run_scoped3A : memref<!tpu.dma_semaphore, #tpu.memory_space<semaphore_mem>>) src(%dma_wait3A_220 : memref<640xf32, #tpu.memory_space<vmem_shared>>) dst(%dma_wait3A_219 : memref<640xf32, #tpu.memory_space<hbm>>)
      tpu.yield
    }) : () -> ()
    return
  }
}

#map = affine_map<(d0, d1) -> (0, 0)>
#map1 = affine_map<(d0, d1) -> (0, 0, 0)>
module attributes {stable_mosaic.version = 14 : i64} {
  func.func @agg(%arg0: i32, %arg1: i32, %arg2: memref<2560x128xi32, #tpu.memory_space<hbm>>, %arg3: memref<2560x128xi32, #tpu.memory_space<hbm>>, %arg4: memref<10112x32xf32, #tpu.memory_space<hbm>>, %arg5: memref<632x32xf32, #tpu.memory_space<hbm>>, %arg6: memref<2x10112x32xf32, #tpu.memory_space<hbm>>, %arg7: memref<80x128xi32, #tpu.memory_space<vmem>>, %arg8: memref<80x128xi32, #tpu.memory_space<vmem>>, %arg9: memref<10112x32xf32, #tpu.memory_space<vmem_shared>>, %arg10: memref<10112x32xf32, #tpu.memory_space<vmem_shared>>, %arg11: memref<!tpu.dma_semaphore, #tpu.memory_space<semaphore_mem>>, %arg12: memref<!tpu.dma_semaphore, #tpu.memory_space<semaphore_mem>>, %arg13: memref<!tpu.dma_semaphore, #tpu.memory_space<semaphore_mem>>, %arg14: memref<!tpu.dma_semaphore, #tpu.memory_space<semaphore_mem>>, %arg15: memref<128x32xf32, #tpu.memory_space<vmem>>, %arg16: memref<128x32xf32, #tpu.memory_space<vmem>>, %arg17: memref<128x32xf32, #tpu.memory_space<vmem>>, %arg18: memref<128x32xf32, #tpu.memory_space<vmem>>, %arg19: memref<128x32xf32, #tpu.memory_space<vmem>>, %arg20: memref<128x32xf32, #tpu.memory_space<vmem>>, %arg21: memref<128x32xf32, #tpu.memory_space<vmem>>, %arg22: memref<128x32xf32, #tpu.memory_space<vmem>>) attributes {dimension_semantics = [#tpu.dimension_semantics<core_parallel>, #tpu.dimension_semantics<subcore_parallel>], iteration_bounds = array<i64: 2, 16>, scalar_prefetch = 0 : i64, scratch_operands = 16 : i64, tpu.core_type = #tpu.core_type<sc_vector_subcore>, window_params = [{transform_indices = #map}, {transform_indices = #map}, {transform_indices = #map}, {transform_indices = #map}, {transform_indices = #map1}]} {
    %eq3A = arith.constant 0 : i32
    %eq3A_0 = arith.cmpi eq, %arg0, %eq3A : i32
    %mul3A = arith.constant 80 : i32
    %mul3A_1 = arith.muli %arg1, %mul3A : i32
    %mul3A_2 = arith.constant 80 : i32
    %mul3A_3 = arith.muli %arg1, %mul3A_2 : i32
    %add3A = arith.constant 1280 : i32
    %add3A_4 = arith.addi %add3A, %mul3A_3 : i32
    %select_n3A = arith.select %eq3A_0, %mul3A_1, %add3A_4 : i32
    %mul3A_5 = arith.constant 632 : i32
    %mul3A_6 = arith.muli %arg1, %mul3A_5 : i32
    "tpu.region"() ({
      %run_scoped3A = tpu.sem_alloc : memref<!tpu.dma_semaphore, #tpu.memory_space<semaphore_mem>>
      %dma_start3A_269 = arith.constant 0 : i32
      %dma_start3A_270 = tpu.memref_slice %arg9[%mul3A_6, %dma_start3A_269] : memref<10112x32xf32, #tpu.memory_space<vmem_shared>> -> memref<632x32xf32, #tpu.memory_space<vmem_shared>>
      tpu.enqueue_dma source(%arg5 : memref<632x32xf32, #tpu.memory_space<hbm>>) target(%dma_start3A_270 : memref<632x32xf32, #tpu.memory_space<vmem_shared>>) target_semaphore(%run_scoped3A : memref<!tpu.dma_semaphore, #tpu.memory_space<semaphore_mem>>)
      %dma_wait3A_271 = arith.constant 0 : i32
      %dma_wait3A_272 = tpu.memref_slice %arg9[%mul3A_6, %dma_wait3A_271] : memref<10112x32xf32, #tpu.memory_space<vmem_shared>> -> memref<632x32xf32, #tpu.memory_space<vmem_shared>>
      tpu.wait_dma2 semaphore(%run_scoped3A : memref<!tpu.dma_semaphore, #tpu.memory_space<semaphore_mem>>) src(%arg5 : memref<632x32xf32, #tpu.memory_space<hbm>>) dst(%dma_wait3A_272 : memref<632x32xf32, #tpu.memory_space<vmem_shared>>)
      tpu.yield
    }) : () -> ()
    %mul3A_7 = arith.constant 632 : i32
    %mul3A_8 = arith.muli %arg1, %mul3A_7 : i32
    %mul3A_9 = arith.constant 632 : i32
    %mul3A_10 = arith.muli %arg1, %mul3A_9 : i32
    "tpu.region"() ({
      %run_scoped3A = tpu.sem_alloc : memref<!tpu.dma_semaphore, #tpu.memory_space<semaphore_mem>>
      %dma_start3A_269 = arith.constant 0 : i32
      %dma_start3A_270 = tpu.memref_slice %arg10[%mul3A_10, %dma_start3A_269] : memref<10112x32xf32, #tpu.memory_space<vmem_shared>> -> memref<632x32xf32, #tpu.memory_space<vmem_shared>>
      %dma_start3A_271 = arith.constant 0 : i32
      %dma_start3A_272 = tpu.memref_slice %arg4[%mul3A_8, %dma_start3A_271] : memref<10112x32xf32, #tpu.memory_space<hbm>> -> memref<632x32xf32, #tpu.memory_space<hbm>>
      tpu.enqueue_dma source(%dma_start3A_272 : memref<632x32xf32, #tpu.memory_space<hbm>>) target(%dma_start3A_270 : memref<632x32xf32, #tpu.memory_space<vmem_shared>>) target_semaphore(%run_scoped3A : memref<!tpu.dma_semaphore, #tpu.memory_space<semaphore_mem>>)
      %dma_wait3A_273 = arith.constant 0 : i32
      %dma_wait3A_274 = tpu.memref_slice %arg10[%mul3A_10, %dma_wait3A_273] : memref<10112x32xf32, #tpu.memory_space<vmem_shared>> -> memref<632x32xf32, #tpu.memory_space<vmem_shared>>
      %dma_wait3A_275 = arith.constant 0 : i32
      %dma_wait3A_276 = tpu.memref_slice %arg4[%mul3A_8, %dma_wait3A_275] : memref<10112x32xf32, #tpu.memory_space<hbm>> -> memref<632x32xf32, #tpu.memory_space<hbm>>
      tpu.wait_dma2 semaphore(%run_scoped3A : memref<!tpu.dma_semaphore, #tpu.memory_space<semaphore_mem>>) src(%dma_wait3A_276 : memref<632x32xf32, #tpu.memory_space<hbm>>) dst(%dma_wait3A_274 : memref<632x32xf32, #tpu.memory_space<vmem_shared>>)
      tpu.yield
    }) : () -> ()
    "tpu.region"() ({
      %run_scoped3A = tpu.sem_alloc : memref<!tpu.dma_semaphore, #tpu.memory_space<semaphore_mem>>
      %dma_start3A_269 = arith.constant 0 : i32
      %dma_start3A_270 = tpu.memref_slice %arg2[%select_n3A, %dma_start3A_269] : memref<2560x128xi32, #tpu.memory_space<hbm>> -> memref<80x128xi32, #tpu.memory_space<hbm>>
      %dma_start3A_271 = arith.constant 0 : i32
      %dma_start3A_272 = tpu.memref_slice %arg2[%select_n3A, %dma_start3A_271] : memref<2560x128xi32, #tpu.memory_space<hbm>> -> memref<80x128xi32, #tpu.memory_space<hbm>>
      tpu.enqueue_dma source(%dma_start3A_272 : memref<80x128xi32, #tpu.memory_space<hbm>>) target(%arg7 : memref<80x128xi32, #tpu.memory_space<vmem>>) target_semaphore(%run_scoped3A : memref<!tpu.dma_semaphore, #tpu.memory_space<semaphore_mem>>)
      %dma_wait3A_273 = arith.constant 0 : i32
      %dma_wait3A_274 = tpu.memref_slice %arg2[%select_n3A, %dma_wait3A_273] : memref<2560x128xi32, #tpu.memory_space<hbm>> -> memref<80x128xi32, #tpu.memory_space<hbm>>
      %dma_wait3A_275 = arith.constant 0 : i32
      %dma_wait3A_276 = tpu.memref_slice %arg2[%select_n3A, %dma_wait3A_275] : memref<2560x128xi32, #tpu.memory_space<hbm>> -> memref<80x128xi32, #tpu.memory_space<hbm>>
      tpu.wait_dma2 semaphore(%run_scoped3A : memref<!tpu.dma_semaphore, #tpu.memory_space<semaphore_mem>>) src(%dma_wait3A_276 : memref<80x128xi32, #tpu.memory_space<hbm>>) dst(%arg7 : memref<80x128xi32, #tpu.memory_space<vmem>>)
      tpu.yield
    }) : () -> ()
    "tpu.region"() ({
      %run_scoped3A = tpu.sem_alloc : memref<!tpu.dma_semaphore, #tpu.memory_space<semaphore_mem>>
      %dma_start3A_269 = arith.constant 0 : i32
      %dma_start3A_270 = tpu.memref_slice %arg3[%select_n3A, %dma_start3A_269] : memref<2560x128xi32, #tpu.memory_space<hbm>> -> memref<80x128xi32, #tpu.memory_space<hbm>>
      %dma_start3A_271 = arith.constant 0 : i32
      %dma_start3A_272 = tpu.memref_slice %arg3[%select_n3A, %dma_start3A_271] : memref<2560x128xi32, #tpu.memory_space<hbm>> -> memref<80x128xi32, #tpu.memory_space<hbm>>
      tpu.enqueue_dma source(%dma_start3A_272 : memref<80x128xi32, #tpu.memory_space<hbm>>) target(%arg8 : memref<80x128xi32, #tpu.memory_space<vmem>>) target_semaphore(%run_scoped3A : memref<!tpu.dma_semaphore, #tpu.memory_space<semaphore_mem>>)
      %dma_wait3A_273 = arith.constant 0 : i32
      %dma_wait3A_274 = tpu.memref_slice %arg3[%select_n3A, %dma_wait3A_273] : memref<2560x128xi32, #tpu.memory_space<hbm>> -> memref<80x128xi32, #tpu.memory_space<hbm>>
      %dma_wait3A_275 = arith.constant 0 : i32
      %dma_wait3A_276 = tpu.memref_slice %arg3[%select_n3A, %dma_wait3A_275] : memref<2560x128xi32, #tpu.memory_space<hbm>> -> memref<80x128xi32, #tpu.memory_space<hbm>>
      tpu.wait_dma2 semaphore(%run_scoped3A : memref<!tpu.dma_semaphore, #tpu.memory_space<semaphore_mem>>) src(%dma_wait3A_276 : memref<80x128xi32, #tpu.memory_space<hbm>>) dst(%arg8 : memref<80x128xi32, #tpu.memory_space<vmem>>)
      tpu.yield
    }) : () -> ()
    %barrier3A = arith.constant 0 : index
    tpu.barrier barrier_id(%barrier3A)
    %eq3A_11 = arith.constant 0 : i32
    %eq3A_12 = arith.cmpi eq, %arg0, %eq3A_11 : i32
    %jit3A = arith.constant 20 : i32
    %jit3A_13 = arith.constant 20 : i32
    %select_n3A_14 = arith.select %eq3A_12, %jit3A, %jit3A_13 : i32
    %eq3A_15 = arith.constant 0 : i32
    %eq3A_16 = arith.cmpi eq, %arg0, %eq3A_15 : i32
    %jit3A_17 = arith.constant 9 : i32
    %jit3A_18 = arith.constant 9 : i32
    %select_n3A_19 = arith.select %eq3A_16, %jit3A_17, %jit3A_18 : i32
    %dma_start3A = arith.constant 0 : i32
    %dma_start3A_20 = arith.constant 0 : i32
    %dma_start3A_21 = tpu.memref_slice %arg7[%dma_start3A, %dma_start3A_20] : memref<80x128xi32, #tpu.memory_space<vmem>> -> memref<1x128xi32, #tpu.memory_space<vmem>>
    %dma_start3A_22 = tpu.memref_squeeze %dma_start3A_21 : memref<1x128xi32, #tpu.memory_space<vmem>> -> memref<128xi32, #tpu.memory_space<vmem>>
    %dma_start3A_23 = arith.constant 0 : i32
    %dma_start3A_24 = arith.constant 0 : i32
    %dma_start3A_25 = tpu.memref_slice %arg10[%dma_start3A_23, %dma_start3A_24] : memref<10112x32xf32, #tpu.memory_space<vmem_shared>> -> memref<10112x32xf32, #tpu.memory_space<vmem_shared>>
    tpu.enqueue_indirect_dma source(%dma_start3A_25 : memref<10112x32xf32, #tpu.memory_space<vmem_shared>>) target(%arg15 : memref<128x32xf32, #tpu.memory_space<vmem>>) offsets(%dma_start3A_22 : memref<128xi32, #tpu.memory_space<vmem>>) semaphore(%arg11 : memref<!tpu.dma_semaphore, #tpu.memory_space<semaphore_mem>>)
    %dma_start3A_26 = arith.constant 1 : i32
    %dma_start3A_27 = arith.constant 0 : i32
    %dma_start3A_28 = tpu.memref_slice %arg7[%dma_start3A_26, %dma_start3A_27] : memref<80x128xi32, #tpu.memory_space<vmem>> -> memref<1x128xi32, #tpu.memory_space<vmem>>
    %dma_start3A_29 = tpu.memref_squeeze %dma_start3A_28 : memref<1x128xi32, #tpu.memory_space<vmem>> -> memref<128xi32, #tpu.memory_space<vmem>>
    %dma_start3A_30 = arith.constant 0 : i32
    %dma_start3A_31 = arith.constant 0 : i32
    %dma_start3A_32 = tpu.memref_slice %arg10[%dma_start3A_30, %dma_start3A_31] : memref<10112x32xf32, #tpu.memory_space<vmem_shared>> -> memref<10112x32xf32, #tpu.memory_space<vmem_shared>>
    tpu.enqueue_indirect_dma source(%dma_start3A_32 : memref<10112x32xf32, #tpu.memory_space<vmem_shared>>) target(%arg16 : memref<128x32xf32, #tpu.memory_space<vmem>>) offsets(%dma_start3A_29 : memref<128xi32, #tpu.memory_space<vmem>>) semaphore(%arg11 : memref<!tpu.dma_semaphore, #tpu.memory_space<semaphore_mem>>)
    %dma_start3A_33 = arith.constant 2 : i32
    %dma_start3A_34 = arith.constant 0 : i32
    %dma_start3A_35 = tpu.memref_slice %arg7[%dma_start3A_33, %dma_start3A_34] : memref<80x128xi32, #tpu.memory_space<vmem>> -> memref<1x128xi32, #tpu.memory_space<vmem>>
    %dma_start3A_36 = tpu.memref_squeeze %dma_start3A_35 : memref<1x128xi32, #tpu.memory_space<vmem>> -> memref<128xi32, #tpu.memory_space<vmem>>
    %dma_start3A_37 = arith.constant 0 : i32
    %dma_start3A_38 = arith.constant 0 : i32
    %dma_start3A_39 = tpu.memref_slice %arg10[%dma_start3A_37, %dma_start3A_38] : memref<10112x32xf32, #tpu.memory_space<vmem_shared>> -> memref<10112x32xf32, #tpu.memory_space<vmem_shared>>
    tpu.enqueue_indirect_dma source(%dma_start3A_39 : memref<10112x32xf32, #tpu.memory_space<vmem_shared>>) target(%arg17 : memref<128x32xf32, #tpu.memory_space<vmem>>) offsets(%dma_start3A_36 : memref<128xi32, #tpu.memory_space<vmem>>) semaphore(%arg11 : memref<!tpu.dma_semaphore, #tpu.memory_space<semaphore_mem>>)
    %dma_start3A_40 = arith.constant 3 : i32
    %dma_start3A_41 = arith.constant 0 : i32
    %dma_start3A_42 = tpu.memref_slice %arg7[%dma_start3A_40, %dma_start3A_41] : memref<80x128xi32, #tpu.memory_space<vmem>> -> memref<1x128xi32, #tpu.memory_space<vmem>>
    %dma_start3A_43 = tpu.memref_squeeze %dma_start3A_42 : memref<1x128xi32, #tpu.memory_space<vmem>> -> memref<128xi32, #tpu.memory_space<vmem>>
    %dma_start3A_44 = arith.constant 0 : i32
    %dma_start3A_45 = arith.constant 0 : i32
    %dma_start3A_46 = tpu.memref_slice %arg10[%dma_start3A_44, %dma_start3A_45] : memref<10112x32xf32, #tpu.memory_space<vmem_shared>> -> memref<10112x32xf32, #tpu.memory_space<vmem_shared>>
    tpu.enqueue_indirect_dma source(%dma_start3A_46 : memref<10112x32xf32, #tpu.memory_space<vmem_shared>>) target(%arg18 : memref<128x32xf32, #tpu.memory_space<vmem>>) offsets(%dma_start3A_43 : memref<128xi32, #tpu.memory_space<vmem>>) semaphore(%arg11 : memref<!tpu.dma_semaphore, #tpu.memory_space<semaphore_mem>>)
    %dma_start3A_47 = arith.constant 4 : i32
    %dma_start3A_48 = arith.constant 0 : i32
    %dma_start3A_49 = tpu.memref_slice %arg7[%dma_start3A_47, %dma_start3A_48] : memref<80x128xi32, #tpu.memory_space<vmem>> -> memref<1x128xi32, #tpu.memory_space<vmem>>
    %dma_start3A_50 = tpu.memref_squeeze %dma_start3A_49 : memref<1x128xi32, #tpu.memory_space<vmem>> -> memref<128xi32, #tpu.memory_space<vmem>>
    %dma_start3A_51 = arith.constant 0 : i32
    %dma_start3A_52 = arith.constant 0 : i32
    %dma_start3A_53 = tpu.memref_slice %arg10[%dma_start3A_51, %dma_start3A_52] : memref<10112x32xf32, #tpu.memory_space<vmem_shared>> -> memref<10112x32xf32, #tpu.memory_space<vmem_shared>>
    tpu.enqueue_indirect_dma source(%dma_start3A_53 : memref<10112x32xf32, #tpu.memory_space<vmem_shared>>) target(%arg19 : memref<128x32xf32, #tpu.memory_space<vmem>>) offsets(%dma_start3A_50 : memref<128xi32, #tpu.memory_space<vmem>>) semaphore(%arg12 : memref<!tpu.dma_semaphore, #tpu.memory_space<semaphore_mem>>)
    %dma_start3A_54 = arith.constant 5 : i32
    %dma_start3A_55 = arith.constant 0 : i32
    %dma_start3A_56 = tpu.memref_slice %arg7[%dma_start3A_54, %dma_start3A_55] : memref<80x128xi32, #tpu.memory_space<vmem>> -> memref<1x128xi32, #tpu.memory_space<vmem>>
    %dma_start3A_57 = tpu.memref_squeeze %dma_start3A_56 : memref<1x128xi32, #tpu.memory_space<vmem>> -> memref<128xi32, #tpu.memory_space<vmem>>
    %dma_start3A_58 = arith.constant 0 : i32
    %dma_start3A_59 = arith.constant 0 : i32
    %dma_start3A_60 = tpu.memref_slice %arg10[%dma_start3A_58, %dma_start3A_59] : memref<10112x32xf32, #tpu.memory_space<vmem_shared>> -> memref<10112x32xf32, #tpu.memory_space<vmem_shared>>
    tpu.enqueue_indirect_dma source(%dma_start3A_60 : memref<10112x32xf32, #tpu.memory_space<vmem_shared>>) target(%arg20 : memref<128x32xf32, #tpu.memory_space<vmem>>) offsets(%dma_start3A_57 : memref<128xi32, #tpu.memory_space<vmem>>) semaphore(%arg12 : memref<!tpu.dma_semaphore, #tpu.memory_space<semaphore_mem>>)
    %dma_start3A_61 = arith.constant 6 : i32
    %dma_start3A_62 = arith.constant 0 : i32
    %dma_start3A_63 = tpu.memref_slice %arg7[%dma_start3A_61, %dma_start3A_62] : memref<80x128xi32, #tpu.memory_space<vmem>> -> memref<1x128xi32, #tpu.memory_space<vmem>>
    %dma_start3A_64 = tpu.memref_squeeze %dma_start3A_63 : memref<1x128xi32, #tpu.memory_space<vmem>> -> memref<128xi32, #tpu.memory_space<vmem>>
    %dma_start3A_65 = arith.constant 0 : i32
    %dma_start3A_66 = arith.constant 0 : i32
    %dma_start3A_67 = tpu.memref_slice %arg10[%dma_start3A_65, %dma_start3A_66] : memref<10112x32xf32, #tpu.memory_space<vmem_shared>> -> memref<10112x32xf32, #tpu.memory_space<vmem_shared>>
    tpu.enqueue_indirect_dma source(%dma_start3A_67 : memref<10112x32xf32, #tpu.memory_space<vmem_shared>>) target(%arg21 : memref<128x32xf32, #tpu.memory_space<vmem>>) offsets(%dma_start3A_64 : memref<128xi32, #tpu.memory_space<vmem>>) semaphore(%arg12 : memref<!tpu.dma_semaphore, #tpu.memory_space<semaphore_mem>>)
    %dma_start3A_68 = arith.constant 7 : i32
    %dma_start3A_69 = arith.constant 0 : i32
    %dma_start3A_70 = tpu.memref_slice %arg7[%dma_start3A_68, %dma_start3A_69] : memref<80x128xi32, #tpu.memory_space<vmem>> -> memref<1x128xi32, #tpu.memory_space<vmem>>
    %dma_start3A_71 = tpu.memref_squeeze %dma_start3A_70 : memref<1x128xi32, #tpu.memory_space<vmem>> -> memref<128xi32, #tpu.memory_space<vmem>>
    %dma_start3A_72 = arith.constant 0 : i32
    %dma_start3A_73 = arith.constant 0 : i32
    %dma_start3A_74 = tpu.memref_slice %arg10[%dma_start3A_72, %dma_start3A_73] : memref<10112x32xf32, #tpu.memory_space<vmem_shared>> -> memref<10112x32xf32, #tpu.memory_space<vmem_shared>>
    tpu.enqueue_indirect_dma source(%dma_start3A_74 : memref<10112x32xf32, #tpu.memory_space<vmem_shared>>) target(%arg22 : memref<128x32xf32, #tpu.memory_space<vmem>>) offsets(%dma_start3A_71 : memref<128xi32, #tpu.memory_space<vmem>>) semaphore(%arg12 : memref<!tpu.dma_semaphore, #tpu.memory_space<semaphore_mem>>)
    %dma_wait3A = arith.constant 0 : i32
    %dma_wait3A_75 = arith.constant 0 : i32
    %dma_wait3A_76 = tpu.memref_slice %arg7[%dma_wait3A, %dma_wait3A_75] : memref<80x128xi32, #tpu.memory_space<vmem>> -> memref<1x128xi32, #tpu.memory_space<vmem>>
    %dma_wait3A_77 = tpu.memref_squeeze %dma_wait3A_76 : memref<1x128xi32, #tpu.memory_space<vmem>> -> memref<128xi32, #tpu.memory_space<vmem>>
    %dma_wait3A_78 = arith.constant 0 : i32
    %dma_wait3A_79 = arith.constant 0 : i32
    %dma_wait3A_80 = tpu.memref_slice %arg10[%dma_wait3A_78, %dma_wait3A_79] : memref<10112x32xf32, #tpu.memory_space<vmem_shared>> -> memref<10112x32xf32, #tpu.memory_space<vmem_shared>>
    tpu.wait_indirect_dma semaphore(%arg11 : memref<!tpu.dma_semaphore, #tpu.memory_space<semaphore_mem>>) src(%dma_wait3A_80 : memref<10112x32xf32, #tpu.memory_space<vmem_shared>>) dst(%arg15 : memref<128x32xf32, #tpu.memory_space<vmem>>)
    %dma_wait3A_81 = arith.constant 0 : i32
    %dma_wait3A_82 = arith.constant 0 : i32
    %dma_wait3A_83 = tpu.memref_slice %arg7[%dma_wait3A_81, %dma_wait3A_82] : memref<80x128xi32, #tpu.memory_space<vmem>> -> memref<1x128xi32, #tpu.memory_space<vmem>>
    %dma_wait3A_84 = tpu.memref_squeeze %dma_wait3A_83 : memref<1x128xi32, #tpu.memory_space<vmem>> -> memref<128xi32, #tpu.memory_space<vmem>>
    %dma_wait3A_85 = arith.constant 0 : i32
    %dma_wait3A_86 = arith.constant 0 : i32
    %dma_wait3A_87 = tpu.memref_slice %arg10[%dma_wait3A_85, %dma_wait3A_86] : memref<10112x32xf32, #tpu.memory_space<vmem_shared>> -> memref<10112x32xf32, #tpu.memory_space<vmem_shared>>
    tpu.wait_indirect_dma semaphore(%arg11 : memref<!tpu.dma_semaphore, #tpu.memory_space<semaphore_mem>>) src(%dma_wait3A_87 : memref<10112x32xf32, #tpu.memory_space<vmem_shared>>) dst(%arg16 : memref<128x32xf32, #tpu.memory_space<vmem>>)
    %dma_wait3A_88 = arith.constant 0 : i32
    %dma_wait3A_89 = arith.constant 0 : i32
    %dma_wait3A_90 = tpu.memref_slice %arg7[%dma_wait3A_88, %dma_wait3A_89] : memref<80x128xi32, #tpu.memory_space<vmem>> -> memref<1x128xi32, #tpu.memory_space<vmem>>
    %dma_wait3A_91 = tpu.memref_squeeze %dma_wait3A_90 : memref<1x128xi32, #tpu.memory_space<vmem>> -> memref<128xi32, #tpu.memory_space<vmem>>
    %dma_wait3A_92 = arith.constant 0 : i32
    %dma_wait3A_93 = arith.constant 0 : i32
    %dma_wait3A_94 = tpu.memref_slice %arg10[%dma_wait3A_92, %dma_wait3A_93] : memref<10112x32xf32, #tpu.memory_space<vmem_shared>> -> memref<10112x32xf32, #tpu.memory_space<vmem_shared>>
    tpu.wait_indirect_dma semaphore(%arg11 : memref<!tpu.dma_semaphore, #tpu.memory_space<semaphore_mem>>) src(%dma_wait3A_94 : memref<10112x32xf32, #tpu.memory_space<vmem_shared>>) dst(%arg17 : memref<128x32xf32, #tpu.memory_space<vmem>>)
    %dma_wait3A_95 = arith.constant 0 : i32
    %dma_wait3A_96 = arith.constant 0 : i32
    %dma_wait3A_97 = tpu.memref_slice %arg7[%dma_wait3A_95, %dma_wait3A_96] : memref<80x128xi32, #tpu.memory_space<vmem>> -> memref<1x128xi32, #tpu.memory_space<vmem>>
    %dma_wait3A_98 = tpu.memref_squeeze %dma_wait3A_97 : memref<1x128xi32, #tpu.memory_space<vmem>> -> memref<128xi32, #tpu.memory_space<vmem>>
    %dma_wait3A_99 = arith.constant 0 : i32
    %dma_wait3A_100 = arith.constant 0 : i32
    %dma_wait3A_101 = tpu.memref_slice %arg10[%dma_wait3A_99, %dma_wait3A_100] : memref<10112x32xf32, #tpu.memory_space<vmem_shared>> -> memref<10112x32xf32, #tpu.memory_space<vmem_shared>>
    tpu.wait_indirect_dma semaphore(%arg11 : memref<!tpu.dma_semaphore, #tpu.memory_space<semaphore_mem>>) src(%dma_wait3A_101 : memref<10112x32xf32, #tpu.memory_space<vmem_shared>>) dst(%arg18 : memref<128x32xf32, #tpu.memory_space<vmem>>)
    %dma_start3A_102 = arith.constant 0 : i32
    %dma_start3A_103 = arith.constant 0 : i32
    %dma_start3A_104 = tpu.memref_slice %arg8[%dma_start3A_102, %dma_start3A_103] : memref<80x128xi32, #tpu.memory_space<vmem>> -> memref<1x128xi32, #tpu.memory_space<vmem>>
    %dma_start3A_105 = tpu.memref_squeeze %dma_start3A_104 : memref<1x128xi32, #tpu.memory_space<vmem>> -> memref<128xi32, #tpu.memory_space<vmem>>
    %dma_start3A_106 = arith.constant 0 : i32
    %dma_start3A_107 = arith.constant 0 : i32
    %dma_start3A_108 = tpu.memref_slice %arg9[%dma_start3A_106, %dma_start3A_107] : memref<10112x32xf32, #tpu.memory_space<vmem_shared>> -> memref<10112x32xf32, #tpu.memory_space<vmem_shared>>
    tpu.enqueue_indirect_dma source(%arg15 : memref<128x32xf32, #tpu.memory_space<vmem>>) target(%dma_start3A_108 : memref<10112x32xf32, #tpu.memory_space<vmem_shared>>) offsets(%dma_start3A_105 : memref<128xi32, #tpu.memory_space<vmem>>) semaphore(%arg13 : memref<!tpu.dma_semaphore, #tpu.memory_space<semaphore_mem>>) {add = true}
    %dma_start3A_109 = arith.constant 1 : i32
    %dma_start3A_110 = arith.constant 0 : i32
    %dma_start3A_111 = tpu.memref_slice %arg8[%dma_start3A_109, %dma_start3A_110] : memref<80x128xi32, #tpu.memory_space<vmem>> -> memref<1x128xi32, #tpu.memory_space<vmem>>
    %dma_start3A_112 = tpu.memref_squeeze %dma_start3A_111 : memref<1x128xi32, #tpu.memory_space<vmem>> -> memref<128xi32, #tpu.memory_space<vmem>>
    %dma_start3A_113 = arith.constant 0 : i32
    %dma_start3A_114 = arith.constant 0 : i32
    %dma_start3A_115 = tpu.memref_slice %arg9[%dma_start3A_113, %dma_start3A_114] : memref<10112x32xf32, #tpu.memory_space<vmem_shared>> -> memref<10112x32xf32, #tpu.memory_space<vmem_shared>>
    tpu.enqueue_indirect_dma source(%arg16 : memref<128x32xf32, #tpu.memory_space<vmem>>) target(%dma_start3A_115 : memref<10112x32xf32, #tpu.memory_space<vmem_shared>>) offsets(%dma_start3A_112 : memref<128xi32, #tpu.memory_space<vmem>>) semaphore(%arg13 : memref<!tpu.dma_semaphore, #tpu.memory_space<semaphore_mem>>) {add = true}
    %dma_start3A_116 = arith.constant 2 : i32
    %dma_start3A_117 = arith.constant 0 : i32
    %dma_start3A_118 = tpu.memref_slice %arg8[%dma_start3A_116, %dma_start3A_117] : memref<80x128xi32, #tpu.memory_space<vmem>> -> memref<1x128xi32, #tpu.memory_space<vmem>>
    %dma_start3A_119 = tpu.memref_squeeze %dma_start3A_118 : memref<1x128xi32, #tpu.memory_space<vmem>> -> memref<128xi32, #tpu.memory_space<vmem>>
    %dma_start3A_120 = arith.constant 0 : i32
    %dma_start3A_121 = arith.constant 0 : i32
    %dma_start3A_122 = tpu.memref_slice %arg9[%dma_start3A_120, %dma_start3A_121] : memref<10112x32xf32, #tpu.memory_space<vmem_shared>> -> memref<10112x32xf32, #tpu.memory_space<vmem_shared>>
    tpu.enqueue_indirect_dma source(%arg17 : memref<128x32xf32, #tpu.memory_space<vmem>>) target(%dma_start3A_122 : memref<10112x32xf32, #tpu.memory_space<vmem_shared>>) offsets(%dma_start3A_119 : memref<128xi32, #tpu.memory_space<vmem>>) semaphore(%arg13 : memref<!tpu.dma_semaphore, #tpu.memory_space<semaphore_mem>>) {add = true}
    %dma_start3A_123 = arith.constant 3 : i32
    %dma_start3A_124 = arith.constant 0 : i32
    %dma_start3A_125 = tpu.memref_slice %arg8[%dma_start3A_123, %dma_start3A_124] : memref<80x128xi32, #tpu.memory_space<vmem>> -> memref<1x128xi32, #tpu.memory_space<vmem>>
    %dma_start3A_126 = tpu.memref_squeeze %dma_start3A_125 : memref<1x128xi32, #tpu.memory_space<vmem>> -> memref<128xi32, #tpu.memory_space<vmem>>
    %dma_start3A_127 = arith.constant 0 : i32
    %dma_start3A_128 = arith.constant 0 : i32
    %dma_start3A_129 = tpu.memref_slice %arg9[%dma_start3A_127, %dma_start3A_128] : memref<10112x32xf32, #tpu.memory_space<vmem_shared>> -> memref<10112x32xf32, #tpu.memory_space<vmem_shared>>
    tpu.enqueue_indirect_dma source(%arg18 : memref<128x32xf32, #tpu.memory_space<vmem>>) target(%dma_start3A_129 : memref<10112x32xf32, #tpu.memory_space<vmem_shared>>) offsets(%dma_start3A_126 : memref<128xi32, #tpu.memory_space<vmem>>) semaphore(%arg13 : memref<!tpu.dma_semaphore, #tpu.memory_space<semaphore_mem>>) {add = true}
    %while3A = arith.constant 0 : i32
    %while3A_130 = arith.constant 0 : i32
    %while3A_131 = arith.subi %select_n3A_19, %while3A_130 : i32
    %while3A_132 = arith.addi %while3A_130, %while3A_131 : i32
    %while3A_133 = arith.constant 1 : i32
    %while3A_134 = arith.divsi %while3A_131, %while3A_133 : i32
    %while3A_135 = arith.muli %while3A_134, %while3A_133 : i32
    %while3A_136 = arith.addi %while3A_130, %while3A_135 : i32
    %while3A_137 = arith.constant 1 : i32
    scf.for %while3A_269 = %while3A_130 to %while3A_136 step %while3A_137  : i32 {
      %mul3A_270 = arith.constant 2 : i32
      %mul3A_271 = arith.muli %mul3A_270, %while3A_269 : i32
      %add3A_272 = arith.constant 1 : i32
      %add3A_273 = arith.addi %mul3A_271, %add3A_272 : i32
      %dma_wait3A_274 = arith.constant 0 : i32
      %dma_wait3A_275 = arith.constant 0 : i32
      %dma_wait3A_276 = tpu.memref_slice %arg8[%dma_wait3A_274, %dma_wait3A_275] : memref<80x128xi32, #tpu.memory_space<vmem>> -> memref<1x128xi32, #tpu.memory_space<vmem>>
      %dma_wait3A_277 = tpu.memref_squeeze %dma_wait3A_276 : memref<1x128xi32, #tpu.memory_space<vmem>> -> memref<128xi32, #tpu.memory_space<vmem>>
      %dma_wait3A_278 = arith.constant 0 : i32
      %dma_wait3A_279 = arith.constant 0 : i32
      %dma_wait3A_280 = tpu.memref_slice %arg9[%dma_wait3A_278, %dma_wait3A_279] : memref<10112x32xf32, #tpu.memory_space<vmem_shared>> -> memref<10112x32xf32, #tpu.memory_space<vmem_shared>>
      tpu.wait_indirect_dma semaphore(%arg13 : memref<!tpu.dma_semaphore, #tpu.memory_space<semaphore_mem>>) src(%arg15 : memref<128x32xf32, #tpu.memory_space<vmem>>) dst(%dma_wait3A_280 : memref<10112x32xf32, #tpu.memory_space<vmem_shared>>)
      %dma_wait3A_281 = arith.constant 0 : i32
      %dma_wait3A_282 = arith.constant 0 : i32
      %dma_wait3A_283 = tpu.memref_slice %arg8[%dma_wait3A_281, %dma_wait3A_282] : memref<80x128xi32, #tpu.memory_space<vmem>> -> memref<1x128xi32, #tpu.memory_space<vmem>>
      %dma_wait3A_284 = tpu.memref_squeeze %dma_wait3A_283 : memref<1x128xi32, #tpu.memory_space<vmem>> -> memref<128xi32, #tpu.memory_space<vmem>>
      %dma_wait3A_285 = arith.constant 0 : i32
      %dma_wait3A_286 = arith.constant 0 : i32
      %dma_wait3A_287 = tpu.memref_slice %arg9[%dma_wait3A_285, %dma_wait3A_286] : memref<10112x32xf32, #tpu.memory_space<vmem_shared>> -> memref<10112x32xf32, #tpu.memory_space<vmem_shared>>
      tpu.wait_indirect_dma semaphore(%arg13 : memref<!tpu.dma_semaphore, #tpu.memory_space<semaphore_mem>>) src(%arg16 : memref<128x32xf32, #tpu.memory_space<vmem>>) dst(%dma_wait3A_287 : memref<10112x32xf32, #tpu.memory_space<vmem_shared>>)
      %dma_wait3A_288 = arith.constant 0 : i32
      %dma_wait3A_289 = arith.constant 0 : i32
      %dma_wait3A_290 = tpu.memref_slice %arg8[%dma_wait3A_288, %dma_wait3A_289] : memref<80x128xi32, #tpu.memory_space<vmem>> -> memref<1x128xi32, #tpu.memory_space<vmem>>
      %dma_wait3A_291 = tpu.memref_squeeze %dma_wait3A_290 : memref<1x128xi32, #tpu.memory_space<vmem>> -> memref<128xi32, #tpu.memory_space<vmem>>
      %dma_wait3A_292 = arith.constant 0 : i32
      %dma_wait3A_293 = arith.constant 0 : i32
      %dma_wait3A_294 = tpu.memref_slice %arg9[%dma_wait3A_292, %dma_wait3A_293] : memref<10112x32xf32, #tpu.memory_space<vmem_shared>> -> memref<10112x32xf32, #tpu.memory_space<vmem_shared>>
      tpu.wait_indirect_dma semaphore(%arg13 : memref<!tpu.dma_semaphore, #tpu.memory_space<semaphore_mem>>) src(%arg17 : memref<128x32xf32, #tpu.memory_space<vmem>>) dst(%dma_wait3A_294 : memref<10112x32xf32, #tpu.memory_space<vmem_shared>>)
      %dma_wait3A_295 = arith.constant 0 : i32
      %dma_wait3A_296 = arith.constant 0 : i32
      %dma_wait3A_297 = tpu.memref_slice %arg8[%dma_wait3A_295, %dma_wait3A_296] : memref<80x128xi32, #tpu.memory_space<vmem>> -> memref<1x128xi32, #tpu.memory_space<vmem>>
      %dma_wait3A_298 = tpu.memref_squeeze %dma_wait3A_297 : memref<1x128xi32, #tpu.memory_space<vmem>> -> memref<128xi32, #tpu.memory_space<vmem>>
      %dma_wait3A_299 = arith.constant 0 : i32
      %dma_wait3A_300 = arith.constant 0 : i32
      %dma_wait3A_301 = tpu.memref_slice %arg9[%dma_wait3A_299, %dma_wait3A_300] : memref<10112x32xf32, #tpu.memory_space<vmem_shared>> -> memref<10112x32xf32, #tpu.memory_space<vmem_shared>>
      tpu.wait_indirect_dma semaphore(%arg13 : memref<!tpu.dma_semaphore, #tpu.memory_space<semaphore_mem>>) src(%arg18 : memref<128x32xf32, #tpu.memory_space<vmem>>) dst(%dma_wait3A_301 : memref<10112x32xf32, #tpu.memory_space<vmem_shared>>)
      %add3A_302 = arith.constant 1 : i32
      %add3A_303 = arith.addi %add3A_273, %add3A_302 : i32
      %mul3A_304 = arith.constant 4 : i32
      %mul3A_305 = arith.muli %add3A_303, %mul3A_304 : i32
      %add3A_306 = arith.constant 0 : i32
      %add3A_307 = arith.addi %mul3A_305, %add3A_306 : i32
      %dma_start3A_308 = arith.constant 0 : i32
      %dma_start3A_309 = tpu.memref_slice %arg7[%add3A_307, %dma_start3A_308] : memref<80x128xi32, #tpu.memory_space<vmem>> -> memref<1x128xi32, #tpu.memory_space<vmem>>
      %dma_start3A_310 = tpu.memref_squeeze %dma_start3A_309 : memref<1x128xi32, #tpu.memory_space<vmem>> -> memref<128xi32, #tpu.memory_space<vmem>>
      %dma_start3A_311 = arith.constant 0 : i32
      %dma_start3A_312 = arith.constant 0 : i32
      %dma_start3A_313 = tpu.memref_slice %arg10[%dma_start3A_311, %dma_start3A_312] : memref<10112x32xf32, #tpu.memory_space<vmem_shared>> -> memref<10112x32xf32, #tpu.memory_space<vmem_shared>>
      tpu.enqueue_indirect_dma source(%dma_start3A_313 : memref<10112x32xf32, #tpu.memory_space<vmem_shared>>) target(%arg15 : memref<128x32xf32, #tpu.memory_space<vmem>>) offsets(%dma_start3A_310 : memref<128xi32, #tpu.memory_space<vmem>>) semaphore(%arg11 : memref<!tpu.dma_semaphore, #tpu.memory_space<semaphore_mem>>)
      %mul3A_314 = arith.constant 4 : i32
      %mul3A_315 = arith.muli %add3A_303, %mul3A_314 : i32
      %add3A_316 = arith.constant 1 : i32
      %add3A_317 = arith.addi %mul3A_315, %add3A_316 : i32
      %dma_start3A_318 = arith.constant 0 : i32
      %dma_start3A_319 = tpu.memref_slice %arg7[%add3A_317, %dma_start3A_318] : memref<80x128xi32, #tpu.memory_space<vmem>> -> memref<1x128xi32, #tpu.memory_space<vmem>>
      %dma_start3A_320 = tpu.memref_squeeze %dma_start3A_319 : memref<1x128xi32, #tpu.memory_space<vmem>> -> memref<128xi32, #tpu.memory_space<vmem>>
      %dma_start3A_321 = arith.constant 0 : i32
      %dma_start3A_322 = arith.constant 0 : i32
      %dma_start3A_323 = tpu.memref_slice %arg10[%dma_start3A_321, %dma_start3A_322] : memref<10112x32xf32, #tpu.memory_space<vmem_shared>> -> memref<10112x32xf32, #tpu.memory_space<vmem_shared>>
      tpu.enqueue_indirect_dma source(%dma_start3A_323 : memref<10112x32xf32, #tpu.memory_space<vmem_shared>>) target(%arg16 : memref<128x32xf32, #tpu.memory_space<vmem>>) offsets(%dma_start3A_320 : memref<128xi32, #tpu.memory_space<vmem>>) semaphore(%arg11 : memref<!tpu.dma_semaphore, #tpu.memory_space<semaphore_mem>>)
      %mul3A_324 = arith.constant 4 : i32
      %mul3A_325 = arith.muli %add3A_303, %mul3A_324 : i32
      %add3A_326 = arith.constant 2 : i32
      %add3A_327 = arith.addi %mul3A_325, %add3A_326 : i32
      %dma_start3A_328 = arith.constant 0 : i32
      %dma_start3A_329 = tpu.memref_slice %arg7[%add3A_327, %dma_start3A_328] : memref<80x128xi32, #tpu.memory_space<vmem>> -> memref<1x128xi32, #tpu.memory_space<vmem>>
      %dma_start3A_330 = tpu.memref_squeeze %dma_start3A_329 : memref<1x128xi32, #tpu.memory_space<vmem>> -> memref<128xi32, #tpu.memory_space<vmem>>
      %dma_start3A_331 = arith.constant 0 : i32
      %dma_start3A_332 = arith.constant 0 : i32
      %dma_start3A_333 = tpu.memref_slice %arg10[%dma_start3A_331, %dma_start3A_332] : memref<10112x32xf32, #tpu.memory_space<vmem_shared>> -> memref<10112x32xf32, #tpu.memory_space<vmem_shared>>
      tpu.enqueue_indirect_dma source(%dma_start3A_333 : memref<10112x32xf32, #tpu.memory_space<vmem_shared>>) target(%arg17 : memref<128x32xf32, #tpu.memory_space<vmem>>) offsets(%dma_start3A_330 : memref<128xi32, #tpu.memory_space<vmem>>) semaphore(%arg11 : memref<!tpu.dma_semaphore, #tpu.memory_space<semaphore_mem>>)
      %mul3A_334 = arith.constant 4 : i32
      %mul3A_335 = arith.muli %add3A_303, %mul3A_334 : i32
      %add3A_336 = arith.constant 3 : i32
      %add3A_337 = arith.addi %mul3A_335, %add3A_336 : i32
      %dma_start3A_338 = arith.constant 0 : i32
      %dma_start3A_339 = tpu.memref_slice %arg7[%add3A_337, %dma_start3A_338] : memref<80x128xi32, #tpu.memory_space<vmem>> -> memref<1x128xi32, #tpu.memory_space<vmem>>
      %dma_start3A_340 = tpu.memref_squeeze %dma_start3A_339 : memref<1x128xi32, #tpu.memory_space<vmem>> -> memref<128xi32, #tpu.memory_space<vmem>>
      %dma_start3A_341 = arith.constant 0 : i32
      %dma_start3A_342 = arith.constant 0 : i32
      %dma_start3A_343 = tpu.memref_slice %arg10[%dma_start3A_341, %dma_start3A_342] : memref<10112x32xf32, #tpu.memory_space<vmem_shared>> -> memref<10112x32xf32, #tpu.memory_space<vmem_shared>>
      tpu.enqueue_indirect_dma source(%dma_start3A_343 : memref<10112x32xf32, #tpu.memory_space<vmem_shared>>) target(%arg18 : memref<128x32xf32, #tpu.memory_space<vmem>>) offsets(%dma_start3A_340 : memref<128xi32, #tpu.memory_space<vmem>>) semaphore(%arg11 : memref<!tpu.dma_semaphore, #tpu.memory_space<semaphore_mem>>)
      %dma_wait3A_344 = arith.constant 0 : i32
      %dma_wait3A_345 = arith.constant 0 : i32
      %dma_wait3A_346 = tpu.memref_slice %arg7[%dma_wait3A_344, %dma_wait3A_345] : memref<80x128xi32, #tpu.memory_space<vmem>> -> memref<1x128xi32, #tpu.memory_space<vmem>>
      %dma_wait3A_347 = tpu.memref_squeeze %dma_wait3A_346 : memref<1x128xi32, #tpu.memory_space<vmem>> -> memref<128xi32, #tpu.memory_space<vmem>>
      %dma_wait3A_348 = arith.constant 0 : i32
      %dma_wait3A_349 = arith.constant 0 : i32
      %dma_wait3A_350 = tpu.memref_slice %arg10[%dma_wait3A_348, %dma_wait3A_349] : memref<10112x32xf32, #tpu.memory_space<vmem_shared>> -> memref<10112x32xf32, #tpu.memory_space<vmem_shared>>
      tpu.wait_indirect_dma semaphore(%arg12 : memref<!tpu.dma_semaphore, #tpu.memory_space<semaphore_mem>>) src(%dma_wait3A_350 : memref<10112x32xf32, #tpu.memory_space<vmem_shared>>) dst(%arg19 : memref<128x32xf32, #tpu.memory_space<vmem>>)
      %dma_wait3A_351 = arith.constant 0 : i32
      %dma_wait3A_352 = arith.constant 0 : i32
      %dma_wait3A_353 = tpu.memref_slice %arg7[%dma_wait3A_351, %dma_wait3A_352] : memref<80x128xi32, #tpu.memory_space<vmem>> -> memref<1x128xi32, #tpu.memory_space<vmem>>
      %dma_wait3A_354 = tpu.memref_squeeze %dma_wait3A_353 : memref<1x128xi32, #tpu.memory_space<vmem>> -> memref<128xi32, #tpu.memory_space<vmem>>
      %dma_wait3A_355 = arith.constant 0 : i32
      %dma_wait3A_356 = arith.constant 0 : i32
      %dma_wait3A_357 = tpu.memref_slice %arg10[%dma_wait3A_355, %dma_wait3A_356] : memref<10112x32xf32, #tpu.memory_space<vmem_shared>> -> memref<10112x32xf32, #tpu.memory_space<vmem_shared>>
      tpu.wait_indirect_dma semaphore(%arg12 : memref<!tpu.dma_semaphore, #tpu.memory_space<semaphore_mem>>) src(%dma_wait3A_357 : memref<10112x32xf32, #tpu.memory_space<vmem_shared>>) dst(%arg20 : memref<128x32xf32, #tpu.memory_space<vmem>>)
      %dma_wait3A_358 = arith.constant 0 : i32
      %dma_wait3A_359 = arith.constant 0 : i32
      %dma_wait3A_360 = tpu.memref_slice %arg7[%dma_wait3A_358, %dma_wait3A_359] : memref<80x128xi32, #tpu.memory_space<vmem>> -> memref<1x128xi32, #tpu.memory_space<vmem>>
      %dma_wait3A_361 = tpu.memref_squeeze %dma_wait3A_360 : memref<1x128xi32, #tpu.memory_space<vmem>> -> memref<128xi32, #tpu.memory_space<vmem>>
      %dma_wait3A_362 = arith.constant 0 : i32
      %dma_wait3A_363 = arith.constant 0 : i32
      %dma_wait3A_364 = tpu.memref_slice %arg10[%dma_wait3A_362, %dma_wait3A_363] : memref<10112x32xf32, #tpu.memory_space<vmem_shared>> -> memref<10112x32xf32, #tpu.memory_space<vmem_shared>>
      tpu.wait_indirect_dma semaphore(%arg12 : memref<!tpu.dma_semaphore, #tpu.memory_space<semaphore_mem>>) src(%dma_wait3A_364 : memref<10112x32xf32, #tpu.memory_space<vmem_shared>>) dst(%arg21 : memref<128x32xf32, #tpu.memory_space<vmem>>)
      %dma_wait3A_365 = arith.constant 0 : i32
      %dma_wait3A_366 = arith.constant 0 : i32
      %dma_wait3A_367 = tpu.memref_slice %arg7[%dma_wait3A_365, %dma_wait3A_366] : memref<80x128xi32, #tpu.memory_space<vmem>> -> memref<1x128xi32, #tpu.memory_space<vmem>>
      %dma_wait3A_368 = tpu.memref_squeeze %dma_wait3A_367 : memref<1x128xi32, #tpu.memory_space<vmem>> -> memref<128xi32, #tpu.memory_space<vmem>>
      %dma_wait3A_369 = arith.constant 0 : i32
      %dma_wait3A_370 = arith.constant 0 : i32
      %dma_wait3A_371 = tpu.memref_slice %arg10[%dma_wait3A_369, %dma_wait3A_370] : memref<10112x32xf32, #tpu.memory_space<vmem_shared>> -> memref<10112x32xf32, #tpu.memory_space<vmem_shared>>
      tpu.wait_indirect_dma semaphore(%arg12 : memref<!tpu.dma_semaphore, #tpu.memory_space<semaphore_mem>>) src(%dma_wait3A_371 : memref<10112x32xf32, #tpu.memory_space<vmem_shared>>) dst(%arg22 : memref<128x32xf32, #tpu.memory_space<vmem>>)
      %mul3A_372 = arith.constant 4 : i32
      %mul3A_373 = arith.muli %add3A_273, %mul3A_372 : i32
      %add3A_374 = arith.constant 0 : i32
      %add3A_375 = arith.addi %mul3A_373, %add3A_374 : i32
      %dma_start3A_376 = arith.constant 0 : i32
      %dma_start3A_377 = tpu.memref_slice %arg8[%add3A_375, %dma_start3A_376] : memref<80x128xi32, #tpu.memory_space<vmem>> -> memref<1x128xi32, #tpu.memory_space<vmem>>
      %dma_start3A_378 = tpu.memref_squeeze %dma_start3A_377 : memref<1x128xi32, #tpu.memory_space<vmem>> -> memref<128xi32, #tpu.memory_space<vmem>>
      %dma_start3A_379 = arith.constant 0 : i32
      %dma_start3A_380 = arith.constant 0 : i32
      %dma_start3A_381 = tpu.memref_slice %arg9[%dma_start3A_379, %dma_start3A_380] : memref<10112x32xf32, #tpu.memory_space<vmem_shared>> -> memref<10112x32xf32, #tpu.memory_space<vmem_shared>>
      tpu.enqueue_indirect_dma source(%arg19 : memref<128x32xf32, #tpu.memory_space<vmem>>) target(%dma_start3A_381 : memref<10112x32xf32, #tpu.memory_space<vmem_shared>>) offsets(%dma_start3A_378 : memref<128xi32, #tpu.memory_space<vmem>>) semaphore(%arg14 : memref<!tpu.dma_semaphore, #tpu.memory_space<semaphore_mem>>) {add = true}
      %mul3A_382 = arith.constant 4 : i32
      %mul3A_383 = arith.muli %add3A_273, %mul3A_382 : i32
      %add3A_384 = arith.constant 1 : i32
      %add3A_385 = arith.addi %mul3A_383, %add3A_384 : i32
      %dma_start3A_386 = arith.constant 0 : i32
      %dma_start3A_387 = tpu.memref_slice %arg8[%add3A_385, %dma_start3A_386] : memref<80x128xi32, #tpu.memory_space<vmem>> -> memref<1x128xi32, #tpu.memory_space<vmem>>
      %dma_start3A_388 = tpu.memref_squeeze %dma_start3A_387 : memref<1x128xi32, #tpu.memory_space<vmem>> -> memref<128xi32, #tpu.memory_space<vmem>>
      %dma_start3A_389 = arith.constant 0 : i32
      %dma_start3A_390 = arith.constant 0 : i32
      %dma_start3A_391 = tpu.memref_slice %arg9[%dma_start3A_389, %dma_start3A_390] : memref<10112x32xf32, #tpu.memory_space<vmem_shared>> -> memref<10112x32xf32, #tpu.memory_space<vmem_shared>>
      tpu.enqueue_indirect_dma source(%arg20 : memref<128x32xf32, #tpu.memory_space<vmem>>) target(%dma_start3A_391 : memref<10112x32xf32, #tpu.memory_space<vmem_shared>>) offsets(%dma_start3A_388 : memref<128xi32, #tpu.memory_space<vmem>>) semaphore(%arg14 : memref<!tpu.dma_semaphore, #tpu.memory_space<semaphore_mem>>) {add = true}
      %mul3A_392 = arith.constant 4 : i32
      %mul3A_393 = arith.muli %add3A_273, %mul3A_392 : i32
      %add3A_394 = arith.constant 2 : i32
      %add3A_395 = arith.addi %mul3A_393, %add3A_394 : i32
      %dma_start3A_396 = arith.constant 0 : i32
      %dma_start3A_397 = tpu.memref_slice %arg8[%add3A_395, %dma_start3A_396] : memref<80x128xi32, #tpu.memory_space<vmem>> -> memref<1x128xi32, #tpu.memory_space<vmem>>
      %dma_start3A_398 = tpu.memref_squeeze %dma_start3A_397 : memref<1x128xi32, #tpu.memory_space<vmem>> -> memref<128xi32, #tpu.memory_space<vmem>>
      %dma_start3A_399 = arith.constant 0 : i32
      %dma_start3A_400 = arith.constant 0 : i32
      %dma_start3A_401 = tpu.memref_slice %arg9[%dma_start3A_399, %dma_start3A_400] : memref<10112x32xf32, #tpu.memory_space<vmem_shared>> -> memref<10112x32xf32, #tpu.memory_space<vmem_shared>>
      tpu.enqueue_indirect_dma source(%arg21 : memref<128x32xf32, #tpu.memory_space<vmem>>) target(%dma_start3A_401 : memref<10112x32xf32, #tpu.memory_space<vmem_shared>>) offsets(%dma_start3A_398 : memref<128xi32, #tpu.memory_space<vmem>>) semaphore(%arg14 : memref<!tpu.dma_semaphore, #tpu.memory_space<semaphore_mem>>) {add = true}
      %mul3A_402 = arith.constant 4 : i32
      %mul3A_403 = arith.muli %add3A_273, %mul3A_402 : i32
      %add3A_404 = arith.constant 3 : i32
      %add3A_405 = arith.addi %mul3A_403, %add3A_404 : i32
      %dma_start3A_406 = arith.constant 0 : i32
      %dma_start3A_407 = tpu.memref_slice %arg8[%add3A_405, %dma_start3A_406] : memref<80x128xi32, #tpu.memory_space<vmem>> -> memref<1x128xi32, #tpu.memory_space<vmem>>
      %dma_start3A_408 = tpu.memref_squeeze %dma_start3A_407 : memref<1x128xi32, #tpu.memory_space<vmem>> -> memref<128xi32, #tpu.memory_space<vmem>>
      %dma_start3A_409 = arith.constant 0 : i32
      %dma_start3A_410 = arith.constant 0 : i32
      %dma_start3A_411 = tpu.memref_slice %arg9[%dma_start3A_409, %dma_start3A_410] : memref<10112x32xf32, #tpu.memory_space<vmem_shared>> -> memref<10112x32xf32, #tpu.memory_space<vmem_shared>>
      tpu.enqueue_indirect_dma source(%arg22 : memref<128x32xf32, #tpu.memory_space<vmem>>) target(%dma_start3A_411 : memref<10112x32xf32, #tpu.memory_space<vmem_shared>>) offsets(%dma_start3A_408 : memref<128xi32, #tpu.memory_space<vmem>>) semaphore(%arg14 : memref<!tpu.dma_semaphore, #tpu.memory_space<semaphore_mem>>) {add = true}
      %add3A_412 = arith.constant 1 : i32
      %add3A_413 = arith.addi %add3A_273, %add3A_412 : i32
      %dma_wait3A_414 = arith.constant 0 : i32
      %dma_wait3A_415 = arith.constant 0 : i32
      %dma_wait3A_416 = tpu.memref_slice %arg8[%dma_wait3A_414, %dma_wait3A_415] : memref<80x128xi32, #tpu.memory_space<vmem>> -> memref<1x128xi32, #tpu.memory_space<vmem>>
      %dma_wait3A_417 = tpu.memref_squeeze %dma_wait3A_416 : memref<1x128xi32, #tpu.memory_space<vmem>> -> memref<128xi32, #tpu.memory_space<vmem>>
      %dma_wait3A_418 = arith.constant 0 : i32
      %dma_wait3A_419 = arith.constant 0 : i32
      %dma_wait3A_420 = tpu.memref_slice %arg9[%dma_wait3A_418, %dma_wait3A_419] : memref<10112x32xf32, #tpu.memory_space<vmem_shared>> -> memref<10112x32xf32, #tpu.memory_space<vmem_shared>>
      tpu.wait_indirect_dma semaphore(%arg14 : memref<!tpu.dma_semaphore, #tpu.memory_space<semaphore_mem>>) src(%arg19 : memref<128x32xf32, #tpu.memory_space<vmem>>) dst(%dma_wait3A_420 : memref<10112x32xf32, #tpu.memory_space<vmem_shared>>)
      %dma_wait3A_421 = arith.constant 0 : i32
      %dma_wait3A_422 = arith.constant 0 : i32
      %dma_wait3A_423 = tpu.memref_slice %arg8[%dma_wait3A_421, %dma_wait3A_422] : memref<80x128xi32, #tpu.memory_space<vmem>> -> memref<1x128xi32, #tpu.memory_space<vmem>>
      %dma_wait3A_424 = tpu.memref_squeeze %dma_wait3A_423 : memref<1x128xi32, #tpu.memory_space<vmem>> -> memref<128xi32, #tpu.memory_space<vmem>>
      %dma_wait3A_425 = arith.constant 0 : i32
      %dma_wait3A_426 = arith.constant 0 : i32
      %dma_wait3A_427 = tpu.memref_slice %arg9[%dma_wait3A_425, %dma_wait3A_426] : memref<10112x32xf32, #tpu.memory_space<vmem_shared>> -> memref<10112x32xf32, #tpu.memory_space<vmem_shared>>
      tpu.wait_indirect_dma semaphore(%arg14 : memref<!tpu.dma_semaphore, #tpu.memory_space<semaphore_mem>>) src(%arg20 : memref<128x32xf32, #tpu.memory_space<vmem>>) dst(%dma_wait3A_427 : memref<10112x32xf32, #tpu.memory_space<vmem_shared>>)
      %dma_wait3A_428 = arith.constant 0 : i32
      %dma_wait3A_429 = arith.constant 0 : i32
      %dma_wait3A_430 = tpu.memref_slice %arg8[%dma_wait3A_428, %dma_wait3A_429] : memref<80x128xi32, #tpu.memory_space<vmem>> -> memref<1x128xi32, #tpu.memory_space<vmem>>
      %dma_wait3A_431 = tpu.memref_squeeze %dma_wait3A_430 : memref<1x128xi32, #tpu.memory_space<vmem>> -> memref<128xi32, #tpu.memory_space<vmem>>
      %dma_wait3A_432 = arith.constant 0 : i32
      %dma_wait3A_433 = arith.constant 0 : i32
      %dma_wait3A_434 = tpu.memref_slice %arg9[%dma_wait3A_432, %dma_wait3A_433] : memref<10112x32xf32, #tpu.memory_space<vmem_shared>> -> memref<10112x32xf32, #tpu.memory_space<vmem_shared>>
      tpu.wait_indirect_dma semaphore(%arg14 : memref<!tpu.dma_semaphore, #tpu.memory_space<semaphore_mem>>) src(%arg21 : memref<128x32xf32, #tpu.memory_space<vmem>>) dst(%dma_wait3A_434 : memref<10112x32xf32, #tpu.memory_space<vmem_shared>>)
      %dma_wait3A_435 = arith.constant 0 : i32
      %dma_wait3A_436 = arith.constant 0 : i32
      %dma_wait3A_437 = tpu.memref_slice %arg8[%dma_wait3A_435, %dma_wait3A_436] : memref<80x128xi32, #tpu.memory_space<vmem>> -> memref<1x128xi32, #tpu.memory_space<vmem>>
      %dma_wait3A_438 = tpu.memref_squeeze %dma_wait3A_437 : memref<1x128xi32, #tpu.memory_space<vmem>> -> memref<128xi32, #tpu.memory_space<vmem>>
      %dma_wait3A_439 = arith.constant 0 : i32
      %dma_wait3A_440 = arith.constant 0 : i32
      %dma_wait3A_441 = tpu.memref_slice %arg9[%dma_wait3A_439, %dma_wait3A_440] : memref<10112x32xf32, #tpu.memory_space<vmem_shared>> -> memref<10112x32xf32, #tpu.memory_space<vmem_shared>>
      tpu.wait_indirect_dma semaphore(%arg14 : memref<!tpu.dma_semaphore, #tpu.memory_space<semaphore_mem>>) src(%arg22 : memref<128x32xf32, #tpu.memory_space<vmem>>) dst(%dma_wait3A_441 : memref<10112x32xf32, #tpu.memory_space<vmem_shared>>)
      %add3A_442 = arith.constant 1 : i32
      %add3A_443 = arith.addi %add3A_413, %add3A_442 : i32
      %mul3A_444 = arith.constant 4 : i32
      %mul3A_445 = arith.muli %add3A_443, %mul3A_444 : i32
      %add3A_446 = arith.constant 0 : i32
      %add3A_447 = arith.addi %mul3A_445, %add3A_446 : i32
      %dma_start3A_448 = arith.constant 0 : i32
      %dma_start3A_449 = tpu.memref_slice %arg7[%add3A_447, %dma_start3A_448] : memref<80x128xi32, #tpu.memory_space<vmem>> -> memref<1x128xi32, #tpu.memory_space<vmem>>
      %dma_start3A_450 = tpu.memref_squeeze %dma_start3A_449 : memref<1x128xi32, #tpu.memory_space<vmem>> -> memref<128xi32, #tpu.memory_space<vmem>>
      %dma_start3A_451 = arith.constant 0 : i32
      %dma_start3A_452 = arith.constant 0 : i32
      %dma_start3A_453 = tpu.memref_slice %arg10[%dma_start3A_451, %dma_start3A_452] : memref<10112x32xf32, #tpu.memory_space<vmem_shared>> -> memref<10112x32xf32, #tpu.memory_space<vmem_shared>>
      tpu.enqueue_indirect_dma source(%dma_start3A_453 : memref<10112x32xf32, #tpu.memory_space<vmem_shared>>) target(%arg19 : memref<128x32xf32, #tpu.memory_space<vmem>>) offsets(%dma_start3A_450 : memref<128xi32, #tpu.memory_space<vmem>>) semaphore(%arg12 : memref<!tpu.dma_semaphore, #tpu.memory_space<semaphore_mem>>)
      %mul3A_454 = arith.constant 4 : i32
      %mul3A_455 = arith.muli %add3A_443, %mul3A_454 : i32
      %add3A_456 = arith.constant 1 : i32
      %add3A_457 = arith.addi %mul3A_455, %add3A_456 : i32
      %dma_start3A_458 = arith.constant 0 : i32
      %dma_start3A_459 = tpu.memref_slice %arg7[%add3A_457, %dma_start3A_458] : memref<80x128xi32, #tpu.memory_space<vmem>> -> memref<1x128xi32, #tpu.memory_space<vmem>>
      %dma_start3A_460 = tpu.memref_squeeze %dma_start3A_459 : memref<1x128xi32, #tpu.memory_space<vmem>> -> memref<128xi32, #tpu.memory_space<vmem>>
      %dma_start3A_461 = arith.constant 0 : i32
      %dma_start3A_462 = arith.constant 0 : i32
      %dma_start3A_463 = tpu.memref_slice %arg10[%dma_start3A_461, %dma_start3A_462] : memref<10112x32xf32, #tpu.memory_space<vmem_shared>> -> memref<10112x32xf32, #tpu.memory_space<vmem_shared>>
      tpu.enqueue_indirect_dma source(%dma_start3A_463 : memref<10112x32xf32, #tpu.memory_space<vmem_shared>>) target(%arg20 : memref<128x32xf32, #tpu.memory_space<vmem>>) offsets(%dma_start3A_460 : memref<128xi32, #tpu.memory_space<vmem>>) semaphore(%arg12 : memref<!tpu.dma_semaphore, #tpu.memory_space<semaphore_mem>>)
      %mul3A_464 = arith.constant 4 : i32
      %mul3A_465 = arith.muli %add3A_443, %mul3A_464 : i32
      %add3A_466 = arith.constant 2 : i32
      %add3A_467 = arith.addi %mul3A_465, %add3A_466 : i32
      %dma_start3A_468 = arith.constant 0 : i32
      %dma_start3A_469 = tpu.memref_slice %arg7[%add3A_467, %dma_start3A_468] : memref<80x128xi32, #tpu.memory_space<vmem>> -> memref<1x128xi32, #tpu.memory_space<vmem>>
      %dma_start3A_470 = tpu.memref_squeeze %dma_start3A_469 : memref<1x128xi32, #tpu.memory_space<vmem>> -> memref<128xi32, #tpu.memory_space<vmem>>
      %dma_start3A_471 = arith.constant 0 : i32
      %dma_start3A_472 = arith.constant 0 : i32
      %dma_start3A_473 = tpu.memref_slice %arg10[%dma_start3A_471, %dma_start3A_472] : memref<10112x32xf32, #tpu.memory_space<vmem_shared>> -> memref<10112x32xf32, #tpu.memory_space<vmem_shared>>
      tpu.enqueue_indirect_dma source(%dma_start3A_473 : memref<10112x32xf32, #tpu.memory_space<vmem_shared>>) target(%arg21 : memref<128x32xf32, #tpu.memory_space<vmem>>) offsets(%dma_start3A_470 : memref<128xi32, #tpu.memory_space<vmem>>) semaphore(%arg12 : memref<!tpu.dma_semaphore, #tpu.memory_space<semaphore_mem>>)
      %mul3A_474 = arith.constant 4 : i32
      %mul3A_475 = arith.muli %add3A_443, %mul3A_474 : i32
      %add3A_476 = arith.constant 3 : i32
      %add3A_477 = arith.addi %mul3A_475, %add3A_476 : i32
      %dma_start3A_478 = arith.constant 0 : i32
      %dma_start3A_479 = tpu.memref_slice %arg7[%add3A_477, %dma_start3A_478] : memref<80x128xi32, #tpu.memory_space<vmem>> -> memref<1x128xi32, #tpu.memory_space<vmem>>
      %dma_start3A_480 = tpu.memref_squeeze %dma_start3A_479 : memref<1x128xi32, #tpu.memory_space<vmem>> -> memref<128xi32, #tpu.memory_space<vmem>>
      %dma_start3A_481 = arith.constant 0 : i32
      %dma_start3A_482 = arith.constant 0 : i32
      %dma_start3A_483 = tpu.memref_slice %arg10[%dma_start3A_481, %dma_start3A_482] : memref<10112x32xf32, #tpu.memory_space<vmem_shared>> -> memref<10112x32xf32, #tpu.memory_space<vmem_shared>>
      tpu.enqueue_indirect_dma source(%dma_start3A_483 : memref<10112x32xf32, #tpu.memory_space<vmem_shared>>) target(%arg22 : memref<128x32xf32, #tpu.memory_space<vmem>>) offsets(%dma_start3A_480 : memref<128xi32, #tpu.memory_space<vmem>>) semaphore(%arg12 : memref<!tpu.dma_semaphore, #tpu.memory_space<semaphore_mem>>)
      %dma_wait3A_484 = arith.constant 0 : i32
      %dma_wait3A_485 = arith.constant 0 : i32
      %dma_wait3A_486 = tpu.memref_slice %arg7[%dma_wait3A_484, %dma_wait3A_485] : memref<80x128xi32, #tpu.memory_space<vmem>> -> memref<1x128xi32, #tpu.memory_space<vmem>>
      %dma_wait3A_487 = tpu.memref_squeeze %dma_wait3A_486 : memref<1x128xi32, #tpu.memory_space<vmem>> -> memref<128xi32, #tpu.memory_space<vmem>>
      %dma_wait3A_488 = arith.constant 0 : i32
      %dma_wait3A_489 = arith.constant 0 : i32
      %dma_wait3A_490 = tpu.memref_slice %arg10[%dma_wait3A_488, %dma_wait3A_489] : memref<10112x32xf32, #tpu.memory_space<vmem_shared>> -> memref<10112x32xf32, #tpu.memory_space<vmem_shared>>
      tpu.wait_indirect_dma semaphore(%arg11 : memref<!tpu.dma_semaphore, #tpu.memory_space<semaphore_mem>>) src(%dma_wait3A_490 : memref<10112x32xf32, #tpu.memory_space<vmem_shared>>) dst(%arg15 : memref<128x32xf32, #tpu.memory_space<vmem>>)
      %dma_wait3A_491 = arith.constant 0 : i32
      %dma_wait3A_492 = arith.constant 0 : i32
      %dma_wait3A_493 = tpu.memref_slice %arg7[%dma_wait3A_491, %dma_wait3A_492] : memref<80x128xi32, #tpu.memory_space<vmem>> -> memref<1x128xi32, #tpu.memory_space<vmem>>
      %dma_wait3A_494 = tpu.memref_squeeze %dma_wait3A_493 : memref<1x128xi32, #tpu.memory_space<vmem>> -> memref<128xi32, #tpu.memory_space<vmem>>
      %dma_wait3A_495 = arith.constant 0 : i32
      %dma_wait3A_496 = arith.constant 0 : i32
      %dma_wait3A_497 = tpu.memref_slice %arg10[%dma_wait3A_495, %dma_wait3A_496] : memref<10112x32xf32, #tpu.memory_space<vmem_shared>> -> memref<10112x32xf32, #tpu.memory_space<vmem_shared>>
      tpu.wait_indirect_dma semaphore(%arg11 : memref<!tpu.dma_semaphore, #tpu.memory_space<semaphore_mem>>) src(%dma_wait3A_497 : memref<10112x32xf32, #tpu.memory_space<vmem_shared>>) dst(%arg16 : memref<128x32xf32, #tpu.memory_space<vmem>>)
      %dma_wait3A_498 = arith.constant 0 : i32
      %dma_wait3A_499 = arith.constant 0 : i32
      %dma_wait3A_500 = tpu.memref_slice %arg7[%dma_wait3A_498, %dma_wait3A_499] : memref<80x128xi32, #tpu.memory_space<vmem>> -> memref<1x128xi32, #tpu.memory_space<vmem>>
      %dma_wait3A_501 = tpu.memref_squeeze %dma_wait3A_500 : memref<1x128xi32, #tpu.memory_space<vmem>> -> memref<128xi32, #tpu.memory_space<vmem>>
      %dma_wait3A_502 = arith.constant 0 : i32
      %dma_wait3A_503 = arith.constant 0 : i32
      %dma_wait3A_504 = tpu.memref_slice %arg10[%dma_wait3A_502, %dma_wait3A_503] : memref<10112x32xf32, #tpu.memory_space<vmem_shared>> -> memref<10112x32xf32, #tpu.memory_space<vmem_shared>>
      tpu.wait_indirect_dma semaphore(%arg11 : memref<!tpu.dma_semaphore, #tpu.memory_space<semaphore_mem>>) src(%dma_wait3A_504 : memref<10112x32xf32, #tpu.memory_space<vmem_shared>>) dst(%arg17 : memref<128x32xf32, #tpu.memory_space<vmem>>)
      %dma_wait3A_505 = arith.constant 0 : i32
      %dma_wait3A_506 = arith.constant 0 : i32
      %dma_wait3A_507 = tpu.memref_slice %arg7[%dma_wait3A_505, %dma_wait3A_506] : memref<80x128xi32, #tpu.memory_space<vmem>> -> memref<1x128xi32, #tpu.memory_space<vmem>>
      %dma_wait3A_508 = tpu.memref_squeeze %dma_wait3A_507 : memref<1x128xi32, #tpu.memory_space<vmem>> -> memref<128xi32, #tpu.memory_space<vmem>>
      %dma_wait3A_509 = arith.constant 0 : i32
      %dma_wait3A_510 = arith.constant 0 : i32
      %dma_wait3A_511 = tpu.memref_slice %arg10[%dma_wait3A_509, %dma_wait3A_510] : memref<10112x32xf32, #tpu.memory_space<vmem_shared>> -> memref<10112x32xf32, #tpu.memory_space<vmem_shared>>
      tpu.wait_indirect_dma semaphore(%arg11 : memref<!tpu.dma_semaphore, #tpu.memory_space<semaphore_mem>>) src(%dma_wait3A_511 : memref<10112x32xf32, #tpu.memory_space<vmem_shared>>) dst(%arg18 : memref<128x32xf32, #tpu.memory_space<vmem>>)
      %mul3A_512 = arith.constant 4 : i32
      %mul3A_513 = arith.muli %add3A_413, %mul3A_512 : i32
      %add3A_514 = arith.constant 0 : i32
      %add3A_515 = arith.addi %mul3A_513, %add3A_514 : i32
      %dma_start3A_516 = arith.constant 0 : i32
      %dma_start3A_517 = tpu.memref_slice %arg8[%add3A_515, %dma_start3A_516] : memref<80x128xi32, #tpu.memory_space<vmem>> -> memref<1x128xi32, #tpu.memory_space<vmem>>
      %dma_start3A_518 = tpu.memref_squeeze %dma_start3A_517 : memref<1x128xi32, #tpu.memory_space<vmem>> -> memref<128xi32, #tpu.memory_space<vmem>>
      %dma_start3A_519 = arith.constant 0 : i32
      %dma_start3A_520 = arith.constant 0 : i32
      %dma_start3A_521 = tpu.memref_slice %arg9[%dma_start3A_519, %dma_start3A_520] : memref<10112x32xf32, #tpu.memory_space<vmem_shared>> -> memref<10112x32xf32, #tpu.memory_space<vmem_shared>>
      tpu.enqueue_indirect_dma source(%arg15 : memref<128x32xf32, #tpu.memory_space<vmem>>) target(%dma_start3A_521 : memref<10112x32xf32, #tpu.memory_space<vmem_shared>>) offsets(%dma_start3A_518 : memref<128xi32, #tpu.memory_space<vmem>>) semaphore(%arg13 : memref<!tpu.dma_semaphore, #tpu.memory_space<semaphore_mem>>) {add = true}
      %mul3A_522 = arith.constant 4 : i32
      %mul3A_523 = arith.muli %add3A_413, %mul3A_522 : i32
      %add3A_524 = arith.constant 1 : i32
      %add3A_525 = arith.addi %mul3A_523, %add3A_524 : i32
      %dma_start3A_526 = arith.constant 0 : i32
      %dma_start3A_527 = tpu.memref_slice %arg8[%add3A_525, %dma_start3A_526] : memref<80x128xi32, #tpu.memory_space<vmem>> -> memref<1x128xi32, #tpu.memory_space<vmem>>
      %dma_start3A_528 = tpu.memref_squeeze %dma_start3A_527 : memref<1x128xi32, #tpu.memory_space<vmem>> -> memref<128xi32, #tpu.memory_space<vmem>>
      %dma_start3A_529 = arith.constant 0 : i32
      %dma_start3A_530 = arith.constant 0 : i32
      %dma_start3A_531 = tpu.memref_slice %arg9[%dma_start3A_529, %dma_start3A_530] : memref<10112x32xf32, #tpu.memory_space<vmem_shared>> -> memref<10112x32xf32, #tpu.memory_space<vmem_shared>>
      tpu.enqueue_indirect_dma source(%arg16 : memref<128x32xf32, #tpu.memory_space<vmem>>) target(%dma_start3A_531 : memref<10112x32xf32, #tpu.memory_space<vmem_shared>>) offsets(%dma_start3A_528 : memref<128xi32, #tpu.memory_space<vmem>>) semaphore(%arg13 : memref<!tpu.dma_semaphore, #tpu.memory_space<semaphore_mem>>) {add = true}
      %mul3A_532 = arith.constant 4 : i32
      %mul3A_533 = arith.muli %add3A_413, %mul3A_532 : i32
      %add3A_534 = arith.constant 2 : i32
      %add3A_535 = arith.addi %mul3A_533, %add3A_534 : i32
      %dma_start3A_536 = arith.constant 0 : i32
      %dma_start3A_537 = tpu.memref_slice %arg8[%add3A_535, %dma_start3A_536] : memref<80x128xi32, #tpu.memory_space<vmem>> -> memref<1x128xi32, #tpu.memory_space<vmem>>
      %dma_start3A_538 = tpu.memref_squeeze %dma_start3A_537 : memref<1x128xi32, #tpu.memory_space<vmem>> -> memref<128xi32, #tpu.memory_space<vmem>>
      %dma_start3A_539 = arith.constant 0 : i32
      %dma_start3A_540 = arith.constant 0 : i32
      %dma_start3A_541 = tpu.memref_slice %arg9[%dma_start3A_539, %dma_start3A_540] : memref<10112x32xf32, #tpu.memory_space<vmem_shared>> -> memref<10112x32xf32, #tpu.memory_space<vmem_shared>>
      tpu.enqueue_indirect_dma source(%arg17 : memref<128x32xf32, #tpu.memory_space<vmem>>) target(%dma_start3A_541 : memref<10112x32xf32, #tpu.memory_space<vmem_shared>>) offsets(%dma_start3A_538 : memref<128xi32, #tpu.memory_space<vmem>>) semaphore(%arg13 : memref<!tpu.dma_semaphore, #tpu.memory_space<semaphore_mem>>) {add = true}
      %mul3A_542 = arith.constant 4 : i32
      %mul3A_543 = arith.muli %add3A_413, %mul3A_542 : i32
      %add3A_544 = arith.constant 3 : i32
      %add3A_545 = arith.addi %mul3A_543, %add3A_544 : i32
      %dma_start3A_546 = arith.constant 0 : i32
      %dma_start3A_547 = tpu.memref_slice %arg8[%add3A_545, %dma_start3A_546] : memref<80x128xi32, #tpu.memory_space<vmem>> -> memref<1x128xi32, #tpu.memory_space<vmem>>
      %dma_start3A_548 = tpu.memref_squeeze %dma_start3A_547 : memref<1x128xi32, #tpu.memory_space<vmem>> -> memref<128xi32, #tpu.memory_space<vmem>>
      %dma_start3A_549 = arith.constant 0 : i32
      %dma_start3A_550 = arith.constant 0 : i32
      %dma_start3A_551 = tpu.memref_slice %arg9[%dma_start3A_549, %dma_start3A_550] : memref<10112x32xf32, #tpu.memory_space<vmem_shared>> -> memref<10112x32xf32, #tpu.memory_space<vmem_shared>>
      tpu.enqueue_indirect_dma source(%arg18 : memref<128x32xf32, #tpu.memory_space<vmem>>) target(%dma_start3A_551 : memref<10112x32xf32, #tpu.memory_space<vmem_shared>>) offsets(%dma_start3A_548 : memref<128xi32, #tpu.memory_space<vmem>>) semaphore(%arg13 : memref<!tpu.dma_semaphore, #tpu.memory_space<semaphore_mem>>) {add = true}
    }
    %while3A_138 = arith.constant 1 : i32
    scf.for %while3A_269 = %while3A_136 to %while3A_132 step %while3A_138  : i32 {
      %mul3A_270 = arith.constant 2 : i32
      %mul3A_271 = arith.muli %mul3A_270, %while3A_269 : i32
      %add3A_272 = arith.constant 1 : i32
      %add3A_273 = arith.addi %mul3A_271, %add3A_272 : i32
      %dma_wait3A_274 = arith.constant 0 : i32
      %dma_wait3A_275 = arith.constant 0 : i32
      %dma_wait3A_276 = tpu.memref_slice %arg8[%dma_wait3A_274, %dma_wait3A_275] : memref<80x128xi32, #tpu.memory_space<vmem>> -> memref<1x128xi32, #tpu.memory_space<vmem>>
      %dma_wait3A_277 = tpu.memref_squeeze %dma_wait3A_276 : memref<1x128xi32, #tpu.memory_space<vmem>> -> memref<128xi32, #tpu.memory_space<vmem>>
      %dma_wait3A_278 = arith.constant 0 : i32
      %dma_wait3A_279 = arith.constant 0 : i32
      %dma_wait3A_280 = tpu.memref_slice %arg9[%dma_wait3A_278, %dma_wait3A_279] : memref<10112x32xf32, #tpu.memory_space<vmem_shared>> -> memref<10112x32xf32, #tpu.memory_space<vmem_shared>>
      tpu.wait_indirect_dma semaphore(%arg13 : memref<!tpu.dma_semaphore, #tpu.memory_space<semaphore_mem>>) src(%arg15 : memref<128x32xf32, #tpu.memory_space<vmem>>) dst(%dma_wait3A_280 : memref<10112x32xf32, #tpu.memory_space<vmem_shared>>)
      %dma_wait3A_281 = arith.constant 0 : i32
      %dma_wait3A_282 = arith.constant 0 : i32
      %dma_wait3A_283 = tpu.memref_slice %arg8[%dma_wait3A_281, %dma_wait3A_282] : memref<80x128xi32, #tpu.memory_space<vmem>> -> memref<1x128xi32, #tpu.memory_space<vmem>>
      %dma_wait3A_284 = tpu.memref_squeeze %dma_wait3A_283 : memref<1x128xi32, #tpu.memory_space<vmem>> -> memref<128xi32, #tpu.memory_space<vmem>>
      %dma_wait3A_285 = arith.constant 0 : i32
      %dma_wait3A_286 = arith.constant 0 : i32
      %dma_wait3A_287 = tpu.memref_slice %arg9[%dma_wait3A_285, %dma_wait3A_286] : memref<10112x32xf32, #tpu.memory_space<vmem_shared>> -> memref<10112x32xf32, #tpu.memory_space<vmem_shared>>
      tpu.wait_indirect_dma semaphore(%arg13 : memref<!tpu.dma_semaphore, #tpu.memory_space<semaphore_mem>>) src(%arg16 : memref<128x32xf32, #tpu.memory_space<vmem>>) dst(%dma_wait3A_287 : memref<10112x32xf32, #tpu.memory_space<vmem_shared>>)
      %dma_wait3A_288 = arith.constant 0 : i32
      %dma_wait3A_289 = arith.constant 0 : i32
      %dma_wait3A_290 = tpu.memref_slice %arg8[%dma_wait3A_288, %dma_wait3A_289] : memref<80x128xi32, #tpu.memory_space<vmem>> -> memref<1x128xi32, #tpu.memory_space<vmem>>
      %dma_wait3A_291 = tpu.memref_squeeze %dma_wait3A_290 : memref<1x128xi32, #tpu.memory_space<vmem>> -> memref<128xi32, #tpu.memory_space<vmem>>
      %dma_wait3A_292 = arith.constant 0 : i32
      %dma_wait3A_293 = arith.constant 0 : i32
      %dma_wait3A_294 = tpu.memref_slice %arg9[%dma_wait3A_292, %dma_wait3A_293] : memref<10112x32xf32, #tpu.memory_space<vmem_shared>> -> memref<10112x32xf32, #tpu.memory_space<vmem_shared>>
      tpu.wait_indirect_dma semaphore(%arg13 : memref<!tpu.dma_semaphore, #tpu.memory_space<semaphore_mem>>) src(%arg17 : memref<128x32xf32, #tpu.memory_space<vmem>>) dst(%dma_wait3A_294 : memref<10112x32xf32, #tpu.memory_space<vmem_shared>>)
      %dma_wait3A_295 = arith.constant 0 : i32
      %dma_wait3A_296 = arith.constant 0 : i32
      %dma_wait3A_297 = tpu.memref_slice %arg8[%dma_wait3A_295, %dma_wait3A_296] : memref<80x128xi32, #tpu.memory_space<vmem>> -> memref<1x128xi32, #tpu.memory_space<vmem>>
      %dma_wait3A_298 = tpu.memref_squeeze %dma_wait3A_297 : memref<1x128xi32, #tpu.memory_space<vmem>> -> memref<128xi32, #tpu.memory_space<vmem>>
      %dma_wait3A_299 = arith.constant 0 : i32
      %dma_wait3A_300 = arith.constant 0 : i32
      %dma_wait3A_301 = tpu.memref_slice %arg9[%dma_wait3A_299, %dma_wait3A_300] : memref<10112x32xf32, #tpu.memory_space<vmem_shared>> -> memref<10112x32xf32, #tpu.memory_space<vmem_shared>>
      tpu.wait_indirect_dma semaphore(%arg13 : memref<!tpu.dma_semaphore, #tpu.memory_space<semaphore_mem>>) src(%arg18 : memref<128x32xf32, #tpu.memory_space<vmem>>) dst(%dma_wait3A_301 : memref<10112x32xf32, #tpu.memory_space<vmem_shared>>)
      %add3A_302 = arith.constant 1 : i32
      %add3A_303 = arith.addi %add3A_273, %add3A_302 : i32
      %mul3A_304 = arith.constant 4 : i32
      %mul3A_305 = arith.muli %add3A_303, %mul3A_304 : i32
      %add3A_306 = arith.constant 0 : i32
      %add3A_307 = arith.addi %mul3A_305, %add3A_306 : i32
      %dma_start3A_308 = arith.constant 0 : i32
      %dma_start3A_309 = tpu.memref_slice %arg7[%add3A_307, %dma_start3A_308] : memref<80x128xi32, #tpu.memory_space<vmem>> -> memref<1x128xi32, #tpu.memory_space<vmem>>
      %dma_start3A_310 = tpu.memref_squeeze %dma_start3A_309 : memref<1x128xi32, #tpu.memory_space<vmem>> -> memref<128xi32, #tpu.memory_space<vmem>>
      %dma_start3A_311 = arith.constant 0 : i32
      %dma_start3A_312 = arith.constant 0 : i32
      %dma_start3A_313 = tpu.memref_slice %arg10[%dma_start3A_311, %dma_start3A_312] : memref<10112x32xf32, #tpu.memory_space<vmem_shared>> -> memref<10112x32xf32, #tpu.memory_space<vmem_shared>>
      tpu.enqueue_indirect_dma source(%dma_start3A_313 : memref<10112x32xf32, #tpu.memory_space<vmem_shared>>) target(%arg15 : memref<128x32xf32, #tpu.memory_space<vmem>>) offsets(%dma_start3A_310 : memref<128xi32, #tpu.memory_space<vmem>>) semaphore(%arg11 : memref<!tpu.dma_semaphore, #tpu.memory_space<semaphore_mem>>)
      %mul3A_314 = arith.constant 4 : i32
      %mul3A_315 = arith.muli %add3A_303, %mul3A_314 : i32
      %add3A_316 = arith.constant 1 : i32
      %add3A_317 = arith.addi %mul3A_315, %add3A_316 : i32
      %dma_start3A_318 = arith.constant 0 : i32
      %dma_start3A_319 = tpu.memref_slice %arg7[%add3A_317, %dma_start3A_318] : memref<80x128xi32, #tpu.memory_space<vmem>> -> memref<1x128xi32, #tpu.memory_space<vmem>>
      %dma_start3A_320 = tpu.memref_squeeze %dma_start3A_319 : memref<1x128xi32, #tpu.memory_space<vmem>> -> memref<128xi32, #tpu.memory_space<vmem>>
      %dma_start3A_321 = arith.constant 0 : i32
      %dma_start3A_322 = arith.constant 0 : i32
      %dma_start3A_323 = tpu.memref_slice %arg10[%dma_start3A_321, %dma_start3A_322] : memref<10112x32xf32, #tpu.memory_space<vmem_shared>> -> memref<10112x32xf32, #tpu.memory_space<vmem_shared>>
      tpu.enqueue_indirect_dma source(%dma_start3A_323 : memref<10112x32xf32, #tpu.memory_space<vmem_shared>>) target(%arg16 : memref<128x32xf32, #tpu.memory_space<vmem>>) offsets(%dma_start3A_320 : memref<128xi32, #tpu.memory_space<vmem>>) semaphore(%arg11 : memref<!tpu.dma_semaphore, #tpu.memory_space<semaphore_mem>>)
      %mul3A_324 = arith.constant 4 : i32
      %mul3A_325 = arith.muli %add3A_303, %mul3A_324 : i32
      %add3A_326 = arith.constant 2 : i32
      %add3A_327 = arith.addi %mul3A_325, %add3A_326 : i32
      %dma_start3A_328 = arith.constant 0 : i32
      %dma_start3A_329 = tpu.memref_slice %arg7[%add3A_327, %dma_start3A_328] : memref<80x128xi32, #tpu.memory_space<vmem>> -> memref<1x128xi32, #tpu.memory_space<vmem>>
      %dma_start3A_330 = tpu.memref_squeeze %dma_start3A_329 : memref<1x128xi32, #tpu.memory_space<vmem>> -> memref<128xi32, #tpu.memory_space<vmem>>
      %dma_start3A_331 = arith.constant 0 : i32
      %dma_start3A_332 = arith.constant 0 : i32
      %dma_start3A_333 = tpu.memref_slice %arg10[%dma_start3A_331, %dma_start3A_332] : memref<10112x32xf32, #tpu.memory_space<vmem_shared>> -> memref<10112x32xf32, #tpu.memory_space<vmem_shared>>
      tpu.enqueue_indirect_dma source(%dma_start3A_333 : memref<10112x32xf32, #tpu.memory_space<vmem_shared>>) target(%arg17 : memref<128x32xf32, #tpu.memory_space<vmem>>) offsets(%dma_start3A_330 : memref<128xi32, #tpu.memory_space<vmem>>) semaphore(%arg11 : memref<!tpu.dma_semaphore, #tpu.memory_space<semaphore_mem>>)
      %mul3A_334 = arith.constant 4 : i32
      %mul3A_335 = arith.muli %add3A_303, %mul3A_334 : i32
      %add3A_336 = arith.constant 3 : i32
      %add3A_337 = arith.addi %mul3A_335, %add3A_336 : i32
      %dma_start3A_338 = arith.constant 0 : i32
      %dma_start3A_339 = tpu.memref_slice %arg7[%add3A_337, %dma_start3A_338] : memref<80x128xi32, #tpu.memory_space<vmem>> -> memref<1x128xi32, #tpu.memory_space<vmem>>
      %dma_start3A_340 = tpu.memref_squeeze %dma_start3A_339 : memref<1x128xi32, #tpu.memory_space<vmem>> -> memref<128xi32, #tpu.memory_space<vmem>>
      %dma_start3A_341 = arith.constant 0 : i32
      %dma_start3A_342 = arith.constant 0 : i32
      %dma_start3A_343 = tpu.memref_slice %arg10[%dma_start3A_341, %dma_start3A_342] : memref<10112x32xf32, #tpu.memory_space<vmem_shared>> -> memref<10112x32xf32, #tpu.memory_space<vmem_shared>>
      tpu.enqueue_indirect_dma source(%dma_start3A_343 : memref<10112x32xf32, #tpu.memory_space<vmem_shared>>) target(%arg18 : memref<128x32xf32, #tpu.memory_space<vmem>>) offsets(%dma_start3A_340 : memref<128xi32, #tpu.memory_space<vmem>>) semaphore(%arg11 : memref<!tpu.dma_semaphore, #tpu.memory_space<semaphore_mem>>)
      %dma_wait3A_344 = arith.constant 0 : i32
      %dma_wait3A_345 = arith.constant 0 : i32
      %dma_wait3A_346 = tpu.memref_slice %arg7[%dma_wait3A_344, %dma_wait3A_345] : memref<80x128xi32, #tpu.memory_space<vmem>> -> memref<1x128xi32, #tpu.memory_space<vmem>>
      %dma_wait3A_347 = tpu.memref_squeeze %dma_wait3A_346 : memref<1x128xi32, #tpu.memory_space<vmem>> -> memref<128xi32, #tpu.memory_space<vmem>>
      %dma_wait3A_348 = arith.constant 0 : i32
      %dma_wait3A_349 = arith.constant 0 : i32
      %dma_wait3A_350 = tpu.memref_slice %arg10[%dma_wait3A_348, %dma_wait3A_349] : memref<10112x32xf32, #tpu.memory_space<vmem_shared>> -> memref<10112x32xf32, #tpu.memory_space<vmem_shared>>
      tpu.wait_indirect_dma semaphore(%arg12 : memref<!tpu.dma_semaphore, #tpu.memory_space<semaphore_mem>>) src(%dma_wait3A_350 : memref<10112x32xf32, #tpu.memory_space<vmem_shared>>) dst(%arg19 : memref<128x32xf32, #tpu.memory_space<vmem>>)
      %dma_wait3A_351 = arith.constant 0 : i32
      %dma_wait3A_352 = arith.constant 0 : i32
      %dma_wait3A_353 = tpu.memref_slice %arg7[%dma_wait3A_351, %dma_wait3A_352] : memref<80x128xi32, #tpu.memory_space<vmem>> -> memref<1x128xi32, #tpu.memory_space<vmem>>
      %dma_wait3A_354 = tpu.memref_squeeze %dma_wait3A_353 : memref<1x128xi32, #tpu.memory_space<vmem>> -> memref<128xi32, #tpu.memory_space<vmem>>
      %dma_wait3A_355 = arith.constant 0 : i32
      %dma_wait3A_356 = arith.constant 0 : i32
      %dma_wait3A_357 = tpu.memref_slice %arg10[%dma_wait3A_355, %dma_wait3A_356] : memref<10112x32xf32, #tpu.memory_space<vmem_shared>> -> memref<10112x32xf32, #tpu.memory_space<vmem_shared>>
      tpu.wait_indirect_dma semaphore(%arg12 : memref<!tpu.dma_semaphore, #tpu.memory_space<semaphore_mem>>) src(%dma_wait3A_357 : memref<10112x32xf32, #tpu.memory_space<vmem_shared>>) dst(%arg20 : memref<128x32xf32, #tpu.memory_space<vmem>>)
      %dma_wait3A_358 = arith.constant 0 : i32
      %dma_wait3A_359 = arith.constant 0 : i32
      %dma_wait3A_360 = tpu.memref_slice %arg7[%dma_wait3A_358, %dma_wait3A_359] : memref<80x128xi32, #tpu.memory_space<vmem>> -> memref<1x128xi32, #tpu.memory_space<vmem>>
      %dma_wait3A_361 = tpu.memref_squeeze %dma_wait3A_360 : memref<1x128xi32, #tpu.memory_space<vmem>> -> memref<128xi32, #tpu.memory_space<vmem>>
      %dma_wait3A_362 = arith.constant 0 : i32
      %dma_wait3A_363 = arith.constant 0 : i32
      %dma_wait3A_364 = tpu.memref_slice %arg10[%dma_wait3A_362, %dma_wait3A_363] : memref<10112x32xf32, #tpu.memory_space<vmem_shared>> -> memref<10112x32xf32, #tpu.memory_space<vmem_shared>>
      tpu.wait_indirect_dma semaphore(%arg12 : memref<!tpu.dma_semaphore, #tpu.memory_space<semaphore_mem>>) src(%dma_wait3A_364 : memref<10112x32xf32, #tpu.memory_space<vmem_shared>>) dst(%arg21 : memref<128x32xf32, #tpu.memory_space<vmem>>)
      %dma_wait3A_365 = arith.constant 0 : i32
      %dma_wait3A_366 = arith.constant 0 : i32
      %dma_wait3A_367 = tpu.memref_slice %arg7[%dma_wait3A_365, %dma_wait3A_366] : memref<80x128xi32, #tpu.memory_space<vmem>> -> memref<1x128xi32, #tpu.memory_space<vmem>>
      %dma_wait3A_368 = tpu.memref_squeeze %dma_wait3A_367 : memref<1x128xi32, #tpu.memory_space<vmem>> -> memref<128xi32, #tpu.memory_space<vmem>>
      %dma_wait3A_369 = arith.constant 0 : i32
      %dma_wait3A_370 = arith.constant 0 : i32
      %dma_wait3A_371 = tpu.memref_slice %arg10[%dma_wait3A_369, %dma_wait3A_370] : memref<10112x32xf32, #tpu.memory_space<vmem_shared>> -> memref<10112x32xf32, #tpu.memory_space<vmem_shared>>
      tpu.wait_indirect_dma semaphore(%arg12 : memref<!tpu.dma_semaphore, #tpu.memory_space<semaphore_mem>>) src(%dma_wait3A_371 : memref<10112x32xf32, #tpu.memory_space<vmem_shared>>) dst(%arg22 : memref<128x32xf32, #tpu.memory_space<vmem>>)
      %mul3A_372 = arith.constant 4 : i32
      %mul3A_373 = arith.muli %add3A_273, %mul3A_372 : i32
      %add3A_374 = arith.constant 0 : i32
      %add3A_375 = arith.addi %mul3A_373, %add3A_374 : i32
      %dma_start3A_376 = arith.constant 0 : i32
      %dma_start3A_377 = tpu.memref_slice %arg8[%add3A_375, %dma_start3A_376] : memref<80x128xi32, #tpu.memory_space<vmem>> -> memref<1x128xi32, #tpu.memory_space<vmem>>
      %dma_start3A_378 = tpu.memref_squeeze %dma_start3A_377 : memref<1x128xi32, #tpu.memory_space<vmem>> -> memref<128xi32, #tpu.memory_space<vmem>>
      %dma_start3A_379 = arith.constant 0 : i32
      %dma_start3A_380 = arith.constant 0 : i32
      %dma_start3A_381 = tpu.memref_slice %arg9[%dma_start3A_379, %dma_start3A_380] : memref<10112x32xf32, #tpu.memory_space<vmem_shared>> -> memref<10112x32xf32, #tpu.memory_space<vmem_shared>>
      tpu.enqueue_indirect_dma source(%arg19 : memref<128x32xf32, #tpu.memory_space<vmem>>) target(%dma_start3A_381 : memref<10112x32xf32, #tpu.memory_space<vmem_shared>>) offsets(%dma_start3A_378 : memref<128xi32, #tpu.memory_space<vmem>>) semaphore(%arg14 : memref<!tpu.dma_semaphore, #tpu.memory_space<semaphore_mem>>) {add = true}
      %mul3A_382 = arith.constant 4 : i32
      %mul3A_383 = arith.muli %add3A_273, %mul3A_382 : i32
      %add3A_384 = arith.constant 1 : i32
      %add3A_385 = arith.addi %mul3A_383, %add3A_384 : i32
      %dma_start3A_386 = arith.constant 0 : i32
      %dma_start3A_387 = tpu.memref_slice %arg8[%add3A_385, %dma_start3A_386] : memref<80x128xi32, #tpu.memory_space<vmem>> -> memref<1x128xi32, #tpu.memory_space<vmem>>
      %dma_start3A_388 = tpu.memref_squeeze %dma_start3A_387 : memref<1x128xi32, #tpu.memory_space<vmem>> -> memref<128xi32, #tpu.memory_space<vmem>>
      %dma_start3A_389 = arith.constant 0 : i32
      %dma_start3A_390 = arith.constant 0 : i32
      %dma_start3A_391 = tpu.memref_slice %arg9[%dma_start3A_389, %dma_start3A_390] : memref<10112x32xf32, #tpu.memory_space<vmem_shared>> -> memref<10112x32xf32, #tpu.memory_space<vmem_shared>>
      tpu.enqueue_indirect_dma source(%arg20 : memref<128x32xf32, #tpu.memory_space<vmem>>) target(%dma_start3A_391 : memref<10112x32xf32, #tpu.memory_space<vmem_shared>>) offsets(%dma_start3A_388 : memref<128xi32, #tpu.memory_space<vmem>>) semaphore(%arg14 : memref<!tpu.dma_semaphore, #tpu.memory_space<semaphore_mem>>) {add = true}
      %mul3A_392 = arith.constant 4 : i32
      %mul3A_393 = arith.muli %add3A_273, %mul3A_392 : i32
      %add3A_394 = arith.constant 2 : i32
      %add3A_395 = arith.addi %mul3A_393, %add3A_394 : i32
      %dma_start3A_396 = arith.constant 0 : i32
      %dma_start3A_397 = tpu.memref_slice %arg8[%add3A_395, %dma_start3A_396] : memref<80x128xi32, #tpu.memory_space<vmem>> -> memref<1x128xi32, #tpu.memory_space<vmem>>
      %dma_start3A_398 = tpu.memref_squeeze %dma_start3A_397 : memref<1x128xi32, #tpu.memory_space<vmem>> -> memref<128xi32, #tpu.memory_space<vmem>>
      %dma_start3A_399 = arith.constant 0 : i32
      %dma_start3A_400 = arith.constant 0 : i32
      %dma_start3A_401 = tpu.memref_slice %arg9[%dma_start3A_399, %dma_start3A_400] : memref<10112x32xf32, #tpu.memory_space<vmem_shared>> -> memref<10112x32xf32, #tpu.memory_space<vmem_shared>>
      tpu.enqueue_indirect_dma source(%arg21 : memref<128x32xf32, #tpu.memory_space<vmem>>) target(%dma_start3A_401 : memref<10112x32xf32, #tpu.memory_space<vmem_shared>>) offsets(%dma_start3A_398 : memref<128xi32, #tpu.memory_space<vmem>>) semaphore(%arg14 : memref<!tpu.dma_semaphore, #tpu.memory_space<semaphore_mem>>) {add = true}
      %mul3A_402 = arith.constant 4 : i32
      %mul3A_403 = arith.muli %add3A_273, %mul3A_402 : i32
      %add3A_404 = arith.constant 3 : i32
      %add3A_405 = arith.addi %mul3A_403, %add3A_404 : i32
      %dma_start3A_406 = arith.constant 0 : i32
      %dma_start3A_407 = tpu.memref_slice %arg8[%add3A_405, %dma_start3A_406] : memref<80x128xi32, #tpu.memory_space<vmem>> -> memref<1x128xi32, #tpu.memory_space<vmem>>
      %dma_start3A_408 = tpu.memref_squeeze %dma_start3A_407 : memref<1x128xi32, #tpu.memory_space<vmem>> -> memref<128xi32, #tpu.memory_space<vmem>>
      %dma_start3A_409 = arith.constant 0 : i32
      %dma_start3A_410 = arith.constant 0 : i32
      %dma_start3A_411 = tpu.memref_slice %arg9[%dma_start3A_409, %dma_start3A_410] : memref<10112x32xf32, #tpu.memory_space<vmem_shared>> -> memref<10112x32xf32, #tpu.memory_space<vmem_shared>>
      tpu.enqueue_indirect_dma source(%arg22 : memref<128x32xf32, #tpu.memory_space<vmem>>) target(%dma_start3A_411 : memref<10112x32xf32, #tpu.memory_space<vmem_shared>>) offsets(%dma_start3A_408 : memref<128xi32, #tpu.memory_space<vmem>>) semaphore(%arg14 : memref<!tpu.dma_semaphore, #tpu.memory_space<semaphore_mem>>) {add = true}
      %add3A_412 = arith.constant 1 : i32
      %add3A_413 = arith.addi %add3A_273, %add3A_412 : i32
      %dma_wait3A_414 = arith.constant 0 : i32
      %dma_wait3A_415 = arith.constant 0 : i32
      %dma_wait3A_416 = tpu.memref_slice %arg8[%dma_wait3A_414, %dma_wait3A_415] : memref<80x128xi32, #tpu.memory_space<vmem>> -> memref<1x128xi32, #tpu.memory_space<vmem>>
      %dma_wait3A_417 = tpu.memref_squeeze %dma_wait3A_416 : memref<1x128xi32, #tpu.memory_space<vmem>> -> memref<128xi32, #tpu.memory_space<vmem>>
      %dma_wait3A_418 = arith.constant 0 : i32
      %dma_wait3A_419 = arith.constant 0 : i32
      %dma_wait3A_420 = tpu.memref_slice %arg9[%dma_wait3A_418, %dma_wait3A_419] : memref<10112x32xf32, #tpu.memory_space<vmem_shared>> -> memref<10112x32xf32, #tpu.memory_space<vmem_shared>>
      tpu.wait_indirect_dma semaphore(%arg14 : memref<!tpu.dma_semaphore, #tpu.memory_space<semaphore_mem>>) src(%arg19 : memref<128x32xf32, #tpu.memory_space<vmem>>) dst(%dma_wait3A_420 : memref<10112x32xf32, #tpu.memory_space<vmem_shared>>)
      %dma_wait3A_421 = arith.constant 0 : i32
      %dma_wait3A_422 = arith.constant 0 : i32
      %dma_wait3A_423 = tpu.memref_slice %arg8[%dma_wait3A_421, %dma_wait3A_422] : memref<80x128xi32, #tpu.memory_space<vmem>> -> memref<1x128xi32, #tpu.memory_space<vmem>>
      %dma_wait3A_424 = tpu.memref_squeeze %dma_wait3A_423 : memref<1x128xi32, #tpu.memory_space<vmem>> -> memref<128xi32, #tpu.memory_space<vmem>>
      %dma_wait3A_425 = arith.constant 0 : i32
      %dma_wait3A_426 = arith.constant 0 : i32
      %dma_wait3A_427 = tpu.memref_slice %arg9[%dma_wait3A_425, %dma_wait3A_426] : memref<10112x32xf32, #tpu.memory_space<vmem_shared>> -> memref<10112x32xf32, #tpu.memory_space<vmem_shared>>
      tpu.wait_indirect_dma semaphore(%arg14 : memref<!tpu.dma_semaphore, #tpu.memory_space<semaphore_mem>>) src(%arg20 : memref<128x32xf32, #tpu.memory_space<vmem>>) dst(%dma_wait3A_427 : memref<10112x32xf32, #tpu.memory_space<vmem_shared>>)
      %dma_wait3A_428 = arith.constant 0 : i32
      %dma_wait3A_429 = arith.constant 0 : i32
      %dma_wait3A_430 = tpu.memref_slice %arg8[%dma_wait3A_428, %dma_wait3A_429] : memref<80x128xi32, #tpu.memory_space<vmem>> -> memref<1x128xi32, #tpu.memory_space<vmem>>
      %dma_wait3A_431 = tpu.memref_squeeze %dma_wait3A_430 : memref<1x128xi32, #tpu.memory_space<vmem>> -> memref<128xi32, #tpu.memory_space<vmem>>
      %dma_wait3A_432 = arith.constant 0 : i32
      %dma_wait3A_433 = arith.constant 0 : i32
      %dma_wait3A_434 = tpu.memref_slice %arg9[%dma_wait3A_432, %dma_wait3A_433] : memref<10112x32xf32, #tpu.memory_space<vmem_shared>> -> memref<10112x32xf32, #tpu.memory_space<vmem_shared>>
      tpu.wait_indirect_dma semaphore(%arg14 : memref<!tpu.dma_semaphore, #tpu.memory_space<semaphore_mem>>) src(%arg21 : memref<128x32xf32, #tpu.memory_space<vmem>>) dst(%dma_wait3A_434 : memref<10112x32xf32, #tpu.memory_space<vmem_shared>>)
      %dma_wait3A_435 = arith.constant 0 : i32
      %dma_wait3A_436 = arith.constant 0 : i32
      %dma_wait3A_437 = tpu.memref_slice %arg8[%dma_wait3A_435, %dma_wait3A_436] : memref<80x128xi32, #tpu.memory_space<vmem>> -> memref<1x128xi32, #tpu.memory_space<vmem>>
      %dma_wait3A_438 = tpu.memref_squeeze %dma_wait3A_437 : memref<1x128xi32, #tpu.memory_space<vmem>> -> memref<128xi32, #tpu.memory_space<vmem>>
      %dma_wait3A_439 = arith.constant 0 : i32
      %dma_wait3A_440 = arith.constant 0 : i32
      %dma_wait3A_441 = tpu.memref_slice %arg9[%dma_wait3A_439, %dma_wait3A_440] : memref<10112x32xf32, #tpu.memory_space<vmem_shared>> -> memref<10112x32xf32, #tpu.memory_space<vmem_shared>>
      tpu.wait_indirect_dma semaphore(%arg14 : memref<!tpu.dma_semaphore, #tpu.memory_space<semaphore_mem>>) src(%arg22 : memref<128x32xf32, #tpu.memory_space<vmem>>) dst(%dma_wait3A_441 : memref<10112x32xf32, #tpu.memory_space<vmem_shared>>)
      %add3A_442 = arith.constant 1 : i32
      %add3A_443 = arith.addi %add3A_413, %add3A_442 : i32
      %mul3A_444 = arith.constant 4 : i32
      %mul3A_445 = arith.muli %add3A_443, %mul3A_444 : i32
      %add3A_446 = arith.constant 0 : i32
      %add3A_447 = arith.addi %mul3A_445, %add3A_446 : i32
      %dma_start3A_448 = arith.constant 0 : i32
      %dma_start3A_449 = tpu.memref_slice %arg7[%add3A_447, %dma_start3A_448] : memref<80x128xi32, #tpu.memory_space<vmem>> -> memref<1x128xi32, #tpu.memory_space<vmem>>
      %dma_start3A_450 = tpu.memref_squeeze %dma_start3A_449 : memref<1x128xi32, #tpu.memory_space<vmem>> -> memref<128xi32, #tpu.memory_space<vmem>>
      %dma_start3A_451 = arith.constant 0 : i32
      %dma_start3A_452 = arith.constant 0 : i32
      %dma_start3A_453 = tpu.memref_slice %arg10[%dma_start3A_451, %dma_start3A_452] : memref<10112x32xf32, #tpu.memory_space<vmem_shared>> -> memref<10112x32xf32, #tpu.memory_space<vmem_shared>>
      tpu.enqueue_indirect_dma source(%dma_start3A_453 : memref<10112x32xf32, #tpu.memory_space<vmem_shared>>) target(%arg19 : memref<128x32xf32, #tpu.memory_space<vmem>>) offsets(%dma_start3A_450 : memref<128xi32, #tpu.memory_space<vmem>>) semaphore(%arg12 : memref<!tpu.dma_semaphore, #tpu.memory_space<semaphore_mem>>)
      %mul3A_454 = arith.constant 4 : i32
      %mul3A_455 = arith.muli %add3A_443, %mul3A_454 : i32
      %add3A_456 = arith.constant 1 : i32
      %add3A_457 = arith.addi %mul3A_455, %add3A_456 : i32
      %dma_start3A_458 = arith.constant 0 : i32
      %dma_start3A_459 = tpu.memref_slice %arg7[%add3A_457, %dma_start3A_458] : memref<80x128xi32, #tpu.memory_space<vmem>> -> memref<1x128xi32, #tpu.memory_space<vmem>>
      %dma_start3A_460 = tpu.memref_squeeze %dma_start3A_459 : memref<1x128xi32, #tpu.memory_space<vmem>> -> memref<128xi32, #tpu.memory_space<vmem>>
      %dma_start3A_461 = arith.constant 0 : i32
      %dma_start3A_462 = arith.constant 0 : i32
      %dma_start3A_463 = tpu.memref_slice %arg10[%dma_start3A_461, %dma_start3A_462] : memref<10112x32xf32, #tpu.memory_space<vmem_shared>> -> memref<10112x32xf32, #tpu.memory_space<vmem_shared>>
      tpu.enqueue_indirect_dma source(%dma_start3A_463 : memref<10112x32xf32, #tpu.memory_space<vmem_shared>>) target(%arg20 : memref<128x32xf32, #tpu.memory_space<vmem>>) offsets(%dma_start3A_460 : memref<128xi32, #tpu.memory_space<vmem>>) semaphore(%arg12 : memref<!tpu.dma_semaphore, #tpu.memory_space<semaphore_mem>>)
      %mul3A_464 = arith.constant 4 : i32
      %mul3A_465 = arith.muli %add3A_443, %mul3A_464 : i32
      %add3A_466 = arith.constant 2 : i32
      %add3A_467 = arith.addi %mul3A_465, %add3A_466 : i32
      %dma_start3A_468 = arith.constant 0 : i32
      %dma_start3A_469 = tpu.memref_slice %arg7[%add3A_467, %dma_start3A_468] : memref<80x128xi32, #tpu.memory_space<vmem>> -> memref<1x128xi32, #tpu.memory_space<vmem>>
      %dma_start3A_470 = tpu.memref_squeeze %dma_start3A_469 : memref<1x128xi32, #tpu.memory_space<vmem>> -> memref<128xi32, #tpu.memory_space<vmem>>
      %dma_start3A_471 = arith.constant 0 : i32
      %dma_start3A_472 = arith.constant 0 : i32
      %dma_start3A_473 = tpu.memref_slice %arg10[%dma_start3A_471, %dma_start3A_472] : memref<10112x32xf32, #tpu.memory_space<vmem_shared>> -> memref<10112x32xf32, #tpu.memory_space<vmem_shared>>
      tpu.enqueue_indirect_dma source(%dma_start3A_473 : memref<10112x32xf32, #tpu.memory_space<vmem_shared>>) target(%arg21 : memref<128x32xf32, #tpu.memory_space<vmem>>) offsets(%dma_start3A_470 : memref<128xi32, #tpu.memory_space<vmem>>) semaphore(%arg12 : memref<!tpu.dma_semaphore, #tpu.memory_space<semaphore_mem>>)
      %mul3A_474 = arith.constant 4 : i32
      %mul3A_475 = arith.muli %add3A_443, %mul3A_474 : i32
      %add3A_476 = arith.constant 3 : i32
      %add3A_477 = arith.addi %mul3A_475, %add3A_476 : i32
      %dma_start3A_478 = arith.constant 0 : i32
      %dma_start3A_479 = tpu.memref_slice %arg7[%add3A_477, %dma_start3A_478] : memref<80x128xi32, #tpu.memory_space<vmem>> -> memref<1x128xi32, #tpu.memory_space<vmem>>
      %dma_start3A_480 = tpu.memref_squeeze %dma_start3A_479 : memref<1x128xi32, #tpu.memory_space<vmem>> -> memref<128xi32, #tpu.memory_space<vmem>>
      %dma_start3A_481 = arith.constant 0 : i32
      %dma_start3A_482 = arith.constant 0 : i32
      %dma_start3A_483 = tpu.memref_slice %arg10[%dma_start3A_481, %dma_start3A_482] : memref<10112x32xf32, #tpu.memory_space<vmem_shared>> -> memref<10112x32xf32, #tpu.memory_space<vmem_shared>>
      tpu.enqueue_indirect_dma source(%dma_start3A_483 : memref<10112x32xf32, #tpu.memory_space<vmem_shared>>) target(%arg22 : memref<128x32xf32, #tpu.memory_space<vmem>>) offsets(%dma_start3A_480 : memref<128xi32, #tpu.memory_space<vmem>>) semaphore(%arg12 : memref<!tpu.dma_semaphore, #tpu.memory_space<semaphore_mem>>)
      %dma_wait3A_484 = arith.constant 0 : i32
      %dma_wait3A_485 = arith.constant 0 : i32
      %dma_wait3A_486 = tpu.memref_slice %arg7[%dma_wait3A_484, %dma_wait3A_485] : memref<80x128xi32, #tpu.memory_space<vmem>> -> memref<1x128xi32, #tpu.memory_space<vmem>>
      %dma_wait3A_487 = tpu.memref_squeeze %dma_wait3A_486 : memref<1x128xi32, #tpu.memory_space<vmem>> -> memref<128xi32, #tpu.memory_space<vmem>>
      %dma_wait3A_488 = arith.constant 0 : i32
      %dma_wait3A_489 = arith.constant 0 : i32
      %dma_wait3A_490 = tpu.memref_slice %arg10[%dma_wait3A_488, %dma_wait3A_489] : memref<10112x32xf32, #tpu.memory_space<vmem_shared>> -> memref<10112x32xf32, #tpu.memory_space<vmem_shared>>
      tpu.wait_indirect_dma semaphore(%arg11 : memref<!tpu.dma_semaphore, #tpu.memory_space<semaphore_mem>>) src(%dma_wait3A_490 : memref<10112x32xf32, #tpu.memory_space<vmem_shared>>) dst(%arg15 : memref<128x32xf32, #tpu.memory_space<vmem>>)
      %dma_wait3A_491 = arith.constant 0 : i32
      %dma_wait3A_492 = arith.constant 0 : i32
      %dma_wait3A_493 = tpu.memref_slice %arg7[%dma_wait3A_491, %dma_wait3A_492] : memref<80x128xi32, #tpu.memory_space<vmem>> -> memref<1x128xi32, #tpu.memory_space<vmem>>
      %dma_wait3A_494 = tpu.memref_squeeze %dma_wait3A_493 : memref<1x128xi32, #tpu.memory_space<vmem>> -> memref<128xi32, #tpu.memory_space<vmem>>
      %dma_wait3A_495 = arith.constant 0 : i32
      %dma_wait3A_496 = arith.constant 0 : i32
      %dma_wait3A_497 = tpu.memref_slice %arg10[%dma_wait3A_495, %dma_wait3A_496] : memref<10112x32xf32, #tpu.memory_space<vmem_shared>> -> memref<10112x32xf32, #tpu.memory_space<vmem_shared>>
      tpu.wait_indirect_dma semaphore(%arg11 : memref<!tpu.dma_semaphore, #tpu.memory_space<semaphore_mem>>) src(%dma_wait3A_497 : memref<10112x32xf32, #tpu.memory_space<vmem_shared>>) dst(%arg16 : memref<128x32xf32, #tpu.memory_space<vmem>>)
      %dma_wait3A_498 = arith.constant 0 : i32
      %dma_wait3A_499 = arith.constant 0 : i32
      %dma_wait3A_500 = tpu.memref_slice %arg7[%dma_wait3A_498, %dma_wait3A_499] : memref<80x128xi32, #tpu.memory_space<vmem>> -> memref<1x128xi32, #tpu.memory_space<vmem>>
      %dma_wait3A_501 = tpu.memref_squeeze %dma_wait3A_500 : memref<1x128xi32, #tpu.memory_space<vmem>> -> memref<128xi32, #tpu.memory_space<vmem>>
      %dma_wait3A_502 = arith.constant 0 : i32
      %dma_wait3A_503 = arith.constant 0 : i32
      %dma_wait3A_504 = tpu.memref_slice %arg10[%dma_wait3A_502, %dma_wait3A_503] : memref<10112x32xf32, #tpu.memory_space<vmem_shared>> -> memref<10112x32xf32, #tpu.memory_space<vmem_shared>>
      tpu.wait_indirect_dma semaphore(%arg11 : memref<!tpu.dma_semaphore, #tpu.memory_space<semaphore_mem>>) src(%dma_wait3A_504 : memref<10112x32xf32, #tpu.memory_space<vmem_shared>>) dst(%arg17 : memref<128x32xf32, #tpu.memory_space<vmem>>)
      %dma_wait3A_505 = arith.constant 0 : i32
      %dma_wait3A_506 = arith.constant 0 : i32
      %dma_wait3A_507 = tpu.memref_slice %arg7[%dma_wait3A_505, %dma_wait3A_506] : memref<80x128xi32, #tpu.memory_space<vmem>> -> memref<1x128xi32, #tpu.memory_space<vmem>>
      %dma_wait3A_508 = tpu.memref_squeeze %dma_wait3A_507 : memref<1x128xi32, #tpu.memory_space<vmem>> -> memref<128xi32, #tpu.memory_space<vmem>>
      %dma_wait3A_509 = arith.constant 0 : i32
      %dma_wait3A_510 = arith.constant 0 : i32
      %dma_wait3A_511 = tpu.memref_slice %arg10[%dma_wait3A_509, %dma_wait3A_510] : memref<10112x32xf32, #tpu.memory_space<vmem_shared>> -> memref<10112x32xf32, #tpu.memory_space<vmem_shared>>
      tpu.wait_indirect_dma semaphore(%arg11 : memref<!tpu.dma_semaphore, #tpu.memory_space<semaphore_mem>>) src(%dma_wait3A_511 : memref<10112x32xf32, #tpu.memory_space<vmem_shared>>) dst(%arg18 : memref<128x32xf32, #tpu.memory_space<vmem>>)
      %mul3A_512 = arith.constant 4 : i32
      %mul3A_513 = arith.muli %add3A_413, %mul3A_512 : i32
      %add3A_514 = arith.constant 0 : i32
      %add3A_515 = arith.addi %mul3A_513, %add3A_514 : i32
      %dma_start3A_516 = arith.constant 0 : i32
      %dma_start3A_517 = tpu.memref_slice %arg8[%add3A_515, %dma_start3A_516] : memref<80x128xi32, #tpu.memory_space<vmem>> -> memref<1x128xi32, #tpu.memory_space<vmem>>
      %dma_start3A_518 = tpu.memref_squeeze %dma_start3A_517 : memref<1x128xi32, #tpu.memory_space<vmem>> -> memref<128xi32, #tpu.memory_space<vmem>>
      %dma_start3A_519 = arith.constant 0 : i32
      %dma_start3A_520 = arith.constant 0 : i32
      %dma_start3A_521 = tpu.memref_slice %arg9[%dma_start3A_519, %dma_start3A_520] : memref<10112x32xf32, #tpu.memory_space<vmem_shared>> -> memref<10112x32xf32, #tpu.memory_space<vmem_shared>>
      tpu.enqueue_indirect_dma source(%arg15 : memref<128x32xf32, #tpu.memory_space<vmem>>) target(%dma_start3A_521 : memref<10112x32xf32, #tpu.memory_space<vmem_shared>>) offsets(%dma_start3A_518 : memref<128xi32, #tpu.memory_space<vmem>>) semaphore(%arg13 : memref<!tpu.dma_semaphore, #tpu.memory_space<semaphore_mem>>) {add = true}
      %mul3A_522 = arith.constant 4 : i32
      %mul3A_523 = arith.muli %add3A_413, %mul3A_522 : i32
      %add3A_524 = arith.constant 1 : i32
      %add3A_525 = arith.addi %mul3A_523, %add3A_524 : i32
      %dma_start3A_526 = arith.constant 0 : i32
      %dma_start3A_527 = tpu.memref_slice %arg8[%add3A_525, %dma_start3A_526] : memref<80x128xi32, #tpu.memory_space<vmem>> -> memref<1x128xi32, #tpu.memory_space<vmem>>
      %dma_start3A_528 = tpu.memref_squeeze %dma_start3A_527 : memref<1x128xi32, #tpu.memory_space<vmem>> -> memref<128xi32, #tpu.memory_space<vmem>>
      %dma_start3A_529 = arith.constant 0 : i32
      %dma_start3A_530 = arith.constant 0 : i32
      %dma_start3A_531 = tpu.memref_slice %arg9[%dma_start3A_529, %dma_start3A_530] : memref<10112x32xf32, #tpu.memory_space<vmem_shared>> -> memref<10112x32xf32, #tpu.memory_space<vmem_shared>>
      tpu.enqueue_indirect_dma source(%arg16 : memref<128x32xf32, #tpu.memory_space<vmem>>) target(%dma_start3A_531 : memref<10112x32xf32, #tpu.memory_space<vmem_shared>>) offsets(%dma_start3A_528 : memref<128xi32, #tpu.memory_space<vmem>>) semaphore(%arg13 : memref<!tpu.dma_semaphore, #tpu.memory_space<semaphore_mem>>) {add = true}
      %mul3A_532 = arith.constant 4 : i32
      %mul3A_533 = arith.muli %add3A_413, %mul3A_532 : i32
      %add3A_534 = arith.constant 2 : i32
      %add3A_535 = arith.addi %mul3A_533, %add3A_534 : i32
      %dma_start3A_536 = arith.constant 0 : i32
      %dma_start3A_537 = tpu.memref_slice %arg8[%add3A_535, %dma_start3A_536] : memref<80x128xi32, #tpu.memory_space<vmem>> -> memref<1x128xi32, #tpu.memory_space<vmem>>
      %dma_start3A_538 = tpu.memref_squeeze %dma_start3A_537 : memref<1x128xi32, #tpu.memory_space<vmem>> -> memref<128xi32, #tpu.memory_space<vmem>>
      %dma_start3A_539 = arith.constant 0 : i32
      %dma_start3A_540 = arith.constant 0 : i32
      %dma_start3A_541 = tpu.memref_slice %arg9[%dma_start3A_539, %dma_start3A_540] : memref<10112x32xf32, #tpu.memory_space<vmem_shared>> -> memref<10112x32xf32, #tpu.memory_space<vmem_shared>>
      tpu.enqueue_indirect_dma source(%arg17 : memref<128x32xf32, #tpu.memory_space<vmem>>) target(%dma_start3A_541 : memref<10112x32xf32, #tpu.memory_space<vmem_shared>>) offsets(%dma_start3A_538 : memref<128xi32, #tpu.memory_space<vmem>>) semaphore(%arg13 : memref<!tpu.dma_semaphore, #tpu.memory_space<semaphore_mem>>) {add = true}
      %mul3A_542 = arith.constant 4 : i32
      %mul3A_543 = arith.muli %add3A_413, %mul3A_542 : i32
      %add3A_544 = arith.constant 3 : i32
      %add3A_545 = arith.addi %mul3A_543, %add3A_544 : i32
      %dma_start3A_546 = arith.constant 0 : i32
      %dma_start3A_547 = tpu.memref_slice %arg8[%add3A_545, %dma_start3A_546] : memref<80x128xi32, #tpu.memory_space<vmem>> -> memref<1x128xi32, #tpu.memory_space<vmem>>
      %dma_start3A_548 = tpu.memref_squeeze %dma_start3A_547 : memref<1x128xi32, #tpu.memory_space<vmem>> -> memref<128xi32, #tpu.memory_space<vmem>>
      %dma_start3A_549 = arith.constant 0 : i32
      %dma_start3A_550 = arith.constant 0 : i32
      %dma_start3A_551 = tpu.memref_slice %arg9[%dma_start3A_549, %dma_start3A_550] : memref<10112x32xf32, #tpu.memory_space<vmem_shared>> -> memref<10112x32xf32, #tpu.memory_space<vmem_shared>>
      tpu.enqueue_indirect_dma source(%arg18 : memref<128x32xf32, #tpu.memory_space<vmem>>) target(%dma_start3A_551 : memref<10112x32xf32, #tpu.memory_space<vmem_shared>>) offsets(%dma_start3A_548 : memref<128xi32, #tpu.memory_space<vmem>>) semaphore(%arg13 : memref<!tpu.dma_semaphore, #tpu.memory_space<semaphore_mem>>) {add = true}
    }
    %sub3A = arith.constant 1 : i32
    %sub3A_139 = arith.subi %select_n3A_14, %sub3A : i32
    %dma_wait3A_140 = arith.constant 0 : i32
    %dma_wait3A_141 = arith.constant 0 : i32
    %dma_wait3A_142 = tpu.memref_slice %arg7[%dma_wait3A_140, %dma_wait3A_141] : memref<80x128xi32, #tpu.memory_space<vmem>> -> memref<1x128xi32, #tpu.memory_space<vmem>>
    %dma_wait3A_143 = tpu.memref_squeeze %dma_wait3A_142 : memref<1x128xi32, #tpu.memory_space<vmem>> -> memref<128xi32, #tpu.memory_space<vmem>>
    %dma_wait3A_144 = arith.constant 0 : i32
    %dma_wait3A_145 = arith.constant 0 : i32
    %dma_wait3A_146 = tpu.memref_slice %arg10[%dma_wait3A_144, %dma_wait3A_145] : memref<10112x32xf32, #tpu.memory_space<vmem_shared>> -> memref<10112x32xf32, #tpu.memory_space<vmem_shared>>
    tpu.wait_indirect_dma semaphore(%arg12 : memref<!tpu.dma_semaphore, #tpu.memory_space<semaphore_mem>>) src(%dma_wait3A_146 : memref<10112x32xf32, #tpu.memory_space<vmem_shared>>) dst(%arg19 : memref<128x32xf32, #tpu.memory_space<vmem>>)
    %dma_wait3A_147 = arith.constant 0 : i32
    %dma_wait3A_148 = arith.constant 0 : i32
    %dma_wait3A_149 = tpu.memref_slice %arg7[%dma_wait3A_147, %dma_wait3A_148] : memref<80x128xi32, #tpu.memory_space<vmem>> -> memref<1x128xi32, #tpu.memory_space<vmem>>
    %dma_wait3A_150 = tpu.memref_squeeze %dma_wait3A_149 : memref<1x128xi32, #tpu.memory_space<vmem>> -> memref<128xi32, #tpu.memory_space<vmem>>
    %dma_wait3A_151 = arith.constant 0 : i32
    %dma_wait3A_152 = arith.constant 0 : i32
    %dma_wait3A_153 = tpu.memref_slice %arg10[%dma_wait3A_151, %dma_wait3A_152] : memref<10112x32xf32, #tpu.memory_space<vmem_shared>> -> memref<10112x32xf32, #tpu.memory_space<vmem_shared>>
    tpu.wait_indirect_dma semaphore(%arg12 : memref<!tpu.dma_semaphore, #tpu.memory_space<semaphore_mem>>) src(%dma_wait3A_153 : memref<10112x32xf32, #tpu.memory_space<vmem_shared>>) dst(%arg20 : memref<128x32xf32, #tpu.memory_space<vmem>>)
    %dma_wait3A_154 = arith.constant 0 : i32
    %dma_wait3A_155 = arith.constant 0 : i32
    %dma_wait3A_156 = tpu.memref_slice %arg7[%dma_wait3A_154, %dma_wait3A_155] : memref<80x128xi32, #tpu.memory_space<vmem>> -> memref<1x128xi32, #tpu.memory_space<vmem>>
    %dma_wait3A_157 = tpu.memref_squeeze %dma_wait3A_156 : memref<1x128xi32, #tpu.memory_space<vmem>> -> memref<128xi32, #tpu.memory_space<vmem>>
    %dma_wait3A_158 = arith.constant 0 : i32
    %dma_wait3A_159 = arith.constant 0 : i32
    %dma_wait3A_160 = tpu.memref_slice %arg10[%dma_wait3A_158, %dma_wait3A_159] : memref<10112x32xf32, #tpu.memory_space<vmem_shared>> -> memref<10112x32xf32, #tpu.memory_space<vmem_shared>>
    tpu.wait_indirect_dma semaphore(%arg12 : memref<!tpu.dma_semaphore, #tpu.memory_space<semaphore_mem>>) src(%dma_wait3A_160 : memref<10112x32xf32, #tpu.memory_space<vmem_shared>>) dst(%arg21 : memref<128x32xf32, #tpu.memory_space<vmem>>)
    %dma_wait3A_161 = arith.constant 0 : i32
    %dma_wait3A_162 = arith.constant 0 : i32
    %dma_wait3A_163 = tpu.memref_slice %arg7[%dma_wait3A_161, %dma_wait3A_162] : memref<80x128xi32, #tpu.memory_space<vmem>> -> memref<1x128xi32, #tpu.memory_space<vmem>>
    %dma_wait3A_164 = tpu.memref_squeeze %dma_wait3A_163 : memref<1x128xi32, #tpu.memory_space<vmem>> -> memref<128xi32, #tpu.memory_space<vmem>>
    %dma_wait3A_165 = arith.constant 0 : i32
    %dma_wait3A_166 = arith.constant 0 : i32
    %dma_wait3A_167 = tpu.memref_slice %arg10[%dma_wait3A_165, %dma_wait3A_166] : memref<10112x32xf32, #tpu.memory_space<vmem_shared>> -> memref<10112x32xf32, #tpu.memory_space<vmem_shared>>
    tpu.wait_indirect_dma semaphore(%arg12 : memref<!tpu.dma_semaphore, #tpu.memory_space<semaphore_mem>>) src(%dma_wait3A_167 : memref<10112x32xf32, #tpu.memory_space<vmem_shared>>) dst(%arg22 : memref<128x32xf32, #tpu.memory_space<vmem>>)
    %mul3A_168 = arith.constant 4 : i32
    %mul3A_169 = arith.muli %sub3A_139, %mul3A_168 : i32
    %add3A_170 = arith.constant 0 : i32
    %add3A_171 = arith.addi %mul3A_169, %add3A_170 : i32
    %dma_start3A_172 = arith.constant 0 : i32
    %dma_start3A_173 = tpu.memref_slice %arg8[%add3A_171, %dma_start3A_172] : memref<80x128xi32, #tpu.memory_space<vmem>> -> memref<1x128xi32, #tpu.memory_space<vmem>>
    %dma_start3A_174 = tpu.memref_squeeze %dma_start3A_173 : memref<1x128xi32, #tpu.memory_space<vmem>> -> memref<128xi32, #tpu.memory_space<vmem>>
    %dma_start3A_175 = arith.constant 0 : i32
    %dma_start3A_176 = arith.constant 0 : i32
    %dma_start3A_177 = tpu.memref_slice %arg9[%dma_start3A_175, %dma_start3A_176] : memref<10112x32xf32, #tpu.memory_space<vmem_shared>> -> memref<10112x32xf32, #tpu.memory_space<vmem_shared>>
    tpu.enqueue_indirect_dma source(%arg19 : memref<128x32xf32, #tpu.memory_space<vmem>>) target(%dma_start3A_177 : memref<10112x32xf32, #tpu.memory_space<vmem_shared>>) offsets(%dma_start3A_174 : memref<128xi32, #tpu.memory_space<vmem>>) semaphore(%arg14 : memref<!tpu.dma_semaphore, #tpu.memory_space<semaphore_mem>>) {add = true}
    %mul3A_178 = arith.constant 4 : i32
    %mul3A_179 = arith.muli %sub3A_139, %mul3A_178 : i32
    %add3A_180 = arith.constant 1 : i32
    %add3A_181 = arith.addi %mul3A_179, %add3A_180 : i32
    %dma_start3A_182 = arith.constant 0 : i32
    %dma_start3A_183 = tpu.memref_slice %arg8[%add3A_181, %dma_start3A_182] : memref<80x128xi32, #tpu.memory_space<vmem>> -> memref<1x128xi32, #tpu.memory_space<vmem>>
    %dma_start3A_184 = tpu.memref_squeeze %dma_start3A_183 : memref<1x128xi32, #tpu.memory_space<vmem>> -> memref<128xi32, #tpu.memory_space<vmem>>
    %dma_start3A_185 = arith.constant 0 : i32
    %dma_start3A_186 = arith.constant 0 : i32
    %dma_start3A_187 = tpu.memref_slice %arg9[%dma_start3A_185, %dma_start3A_186] : memref<10112x32xf32, #tpu.memory_space<vmem_shared>> -> memref<10112x32xf32, #tpu.memory_space<vmem_shared>>
    tpu.enqueue_indirect_dma source(%arg20 : memref<128x32xf32, #tpu.memory_space<vmem>>) target(%dma_start3A_187 : memref<10112x32xf32, #tpu.memory_space<vmem_shared>>) offsets(%dma_start3A_184 : memref<128xi32, #tpu.memory_space<vmem>>) semaphore(%arg14 : memref<!tpu.dma_semaphore, #tpu.memory_space<semaphore_mem>>) {add = true}
    %mul3A_188 = arith.constant 4 : i32
    %mul3A_189 = arith.muli %sub3A_139, %mul3A_188 : i32
    %add3A_190 = arith.constant 2 : i32
    %add3A_191 = arith.addi %mul3A_189, %add3A_190 : i32
    %dma_start3A_192 = arith.constant 0 : i32
    %dma_start3A_193 = tpu.memref_slice %arg8[%add3A_191, %dma_start3A_192] : memref<80x128xi32, #tpu.memory_space<vmem>> -> memref<1x128xi32, #tpu.memory_space<vmem>>
    %dma_start3A_194 = tpu.memref_squeeze %dma_start3A_193 : memref<1x128xi32, #tpu.memory_space<vmem>> -> memref<128xi32, #tpu.memory_space<vmem>>
    %dma_start3A_195 = arith.constant 0 : i32
    %dma_start3A_196 = arith.constant 0 : i32
    %dma_start3A_197 = tpu.memref_slice %arg9[%dma_start3A_195, %dma_start3A_196] : memref<10112x32xf32, #tpu.memory_space<vmem_shared>> -> memref<10112x32xf32, #tpu.memory_space<vmem_shared>>
    tpu.enqueue_indirect_dma source(%arg21 : memref<128x32xf32, #tpu.memory_space<vmem>>) target(%dma_start3A_197 : memref<10112x32xf32, #tpu.memory_space<vmem_shared>>) offsets(%dma_start3A_194 : memref<128xi32, #tpu.memory_space<vmem>>) semaphore(%arg14 : memref<!tpu.dma_semaphore, #tpu.memory_space<semaphore_mem>>) {add = true}
    %mul3A_198 = arith.constant 4 : i32
    %mul3A_199 = arith.muli %sub3A_139, %mul3A_198 : i32
    %add3A_200 = arith.constant 3 : i32
    %add3A_201 = arith.addi %mul3A_199, %add3A_200 : i32
    %dma_start3A_202 = arith.constant 0 : i32
    %dma_start3A_203 = tpu.memref_slice %arg8[%add3A_201, %dma_start3A_202] : memref<80x128xi32, #tpu.memory_space<vmem>> -> memref<1x128xi32, #tpu.memory_space<vmem>>
    %dma_start3A_204 = tpu.memref_squeeze %dma_start3A_203 : memref<1x128xi32, #tpu.memory_space<vmem>> -> memref<128xi32, #tpu.memory_space<vmem>>
    %dma_start3A_205 = arith.constant 0 : i32
    %dma_start3A_206 = arith.constant 0 : i32
    %dma_start3A_207 = tpu.memref_slice %arg9[%dma_start3A_205, %dma_start3A_206] : memref<10112x32xf32, #tpu.memory_space<vmem_shared>> -> memref<10112x32xf32, #tpu.memory_space<vmem_shared>>
    tpu.enqueue_indirect_dma source(%arg22 : memref<128x32xf32, #tpu.memory_space<vmem>>) target(%dma_start3A_207 : memref<10112x32xf32, #tpu.memory_space<vmem_shared>>) offsets(%dma_start3A_204 : memref<128xi32, #tpu.memory_space<vmem>>) semaphore(%arg14 : memref<!tpu.dma_semaphore, #tpu.memory_space<semaphore_mem>>) {add = true}
    %dma_wait3A_208 = arith.constant 0 : i32
    %dma_wait3A_209 = arith.constant 0 : i32
    %dma_wait3A_210 = tpu.memref_slice %arg8[%dma_wait3A_208, %dma_wait3A_209] : memref<80x128xi32, #tpu.memory_space<vmem>> -> memref<1x128xi32, #tpu.memory_space<vmem>>
    %dma_wait3A_211 = tpu.memref_squeeze %dma_wait3A_210 : memref<1x128xi32, #tpu.memory_space<vmem>> -> memref<128xi32, #tpu.memory_space<vmem>>
    %dma_wait3A_212 = arith.constant 0 : i32
    %dma_wait3A_213 = arith.constant 0 : i32
    %dma_wait3A_214 = tpu.memref_slice %arg9[%dma_wait3A_212, %dma_wait3A_213] : memref<10112x32xf32, #tpu.memory_space<vmem_shared>> -> memref<10112x32xf32, #tpu.memory_space<vmem_shared>>
    tpu.wait_indirect_dma semaphore(%arg13 : memref<!tpu.dma_semaphore, #tpu.memory_space<semaphore_mem>>) src(%arg15 : memref<128x32xf32, #tpu.memory_space<vmem>>) dst(%dma_wait3A_214 : memref<10112x32xf32, #tpu.memory_space<vmem_shared>>)
    %dma_wait3A_215 = arith.constant 0 : i32
    %dma_wait3A_216 = arith.constant 0 : i32
    %dma_wait3A_217 = tpu.memref_slice %arg8[%dma_wait3A_215, %dma_wait3A_216] : memref<80x128xi32, #tpu.memory_space<vmem>> -> memref<1x128xi32, #tpu.memory_space<vmem>>
    %dma_wait3A_218 = tpu.memref_squeeze %dma_wait3A_217 : memref<1x128xi32, #tpu.memory_space<vmem>> -> memref<128xi32, #tpu.memory_space<vmem>>
    %dma_wait3A_219 = arith.constant 0 : i32
    %dma_wait3A_220 = arith.constant 0 : i32
    %dma_wait3A_221 = tpu.memref_slice %arg9[%dma_wait3A_219, %dma_wait3A_220] : memref<10112x32xf32, #tpu.memory_space<vmem_shared>> -> memref<10112x32xf32, #tpu.memory_space<vmem_shared>>
    tpu.wait_indirect_dma semaphore(%arg13 : memref<!tpu.dma_semaphore, #tpu.memory_space<semaphore_mem>>) src(%arg16 : memref<128x32xf32, #tpu.memory_space<vmem>>) dst(%dma_wait3A_221 : memref<10112x32xf32, #tpu.memory_space<vmem_shared>>)
    %dma_wait3A_222 = arith.constant 0 : i32
    %dma_wait3A_223 = arith.constant 0 : i32
    %dma_wait3A_224 = tpu.memref_slice %arg8[%dma_wait3A_222, %dma_wait3A_223] : memref<80x128xi32, #tpu.memory_space<vmem>> -> memref<1x128xi32, #tpu.memory_space<vmem>>
    %dma_wait3A_225 = tpu.memref_squeeze %dma_wait3A_224 : memref<1x128xi32, #tpu.memory_space<vmem>> -> memref<128xi32, #tpu.memory_space<vmem>>
    %dma_wait3A_226 = arith.constant 0 : i32
    %dma_wait3A_227 = arith.constant 0 : i32
    %dma_wait3A_228 = tpu.memref_slice %arg9[%dma_wait3A_226, %dma_wait3A_227] : memref<10112x32xf32, #tpu.memory_space<vmem_shared>> -> memref<10112x32xf32, #tpu.memory_space<vmem_shared>>
    tpu.wait_indirect_dma semaphore(%arg13 : memref<!tpu.dma_semaphore, #tpu.memory_space<semaphore_mem>>) src(%arg17 : memref<128x32xf32, #tpu.memory_space<vmem>>) dst(%dma_wait3A_228 : memref<10112x32xf32, #tpu.memory_space<vmem_shared>>)
    %dma_wait3A_229 = arith.constant 0 : i32
    %dma_wait3A_230 = arith.constant 0 : i32
    %dma_wait3A_231 = tpu.memref_slice %arg8[%dma_wait3A_229, %dma_wait3A_230] : memref<80x128xi32, #tpu.memory_space<vmem>> -> memref<1x128xi32, #tpu.memory_space<vmem>>
    %dma_wait3A_232 = tpu.memref_squeeze %dma_wait3A_231 : memref<1x128xi32, #tpu.memory_space<vmem>> -> memref<128xi32, #tpu.memory_space<vmem>>
    %dma_wait3A_233 = arith.constant 0 : i32
    %dma_wait3A_234 = arith.constant 0 : i32
    %dma_wait3A_235 = tpu.memref_slice %arg9[%dma_wait3A_233, %dma_wait3A_234] : memref<10112x32xf32, #tpu.memory_space<vmem_shared>> -> memref<10112x32xf32, #tpu.memory_space<vmem_shared>>
    tpu.wait_indirect_dma semaphore(%arg13 : memref<!tpu.dma_semaphore, #tpu.memory_space<semaphore_mem>>) src(%arg18 : memref<128x32xf32, #tpu.memory_space<vmem>>) dst(%dma_wait3A_235 : memref<10112x32xf32, #tpu.memory_space<vmem_shared>>)
    %dma_wait3A_236 = arith.constant 0 : i32
    %dma_wait3A_237 = arith.constant 0 : i32
    %dma_wait3A_238 = tpu.memref_slice %arg8[%dma_wait3A_236, %dma_wait3A_237] : memref<80x128xi32, #tpu.memory_space<vmem>> -> memref<1x128xi32, #tpu.memory_space<vmem>>
    %dma_wait3A_239 = tpu.memref_squeeze %dma_wait3A_238 : memref<1x128xi32, #tpu.memory_space<vmem>> -> memref<128xi32, #tpu.memory_space<vmem>>
    %dma_wait3A_240 = arith.constant 0 : i32
    %dma_wait3A_241 = arith.constant 0 : i32
    %dma_wait3A_242 = tpu.memref_slice %arg9[%dma_wait3A_240, %dma_wait3A_241] : memref<10112x32xf32, #tpu.memory_space<vmem_shared>> -> memref<10112x32xf32, #tpu.memory_space<vmem_shared>>
    tpu.wait_indirect_dma semaphore(%arg14 : memref<!tpu.dma_semaphore, #tpu.memory_space<semaphore_mem>>) src(%arg19 : memref<128x32xf32, #tpu.memory_space<vmem>>) dst(%dma_wait3A_242 : memref<10112x32xf32, #tpu.memory_space<vmem_shared>>)
    %dma_wait3A_243 = arith.constant 0 : i32
    %dma_wait3A_244 = arith.constant 0 : i32
    %dma_wait3A_245 = tpu.memref_slice %arg8[%dma_wait3A_243, %dma_wait3A_244] : memref<80x128xi32, #tpu.memory_space<vmem>> -> memref<1x128xi32, #tpu.memory_space<vmem>>
    %dma_wait3A_246 = tpu.memref_squeeze %dma_wait3A_245 : memref<1x128xi32, #tpu.memory_space<vmem>> -> memref<128xi32, #tpu.memory_space<vmem>>
    %dma_wait3A_247 = arith.constant 0 : i32
    %dma_wait3A_248 = arith.constant 0 : i32
    %dma_wait3A_249 = tpu.memref_slice %arg9[%dma_wait3A_247, %dma_wait3A_248] : memref<10112x32xf32, #tpu.memory_space<vmem_shared>> -> memref<10112x32xf32, #tpu.memory_space<vmem_shared>>
    tpu.wait_indirect_dma semaphore(%arg14 : memref<!tpu.dma_semaphore, #tpu.memory_space<semaphore_mem>>) src(%arg20 : memref<128x32xf32, #tpu.memory_space<vmem>>) dst(%dma_wait3A_249 : memref<10112x32xf32, #tpu.memory_space<vmem_shared>>)
    %dma_wait3A_250 = arith.constant 0 : i32
    %dma_wait3A_251 = arith.constant 0 : i32
    %dma_wait3A_252 = tpu.memref_slice %arg8[%dma_wait3A_250, %dma_wait3A_251] : memref<80x128xi32, #tpu.memory_space<vmem>> -> memref<1x128xi32, #tpu.memory_space<vmem>>
    %dma_wait3A_253 = tpu.memref_squeeze %dma_wait3A_252 : memref<1x128xi32, #tpu.memory_space<vmem>> -> memref<128xi32, #tpu.memory_space<vmem>>
    %dma_wait3A_254 = arith.constant 0 : i32
    %dma_wait3A_255 = arith.constant 0 : i32
    %dma_wait3A_256 = tpu.memref_slice %arg9[%dma_wait3A_254, %dma_wait3A_255] : memref<10112x32xf32, #tpu.memory_space<vmem_shared>> -> memref<10112x32xf32, #tpu.memory_space<vmem_shared>>
    tpu.wait_indirect_dma semaphore(%arg14 : memref<!tpu.dma_semaphore, #tpu.memory_space<semaphore_mem>>) src(%arg21 : memref<128x32xf32, #tpu.memory_space<vmem>>) dst(%dma_wait3A_256 : memref<10112x32xf32, #tpu.memory_space<vmem_shared>>)
    %dma_wait3A_257 = arith.constant 0 : i32
    %dma_wait3A_258 = arith.constant 0 : i32
    %dma_wait3A_259 = tpu.memref_slice %arg8[%dma_wait3A_257, %dma_wait3A_258] : memref<80x128xi32, #tpu.memory_space<vmem>> -> memref<1x128xi32, #tpu.memory_space<vmem>>
    %dma_wait3A_260 = tpu.memref_squeeze %dma_wait3A_259 : memref<1x128xi32, #tpu.memory_space<vmem>> -> memref<128xi32, #tpu.memory_space<vmem>>
    %dma_wait3A_261 = arith.constant 0 : i32
    %dma_wait3A_262 = arith.constant 0 : i32
    %dma_wait3A_263 = tpu.memref_slice %arg9[%dma_wait3A_261, %dma_wait3A_262] : memref<10112x32xf32, #tpu.memory_space<vmem_shared>> -> memref<10112x32xf32, #tpu.memory_space<vmem_shared>>
    tpu.wait_indirect_dma semaphore(%arg14 : memref<!tpu.dma_semaphore, #tpu.memory_space<semaphore_mem>>) src(%arg22 : memref<128x32xf32, #tpu.memory_space<vmem>>) dst(%dma_wait3A_263 : memref<10112x32xf32, #tpu.memory_space<vmem_shared>>)
    %barrier3A_264 = arith.constant 0 : index
    tpu.barrier barrier_id(%barrier3A_264)
    %mul3A_265 = arith.constant 632 : i32
    %mul3A_266 = arith.muli %arg1, %mul3A_265 : i32
    %mul3A_267 = arith.constant 632 : i32
    %mul3A_268 = arith.muli %arg1, %mul3A_267 : i32
    "tpu.region"() ({
      %run_scoped3A = tpu.sem_alloc : memref<!tpu.dma_semaphore, #tpu.memory_space<semaphore_mem>>
      %dma_start3A_269 = arith.constant 0 : i32
      %dma_start3A_270 = tpu.memref_slice %arg6[%arg0, %mul3A_268, %dma_start3A_269] : memref<2x10112x32xf32, #tpu.memory_space<hbm>> -> memref<1x632x32xf32, #tpu.memory_space<hbm>>
      %dma_start3A_271 = tpu.memref_squeeze %dma_start3A_270 : memref<1x632x32xf32, #tpu.memory_space<hbm>> -> memref<632x32xf32, #tpu.memory_space<hbm>>
      %dma_start3A_272 = arith.constant 0 : i32
      %dma_start3A_273 = tpu.memref_slice %arg9[%mul3A_266, %dma_start3A_272] : memref<10112x32xf32, #tpu.memory_space<vmem_shared>> -> memref<632x32xf32, #tpu.memory_space<vmem_shared>>
      tpu.enqueue_dma source(%dma_start3A_273 : memref<632x32xf32, #tpu.memory_space<vmem_shared>>) target(%dma_start3A_271 : memref<632x32xf32, #tpu.memory_space<hbm>>) target_semaphore(%run_scoped3A : memref<!tpu.dma_semaphore, #tpu.memory_space<semaphore_mem>>)
      %dma_wait3A_274 = arith.constant 0 : i32
      %dma_wait3A_275 = tpu.memref_slice %arg6[%arg0, %mul3A_268, %dma_wait3A_274] : memref<2x10112x32xf32, #tpu.memory_space<hbm>> -> memref<1x632x32xf32, #tpu.memory_space<hbm>>
      %dma_wait3A_276 = tpu.memref_squeeze %dma_wait3A_275 : memref<1x632x32xf32, #tpu.memory_space<hbm>> -> memref<632x32xf32, #tpu.memory_space<hbm>>
      %dma_wait3A_277 = arith.constant 0 : i32
      %dma_wait3A_278 = tpu.memref_slice %arg9[%mul3A_266, %dma_wait3A_277] : memref<10112x32xf32, #tpu.memory_space<vmem_shared>> -> memref<632x32xf32, #tpu.memory_space<vmem_shared>>
      tpu.wait_dma2 semaphore(%run_scoped3A : memref<!tpu.dma_semaphore, #tpu.memory_space<semaphore_mem>>) src(%dma_wait3A_278 : memref<632x32xf32, #tpu.memory_space<vmem_shared>>) dst(%dma_wait3A_276 : memref<632x32xf32, #tpu.memory_space<hbm>>)
      tpu.yield
    }) : () -> ()
    return
  }
}

#map = affine_map<(d0, d1) -> (0, 0)>
#map1 = affine_map<(d0, d1) -> (0, 0, 0)>
module attributes {stable_mosaic.version = 14 : i64} {
  func.func @agg(%arg0: i32, %arg1: i32, %arg2: memref<2560x128xi32, #tpu.memory_space<hbm>>, %arg3: memref<2560x128xi32, #tpu.memory_space<hbm>>, %arg4: memref<10112x64xf32, #tpu.memory_space<hbm>>, %arg5: memref<632x64xf32, #tpu.memory_space<hbm>>, %arg6: memref<2x10112x64xf32, #tpu.memory_space<hbm>>, %arg7: memref<80x128xi32, #tpu.memory_space<vmem>>, %arg8: memref<80x128xi32, #tpu.memory_space<vmem>>, %arg9: memref<10112x64xf32, #tpu.memory_space<vmem_shared>>, %arg10: memref<10112x64xf32, #tpu.memory_space<vmem_shared>>, %arg11: memref<!tpu.dma_semaphore, #tpu.memory_space<semaphore_mem>>, %arg12: memref<!tpu.dma_semaphore, #tpu.memory_space<semaphore_mem>>, %arg13: memref<!tpu.dma_semaphore, #tpu.memory_space<semaphore_mem>>, %arg14: memref<!tpu.dma_semaphore, #tpu.memory_space<semaphore_mem>>, %arg15: memref<128x64xf32, #tpu.memory_space<vmem>>, %arg16: memref<128x64xf32, #tpu.memory_space<vmem>>) attributes {dimension_semantics = [#tpu.dimension_semantics<core_parallel>, #tpu.dimension_semantics<subcore_parallel>], iteration_bounds = array<i64: 2, 16>, scalar_prefetch = 0 : i64, scratch_operands = 10 : i64, tpu.core_type = #tpu.core_type<sc_vector_subcore>, window_params = [{transform_indices = #map}, {transform_indices = #map}, {transform_indices = #map}, {transform_indices = #map}, {transform_indices = #map1}]} {
    %eq3A = arith.constant 0 : i32
    %eq3A_0 = arith.cmpi eq, %arg0, %eq3A : i32
    %mul3A = arith.constant 80 : i32
    %mul3A_1 = arith.muli %arg1, %mul3A : i32
    %mul3A_2 = arith.constant 80 : i32
    %mul3A_3 = arith.muli %arg1, %mul3A_2 : i32
    %add3A = arith.constant 1280 : i32
    %add3A_4 = arith.addi %add3A, %mul3A_3 : i32
    %select_n3A = arith.select %eq3A_0, %mul3A_1, %add3A_4 : i32
    %mul3A_5 = arith.constant 632 : i32
    %mul3A_6 = arith.muli %arg1, %mul3A_5 : i32
    "tpu.region"() ({
      %run_scoped3A = tpu.sem_alloc : memref<!tpu.dma_semaphore, #tpu.memory_space<semaphore_mem>>
      %dma_start3A_92 = arith.constant 0 : i32
      %dma_start3A_93 = tpu.memref_slice %arg9[%mul3A_6, %dma_start3A_92] : memref<10112x64xf32, #tpu.memory_space<vmem_shared>> -> memref<632x64xf32, #tpu.memory_space<vmem_shared>>
      tpu.enqueue_dma source(%arg5 : memref<632x64xf32, #tpu.memory_space<hbm>>) target(%dma_start3A_93 : memref<632x64xf32, #tpu.memory_space<vmem_shared>>) target_semaphore(%run_scoped3A : memref<!tpu.dma_semaphore, #tpu.memory_space<semaphore_mem>>)
      %dma_wait3A_94 = arith.constant 0 : i32
      %dma_wait3A_95 = tpu.memref_slice %arg9[%mul3A_6, %dma_wait3A_94] : memref<10112x64xf32, #tpu.memory_space<vmem_shared>> -> memref<632x64xf32, #tpu.memory_space<vmem_shared>>
      tpu.wait_dma2 semaphore(%run_scoped3A : memref<!tpu.dma_semaphore, #tpu.memory_space<semaphore_mem>>) src(%arg5 : memref<632x64xf32, #tpu.memory_space<hbm>>) dst(%dma_wait3A_95 : memref<632x64xf32, #tpu.memory_space<vmem_shared>>)
      tpu.yield
    }) : () -> ()
    %mul3A_7 = arith.constant 632 : i32
    %mul3A_8 = arith.muli %arg1, %mul3A_7 : i32
    %mul3A_9 = arith.constant 632 : i32
    %mul3A_10 = arith.muli %arg1, %mul3A_9 : i32
    "tpu.region"() ({
      %run_scoped3A = tpu.sem_alloc : memref<!tpu.dma_semaphore, #tpu.memory_space<semaphore_mem>>
      %dma_start3A_92 = arith.constant 0 : i32
      %dma_start3A_93 = tpu.memref_slice %arg10[%mul3A_10, %dma_start3A_92] : memref<10112x64xf32, #tpu.memory_space<vmem_shared>> -> memref<632x64xf32, #tpu.memory_space<vmem_shared>>
      %dma_start3A_94 = arith.constant 0 : i32
      %dma_start3A_95 = tpu.memref_slice %arg4[%mul3A_8, %dma_start3A_94] : memref<10112x64xf32, #tpu.memory_space<hbm>> -> memref<632x64xf32, #tpu.memory_space<hbm>>
      tpu.enqueue_dma source(%dma_start3A_95 : memref<632x64xf32, #tpu.memory_space<hbm>>) target(%dma_start3A_93 : memref<632x64xf32, #tpu.memory_space<vmem_shared>>) target_semaphore(%run_scoped3A : memref<!tpu.dma_semaphore, #tpu.memory_space<semaphore_mem>>)
      %dma_wait3A_96 = arith.constant 0 : i32
      %dma_wait3A_97 = tpu.memref_slice %arg10[%mul3A_10, %dma_wait3A_96] : memref<10112x64xf32, #tpu.memory_space<vmem_shared>> -> memref<632x64xf32, #tpu.memory_space<vmem_shared>>
      %dma_wait3A_98 = arith.constant 0 : i32
      %dma_wait3A_99 = tpu.memref_slice %arg4[%mul3A_8, %dma_wait3A_98] : memref<10112x64xf32, #tpu.memory_space<hbm>> -> memref<632x64xf32, #tpu.memory_space<hbm>>
      tpu.wait_dma2 semaphore(%run_scoped3A : memref<!tpu.dma_semaphore, #tpu.memory_space<semaphore_mem>>) src(%dma_wait3A_99 : memref<632x64xf32, #tpu.memory_space<hbm>>) dst(%dma_wait3A_97 : memref<632x64xf32, #tpu.memory_space<vmem_shared>>)
      tpu.yield
    }) : () -> ()
    "tpu.region"() ({
      %run_scoped3A = tpu.sem_alloc : memref<!tpu.dma_semaphore, #tpu.memory_space<semaphore_mem>>
      %dma_start3A_92 = arith.constant 0 : i32
      %dma_start3A_93 = tpu.memref_slice %arg2[%select_n3A, %dma_start3A_92] : memref<2560x128xi32, #tpu.memory_space<hbm>> -> memref<80x128xi32, #tpu.memory_space<hbm>>
      %dma_start3A_94 = arith.constant 0 : i32
      %dma_start3A_95 = tpu.memref_slice %arg2[%select_n3A, %dma_start3A_94] : memref<2560x128xi32, #tpu.memory_space<hbm>> -> memref<80x128xi32, #tpu.memory_space<hbm>>
      tpu.enqueue_dma source(%dma_start3A_95 : memref<80x128xi32, #tpu.memory_space<hbm>>) target(%arg7 : memref<80x128xi32, #tpu.memory_space<vmem>>) target_semaphore(%run_scoped3A : memref<!tpu.dma_semaphore, #tpu.memory_space<semaphore_mem>>)
      %dma_wait3A_96 = arith.constant 0 : i32
      %dma_wait3A_97 = tpu.memref_slice %arg2[%select_n3A, %dma_wait3A_96] : memref<2560x128xi32, #tpu.memory_space<hbm>> -> memref<80x128xi32, #tpu.memory_space<hbm>>
      %dma_wait3A_98 = arith.constant 0 : i32
      %dma_wait3A_99 = tpu.memref_slice %arg2[%select_n3A, %dma_wait3A_98] : memref<2560x128xi32, #tpu.memory_space<hbm>> -> memref<80x128xi32, #tpu.memory_space<hbm>>
      tpu.wait_dma2 semaphore(%run_scoped3A : memref<!tpu.dma_semaphore, #tpu.memory_space<semaphore_mem>>) src(%dma_wait3A_99 : memref<80x128xi32, #tpu.memory_space<hbm>>) dst(%arg7 : memref<80x128xi32, #tpu.memory_space<vmem>>)
      tpu.yield
    }) : () -> ()
    "tpu.region"() ({
      %run_scoped3A = tpu.sem_alloc : memref<!tpu.dma_semaphore, #tpu.memory_space<semaphore_mem>>
      %dma_start3A_92 = arith.constant 0 : i32
      %dma_start3A_93 = tpu.memref_slice %arg3[%select_n3A, %dma_start3A_92] : memref<2560x128xi32, #tpu.memory_space<hbm>> -> memref<80x128xi32, #tpu.memory_space<hbm>>
      %dma_start3A_94 = arith.constant 0 : i32
      %dma_start3A_95 = tpu.memref_slice %arg3[%select_n3A, %dma_start3A_94] : memref<2560x128xi32, #tpu.memory_space<hbm>> -> memref<80x128xi32, #tpu.memory_space<hbm>>
      tpu.enqueue_dma source(%dma_start3A_95 : memref<80x128xi32, #tpu.memory_space<hbm>>) target(%arg8 : memref<80x128xi32, #tpu.memory_space<vmem>>) target_semaphore(%run_scoped3A : memref<!tpu.dma_semaphore, #tpu.memory_space<semaphore_mem>>)
      %dma_wait3A_96 = arith.constant 0 : i32
      %dma_wait3A_97 = tpu.memref_slice %arg3[%select_n3A, %dma_wait3A_96] : memref<2560x128xi32, #tpu.memory_space<hbm>> -> memref<80x128xi32, #tpu.memory_space<hbm>>
      %dma_wait3A_98 = arith.constant 0 : i32
      %dma_wait3A_99 = tpu.memref_slice %arg3[%select_n3A, %dma_wait3A_98] : memref<2560x128xi32, #tpu.memory_space<hbm>> -> memref<80x128xi32, #tpu.memory_space<hbm>>
      tpu.wait_dma2 semaphore(%run_scoped3A : memref<!tpu.dma_semaphore, #tpu.memory_space<semaphore_mem>>) src(%dma_wait3A_99 : memref<80x128xi32, #tpu.memory_space<hbm>>) dst(%arg8 : memref<80x128xi32, #tpu.memory_space<vmem>>)
      tpu.yield
    }) : () -> ()
    %barrier3A = arith.constant 0 : index
    tpu.barrier barrier_id(%barrier3A)
    %eq3A_11 = arith.constant 0 : i32
    %eq3A_12 = arith.cmpi eq, %arg0, %eq3A_11 : i32
    %jit3A = arith.constant 80 : i32
    %jit3A_13 = arith.constant 80 : i32
    %select_n3A_14 = arith.select %eq3A_12, %jit3A, %jit3A_13 : i32
    %eq3A_15 = arith.constant 0 : i32
    %eq3A_16 = arith.cmpi eq, %arg0, %eq3A_15 : i32
    %jit3A_17 = arith.constant 39 : i32
    %jit3A_18 = arith.constant 39 : i32
    %select_n3A_19 = arith.select %eq3A_16, %jit3A_17, %jit3A_18 : i32
    %dma_start3A = arith.constant 0 : i32
    %dma_start3A_20 = arith.constant 0 : i32
    %dma_start3A_21 = tpu.memref_slice %arg7[%dma_start3A, %dma_start3A_20] : memref<80x128xi32, #tpu.memory_space<vmem>> -> memref<1x128xi32, #tpu.memory_space<vmem>>
    %dma_start3A_22 = tpu.memref_squeeze %dma_start3A_21 : memref<1x128xi32, #tpu.memory_space<vmem>> -> memref<128xi32, #tpu.memory_space<vmem>>
    %dma_start3A_23 = arith.constant 0 : i32
    %dma_start3A_24 = arith.constant 0 : i32
    %dma_start3A_25 = tpu.memref_slice %arg10[%dma_start3A_23, %dma_start3A_24] : memref<10112x64xf32, #tpu.memory_space<vmem_shared>> -> memref<10112x64xf32, #tpu.memory_space<vmem_shared>>
    tpu.enqueue_indirect_dma source(%dma_start3A_25 : memref<10112x64xf32, #tpu.memory_space<vmem_shared>>) target(%arg15 : memref<128x64xf32, #tpu.memory_space<vmem>>) offsets(%dma_start3A_22 : memref<128xi32, #tpu.memory_space<vmem>>) semaphore(%arg11 : memref<!tpu.dma_semaphore, #tpu.memory_space<semaphore_mem>>)
    %dma_start3A_26 = arith.constant 1 : i32
    %dma_start3A_27 = arith.constant 0 : i32
    %dma_start3A_28 = tpu.memref_slice %arg7[%dma_start3A_26, %dma_start3A_27] : memref<80x128xi32, #tpu.memory_space<vmem>> -> memref<1x128xi32, #tpu.memory_space<vmem>>
    %dma_start3A_29 = tpu.memref_squeeze %dma_start3A_28 : memref<1x128xi32, #tpu.memory_space<vmem>> -> memref<128xi32, #tpu.memory_space<vmem>>
    %dma_start3A_30 = arith.constant 0 : i32
    %dma_start3A_31 = arith.constant 0 : i32
    %dma_start3A_32 = tpu.memref_slice %arg10[%dma_start3A_30, %dma_start3A_31] : memref<10112x64xf32, #tpu.memory_space<vmem_shared>> -> memref<10112x64xf32, #tpu.memory_space<vmem_shared>>
    tpu.enqueue_indirect_dma source(%dma_start3A_32 : memref<10112x64xf32, #tpu.memory_space<vmem_shared>>) target(%arg16 : memref<128x64xf32, #tpu.memory_space<vmem>>) offsets(%dma_start3A_29 : memref<128xi32, #tpu.memory_space<vmem>>) semaphore(%arg12 : memref<!tpu.dma_semaphore, #tpu.memory_space<semaphore_mem>>)
    %dma_wait3A = arith.constant 0 : i32
    %dma_wait3A_33 = arith.constant 0 : i32
    %dma_wait3A_34 = tpu.memref_slice %arg7[%dma_wait3A, %dma_wait3A_33] : memref<80x128xi32, #tpu.memory_space<vmem>> -> memref<1x128xi32, #tpu.memory_space<vmem>>
    %dma_wait3A_35 = tpu.memref_squeeze %dma_wait3A_34 : memref<1x128xi32, #tpu.memory_space<vmem>> -> memref<128xi32, #tpu.memory_space<vmem>>
    %dma_wait3A_36 = arith.constant 0 : i32
    %dma_wait3A_37 = arith.constant 0 : i32
    %dma_wait3A_38 = tpu.memref_slice %arg10[%dma_wait3A_36, %dma_wait3A_37] : memref<10112x64xf32, #tpu.memory_space<vmem_shared>> -> memref<10112x64xf32, #tpu.memory_space<vmem_shared>>
    tpu.wait_indirect_dma semaphore(%arg11 : memref<!tpu.dma_semaphore, #tpu.memory_space<semaphore_mem>>) src(%dma_wait3A_38 : memref<10112x64xf32, #tpu.memory_space<vmem_shared>>) dst(%arg15 : memref<128x64xf32, #tpu.memory_space<vmem>>)
    %dma_start3A_39 = arith.constant 0 : i32
    %dma_start3A_40 = arith.constant 0 : i32
    %dma_start3A_41 = tpu.memref_slice %arg8[%dma_start3A_39, %dma_start3A_40] : memref<80x128xi32, #tpu.memory_space<vmem>> -> memref<1x128xi32, #tpu.memory_space<vmem>>
    %dma_start3A_42 = tpu.memref_squeeze %dma_start3A_41 : memref<1x128xi32, #tpu.memory_space<vmem>> -> memref<128xi32, #tpu.memory_space<vmem>>
    %dma_start3A_43 = arith.constant 0 : i32
    %dma_start3A_44 = arith.constant 0 : i32
    %dma_start3A_45 = tpu.memref_slice %arg9[%dma_start3A_43, %dma_start3A_44] : memref<10112x64xf32, #tpu.memory_space<vmem_shared>> -> memref<10112x64xf32, #tpu.memory_space<vmem_shared>>
    tpu.enqueue_indirect_dma source(%arg15 : memref<128x64xf32, #tpu.memory_space<vmem>>) target(%dma_start3A_45 : memref<10112x64xf32, #tpu.memory_space<vmem_shared>>) offsets(%dma_start3A_42 : memref<128xi32, #tpu.memory_space<vmem>>) semaphore(%arg13 : memref<!tpu.dma_semaphore, #tpu.memory_space<semaphore_mem>>) {add = true}
    %while3A = arith.constant 0 : i32
    %while3A_46 = arith.constant 0 : i32
    %while3A_47 = arith.subi %select_n3A_19, %while3A_46 : i32
    %while3A_48 = arith.addi %while3A_46, %while3A_47 : i32
    %while3A_49 = arith.constant 1 : i32
    %while3A_50 = arith.divsi %while3A_47, %while3A_49 : i32
    %while3A_51 = arith.muli %while3A_50, %while3A_49 : i32
    %while3A_52 = arith.addi %while3A_46, %while3A_51 : i32
    %while3A_53 = arith.constant 1 : i32
    scf.for %while3A_92 = %while3A_46 to %while3A_52 step %while3A_53  : i32 {
      %mul3A_93 = arith.constant 2 : i32
      %mul3A_94 = arith.muli %mul3A_93, %while3A_92 : i32
      %add3A_95 = arith.constant 1 : i32
      %add3A_96 = arith.addi %mul3A_94, %add3A_95 : i32
      %dma_wait3A_97 = arith.constant 0 : i32
      %dma_wait3A_98 = arith.constant 0 : i32
      %dma_wait3A_99 = tpu.memref_slice %arg8[%dma_wait3A_97, %dma_wait3A_98] : memref<80x128xi32, #tpu.memory_space<vmem>> -> memref<1x128xi32, #tpu.memory_space<vmem>>
      %dma_wait3A_100 = tpu.memref_squeeze %dma_wait3A_99 : memref<1x128xi32, #tpu.memory_space<vmem>> -> memref<128xi32, #tpu.memory_space<vmem>>
      %dma_wait3A_101 = arith.constant 0 : i32
      %dma_wait3A_102 = arith.constant 0 : i32
      %dma_wait3A_103 = tpu.memref_slice %arg9[%dma_wait3A_101, %dma_wait3A_102] : memref<10112x64xf32, #tpu.memory_space<vmem_shared>> -> memref<10112x64xf32, #tpu.memory_space<vmem_shared>>
      tpu.wait_indirect_dma semaphore(%arg13 : memref<!tpu.dma_semaphore, #tpu.memory_space<semaphore_mem>>) src(%arg15 : memref<128x64xf32, #tpu.memory_space<vmem>>) dst(%dma_wait3A_103 : memref<10112x64xf32, #tpu.memory_space<vmem_shared>>)
      %add3A_104 = arith.constant 1 : i32
      %add3A_105 = arith.addi %add3A_96, %add3A_104 : i32
      %mul3A_106 = arith.constant 1 : i32
      %mul3A_107 = arith.muli %add3A_105, %mul3A_106 : i32
      %add3A_108 = arith.constant 0 : i32
      %add3A_109 = arith.addi %mul3A_107, %add3A_108 : i32
      %dma_start3A_110 = arith.constant 0 : i32
      %dma_start3A_111 = tpu.memref_slice %arg7[%add3A_109, %dma_start3A_110] : memref<80x128xi32, #tpu.memory_space<vmem>> -> memref<1x128xi32, #tpu.memory_space<vmem>>
      %dma_start3A_112 = tpu.memref_squeeze %dma_start3A_111 : memref<1x128xi32, #tpu.memory_space<vmem>> -> memref<128xi32, #tpu.memory_space<vmem>>
      %dma_start3A_113 = arith.constant 0 : i32
      %dma_start3A_114 = arith.constant 0 : i32
      %dma_start3A_115 = tpu.memref_slice %arg10[%dma_start3A_113, %dma_start3A_114] : memref<10112x64xf32, #tpu.memory_space<vmem_shared>> -> memref<10112x64xf32, #tpu.memory_space<vmem_shared>>
      tpu.enqueue_indirect_dma source(%dma_start3A_115 : memref<10112x64xf32, #tpu.memory_space<vmem_shared>>) target(%arg15 : memref<128x64xf32, #tpu.memory_space<vmem>>) offsets(%dma_start3A_112 : memref<128xi32, #tpu.memory_space<vmem>>) semaphore(%arg11 : memref<!tpu.dma_semaphore, #tpu.memory_space<semaphore_mem>>)
      %dma_wait3A_116 = arith.constant 0 : i32
      %dma_wait3A_117 = arith.constant 0 : i32
      %dma_wait3A_118 = tpu.memref_slice %arg7[%dma_wait3A_116, %dma_wait3A_117] : memref<80x128xi32, #tpu.memory_space<vmem>> -> memref<1x128xi32, #tpu.memory_space<vmem>>
      %dma_wait3A_119 = tpu.memref_squeeze %dma_wait3A_118 : memref<1x128xi32, #tpu.memory_space<vmem>> -> memref<128xi32, #tpu.memory_space<vmem>>
      %dma_wait3A_120 = arith.constant 0 : i32
      %dma_wait3A_121 = arith.constant 0 : i32
      %dma_wait3A_122 = tpu.memref_slice %arg10[%dma_wait3A_120, %dma_wait3A_121] : memref<10112x64xf32, #tpu.memory_space<vmem_shared>> -> memref<10112x64xf32, #tpu.memory_space<vmem_shared>>
      tpu.wait_indirect_dma semaphore(%arg12 : memref<!tpu.dma_semaphore, #tpu.memory_space<semaphore_mem>>) src(%dma_wait3A_122 : memref<10112x64xf32, #tpu.memory_space<vmem_shared>>) dst(%arg16 : memref<128x64xf32, #tpu.memory_space<vmem>>)
      %mul3A_123 = arith.constant 1 : i32
      %mul3A_124 = arith.muli %add3A_96, %mul3A_123 : i32
      %add3A_125 = arith.constant 0 : i32
      %add3A_126 = arith.addi %mul3A_124, %add3A_125 : i32
      %dma_start3A_127 = arith.constant 0 : i32
      %dma_start3A_128 = tpu.memref_slice %arg8[%add3A_126, %dma_start3A_127] : memref<80x128xi32, #tpu.memory_space<vmem>> -> memref<1x128xi32, #tpu.memory_space<vmem>>
      %dma_start3A_129 = tpu.memref_squeeze %dma_start3A_128 : memref<1x128xi32, #tpu.memory_space<vmem>> -> memref<128xi32, #tpu.memory_space<vmem>>
      %dma_start3A_130 = arith.constant 0 : i32
      %dma_start3A_131 = arith.constant 0 : i32
      %dma_start3A_132 = tpu.memref_slice %arg9[%dma_start3A_130, %dma_start3A_131] : memref<10112x64xf32, #tpu.memory_space<vmem_shared>> -> memref<10112x64xf32, #tpu.memory_space<vmem_shared>>
      tpu.enqueue_indirect_dma source(%arg16 : memref<128x64xf32, #tpu.memory_space<vmem>>) target(%dma_start3A_132 : memref<10112x64xf32, #tpu.memory_space<vmem_shared>>) offsets(%dma_start3A_129 : memref<128xi32, #tpu.memory_space<vmem>>) semaphore(%arg14 : memref<!tpu.dma_semaphore, #tpu.memory_space<semaphore_mem>>) {add = true}
      %add3A_133 = arith.constant 1 : i32
      %add3A_134 = arith.addi %add3A_96, %add3A_133 : i32
      %dma_wait3A_135 = arith.constant 0 : i32
      %dma_wait3A_136 = arith.constant 0 : i32
      %dma_wait3A_137 = tpu.memref_slice %arg8[%dma_wait3A_135, %dma_wait3A_136] : memref<80x128xi32, #tpu.memory_space<vmem>> -> memref<1x128xi32, #tpu.memory_space<vmem>>
      %dma_wait3A_138 = tpu.memref_squeeze %dma_wait3A_137 : memref<1x128xi32, #tpu.memory_space<vmem>> -> memref<128xi32, #tpu.memory_space<vmem>>
      %dma_wait3A_139 = arith.constant 0 : i32
      %dma_wait3A_140 = arith.constant 0 : i32
      %dma_wait3A_141 = tpu.memref_slice %arg9[%dma_wait3A_139, %dma_wait3A_140] : memref<10112x64xf32, #tpu.memory_space<vmem_shared>> -> memref<10112x64xf32, #tpu.memory_space<vmem_shared>>
      tpu.wait_indirect_dma semaphore(%arg14 : memref<!tpu.dma_semaphore, #tpu.memory_space<semaphore_mem>>) src(%arg16 : memref<128x64xf32, #tpu.memory_space<vmem>>) dst(%dma_wait3A_141 : memref<10112x64xf32, #tpu.memory_space<vmem_shared>>)
      %add3A_142 = arith.constant 1 : i32
      %add3A_143 = arith.addi %add3A_134, %add3A_142 : i32
      %mul3A_144 = arith.constant 1 : i32
      %mul3A_145 = arith.muli %add3A_143, %mul3A_144 : i32
      %add3A_146 = arith.constant 0 : i32
      %add3A_147 = arith.addi %mul3A_145, %add3A_146 : i32
      %dma_start3A_148 = arith.constant 0 : i32
      %dma_start3A_149 = tpu.memref_slice %arg7[%add3A_147, %dma_start3A_148] : memref<80x128xi32, #tpu.memory_space<vmem>> -> memref<1x128xi32, #tpu.memory_space<vmem>>
      %dma_start3A_150 = tpu.memref_squeeze %dma_start3A_149 : memref<1x128xi32, #tpu.memory_space<vmem>> -> memref<128xi32, #tpu.memory_space<vmem>>
      %dma_start3A_151 = arith.constant 0 : i32
      %dma_start3A_152 = arith.constant 0 : i32
      %dma_start3A_153 = tpu.memref_slice %arg10[%dma_start3A_151, %dma_start3A_152] : memref<10112x64xf32, #tpu.memory_space<vmem_shared>> -> memref<10112x64xf32, #tpu.memory_space<vmem_shared>>
      tpu.enqueue_indirect_dma source(%dma_start3A_153 : memref<10112x64xf32, #tpu.memory_space<vmem_shared>>) target(%arg16 : memref<128x64xf32, #tpu.memory_space<vmem>>) offsets(%dma_start3A_150 : memref<128xi32, #tpu.memory_space<vmem>>) semaphore(%arg12 : memref<!tpu.dma_semaphore, #tpu.memory_space<semaphore_mem>>)
      %dma_wait3A_154 = arith.constant 0 : i32
      %dma_wait3A_155 = arith.constant 0 : i32
      %dma_wait3A_156 = tpu.memref_slice %arg7[%dma_wait3A_154, %dma_wait3A_155] : memref<80x128xi32, #tpu.memory_space<vmem>> -> memref<1x128xi32, #tpu.memory_space<vmem>>
      %dma_wait3A_157 = tpu.memref_squeeze %dma_wait3A_156 : memref<1x128xi32, #tpu.memory_space<vmem>> -> memref<128xi32, #tpu.memory_space<vmem>>
      %dma_wait3A_158 = arith.constant 0 : i32
      %dma_wait3A_159 = arith.constant 0 : i32
      %dma_wait3A_160 = tpu.memref_slice %arg10[%dma_wait3A_158, %dma_wait3A_159] : memref<10112x64xf32, #tpu.memory_space<vmem_shared>> -> memref<10112x64xf32, #tpu.memory_space<vmem_shared>>
      tpu.wait_indirect_dma semaphore(%arg11 : memref<!tpu.dma_semaphore, #tpu.memory_space<semaphore_mem>>) src(%dma_wait3A_160 : memref<10112x64xf32, #tpu.memory_space<vmem_shared>>) dst(%arg15 : memref<128x64xf32, #tpu.memory_space<vmem>>)
      %mul3A_161 = arith.constant 1 : i32
      %mul3A_162 = arith.muli %add3A_134, %mul3A_161 : i32
      %add3A_163 = arith.constant 0 : i32
      %add3A_164 = arith.addi %mul3A_162, %add3A_163 : i32
      %dma_start3A_165 = arith.constant 0 : i32
      %dma_start3A_166 = tpu.memref_slice %arg8[%add3A_164, %dma_start3A_165] : memref<80x128xi32, #tpu.memory_space<vmem>> -> memref<1x128xi32, #tpu.memory_space<vmem>>
      %dma_start3A_167 = tpu.memref_squeeze %dma_start3A_166 : memref<1x128xi32, #tpu.memory_space<vmem>> -> memref<128xi32, #tpu.memory_space<vmem>>
      %dma_start3A_168 = arith.constant 0 : i32
      %dma_start3A_169 = arith.constant 0 : i32
      %dma_start3A_170 = tpu.memref_slice %arg9[%dma_start3A_168, %dma_start3A_169] : memref<10112x64xf32, #tpu.memory_space<vmem_shared>> -> memref<10112x64xf32, #tpu.memory_space<vmem_shared>>
      tpu.enqueue_indirect_dma source(%arg15 : memref<128x64xf32, #tpu.memory_space<vmem>>) target(%dma_start3A_170 : memref<10112x64xf32, #tpu.memory_space<vmem_shared>>) offsets(%dma_start3A_167 : memref<128xi32, #tpu.memory_space<vmem>>) semaphore(%arg13 : memref<!tpu.dma_semaphore, #tpu.memory_space<semaphore_mem>>) {add = true}
    }
    %while3A_54 = arith.constant 1 : i32
    scf.for %while3A_92 = %while3A_52 to %while3A_48 step %while3A_54  : i32 {
      %mul3A_93 = arith.constant 2 : i32
      %mul3A_94 = arith.muli %mul3A_93, %while3A_92 : i32
      %add3A_95 = arith.constant 1 : i32
      %add3A_96 = arith.addi %mul3A_94, %add3A_95 : i32
      %dma_wait3A_97 = arith.constant 0 : i32
      %dma_wait3A_98 = arith.constant 0 : i32
      %dma_wait3A_99 = tpu.memref_slice %arg8[%dma_wait3A_97, %dma_wait3A_98] : memref<80x128xi32, #tpu.memory_space<vmem>> -> memref<1x128xi32, #tpu.memory_space<vmem>>
      %dma_wait3A_100 = tpu.memref_squeeze %dma_wait3A_99 : memref<1x128xi32, #tpu.memory_space<vmem>> -> memref<128xi32, #tpu.memory_space<vmem>>
      %dma_wait3A_101 = arith.constant 0 : i32
      %dma_wait3A_102 = arith.constant 0 : i32
      %dma_wait3A_103 = tpu.memref_slice %arg9[%dma_wait3A_101, %dma_wait3A_102] : memref<10112x64xf32, #tpu.memory_space<vmem_shared>> -> memref<10112x64xf32, #tpu.memory_space<vmem_shared>>
      tpu.wait_indirect_dma semaphore(%arg13 : memref<!tpu.dma_semaphore, #tpu.memory_space<semaphore_mem>>) src(%arg15 : memref<128x64xf32, #tpu.memory_space<vmem>>) dst(%dma_wait3A_103 : memref<10112x64xf32, #tpu.memory_space<vmem_shared>>)
      %add3A_104 = arith.constant 1 : i32
      %add3A_105 = arith.addi %add3A_96, %add3A_104 : i32
      %mul3A_106 = arith.constant 1 : i32
      %mul3A_107 = arith.muli %add3A_105, %mul3A_106 : i32
      %add3A_108 = arith.constant 0 : i32
      %add3A_109 = arith.addi %mul3A_107, %add3A_108 : i32
      %dma_start3A_110 = arith.constant 0 : i32
      %dma_start3A_111 = tpu.memref_slice %arg7[%add3A_109, %dma_start3A_110] : memref<80x128xi32, #tpu.memory_space<vmem>> -> memref<1x128xi32, #tpu.memory_space<vmem>>
      %dma_start3A_112 = tpu.memref_squeeze %dma_start3A_111 : memref<1x128xi32, #tpu.memory_space<vmem>> -> memref<128xi32, #tpu.memory_space<vmem>>
      %dma_start3A_113 = arith.constant 0 : i32
      %dma_start3A_114 = arith.constant 0 : i32
      %dma_start3A_115 = tpu.memref_slice %arg10[%dma_start3A_113, %dma_start3A_114] : memref<10112x64xf32, #tpu.memory_space<vmem_shared>> -> memref<10112x64xf32, #tpu.memory_space<vmem_shared>>
      tpu.enqueue_indirect_dma source(%dma_start3A_115 : memref<10112x64xf32, #tpu.memory_space<vmem_shared>>) target(%arg15 : memref<128x64xf32, #tpu.memory_space<vmem>>) offsets(%dma_start3A_112 : memref<128xi32, #tpu.memory_space<vmem>>) semaphore(%arg11 : memref<!tpu.dma_semaphore, #tpu.memory_space<semaphore_mem>>)
      %dma_wait3A_116 = arith.constant 0 : i32
      %dma_wait3A_117 = arith.constant 0 : i32
      %dma_wait3A_118 = tpu.memref_slice %arg7[%dma_wait3A_116, %dma_wait3A_117] : memref<80x128xi32, #tpu.memory_space<vmem>> -> memref<1x128xi32, #tpu.memory_space<vmem>>
      %dma_wait3A_119 = tpu.memref_squeeze %dma_wait3A_118 : memref<1x128xi32, #tpu.memory_space<vmem>> -> memref<128xi32, #tpu.memory_space<vmem>>
      %dma_wait3A_120 = arith.constant 0 : i32
      %dma_wait3A_121 = arith.constant 0 : i32
      %dma_wait3A_122 = tpu.memref_slice %arg10[%dma_wait3A_120, %dma_wait3A_121] : memref<10112x64xf32, #tpu.memory_space<vmem_shared>> -> memref<10112x64xf32, #tpu.memory_space<vmem_shared>>
      tpu.wait_indirect_dma semaphore(%arg12 : memref<!tpu.dma_semaphore, #tpu.memory_space<semaphore_mem>>) src(%dma_wait3A_122 : memref<10112x64xf32, #tpu.memory_space<vmem_shared>>) dst(%arg16 : memref<128x64xf32, #tpu.memory_space<vmem>>)
      %mul3A_123 = arith.constant 1 : i32
      %mul3A_124 = arith.muli %add3A_96, %mul3A_123 : i32
      %add3A_125 = arith.constant 0 : i32
      %add3A_126 = arith.addi %mul3A_124, %add3A_125 : i32
      %dma_start3A_127 = arith.constant 0 : i32
      %dma_start3A_128 = tpu.memref_slice %arg8[%add3A_126, %dma_start3A_127] : memref<80x128xi32, #tpu.memory_space<vmem>> -> memref<1x128xi32, #tpu.memory_space<vmem>>
      %dma_start3A_129 = tpu.memref_squeeze %dma_start3A_128 : memref<1x128xi32, #tpu.memory_space<vmem>> -> memref<128xi32, #tpu.memory_space<vmem>>
      %dma_start3A_130 = arith.constant 0 : i32
      %dma_start3A_131 = arith.constant 0 : i32
      %dma_start3A_132 = tpu.memref_slice %arg9[%dma_start3A_130, %dma_start3A_131] : memref<10112x64xf32, #tpu.memory_space<vmem_shared>> -> memref<10112x64xf32, #tpu.memory_space<vmem_shared>>
      tpu.enqueue_indirect_dma source(%arg16 : memref<128x64xf32, #tpu.memory_space<vmem>>) target(%dma_start3A_132 : memref<10112x64xf32, #tpu.memory_space<vmem_shared>>) offsets(%dma_start3A_129 : memref<128xi32, #tpu.memory_space<vmem>>) semaphore(%arg14 : memref<!tpu.dma_semaphore, #tpu.memory_space<semaphore_mem>>) {add = true}
      %add3A_133 = arith.constant 1 : i32
      %add3A_134 = arith.addi %add3A_96, %add3A_133 : i32
      %dma_wait3A_135 = arith.constant 0 : i32
      %dma_wait3A_136 = arith.constant 0 : i32
      %dma_wait3A_137 = tpu.memref_slice %arg8[%dma_wait3A_135, %dma_wait3A_136] : memref<80x128xi32, #tpu.memory_space<vmem>> -> memref<1x128xi32, #tpu.memory_space<vmem>>
      %dma_wait3A_138 = tpu.memref_squeeze %dma_wait3A_137 : memref<1x128xi32, #tpu.memory_space<vmem>> -> memref<128xi32, #tpu.memory_space<vmem>>
      %dma_wait3A_139 = arith.constant 0 : i32
      %dma_wait3A_140 = arith.constant 0 : i32
      %dma_wait3A_141 = tpu.memref_slice %arg9[%dma_wait3A_139, %dma_wait3A_140] : memref<10112x64xf32, #tpu.memory_space<vmem_shared>> -> memref<10112x64xf32, #tpu.memory_space<vmem_shared>>
      tpu.wait_indirect_dma semaphore(%arg14 : memref<!tpu.dma_semaphore, #tpu.memory_space<semaphore_mem>>) src(%arg16 : memref<128x64xf32, #tpu.memory_space<vmem>>) dst(%dma_wait3A_141 : memref<10112x64xf32, #tpu.memory_space<vmem_shared>>)
      %add3A_142 = arith.constant 1 : i32
      %add3A_143 = arith.addi %add3A_134, %add3A_142 : i32
      %mul3A_144 = arith.constant 1 : i32
      %mul3A_145 = arith.muli %add3A_143, %mul3A_144 : i32
      %add3A_146 = arith.constant 0 : i32
      %add3A_147 = arith.addi %mul3A_145, %add3A_146 : i32
      %dma_start3A_148 = arith.constant 0 : i32
      %dma_start3A_149 = tpu.memref_slice %arg7[%add3A_147, %dma_start3A_148] : memref<80x128xi32, #tpu.memory_space<vmem>> -> memref<1x128xi32, #tpu.memory_space<vmem>>
      %dma_start3A_150 = tpu.memref_squeeze %dma_start3A_149 : memref<1x128xi32, #tpu.memory_space<vmem>> -> memref<128xi32, #tpu.memory_space<vmem>>
      %dma_start3A_151 = arith.constant 0 : i32
      %dma_start3A_152 = arith.constant 0 : i32
      %dma_start3A_153 = tpu.memref_slice %arg10[%dma_start3A_151, %dma_start3A_152] : memref<10112x64xf32, #tpu.memory_space<vmem_shared>> -> memref<10112x64xf32, #tpu.memory_space<vmem_shared>>
      tpu.enqueue_indirect_dma source(%dma_start3A_153 : memref<10112x64xf32, #tpu.memory_space<vmem_shared>>) target(%arg16 : memref<128x64xf32, #tpu.memory_space<vmem>>) offsets(%dma_start3A_150 : memref<128xi32, #tpu.memory_space<vmem>>) semaphore(%arg12 : memref<!tpu.dma_semaphore, #tpu.memory_space<semaphore_mem>>)
      %dma_wait3A_154 = arith.constant 0 : i32
      %dma_wait3A_155 = arith.constant 0 : i32
      %dma_wait3A_156 = tpu.memref_slice %arg7[%dma_wait3A_154, %dma_wait3A_155] : memref<80x128xi32, #tpu.memory_space<vmem>> -> memref<1x128xi32, #tpu.memory_space<vmem>>
      %dma_wait3A_157 = tpu.memref_squeeze %dma_wait3A_156 : memref<1x128xi32, #tpu.memory_space<vmem>> -> memref<128xi32, #tpu.memory_space<vmem>>
      %dma_wait3A_158 = arith.constant 0 : i32
      %dma_wait3A_159 = arith.constant 0 : i32
      %dma_wait3A_160 = tpu.memref_slice %arg10[%dma_wait3A_158, %dma_wait3A_159] : memref<10112x64xf32, #tpu.memory_space<vmem_shared>> -> memref<10112x64xf32, #tpu.memory_space<vmem_shared>>
      tpu.wait_indirect_dma semaphore(%arg11 : memref<!tpu.dma_semaphore, #tpu.memory_space<semaphore_mem>>) src(%dma_wait3A_160 : memref<10112x64xf32, #tpu.memory_space<vmem_shared>>) dst(%arg15 : memref<128x64xf32, #tpu.memory_space<vmem>>)
      %mul3A_161 = arith.constant 1 : i32
      %mul3A_162 = arith.muli %add3A_134, %mul3A_161 : i32
      %add3A_163 = arith.constant 0 : i32
      %add3A_164 = arith.addi %mul3A_162, %add3A_163 : i32
      %dma_start3A_165 = arith.constant 0 : i32
      %dma_start3A_166 = tpu.memref_slice %arg8[%add3A_164, %dma_start3A_165] : memref<80x128xi32, #tpu.memory_space<vmem>> -> memref<1x128xi32, #tpu.memory_space<vmem>>
      %dma_start3A_167 = tpu.memref_squeeze %dma_start3A_166 : memref<1x128xi32, #tpu.memory_space<vmem>> -> memref<128xi32, #tpu.memory_space<vmem>>
      %dma_start3A_168 = arith.constant 0 : i32
      %dma_start3A_169 = arith.constant 0 : i32
      %dma_start3A_170 = tpu.memref_slice %arg9[%dma_start3A_168, %dma_start3A_169] : memref<10112x64xf32, #tpu.memory_space<vmem_shared>> -> memref<10112x64xf32, #tpu.memory_space<vmem_shared>>
      tpu.enqueue_indirect_dma source(%arg15 : memref<128x64xf32, #tpu.memory_space<vmem>>) target(%dma_start3A_170 : memref<10112x64xf32, #tpu.memory_space<vmem_shared>>) offsets(%dma_start3A_167 : memref<128xi32, #tpu.memory_space<vmem>>) semaphore(%arg13 : memref<!tpu.dma_semaphore, #tpu.memory_space<semaphore_mem>>) {add = true}
    }
    %sub3A = arith.constant 1 : i32
    %sub3A_55 = arith.subi %select_n3A_14, %sub3A : i32
    %dma_wait3A_56 = arith.constant 0 : i32
    %dma_wait3A_57 = arith.constant 0 : i32
    %dma_wait3A_58 = tpu.memref_slice %arg7[%dma_wait3A_56, %dma_wait3A_57] : memref<80x128xi32, #tpu.memory_space<vmem>> -> memref<1x128xi32, #tpu.memory_space<vmem>>
    %dma_wait3A_59 = tpu.memref_squeeze %dma_wait3A_58 : memref<1x128xi32, #tpu.memory_space<vmem>> -> memref<128xi32, #tpu.memory_space<vmem>>
    %dma_wait3A_60 = arith.constant 0 : i32
    %dma_wait3A_61 = arith.constant 0 : i32
    %dma_wait3A_62 = tpu.memref_slice %arg10[%dma_wait3A_60, %dma_wait3A_61] : memref<10112x64xf32, #tpu.memory_space<vmem_shared>> -> memref<10112x64xf32, #tpu.memory_space<vmem_shared>>
    tpu.wait_indirect_dma semaphore(%arg12 : memref<!tpu.dma_semaphore, #tpu.memory_space<semaphore_mem>>) src(%dma_wait3A_62 : memref<10112x64xf32, #tpu.memory_space<vmem_shared>>) dst(%arg16 : memref<128x64xf32, #tpu.memory_space<vmem>>)
    %mul3A_63 = arith.constant 1 : i32
    %mul3A_64 = arith.muli %sub3A_55, %mul3A_63 : i32
    %add3A_65 = arith.constant 0 : i32
    %add3A_66 = arith.addi %mul3A_64, %add3A_65 : i32
    %dma_start3A_67 = arith.constant 0 : i32
    %dma_start3A_68 = tpu.memref_slice %arg8[%add3A_66, %dma_start3A_67] : memref<80x128xi32, #tpu.memory_space<vmem>> -> memref<1x128xi32, #tpu.memory_space<vmem>>
    %dma_start3A_69 = tpu.memref_squeeze %dma_start3A_68 : memref<1x128xi32, #tpu.memory_space<vmem>> -> memref<128xi32, #tpu.memory_space<vmem>>
    %dma_start3A_70 = arith.constant 0 : i32
    %dma_start3A_71 = arith.constant 0 : i32
    %dma_start3A_72 = tpu.memref_slice %arg9[%dma_start3A_70, %dma_start3A_71] : memref<10112x64xf32, #tpu.memory_space<vmem_shared>> -> memref<10112x64xf32, #tpu.memory_space<vmem_shared>>
    tpu.enqueue_indirect_dma source(%arg16 : memref<128x64xf32, #tpu.memory_space<vmem>>) target(%dma_start3A_72 : memref<10112x64xf32, #tpu.memory_space<vmem_shared>>) offsets(%dma_start3A_69 : memref<128xi32, #tpu.memory_space<vmem>>) semaphore(%arg14 : memref<!tpu.dma_semaphore, #tpu.memory_space<semaphore_mem>>) {add = true}
    %dma_wait3A_73 = arith.constant 0 : i32
    %dma_wait3A_74 = arith.constant 0 : i32
    %dma_wait3A_75 = tpu.memref_slice %arg8[%dma_wait3A_73, %dma_wait3A_74] : memref<80x128xi32, #tpu.memory_space<vmem>> -> memref<1x128xi32, #tpu.memory_space<vmem>>
    %dma_wait3A_76 = tpu.memref_squeeze %dma_wait3A_75 : memref<1x128xi32, #tpu.memory_space<vmem>> -> memref<128xi32, #tpu.memory_space<vmem>>
    %dma_wait3A_77 = arith.constant 0 : i32
    %dma_wait3A_78 = arith.constant 0 : i32
    %dma_wait3A_79 = tpu.memref_slice %arg9[%dma_wait3A_77, %dma_wait3A_78] : memref<10112x64xf32, #tpu.memory_space<vmem_shared>> -> memref<10112x64xf32, #tpu.memory_space<vmem_shared>>
    tpu.wait_indirect_dma semaphore(%arg13 : memref<!tpu.dma_semaphore, #tpu.memory_space<semaphore_mem>>) src(%arg15 : memref<128x64xf32, #tpu.memory_space<vmem>>) dst(%dma_wait3A_79 : memref<10112x64xf32, #tpu.memory_space<vmem_shared>>)
    %dma_wait3A_80 = arith.constant 0 : i32
    %dma_wait3A_81 = arith.constant 0 : i32
    %dma_wait3A_82 = tpu.memref_slice %arg8[%dma_wait3A_80, %dma_wait3A_81] : memref<80x128xi32, #tpu.memory_space<vmem>> -> memref<1x128xi32, #tpu.memory_space<vmem>>
    %dma_wait3A_83 = tpu.memref_squeeze %dma_wait3A_82 : memref<1x128xi32, #tpu.memory_space<vmem>> -> memref<128xi32, #tpu.memory_space<vmem>>
    %dma_wait3A_84 = arith.constant 0 : i32
    %dma_wait3A_85 = arith.constant 0 : i32
    %dma_wait3A_86 = tpu.memref_slice %arg9[%dma_wait3A_84, %dma_wait3A_85] : memref<10112x64xf32, #tpu.memory_space<vmem_shared>> -> memref<10112x64xf32, #tpu.memory_space<vmem_shared>>
    tpu.wait_indirect_dma semaphore(%arg14 : memref<!tpu.dma_semaphore, #tpu.memory_space<semaphore_mem>>) src(%arg16 : memref<128x64xf32, #tpu.memory_space<vmem>>) dst(%dma_wait3A_86 : memref<10112x64xf32, #tpu.memory_space<vmem_shared>>)
    %barrier3A_87 = arith.constant 0 : index
    tpu.barrier barrier_id(%barrier3A_87)
    %mul3A_88 = arith.constant 632 : i32
    %mul3A_89 = arith.muli %arg1, %mul3A_88 : i32
    %mul3A_90 = arith.constant 632 : i32
    %mul3A_91 = arith.muli %arg1, %mul3A_90 : i32
    "tpu.region"() ({
      %run_scoped3A = tpu.sem_alloc : memref<!tpu.dma_semaphore, #tpu.memory_space<semaphore_mem>>
      %dma_start3A_92 = arith.constant 0 : i32
      %dma_start3A_93 = tpu.memref_slice %arg6[%arg0, %mul3A_91, %dma_start3A_92] : memref<2x10112x64xf32, #tpu.memory_space<hbm>> -> memref<1x632x64xf32, #tpu.memory_space<hbm>>
      %dma_start3A_94 = tpu.memref_squeeze %dma_start3A_93 : memref<1x632x64xf32, #tpu.memory_space<hbm>> -> memref<632x64xf32, #tpu.memory_space<hbm>>
      %dma_start3A_95 = arith.constant 0 : i32
      %dma_start3A_96 = tpu.memref_slice %arg9[%mul3A_89, %dma_start3A_95] : memref<10112x64xf32, #tpu.memory_space<vmem_shared>> -> memref<632x64xf32, #tpu.memory_space<vmem_shared>>
      tpu.enqueue_dma source(%dma_start3A_96 : memref<632x64xf32, #tpu.memory_space<vmem_shared>>) target(%dma_start3A_94 : memref<632x64xf32, #tpu.memory_space<hbm>>) target_semaphore(%run_scoped3A : memref<!tpu.dma_semaphore, #tpu.memory_space<semaphore_mem>>)
      %dma_wait3A_97 = arith.constant 0 : i32
      %dma_wait3A_98 = tpu.memref_slice %arg6[%arg0, %mul3A_91, %dma_wait3A_97] : memref<2x10112x64xf32, #tpu.memory_space<hbm>> -> memref<1x632x64xf32, #tpu.memory_space<hbm>>
      %dma_wait3A_99 = tpu.memref_squeeze %dma_wait3A_98 : memref<1x632x64xf32, #tpu.memory_space<hbm>> -> memref<632x64xf32, #tpu.memory_space<hbm>>
      %dma_wait3A_100 = arith.constant 0 : i32
      %dma_wait3A_101 = tpu.memref_slice %arg9[%mul3A_89, %dma_wait3A_100] : memref<10112x64xf32, #tpu.memory_space<vmem_shared>> -> memref<632x64xf32, #tpu.memory_space<vmem_shared>>
      tpu.wait_dma2 semaphore(%run_scoped3A : memref<!tpu.dma_semaphore, #tpu.memory_space<semaphore_mem>>) src(%dma_wait3A_101 : memref<632x64xf32, #tpu.memory_space<vmem_shared>>) dst(%dma_wait3A_99 : memref<632x64xf32, #tpu.memory_space<hbm>>)
      tpu.yield
    }) : () -> ()
    return
  }
}

module attributes {stable_mosaic.version = 14 : i64} {
  func.func @body(%arg0: memref<10000x128xf32, #tpu.memory_space<vmem>>, %arg1: memref<128x64xf32, #tpu.memory_space<vmem>>, %arg2: memref<10000x64xf32, #tpu.memory_space<vmem>>) attributes {dimension_semantics = [], scalar_prefetch = 0 : i64, scratch_operands = 0 : i64, tpu.core_type = #tpu.core_type<tc>} {
    %get3A = arith.constant 0 : index
    %get3A_0 = arith.constant 0 : index
    %get3A_1 = vector.load %arg0[%get3A, %get3A_0] : memref<10000x128xf32, #tpu.memory_space<vmem>>, vector<10000x128xf32>
    %get3A_2 = arith.constant 0 : index
    %get3A_3 = arith.constant 0 : index
    %get3A_4 = vector.load %arg1[%get3A_2, %get3A_3] : memref<128x64xf32, #tpu.memory_space<vmem>>, vector<128x64xf32>
    %dot_general3A = arith.constant dense<0.000000e+00> : vector<10000x64xf32>
    %dot_general3A_5 = tpu.matmul %get3A_1, %get3A_4, %dot_general3A {dimension_numbers = #tpu.dot_dimension_numbers<[1], [0], [0], [1], [0, 0, 1, 1], [], []>, transpose_lhs_hint = false} : vector<10000x128xf32>, vector<128x64xf32>, vector<10000x64xf32> -> vector<10000x64xf32>
    %swap3A = arith.constant 0 : index
    %swap3A_6 = arith.constant 0 : index
    %swap3A_7 = vector.load %arg2[%swap3A, %swap3A_6] : memref<10000x64xf32, #tpu.memory_space<vmem>>, vector<10000x64xf32>
    tpu.vector_store %arg2[%swap3A, %swap3A_6], %dot_general3A_5 {strides = array<i32>} : memref<10000x64xf32, #tpu.memory_space<vmem>>, vector<10000x64xf32>,
    return
  }
}

module attributes {stable_mosaic.version = 14 : i64} {
  func.func @body(%arg0: memref<10000x64xf32, #tpu.memory_space<vmem>>, %arg1: memref<10240x2xf32, #tpu.memory_space<vmem>>, %arg2: memref<10000x64xf32, #tpu.memory_space<vmem>>, %arg3: memref<10000x1xf32, #tpu.memory_space<vmem>>) attributes {dimension_semantics = [], scalar_prefetch = 0 : i64, scratch_operands = 0 : i64, tpu.core_type = #tpu.core_type<tc>} {
    %get3A = arith.constant 0 : index
    %get3A_0 = arith.constant 0 : index
    %get3A_1 = vector.load %arg1[%get3A, %get3A_0] : memref<10240x2xf32, #tpu.memory_space<vmem>>, vector<10240x1xf32>
    %get3A_2 = arith.constant 0 : index
    %get3A_3 = arith.constant 1 : index
    %get3A_4 = vector.load %arg1[%get3A_2, %get3A_3] : memref<10240x2xf32, #tpu.memory_space<vmem>>, vector<10240x1xf32>
    %add3A = arith.addf %get3A_1, %get3A_4 : vector<10240x1xf32>
    %add3A_5 = arith.constant 1.000000e+00 : f32
    %add3A_6 = vector.broadcast %add3A_5 : f32 to vector<10240x1xf32>
    %add3A_7 = arith.addf %add3A, %add3A_6 : vector<10240x1xf32>
    %slice3A = vector.extract_strided_slice %add3A_7 {offsets = [0, 0], sizes = [10000, 1], strides = [1, 1]} : vector<10240x1xf32> to vector<10000x1xf32>
    %rsqrt3A = math.rsqrt %slice3A : vector<10000x1xf32>
    %get3A_8 = arith.constant 0 : index
    %get3A_9 = arith.constant 0 : index
    %get3A_10 = vector.load %arg0[%get3A_8, %get3A_9] : memref<10000x64xf32, #tpu.memory_space<vmem>>, vector<10000x64xf32>
    %mul3A = vector.broadcast %rsqrt3A : vector<10000x1xf32> to vector<10000x64xf32>
    %mul3A_11 = arith.mulf %get3A_10, %mul3A : vector<10000x64xf32>
    %swap3A = arith.constant 0 : index
    %swap3A_12 = arith.constant 0 : index
    %swap3A_13 = vector.load %arg2[%swap3A, %swap3A_12] : memref<10000x64xf32, #tpu.memory_space<vmem>>, vector<10000x64xf32>
    tpu.vector_store %arg2[%swap3A, %swap3A_12], %mul3A_11 {strides = array<i32>} : memref<10000x64xf32, #tpu.memory_space<vmem>>, vector<10000x64xf32>,
    %swap3A_14 = arith.constant 0 : index
    %swap3A_15 = arith.constant 0 : index
    %swap3A_16 = vector.load %arg3[%swap3A_14, %swap3A_15] : memref<10000x1xf32, #tpu.memory_space<vmem>>, vector<10000x1xf32>
    tpu.vector_store %arg3[%swap3A_14, %swap3A_15], %rsqrt3A {strides = array<i32>} : memref<10000x1xf32, #tpu.memory_space<vmem>>, vector<10000x1xf32>,
    return
  }
}

module attributes {stable_mosaic.version = 14 : i64} {
  func.func @body(%arg0: memref<10112x64xf32, #tpu.memory_space<vmem>>, %arg1: memref<10112x64xf32, #tpu.memory_space<vmem>>, %arg2: memref<10000x64xf32, #tpu.memory_space<vmem>>, %arg3: memref<10000x1xf32, #tpu.memory_space<vmem>>, %arg4: memref<64x32xf32, #tpu.memory_space<vmem>>, %arg5: memref<1x64xf32, #tpu.memory_space<vmem>>, %arg6: memref<10000x32xf32, #tpu.memory_space<vmem>>) attributes {dimension_semantics = [], scalar_prefetch = 0 : i64, scratch_operands = 0 : i64, tpu.core_type = #tpu.core_type<tc>} {
    %get3A = arith.constant 0 : index
    %get3A_0 = arith.constant 0 : index
    %get3A_1 = vector.load %arg0[%get3A, %get3A_0] : memref<10112x64xf32, #tpu.memory_space<vmem>>, vector<10000x64xf32>
    %get3A_2 = arith.constant 0 : index
    %get3A_3 = arith.constant 0 : index
    %get3A_4 = vector.load %arg1[%get3A_2, %get3A_3] : memref<10112x64xf32, #tpu.memory_space<vmem>>, vector<10000x64xf32>
    %add3A = arith.addf %get3A_1, %get3A_4 : vector<10000x64xf32>
    %get3A_5 = arith.constant 0 : index
    %get3A_6 = arith.constant 0 : index
    %get3A_7 = vector.load %arg2[%get3A_5, %get3A_6] : memref<10000x64xf32, #tpu.memory_space<vmem>>, vector<10000x64xf32>
    %add3A_8 = arith.addf %add3A, %get3A_7 : vector<10000x64xf32>
    %get3A_9 = arith.constant 0 : index
    %get3A_10 = arith.constant 0 : index
    %get3A_11 = vector.load %arg3[%get3A_9, %get3A_10] : memref<10000x1xf32, #tpu.memory_space<vmem>>, vector<10000x1xf32>
    %mul3A = vector.broadcast %get3A_11 : vector<10000x1xf32> to vector<10000x64xf32>
    %mul3A_12 = arith.mulf %mul3A, %add3A_8 : vector<10000x64xf32>
    %get3A_13 = arith.constant 0 : index
    %get3A_14 = arith.constant 0 : index
    %get3A_15 = vector.load %arg5[%get3A_13, %get3A_14] : memref<1x64xf32, #tpu.memory_space<vmem>>, vector<1x64xf32>
    %add3A_16 = vector.broadcast %get3A_15 : vector<1x64xf32> to vector<10000x64xf32>
    %add3A_17 = arith.addf %mul3A_12, %add3A_16 : vector<10000x64xf32>
    %max3A = arith.constant 0.000000e+00 : f32
    %max3A_18 = vector.broadcast %max3A : f32 to vector<10000x64xf32>
    %max3A_19 = arith.maximumf %add3A_17, %max3A_18 : vector<10000x64xf32>
    %get3A_20 = arith.constant 0 : index
    %get3A_21 = arith.constant 0 : index
    %get3A_22 = vector.load %arg4[%get3A_20, %get3A_21] : memref<64x32xf32, #tpu.memory_space<vmem>>, vector<64x32xf32>
    %dot_general3A = arith.constant dense<0.000000e+00> : vector<10000x32xf32>
    %dot_general3A_23 = tpu.matmul %max3A_19, %get3A_22, %dot_general3A {dimension_numbers = #tpu.dot_dimension_numbers<[1], [0], [0], [1], [0, 0, 1, 1], [], []>, transpose_lhs_hint = false} : vector<10000x64xf32>, vector<64x32xf32>, vector<10000x32xf32> -> vector<10000x32xf32>
    %get3A_24 = arith.constant 0 : index
    %get3A_25 = arith.constant 0 : index
    %get3A_26 = vector.load %arg3[%get3A_24, %get3A_25] : memref<10000x1xf32, #tpu.memory_space<vmem>>, vector<10000x1xf32>
    %mul3A_27 = vector.broadcast %get3A_26 : vector<10000x1xf32> to vector<10000x32xf32>
    %mul3A_28 = arith.mulf %dot_general3A_23, %mul3A_27 : vector<10000x32xf32>
    %swap3A = arith.constant 0 : index
    %swap3A_29 = arith.constant 0 : index
    %swap3A_30 = vector.load %arg6[%swap3A, %swap3A_29] : memref<10000x32xf32, #tpu.memory_space<vmem>>, vector<10000x32xf32>
    tpu.vector_store %arg6[%swap3A, %swap3A_29], %mul3A_28 {strides = array<i32>} : memref<10000x32xf32, #tpu.memory_space<vmem>>, vector<10000x32xf32>,
    return
  }
}

module attributes {stable_mosaic.version = 14 : i64} {
  func.func @body(%arg0: memref<10112x32xf32, #tpu.memory_space<vmem>>, %arg1: memref<10112x32xf32, #tpu.memory_space<vmem>>, %arg2: memref<10000x32xf32, #tpu.memory_space<vmem>>, %arg3: memref<10000x1xf32, #tpu.memory_space<vmem>>, %arg4: memref<1x32xf32, #tpu.memory_space<vmem>>, %arg5: memref<1x32xf32, #tpu.memory_space<vmem>>, %arg6: memref<1x1xf32, #tpu.memory_space<vmem>>, %arg7: memref<10000x1xf32, #tpu.memory_space<vmem>>) attributes {dimension_semantics = [], scalar_prefetch = 0 : i64, scratch_operands = 0 : i64, tpu.core_type = #tpu.core_type<tc>} {
    %get3A = arith.constant 0 : index
    %get3A_0 = arith.constant 0 : index
    %get3A_1 = vector.load %arg0[%get3A, %get3A_0] : memref<10112x32xf32, #tpu.memory_space<vmem>>, vector<10000x32xf32>
    %get3A_2 = arith.constant 0 : index
    %get3A_3 = arith.constant 0 : index
    %get3A_4 = vector.load %arg1[%get3A_2, %get3A_3] : memref<10112x32xf32, #tpu.memory_space<vmem>>, vector<10000x32xf32>
    %add3A = arith.addf %get3A_1, %get3A_4 : vector<10000x32xf32>
    %get3A_5 = arith.constant 0 : index
    %get3A_6 = arith.constant 0 : index
    %get3A_7 = vector.load %arg2[%get3A_5, %get3A_6] : memref<10000x32xf32, #tpu.memory_space<vmem>>, vector<10000x32xf32>
    %add3A_8 = arith.addf %add3A, %get3A_7 : vector<10000x32xf32>
    %get3A_9 = arith.constant 0 : index
    %get3A_10 = arith.constant 0 : index
    %get3A_11 = vector.load %arg3[%get3A_9, %get3A_10] : memref<10000x1xf32, #tpu.memory_space<vmem>>, vector<10000x1xf32>
    %mul3A = vector.broadcast %get3A_11 : vector<10000x1xf32> to vector<10000x32xf32>
    %mul3A_12 = arith.mulf %mul3A, %add3A_8 : vector<10000x32xf32>
    %get3A_13 = arith.constant 0 : index
    %get3A_14 = arith.constant 0 : index
    %get3A_15 = vector.load %arg5[%get3A_13, %get3A_14] : memref<1x32xf32, #tpu.memory_space<vmem>>, vector<1x32xf32>
    %add3A_16 = vector.broadcast %get3A_15 : vector<1x32xf32> to vector<10000x32xf32>
    %add3A_17 = arith.addf %mul3A_12, %add3A_16 : vector<10000x32xf32>
    %max3A = arith.constant 0.000000e+00 : f32
    %max3A_18 = vector.broadcast %max3A : f32 to vector<10000x32xf32>
    %max3A_19 = arith.maximumf %add3A_17, %max3A_18 : vector<10000x32xf32>
    %get3A_20 = arith.constant 0 : index
    %get3A_21 = arith.constant 0 : index
    %get3A_22 = vector.load %arg4[%get3A_20, %get3A_21] : memref<1x32xf32, #tpu.memory_space<vmem>>, vector<1x32xf32>
    %mul3A_23 = vector.broadcast %get3A_22 : vector<1x32xf32> to vector<10000x32xf32>
    %mul3A_24 = arith.mulf %max3A_19, %mul3A_23 : vector<10000x32xf32>
    %reduce_sum3A = arith.constant dense<0.000000e+00> : vector<10000xf32>
    %reduce_sum3A_25 = vector.multi_reduction <add>, %mul3A_24, %reduce_sum3A [1] : vector<10000x32xf32> to vector<10000xf32>
    %broadcast_in_dim3A = vector.shape_cast %reduce_sum3A_25 : vector<10000xf32> to vector<10000x1xf32>
    %get3A_26 = arith.constant 0 : index
    %get3A_27 = arith.constant 0 : index
    %get3A_28 = vector.load %arg6[%get3A_26, %get3A_27] : memref<1x1xf32, #tpu.memory_space<vmem>>, vector<1x1xf32>
    %add3A_29 = vector.broadcast %get3A_28 : vector<1x1xf32> to vector<10000x1xf32>
    %add3A_30 = arith.addf %broadcast_in_dim3A, %add3A_29 : vector<10000x1xf32>
    %swap3A = arith.constant 0 : index
    %swap3A_31 = arith.constant 0 : index
    %swap3A_32 = vector.load %arg7[%swap3A, %swap3A_31] : memref<10000x1xf32, #tpu.memory_space<vmem>>, vector<10000x1xf32>
    tpu.vector_store %arg7[%swap3A, %swap3A_31], %add3A_30 {strides = array<i32>} : memref<10000x1xf32, #tpu.memory_space<vmem>>, vector<10000x1xf32>,
    return
  }
}

</mosaic_0001>

<sc_bundles>
// kernel: kernel.12.cloned.1.call-start
scs
__scs_entry_jumppad:
0x0: {  	(pc) =	sbr.rel $0x88, $3  }
0x1: {  	(tag) =	ssettag $0x0;
	lr =	simm.s32 $0x1  }
0x2: {  	[smem:$0x3F99] =	sst lr;
	_ =	strace $0xD0000000  }
0x3: {  	_ = 	snop  }
0x4: {  	_ = 	snop  }
0x5: {  	_ = 	snop  }
0x6: {  	_ = 	snop  }
0x7: {  	_ = 	snop  }
__scs_overlays_trampoline_lowered:
0x8: {  	[smem:$0x3FA8] =	sst s0  }
0x9: {  	[smem:$0x3FA9] =	sst s1  }
0xa: {  	[smem:$0x3FAA] =	sst s2  }
0xb: {  	[smem:$0x3FAB] =	sst s3  }
0xc: {  	[smem:$0x3FAC] =	sst s4  }
0xd: {  	[smem:$0x3FAD] =	sst s5  }
0xe: {  	[smem:$0x3FAE] =	sst s6  }
0xf: {  	[smem:$0x3FAF] =	sst s7  }
0x10: {  	[smem:$0x3FB0] =	sst s8  }
0x11: {  	[smem:$0x3FB1] =	sst s9;
	s0 =	simm.s32 @!p0 $0x0  }
0x12: {  	s1 =	sld [smem:$0x3F97];
	s0 =	simm.s32 @p0 $0x1  }
0x13: {  	[smem:$0x3FB2] =	sst s0;
	s0 =	simm.s32 @!p1 $0x0  }
0x14: {  	s2 =	sld [smem:$0x3F96];
	s0 =	simm.s32 @p1 $0x1  }
0x15: {  	[smem:$0x3FB3] =	sst s0;
	s0 =	simm.s32 @!p2 $0x0  }
0x16: {  	s3 =	sld [smem:$0x3FDB];
	s0 =	simm.s32 @p2 $0x1  }
0x17: {  	s4 =	simm.s32 $0x1BF5;
	[smem:$0x3FB5] =	sst s0  }
0x18: {  	s0 =	sld [smem:$0x3F98];
	_ =	swait.ge [sflag:s4], $0x0  }
0x19: {  	s7 =	sld [smem:$0x3F99]  }
0x1a: {  	s8 =	sadd.s32 $0xFFFFE003, lr  }
0x1b: {  	s9 =	sadd.s32 $0xFFFFFEF7, lr;
	s5 =	simm.s32 $0xFFFFFFFF;
	p2 =	slt.u32 s8, $0xFFFFF086  }
0x1c: {  	p1 =	slt.u32 s9, $0xF7A;
	s5 =	simm.s32 @!p2 $0x0  }
0x1d: {  	s5 =	simm.s32 @p1 $0x1;
	p0 =	seq.s32 s7, s2  }
0x1e: {  	s7 =	smul.u32 @!p0 $0xF7A, s2;
	p2 =	seq.s32 @!p0 s5, $0x0  }
0x1f: {  	s9 =	smul.u32 $0xF7A, s1;
	s8 =	simm.s32 @!p0 $0x1BF5;
	p2 =	por !p2, p0  }
0x20: {  	[sflag:s8] =	ssyncset.s32 @!p0 $0xFFFFF086;
	s6 =	sadd.s32 @!p0 s3, s7;
	s7 =	simm.s32 @!p0 $0x108  }
0x21: {  	s3 =	sadd.s32 s3, s9;
	s6 =	sadd.s32 @!p0 $0x88, s6;
	s7 =	simm.s32 @p2 $0x1082  }
0x22: {  	[simem:s7], [sflag:s8] =	dma.local @!p0 [hbm:s6], $0xF7A  }
0x23: {  	s9 =	sor.u32 $0xD0000000, s2;
	s6 =	simm.s32 $0x108;
	_ =	swait.ge @!p0 [sflag:s8], $0x0  }
0x24: {  	s3 =	sadd.s32 $0x88, s3;
	s6 =	simm.s32 @!p1 $0x1082;
	[sflag:s4] =	ssyncset.s32 $0xFFFFF086  }
0x25: {  	[simem:s6], [sflag:s4] =	dma.local [hbm:s3], $0xF7A  }
0x26: {  	[smem:$0x3F99] =	sst s1;
	(tag) =	ssettag s2;
	_ =	strace s9  }
0x27: {  	s1 =	sld [smem:$0x3FA9]  }
0x28: {  	s2 =	sld [smem:$0x3FAA]  }
0x29: {  	s4 =	sld [smem:$0x3FAC]  }
0x2a: {  	p0 =	seq.s32 s5, $0x0;
	s5 =	sld [smem:$0x3FAD]  }
0x2b: {  	s6 =	sld [smem:$0x3FAE]  }
0x2c: {  	s7 =	sld [smem:$0x3FAF]  }
0x2d: {  	s3 =	simm.s32 $0x108;
	s8 =	sld [smem:$0x3FB0]  }
0x2e: {  	s3 =	simm.s32 @!p0 $0x1082;
	s9 =	sld [smem:$0x3FB1]  }
0x2f: {  	lr =	sadd.s32 s0, s3;
	s0 =	sld [smem:$0x3FA8]  }
0x30: {  	s3 =	sld [smem:$0x3FAB]  }
0x31: {  	[smem:$0x3FB4] =	sst s10  }
0x32: {  	s10 =	sld [smem:$0x3FB2];
	_ =	sdelay $0x3  }
0x33: {  	p0 =	seq.s32 s10, $0x1;
	s10 =	sld [smem:$0x3FB4];
	_ =	sdelay $0x3  }
0x34: {  	[smem:$0x3FB4] =	sst s10  }
0x35: {  	s10 =	sld [smem:$0x3FB3];
	_ =	sdelay $0x3  }
0x36: {  	p1 =	seq.s32 s10, $0x1;
	s10 =	sld [smem:$0x3FB4];
	_ =	sdelay $0x3  }
0x37: {  	[smem:$0x3FB4] =	sst s10  }
0x38: {  	s10 =	sld [smem:$0x3FB5]  }
0x39: {  	_ = 	snop;
	(pc) =	sbr.ind lr, $3  }
0x3a: {  	_ = 	snop  }
0x3b: {  	_ = 	snop  }
0x3c: {  	p2 =	seq.s32 s10, $0x1;
	s10 =	sld [smem:$0x3FB4]  }
0x3d: {  	_ =	shalt  }
0x3e: {  	_ =	shalt  }
0x3f: {  	_ =	shalt  }
0x40: {  	_ =	shalt  }
0x41: {  	_ =	shalt  }
0x42: {  	_ =	shalt  }
0x43: {  	_ =	shalt  }
0x44: {  	_ =	shalt  }
0x45: {  	_ =	shalt  }
0x46: {  	_ =	shalt  }
0x47: {  	_ =	shalt  }
0x48: {  	_ =	shalt  }
0x49: {  	_ =	shalt  }
0x4a: {  	_ =	shalt  }
0x4b: {  	_ =	shalt  }
0x4c: {  	_ =	shalt  }
0x4d: {  	_ =	shalt  }
0x4e: {  	_ =	shalt  }
0x4f: {  	_ =	shalt  }
0x50: {  	_ =	shalt  }
0x51: {  	_ =	shalt  }
0x52: {  	_ =	shalt  }
0x53: {  	_ =	shalt  }
0x54: {  	_ =	shalt  }
0x55: {  	_ =	shalt  }
0x56: {  	_ =	shalt  }
0x57: {  	_ =	shalt  }
0x58: {  	_ =	shalt  }
0x59: {  	_ =	shalt  }
0x5a: {  	_ =	shalt  }
0x5b: {  	_ =	shalt  }
0x5c: {  	_ =	shalt  }
0x5d: {  	_ =	shalt  }
0x5e: {  	_ =	shalt  }
0x5f: {  	_ =	shalt  }
0x60: {  	_ =	shalt  }
0x61: {  	_ =	shalt  }
0x62: {  	_ =	shalt  }
0x63: {  	_ =	shalt  }
0x64: {  	_ =	shalt  }
0x65: {  	_ =	shalt  }
0x66: {  	_ =	shalt  }
0x67: {  	_ =	shalt  }
0x68: {  	_ =	shalt  }
0x69: {  	_ =	shalt  }
0x6a: {  	_ =	shalt  }
0x6b: {  	_ =	shalt  }
0x6c: {  	_ =	shalt  }
0x6d: {  	_ =	shalt  }
0x6e: {  	_ =	shalt  }
0x6f: {  	_ =	shalt  }
0x70: {  	_ =	shalt  }
0x71: {  	_ =	shalt  }
0x72: {  	_ =	shalt  }
0x73: {  	_ =	shalt  }
0x74: {  	_ =	shalt  }
0x75: {  	_ =	shalt  }
0x76: {  	_ =	shalt  }
0x77: {  	_ =	shalt  }
0x78: {  	_ =	shalt  }
0x79: {  	_ =	shalt  }
0x7a: {  	_ =	shalt  }
0x7b: {  	_ =	shalt  }
0x7c: {  	_ =	shalt  }
0x7d: {  	_ =	shalt  }
0x7e: {  	_ =	shalt  }
0x7f: {  	_ =	shalt  }
0x80: {  	_ =	shalt  }
0x81: {  	_ =	shalt  }
0x82: {  	_ =	shalt  }
0x83: {  	_ =	shalt  }
0x84: {  	_ =	shalt  }
0x85: {  	_ =	shalt  }
0x86: {  	_ =	shalt  }
0x87: {  	_ =	shalt  }
.Lfunc_end0:
.L_simem_size_0:
called_computation.1_lowered:
.L_overlay_start_0:
0x88: {  	s2 =	sld [smem:$0x3FD9]  }
0x89: {  	s3 =	sld [smem:$0x3FFE];
	_ =	sdelay $0x1  }
0x8a: {  	s1 =	srdreg.scid  }
0x8b: {  	s0 =	sand.u32 $0x1, s1  }
0x8c: {  	s16 =	sshll.u32 s0, $0xA;
	s2 =	sadd.s32 s3, s2  }
0x8d: {  	s2 =	sadd.s32 s2, s16  }
0x8e: {  	[smem:$0x3FC0] =	sst s2  }
0x8f: {  	_ = 	snop  }
0x90: {  	(tm) =	ssettm $0x1  }
0x91: {  	s17 =	sld [smem:$0x3FFB];
	_ =	sdelay $0x3  }
0x92: {  	_ =	strace s17  }
0x93: {  	s2 =	sld [smem:$0x3FFC];
	_ =	sdelay $0x3  }
0x94: {  	_ =	strace s2  }
0x95: {  	s2 =	sld [smem:$0x3FFD];
	_ =	sdelay $0x3  }
0x96: {  	_ =	strace s2  }
0x97: {  	_ =	strace $0x8FFFFFFF  }
0x98: {  	s18 =	sld [smem:$0x3FDB];
	_ =	sdelay $0x1  }
0x99: {  	s19 =	simm.s32 $_scs_section_size  }
0x9a: {  	s4 =	simm.s32 $_size__tile_overlayer_lowered;
	s5 =	simm.s32 $_tile_overlayer_lowered  }
0x9b: {  	s22 =	simm.s32 $0x1BFF;
	s21 =	sshll.u32 s5, $0x1;
	s2 =	sadd.s32 s19, s18  }
0x9c: {  	s6 =	simm.s32 $0x0;
	s20 =	sshll.u32 s4, $0x1;
	s4 =	sadd.s32 s21, s2  }
0x9d: {  	[timem:s6], [sflag:s22] =	dma.local [hbm:s4], s20  }
0x9e: {  	_ =	swait.ge [sflag:s22], s20  }
0x9f: {  	s3 =	ssub.s32 $0x0, s20;
	[sflag:s22] =	ssyncset.done $0x0  }
0xa0: {  	[sflag:s22] =	ssyncadd.s32 s3;
	_ =	sdelay $0x1  }
0xa1: {  	s23 =	simm.s32 $0x1B8B  }
0xa2: {  	_ =	swait.ge [sflag:s23], $0x1  }
0xa3: {  	[sflag:s23] =	ssyncset.done $0x0  }
0xa4: {  	s25 =	simm.s32 $0x1B8E;
	s24 =	sld [smem:$0x3FFE];
	[sflag:s23] =	ssyncadd.s32 $0xFFFFFFFF  }
0xa5: {  	s26 =	simm.s32 $execute0_lowered;
	[smem:$0x3FD2] =	sst s25  }
0xa6: {  	s4 =	sshll.u32 s26, $0x1;
	_ =	strace $0x80000049;
	[dreg:$0x1] =	wrdreg $0xFFFFFFFF  }
0xa7: {  	s28 =	simm.s32 $_size_execute0_lowered;
	s2 =	sadd.s32 s2, s4;
	[dreg:$0x0] =	wrdreg $0x0  }
0xa8: {  	s4 =	sshll.u32 s28, $0x1;
	[dreg:$0x2] =	wrdreg s2  }
0xa9: {  	[dreg:$0x3] =	wrdreg s4  }
0xaa: {  	[dreg:$0x4] =	wrdreg $0xC0  }
0xab: {  	_ =	task [dreg:s6], $0x5FFFF  }
0xac: {  	[dreg:$0x1] =	wrdreg $0xFFFFFFFF  }
0xad: {  	[dreg:$0x0] =	wrdreg $0x60  }
0xae: {  	[dreg:$0x2] =	wrdreg s24  }
0xaf: {  	[dreg:$0x3] =	wrdreg $0x50000  }
0xb0: {  	[dreg:$0x4] =	wrdreg $0xEE000  }
0xb1: {  	[dreg:$0x5] =	wrdreg $0x9  }
0xb2: {  	_ =	task.clear_ibuf [dreg:s6], $0x6FFFF;
	_ =	strace $0x90000049  }
0xb3: {  	s29 =	simm.s32 $0x9;
	_ =	strace $0x8000004B  }
0xb4: {  	_ =	swait.ge [sflag:s29], $0x1  }
0xb5: {  	[sflag:s29] =	ssyncadd.s32 $0xFFFFFFFF  }
0xb6: {  	_ =	strace $0x9000004B  }
0xb7: {  	_ =	sfence  }
0xb8: {  	s30 =	sld [smem:$0x0];
	_ =	sdelay $0x2  }
0xb9: {  	s31 =	sshll.u32 s1, $0xD;
	s1 =	sshrl.u32 s1, $0x2  }
0xba: {  	s3 =	sand.u32 $0x4000, s31;
	s1 =	sadd.s32 s1, s30  }
0xbb: {  	s0 =	sor.u32 s3, s0;
	s1 =	sshll.u32 s1, $0x11  }
0xbc: {  	s0 =	sor.u32 s1, s0  }
0xbd: {  	s0 =	sadd.s32 $0x8F2B, s0  }
0xbe: {  	[sflag:s0] =	ssyncadd.remote.s32 $0x1  }
0xbf: {  	_ =	sfence.sel $0xFFFF  }
0xc0: {  	[dreg:$0x0] =	wrdreg $0xFFFFFFFF;
	(pc) =	sbr.abs _section_cstart, $3  }
0xc1: {  	[dreg:$0x1] =	wrdreg $0xFFFFFFFF  }
0xc2: {  	_ =	task.clear_ibuf [dreg:s6], $0x2FFFF;
	_ =	strace $0x9FFFFFFF  }
0xc3: {  	(tm) =	ssettm $0x7FFFFFFF  }
tec
execute0_lowered:
.L_overlay_start_1:
0x0: {  	(tag) =	ssettag $0x1  }
0x1: {  	s6 =	rddreg [dreg:$0x0]  }
0x2: {  	s2 =	rddreg [dreg:$0x1]  }
0x3: {  	s0 =	stileid.u32;
	s1 =	srdreg.scid  }
0x4: {  	s3 =	rddreg [dreg:$0x2];
	s4 =	simm.s32 $0x0;
	s16 =	simm.s32 $0x80  }
0x5: {  	s17 =	simm.s32 $0x18C00;
	s18 =	simm.s32 $0x1AC00;
	s19 =	simm.s32 $0x1  }
0x6: {  	s20 =	simm.s32 $0x3;
	s21 =	simm.s32 $0x2;
	s22 =	simm.s32 $0x4  }
0x7: {  	s23 =	simm.s32 $0x4F80;
	s24 =	simm.s32 $0x0;
	s5 =	smul.u32 $0x2800, s0  }
0x8: {  	s7 =	sand.u32 $0x1, s1;
	s1 =	rddreg [dreg:$0x3];
	s9 =	smul.u32 $0x9E00, s0  }
0x9: {  	[smem:$0x7FF] =	sst s4;
	s31 =	sshll.u32 s0, $0x6;
	p0 =	seq.s32 s7, $0x0  }
0xa: {  	s29 =	smul.u32 $0x9E000, s7;
	_ =	strace $0x8000004A;
	s7 =	ssub.s32 $0x2, s7  }
0xb: {  	s8 =	sadd.s32 $0x28000, s5;
	s30 =	sshrl.u32 s9, $0x3;
	s12 =	sshrl.u32 s7, $0x1  }
0xc: {  	s14 =	sadd.s32 s9, s2;
	s15 =	sadd.s32 s9, s3;
	s8 =	smov.u32 @p0 s5  }
0xd: {  	s11 =	sadd.s32 s30, s6;
	s12 =	ssub.s32 s7, s12;
	s5 =	sshrl.u32 s8, $0x3  }
0xe: {  	s8 =	sadd.s32 s9, s29;
	s7 =	sadd.s32 $0x3DE00, s11;
	s11 =	smax.u32 s12, $0x1  }
0xf: {  	s12 =	sshrl.u32 s14, $0x3;
	s14 =	sshrl.u32 s15, $0x3;
	s15 =	simm.s32 $0x2800  }
0x10: {  	s10 =	sadd.s32 s5, s6;
	s5 =	sadd.s32 $0x51A00, s6;
	s8 =	sshrl.u32 s8, $0x3  }
0x11: {  	s13 =	sadd.s32 s8, s6;
	s6 =	sor.u32 $0x1C05, s31;
	s8 =	sadd.s32 $0xCC00, s10  }
0x12: {  	s9 =	sadd.s32 $0x2000, s10;
	s10 =	sadd.s32 $0x52E00, s13;
	s13 =	simm.s32 $0x5  }
.LBB2_1:
0x13: {  	[spmem:s12], [sflag:s6] =	dma.local [hbm:s5], $0x13C0  }
0x14: {  	_ =	swait.ge [sflag:s13], $0x13C0  }
0x15: {  	[sflag:s13] =	ssyncset.done $0x0  }
0x16: {  	[sflag:s13] =	ssyncadd.s32 $0xFFFFEC40  }
0x17: {  	[spmem:s14], [sflag:s6] =	dma.local [hbm:s7], $0x13C0  }
0x18: {  	_ =	swait.ge [sflag:s13], $0x13C0  }
0x19: {  	[sflag:s13] =	ssyncset.done $0x0  }
0x1a: {  	[sflag:s13] =	ssyncadd.s32 $0xFFFFEC40  }
0x1b: {  	[tilespmem:s4], [sflag:$0x5] =	stream.linear.gather [hbm4b:s8+s4], $0x2800, $0x38;
	[tilespmem:$0x1CC00] =	vst v63  }
0x1c: {  	_ =	swait.ge [sflag:s13], $0x2800  }
0x1d: {  	[sflag:s13] =	ssyncset.done $0x0  }
0x1e: {  	[sflag:s13] =	ssyncadd.s32 $0xFFFFD800  }
0x1f: {  	[tilespmem:s15], [sflag:$0x5] =	stream.linear.gather [hbm4b:s9+s4], $0x2800, $0x38;
	[tilespmem:$0x1CC00] =	vst v63  }
0x20: {  	_ =	swait.ge [sflag:s13], $0x2800  }
0x21: {  	[sflag:s13] =	ssyncset.done $0x0  }
0x22: {  	[sflag:s13] =	ssyncadd.s32 $0xFFFFD800  }
0x23: {  	[bflag:$0x0] =	sbarrier.arrive $0xFFFF  }
0x24: {  	[tilespmem:s17], [sflag:$0x1] =	stream.indirect.gather [spmem:s3], $0x40, s4, s16, $0xb8;
	[tilespmem:$0x1CC00] =	vst v63  }
0x25: {  	_ = 	snop  }
0x26: {  	[tilespmem:s18], [sflag:$0x2] =	stream.indirect.gather [spmem:s3], $0x40, s16, s16, $0xb8;
	[tilespmem:$0x1CC00] =	vst v63  }
0x27: {  	_ =	swait.ge [sflag:s19], $0x2000  }
0x28: {  	[sflag:s19] =	ssyncset.done $0x0  }
0x29: {  	[sflag:s19] =	ssyncadd.s32 $0xFFFFE000  }
0x2a: {  	[spmem:s2] =	stream.indirect.scatter.add.f32 [tilespmem:s17], [sflag:$0x3], $0x40, s15, s16, $0xb8;
	[tilespmem:$0x1CC00] =	vst v63  }
0x2b: {  	_ =	swait.ge [sflag:s20], $0x2000  }
0x2c: {  	[sflag:s20] =	ssyncset.done $0x0  }
0x2d: {  	s25 =	simm.s32 $0x100;
	[sflag:s20] =	ssyncadd.s32 $0xFFFFE000  }
0x2e: {  	[tilespmem:s17], [sflag:$0x1] =	stream.indirect.gather [spmem:s3], $0x40, s25, s16, $0xb8;
	[tilespmem:$0x1CC00] =	vst v63  }
0x2f: {  	_ =	swait.ge [sflag:s21], $0x2000  }
0x30: {  	[sflag:s21] =	ssyncset.done $0x0  }
0x31: {  	s30 =	simm.s32 $0x2880;
	[sflag:s21] =	ssyncadd.s32 $0xFFFFE000  }
0x32: {  	[spmem:s2] =	stream.indirect.scatter.add.f32 [tilespmem:s18], [sflag:$0x4], $0x40, s30, s16, $0xb8;
	[tilespmem:$0x1CC00] =	vst v63  }
0x33: {  	_ =	swait.ge [sflag:s22], $0x2000  }
0x34: {  	[sflag:s22] =	ssyncset.done $0x0  }
0x35: {  	s31 =	simm.s32 $0x180;
	[sflag:s22] =	ssyncadd.s32 $0xFFFFE000  }
0x36: {  	[tilespmem:s18], [sflag:$0x2] =	stream.indirect.gather [spmem:s3], $0x40, s31, s16, $0xb8;
	[tilespmem:$0x1CC00] =	vst v63  }
0x37: {  	_ =	swait.ge [sflag:s19], $0x2000  }
0x38: {  	[sflag:s19] =	ssyncset.done $0x0  }
0x39: {  	s26 =	simm.s32 $0x2900;
	s25 =	simm.s32 $0xFFFF6800;
	[sflag:s19] =	ssyncadd.s32 $0xFFFFE000  }
.LBB2_2:
0x3a: {  	[spmem:s2] =	stream.indirect.scatter.add.f32 [tilespmem:s17], [sflag:$0x3], $0x40, s26, s16, $0xb8;
	[tilespmem:$0x1CC00] =	vst v63  }
0x3b: {  	s26 =	smov.u32 s25  }
0x3c: {  	p0 =	sne.s32 s25, $0xFFFFFC00;
	s25 =	sadd.s32 $0x400, s25;
	_ =	swait.ge [sflag:s20], $0x2000  }
0x3d: {  	s26 =	sshra.s32 s26, $0x2;
	[sflag:s20] =	ssyncset.done $0x0  }
0x3e: {  	s28 =	sadd.s32 $0x2800, s26;
	[sflag:s20] =	ssyncadd.s32 $0xFFFFE000  }
0x3f: {  	[tilespmem:s17], [sflag:$0x1] =	stream.indirect.gather [spmem:s3], $0x40, s28, s16, $0xb8;
	[tilespmem:$0x1CC00] =	vst v63  }
0x40: {  	_ =	swait.ge [sflag:s21], $0x2000  }
0x41: {  	[sflag:s21] =	ssyncset.done $0x0  }
0x42: {  	s28 =	sadd.s32 $0x4F80, s26;
	[sflag:s21] =	ssyncadd.s32 $0xFFFFE000  }
0x43: {  	[spmem:s2] =	stream.indirect.scatter.add.f32 [tilespmem:s18], [sflag:$0x4], $0x40, s28, s16, $0xb8;
	[tilespmem:$0x1CC00] =	vst v63  }
0x44: {  	_ =	swait.ge [sflag:s22], $0x2000  }
0x45: {  	[sflag:s22] =	ssyncset.done $0x0  }
.Ltmp0:
0x46: {  	s28 =	sadd.s32 $0x2880, s26;
	[sflag:s22] =	ssyncadd.s32 $0xFFFFE000;
	(pc) =	sbr.rel @p0 .LBB2_2-.Ltmp0, $4  }
0x47: {  	[tilespmem:s18], [sflag:$0x2] =	stream.indirect.gather [spmem:s3], $0x40, s28, s16, $0xb8;
	[tilespmem:$0x1CC00] =	vst v63  }
0x48: {  	_ =	swait.ge [sflag:s19], $0x2000  }
0x49: {  	[sflag:s19] =	ssyncset.done $0x0  }
0x4a: {  	s26 =	sadd.s32 $0x5000, s26;
	[sflag:s19] =	ssyncadd.s32 $0xFFFFE000  }
0x4b: {  	[spmem:s2] =	stream.indirect.scatter.add.f32 [tilespmem:s17], [sflag:$0x3], $0x40, s26, s16, $0xb8;
	[tilespmem:$0x1CC00] =	vst v63  }
0x4c: {  	_ =	swait.ge [sflag:s21], $0x2000  }
0x4d: {  	[sflag:s21] =	ssyncset.done $0x0  }
0x4e: {  	[sflag:s21] =	ssyncadd.s32 $0xFFFFE000  }
0x4f: {  	[spmem:s2] =	stream.indirect.scatter.add.f32 [tilespmem:s18], [sflag:$0x4], $0x40, s23, s16, $0xb8;
	[tilespmem:$0x1CC00] =	vst v63  }
0x50: {  	_ =	swait.ge [sflag:s20], $0x2000  }
0x51: {  	[sflag:s20] =	ssyncset.done $0x0  }
0x52: {  	[sflag:s20] =	ssyncadd.s32 $0xFFFFE000  }
0x53: {  	_ =	swait.ge [sflag:s22], $0x2000  }
0x54: {  	s24 =	sadd.s32 $0x1, s24;
	[sflag:s22] =	ssyncset.done $0x0  }
0x55: {  	p0 =	sne.s32 s24, s11;
	[sflag:s22] =	ssyncadd.s32 $0xFFFFE000  }
.Ltmp1:
0x56: {  	[bflag:$0x0] =	sbarrier.arrive $0xFFFF;
	(pc) =	sbr.rel @p0 .LBB2_1-.Ltmp1, $4  }
0x57: {  	[hbm:s10], [sflag:s6] =	dma.local [spmem:s12], $0x13C0  }
0x58: {  	_ =	swait.ge [sflag:s13], $0x13C0  }
0x59: {  	[sflag:s13] =	ssyncset.done $0x0  }
0x5a: {  	[sflag:s13] =	ssyncadd.s32 $0xFFFFEC40  }
0x5b: {  	_ =	sfence.sel $0x180000  }
0x5c: {  	[bflag:$0x0] =	sbarrier.arrive $0xFFFF  }
0x5d: {  	p0 =	sne.s32 s0, $0x0;
	_ =	strace $0x9000004A  }
0x5e: {  	s0 =	sadd.s32 @!p0 $0x100000, s1;
	[bflag:$0x2] =	sbarrier.arrive $0xFFFF  }
0x5f: {  	[sflag:s0] =	ssyncadd.tile.s32 @!p0 $0x1;
	_ =	shalt  }
.Lfunc_end2:
_tile_overlayer_lowered:
.L_overlay_start_2:
0x60: {  	(tag) =	ssettag $0x2  }
0x61: {  	s0 =	rddreg [dreg:$0x0];
	s2 =	stileid.u32  }
0x62: {  	s1 =	rddreg [dreg:$0x1];
	p0 =	sne.s32 s2, $0x0  }
0x63: {  	s3 =	rddreg [dreg:$0x2];
	[bflag:$0x3] =	sbarrier.arrive $0xFFFF;
	s2 =	simm.s32 @!p0 $0x1C05  }
0x64: {  	[timem:s3], [sflag:s2] =	dma.local @!p0 [hbm:s0], s1  }
0x65: {  	s0 =	simm.s32 @!p0 $0x5  }
0x66: {  	_ =	swait.ge @!p0 [sflag:s0], s1  }
0x67: {  	s1 =	ssub.s32 @!p0 $0x0, s1;
	[sflag:s0] =	ssyncset.done @!p0 $0x0  }
0x68: {  	[sflag:s0] =	ssyncadd.s32 @!p0 s1  }
0x69: {  	[bflag:$0x3] =	sbarrier.arrive $0xFFFF  }
0x6a: {  	_ =	shalt  }

// kernel: kernel.15.cloned.1.call-start
scs
__scs_entry_jumppad:
0x0: {  	(pc) =	sbr.rel $0x88, $3  }
0x1: {  	(tag) =	ssettag $0x0;
	lr =	simm.s32 $0x1  }
0x2: {  	[smem:$0x3F99] =	sst lr;
	_ =	strace $0xD0000000  }
0x3: {  	_ = 	snop  }
0x4: {  	_ = 	snop  }
0x5: {  	_ = 	snop  }
0x6: {  	_ = 	snop  }
0x7: {  	_ = 	snop  }
__scs_overlays_trampoline_lowered:
0x8: {  	[smem:$0x3FA8] =	sst s0  }
0x9: {  	[smem:$0x3FA9] =	sst s1  }
0xa: {  	[smem:$0x3FAA] =	sst s2  }
0xb: {  	[smem:$0x3FAB] =	sst s3  }
0xc: {  	[smem:$0x3FAC] =	sst s4  }
0xd: {  	[smem:$0x3FAD] =	sst s5  }
0xe: {  	[smem:$0x3FAE] =	sst s6  }
0xf: {  	[smem:$0x3FAF] =	sst s7  }
0x10: {  	[smem:$0x3FB0] =	sst s8  }
0x11: {  	[smem:$0x3FB1] =	sst s9;
	s0 =	simm.s32 @!p0 $0x0  }
0x12: {  	s1 =	sld [smem:$0x3F97];
	s0 =	simm.s32 @p0 $0x1  }
0x13: {  	[smem:$0x3FB2] =	sst s0;
	s0 =	simm.s32 @!p1 $0x0  }
0x14: {  	s2 =	sld [smem:$0x3F96];
	s0 =	simm.s32 @p1 $0x1  }
0x15: {  	[smem:$0x3FB3] =	sst s0;
	s0 =	simm.s32 @!p2 $0x0  }
0x16: {  	s3 =	sld [smem:$0x3FDB];
	s0 =	simm.s32 @p2 $0x1  }
0x17: {  	s4 =	simm.s32 $0x1BF5;
	[smem:$0x3FB5] =	sst s0  }
0x18: {  	s0 =	sld [smem:$0x3F98];
	_ =	swait.ge [sflag:s4], $0x0  }
0x19: {  	s7 =	sld [smem:$0x3F99]  }
0x1a: {  	s8 =	sadd.s32 $0xFFFFE003, lr  }
0x1b: {  	s9 =	sadd.s32 $0xFFFFFEF7, lr;
	s5 =	simm.s32 $0xFFFFFFFF;
	p2 =	slt.u32 s8, $0xFFFFF086  }
0x1c: {  	p1 =	slt.u32 s9, $0xF7A;
	s5 =	simm.s32 @!p2 $0x0  }
0x1d: {  	s5 =	simm.s32 @p1 $0x1;
	p0 =	seq.s32 s7, s2  }
0x1e: {  	s7 =	smul.u32 @!p0 $0xF7A, s2;
	p2 =	seq.s32 @!p0 s5, $0x0  }
0x1f: {  	s9 =	smul.u32 $0xF7A, s1;
	s8 =	simm.s32 @!p0 $0x1BF5;
	p2 =	por !p2, p0  }
0x20: {  	[sflag:s8] =	ssyncset.s32 @!p0 $0xFFFFF086;
	s6 =	sadd.s32 @!p0 s3, s7;
	s7 =	simm.s32 @!p0 $0x108  }
0x21: {  	s3 =	sadd.s32 s3, s9;
	s6 =	sadd.s32 @!p0 $0x88, s6;
	s7 =	simm.s32 @p2 $0x1082  }
0x22: {  	[simem:s7], [sflag:s8] =	dma.local @!p0 [hbm:s6], $0xF7A  }
0x23: {  	s9 =	sor.u32 $0xD0000000, s2;
	s6 =	simm.s32 $0x108;
	_ =	swait.ge @!p0 [sflag:s8], $0x0  }
0x24: {  	s3 =	sadd.s32 $0x88, s3;
	s6 =	simm.s32 @!p1 $0x1082;
	[sflag:s4] =	ssyncset.s32 $0xFFFFF086  }
0x25: {  	[simem:s6], [sflag:s4] =	dma.local [hbm:s3], $0xF7A  }
0x26: {  	[smem:$0x3F99] =	sst s1;
	(tag) =	ssettag s2;
	_ =	strace s9  }
0x27: {  	s1 =	sld [smem:$0x3FA9]  }
0x28: {  	s2 =	sld [smem:$0x3FAA]  }
0x29: {  	s4 =	sld [smem:$0x3FAC]  }
0x2a: {  	p0 =	seq.s32 s5, $0x0;
	s5 =	sld [smem:$0x3FAD]  }
0x2b: {  	s6 =	sld [smem:$0x3FAE]  }
0x2c: {  	s7 =	sld [smem:$0x3FAF]  }
0x2d: {  	s3 =	simm.s32 $0x108;
	s8 =	sld [smem:$0x3FB0]  }
0x2e: {  	s3 =	simm.s32 @!p0 $0x1082;
	s9 =	sld [smem:$0x3FB1]  }
0x2f: {  	lr =	sadd.s32 s0, s3;
	s0 =	sld [smem:$0x3FA8]  }
0x30: {  	s3 =	sld [smem:$0x3FAB]  }
0x31: {  	[smem:$0x3FB4] =	sst s10  }
0x32: {  	s10 =	sld [smem:$0x3FB2];
	_ =	sdelay $0x3  }
0x33: {  	p0 =	seq.s32 s10, $0x1;
	s10 =	sld [smem:$0x3FB4];
	_ =	sdelay $0x3  }
0x34: {  	[smem:$0x3FB4] =	sst s10  }
0x35: {  	s10 =	sld [smem:$0x3FB3];
	_ =	sdelay $0x3  }
0x36: {  	p1 =	seq.s32 s10, $0x1;
	s10 =	sld [smem:$0x3FB4];
	_ =	sdelay $0x3  }
0x37: {  	[smem:$0x3FB4] =	sst s10  }
0x38: {  	s10 =	sld [smem:$0x3FB5]  }
0x39: {  	_ = 	snop;
	(pc) =	sbr.ind lr, $3  }
0x3a: {  	_ = 	snop  }
0x3b: {  	_ = 	snop  }
0x3c: {  	p2 =	seq.s32 s10, $0x1;
	s10 =	sld [smem:$0x3FB4]  }
0x3d: {  	_ =	shalt  }
0x3e: {  	_ =	shalt  }
0x3f: {  	_ =	shalt  }
0x40: {  	_ =	shalt  }
0x41: {  	_ =	shalt  }
0x42: {  	_ =	shalt  }
0x43: {  	_ =	shalt  }
0x44: {  	_ =	shalt  }
0x45: {  	_ =	shalt  }
0x46: {  	_ =	shalt  }
0x47: {  	_ =	shalt  }
0x48: {  	_ =	shalt  }
0x49: {  	_ =	shalt  }
0x4a: {  	_ =	shalt  }
0x4b: {  	_ =	shalt  }
0x4c: {  	_ =	shalt  }
0x4d: {  	_ =	shalt  }
0x4e: {  	_ =	shalt  }
0x4f: {  	_ =	shalt  }
0x50: {  	_ =	shalt  }
0x51: {  	_ =	shalt  }
0x52: {  	_ =	shalt  }
0x53: {  	_ =	shalt  }
0x54: {  	_ =	shalt  }
0x55: {  	_ =	shalt  }
0x56: {  	_ =	shalt  }
0x57: {  	_ =	shalt  }
0x58: {  	_ =	shalt  }
0x59: {  	_ =	shalt  }
0x5a: {  	_ =	shalt  }
0x5b: {  	_ =	shalt  }
0x5c: {  	_ =	shalt  }
0x5d: {  	_ =	shalt  }
0x5e: {  	_ =	shalt  }
0x5f: {  	_ =	shalt  }
0x60: {  	_ =	shalt  }
0x61: {  	_ =	shalt  }
0x62: {  	_ =	shalt  }
0x63: {  	_ =	shalt  }
0x64: {  	_ =	shalt  }
0x65: {  	_ =	shalt  }
0x66: {  	_ =	shalt  }
0x67: {  	_ =	shalt  }
0x68: {  	_ =	shalt  }
0x69: {  	_ =	shalt  }
0x6a: {  	_ =	shalt  }
0x6b: {  	_ =	shalt  }
0x6c: {  	_ =	shalt  }
0x6d: {  	_ =	shalt  }
0x6e: {  	_ =	shalt  }
0x6f: {  	_ =	shalt  }
0x70: {  	_ =	shalt  }
0x71: {  	_ =	shalt  }
0x72: {  	_ =	shalt  }
0x73: {  	_ =	shalt  }
0x74: {  	_ =	shalt  }
0x75: {  	_ =	shalt  }
0x76: {  	_ =	shalt  }
0x77: {  	_ =	shalt  }
0x78: {  	_ =	shalt  }
0x79: {  	_ =	shalt  }
0x7a: {  	_ =	shalt  }
0x7b: {  	_ =	shalt  }
0x7c: {  	_ =	shalt  }
0x7d: {  	_ =	shalt  }
0x7e: {  	_ =	shalt  }
0x7f: {  	_ =	shalt  }
0x80: {  	_ =	shalt  }
0x81: {  	_ =	shalt  }
0x82: {  	_ =	shalt  }
0x83: {  	_ =	shalt  }
0x84: {  	_ =	shalt  }
0x85: {  	_ =	shalt  }
0x86: {  	_ =	shalt  }
0x87: {  	_ =	shalt  }
.Lfunc_end0:
.L_simem_size_0:
called_computation.2_lowered:
.L_overlay_start_0:
0x88: {  	s2 =	sld [smem:$0x3FD9]  }
0x89: {  	s3 =	sld [smem:$0x3FFE];
	_ =	sdelay $0x1  }
0x8a: {  	s1 =	srdreg.scid  }
0x8b: {  	s0 =	sand.u32 $0x1, s1  }
0x8c: {  	s16 =	sshll.u32 s0, $0xA;
	s2 =	sadd.s32 s3, s2  }
0x8d: {  	s2 =	sadd.s32 s2, s16  }
0x8e: {  	[smem:$0x3FC0] =	sst s2  }
0x8f: {  	_ = 	snop  }
0x90: {  	(tm) =	ssettm $0x1  }
0x91: {  	s17 =	sld [smem:$0x3FFB];
	_ =	sdelay $0x3  }
0x92: {  	_ =	strace s17  }
0x93: {  	s2 =	sld [smem:$0x3FFC];
	_ =	sdelay $0x3  }
0x94: {  	_ =	strace s2  }
0x95: {  	s2 =	sld [smem:$0x3FFD];
	_ =	sdelay $0x3  }
0x96: {  	_ =	strace s2  }
0x97: {  	_ =	strace $0x8FFFFFFF  }
0x98: {  	s18 =	sld [smem:$0x3FDB];
	_ =	sdelay $0x1  }
0x99: {  	s19 =	simm.s32 $_scs_section_size  }
0x9a: {  	s4 =	simm.s32 $_size__tile_overlayer_lowered;
	s5 =	simm.s32 $_tile_overlayer_lowered  }
0x9b: {  	s22 =	simm.s32 $0x1BFF;
	s21 =	sshll.u32 s5, $0x1;
	s2 =	sadd.s32 s19, s18  }
0x9c: {  	s6 =	simm.s32 $0x0;
	s20 =	sshll.u32 s4, $0x1;
	s4 =	sadd.s32 s21, s2  }
0x9d: {  	[timem:s6], [sflag:s22] =	dma.local [hbm:s4], s20  }
0x9e: {  	_ =	swait.ge [sflag:s22], s20  }
0x9f: {  	s3 =	ssub.s32 $0x0, s20;
	[sflag:s22] =	ssyncset.done $0x0  }
0xa0: {  	[sflag:s22] =	ssyncadd.s32 s3;
	_ =	sdelay $0x1  }
0xa1: {  	s23 =	simm.s32 $0x1B8B  }
0xa2: {  	_ =	swait.ge [sflag:s23], $0x1  }
0xa3: {  	[sflag:s23] =	ssyncset.done $0x0  }
0xa4: {  	s25 =	simm.s32 $0x1B8E;
	s24 =	sld [smem:$0x3FFE];
	[sflag:s23] =	ssyncadd.s32 $0xFFFFFFFF  }
0xa5: {  	s26 =	simm.s32 $execute0_lowered;
	[smem:$0x3FD2] =	sst s25  }
0xa6: {  	s4 =	sshll.u32 s26, $0x1;
	_ =	strace $0x8000004C;
	[dreg:$0x1] =	wrdreg $0xFFFFFFFF  }
0xa7: {  	s28 =	simm.s32 $_size_execute0_lowered;
	s2 =	sadd.s32 s2, s4;
	[dreg:$0x0] =	wrdreg $0x0  }
0xa8: {  	s4 =	sshll.u32 s28, $0x1;
	[dreg:$0x2] =	wrdreg s2  }
0xa9: {  	[dreg:$0x3] =	wrdreg s4  }
0xaa: {  	[dreg:$0x4] =	wrdreg $0xC0  }
0xab: {  	_ =	task [dreg:s6], $0x5FFFF  }
0xac: {  	[dreg:$0x1] =	wrdreg $0xFFFFFFFF  }
0xad: {  	[dreg:$0x0] =	wrdreg $0x60  }
0xae: {  	[dreg:$0x2] =	wrdreg s24  }
0xaf: {  	[dreg:$0x3] =	wrdreg $0x50000  }
0xb0: {  	[dreg:$0x4] =	wrdreg $0x9F000  }
0xb1: {  	[dreg:$0x5] =	wrdreg $0x9  }
0xb2: {  	_ =	task.clear_ibuf [dreg:s6], $0x6FFFF;
	_ =	strace $0x9000004C  }
0xb3: {  	s29 =	simm.s32 $0x9;
	_ =	strace $0x8000004E  }
0xb4: {  	_ =	swait.ge [sflag:s29], $0x1  }
0xb5: {  	[sflag:s29] =	ssyncadd.s32 $0xFFFFFFFF  }
0xb6: {  	_ =	strace $0x9000004E  }
0xb7: {  	_ =	sfence  }
0xb8: {  	s30 =	sld [smem:$0x0];
	_ =	sdelay $0x2  }
0xb9: {  	s31 =	sshll.u32 s1, $0xD;
	s1 =	sshrl.u32 s1, $0x2  }
0xba: {  	s3 =	sand.u32 $0x4000, s31;
	s1 =	sadd.s32 s1, s30  }
0xbb: {  	s0 =	sor.u32 s3, s0;
	s1 =	sshll.u32 s1, $0x11  }
0xbc: {  	s0 =	sor.u32 s1, s0  }
0xbd: {  	s0 =	sadd.s32 $0x8F2B, s0  }
0xbe: {  	[sflag:s0] =	ssyncadd.remote.s32 $0x1  }
0xbf: {  	_ =	sfence.sel $0xFFFF  }
0xc0: {  	[dreg:$0x0] =	wrdreg $0xFFFFFFFF;
	(pc) =	sbr.abs _section_cstart, $3  }
0xc1: {  	[dreg:$0x1] =	wrdreg $0xFFFFFFFF  }
0xc2: {  	_ =	task.clear_ibuf [dreg:s6], $0x2FFFF;
	_ =	strace $0x9FFFFFFF  }
0xc3: {  	(tm) =	ssettm $0x7FFFFFFF  }
tec
execute0_lowered:
.L_overlay_start_1:
0x0: {  	(tag) =	ssettag $0x1  }
0x1: {  	s0 =	rddreg [dreg:$0x0]  }
0x2: {  	s2 =	rddreg [dreg:$0x1];
	s11 =	stileid.u32  }
0x3: {  	s1 =	srdreg.scid;
	s3 =	rddreg [dreg:$0x2]  }
0x4: {  	s4 =	simm.s32 $0x0;
	s13 =	simm.s32 $0x5;
	s15 =	simm.s32 $0x2800  }
0x5: {  	s16 =	simm.s32 $0x80;
	s17 =	simm.s32 $0xEE00;
	s18 =	simm.s32 $0xFE00  }
0x6: {  	s20 =	simm.s32 $0x10E00;
	s22 =	simm.s32 $0x11E00;
	s29 =	simm.s32 $0x14E00  }
0x7: {  	s31 =	simm.s32 $0x15E00;
	s23 =	simm.s32 $0x3;
	s28 =	simm.s32 $0x4  }
0x8: {  	s30 =	simm.s32 $0x0;
	s5 =	smul.u32 $0x2800, s11;
	s1 =	sand.u32 $0x1, s1  }
0x9: {  	s7 =	smul.u32 $0x4F00, s11;
	[smem:$0x7FF] =	sst s4;
	s26 =	sshll.u32 s11, $0x6  }
0xa: {  	p0 =	seq.s32 s1, $0x0;
	s24 =	smul.u32 $0x4F000, s1;
	_ =	strace $0x8000004D  }
0xb: {  	s1 =	ssub.s32 $0x2, s1;
	s6 =	sadd.s32 $0x28000, s5;
	s25 =	sshrl.u32 s7, $0x3  }
0xc: {  	s10 =	sshrl.u32 s1, $0x1;
	s12 =	sadd.s32 s7, s2;
	s14 =	sadd.s32 s7, s3  }
0xd: {  	s6 =	smov.u32 @p0 s5;
	s8 =	sadd.s32 s25, s0;
	s1 =	ssub.s32 s1, s10  }
0xe: {  	s12 =	sshrl.u32 s12, $0x3;
	s14 =	sshrl.u32 s14, $0x3;
	s25 =	simm.s32 $0x2  }
0xf: {  	s5 =	sshrl.u32 s6, $0x3;
	s6 =	sadd.s32 s7, s24;
	s7 =	sadd.s32 $0x16C00, s8  }
0x10: {  	s11 =	smax.u32 s1, $0x1;
	s24 =	simm.s32 $0x12E00;
	s1 =	simm.s32 $0x1  }
0x11: {  	s9 =	sadd.s32 s5, s0;
	s5 =	sadd.s32 $0xC000, s0;
	s6 =	sshrl.u32 s6, $0x3  }
0x12: {  	s0 =	sadd.s32 s6, s0;
	s6 =	sor.u32 $0x1C05, s26;
	s8 =	sadd.s32 $0xCC00, s9  }
0x13: {  	s9 =	sadd.s32 $0x2000, s9;
	s26 =	simm.s32 $0x13E00;
	s10 =	sadd.s32 $0x20A00, s0  }
.LBB2_1:
0x14: {  	[spmem:s12], [sflag:s6] =	dma.local [hbm:s5], $0x9E0  }
0x15: {  	_ =	swait.ge [sflag:s13], $0x9E0  }
0x16: {  	[sflag:s13] =	ssyncset.done $0x0  }
0x17: {  	[sflag:s13] =	ssyncadd.s32 $0xFFFFF620  }
0x18: {  	[spmem:s14], [sflag:s6] =	dma.local [hbm:s7], $0x9E0  }
0x19: {  	_ =	swait.ge [sflag:s13], $0x9E0  }
0x1a: {  	[sflag:s13] =	ssyncset.done $0x0  }
0x1b: {  	[sflag:s13] =	ssyncadd.s32 $0xFFFFF620  }
0x1c: {  	[tilespmem:s4], [sflag:$0x5] =	stream.linear.gather [hbm4b:s8+s4], $0x2800, $0x38;
	[tilespmem:$0x16E00] =	vst v63  }
0x1d: {  	_ =	swait.ge [sflag:s13], $0x2800  }
0x1e: {  	[sflag:s13] =	ssyncset.done $0x0  }
0x1f: {  	[sflag:s13] =	ssyncadd.s32 $0xFFFFD800  }
0x20: {  	[tilespmem:s15], [sflag:$0x5] =	stream.linear.gather [hbm4b:s9+s4], $0x2800, $0x38;
	[tilespmem:$0x16E00] =	vst v63  }
0x21: {  	_ =	swait.ge [sflag:s13], $0x2800  }
0x22: {  	[sflag:s13] =	ssyncset.done $0x0  }
0x23: {  	[sflag:s13] =	ssyncadd.s32 $0xFFFFD800  }
0x24: {  	[bflag:$0x0] =	sbarrier.arrive $0xFFFF  }
0x25: {  	[tilespmem:s17], [sflag:$0x1] =	stream.indirect.gather [spmem:s3], $0x20, s4, s16, $0xb8;
	[tilespmem:$0x16E00] =	vst v63  }
0x26: {  	_ = 	snop  }
0x27: {  	[tilespmem:s18], [sflag:$0x1] =	stream.indirect.gather [spmem:s3], $0x20, s16, s16, $0xb8;
	[tilespmem:$0x16E00] =	vst v63  }
0x28: {  	s0 =	simm.s32 $0x100  }
0x29: {  	[tilespmem:s20], [sflag:$0x1] =	stream.indirect.gather [spmem:s3], $0x20, s0, s16, $0xb8;
	[tilespmem:$0x16E00] =	vst v63  }
0x2a: {  	s21 =	simm.s32 $0x180  }
0x2b: {  	[tilespmem:s22], [sflag:$0x1] =	stream.indirect.gather [spmem:s3], $0x20, s21, s16, $0xb8;
	[tilespmem:$0x16E00] =	vst v63  }
0x2c: {  	s19 =	simm.s32 $0x200  }
0x2d: {  	[tilespmem:s24], [sflag:$0x2] =	stream.indirect.gather [spmem:s3], $0x20, s19, s16, $0xb8;
	[tilespmem:$0x16E00] =	vst v63  }
0x2e: {  	s21 =	simm.s32 $0x280  }
0x2f: {  	[tilespmem:s26], [sflag:$0x2] =	stream.indirect.gather [spmem:s3], $0x20, s21, s16, $0xb8;
	[tilespmem:$0x16E00] =	vst v63  }
0x30: {  	s19 =	simm.s32 $0x300  }
0x31: {  	[tilespmem:s29], [sflag:$0x2] =	stream.indirect.gather [spmem:s3], $0x20, s19, s16, $0xb8;
	[tilespmem:$0x16E00] =	vst v63  }
0x32: {  	s21 =	simm.s32 $0x380  }
0x33: {  	[tilespmem:s31], [sflag:$0x2] =	stream.indirect.gather [spmem:s3], $0x20, s21, s16, $0xb8;
	[tilespmem:$0x16E00] =	vst v63  }
0x34: {  	_ =	swait.ge [sflag:s1], $0x1000  }
0x35: {  	[sflag:s1] =	ssyncset.done $0x0  }
0x36: {  	[sflag:s1] =	ssyncadd.s32 $0xFFFFF000  }
0x37: {  	_ =	swait.ge [sflag:s1], $0x1000  }
0x38: {  	[sflag:s1] =	ssyncset.done $0x0  }
0x39: {  	[sflag:s1] =	ssyncadd.s32 $0xFFFFF000  }
0x3a: {  	_ =	swait.ge [sflag:s1], $0x1000  }
0x3b: {  	[sflag:s1] =	ssyncset.done $0x0  }
0x3c: {  	[sflag:s1] =	ssyncadd.s32 $0xFFFFF000  }
0x3d: {  	_ =	swait.ge [sflag:s1], $0x1000  }
0x3e: {  	[sflag:s1] =	ssyncset.done $0x0  }
0x3f: {  	[sflag:s1] =	ssyncadd.s32 $0xFFFFF000  }
0x40: {  	[spmem:s2] =	stream.indirect.scatter.add.f32 [tilespmem:s17], [sflag:$0x3], $0x20, s15, s16, $0xb8;
	[tilespmem:$0x16E00] =	vst v63  }
0x41: {  	s19 =	simm.s32 $0x2880  }
0x42: {  	[spmem:s2] =	stream.indirect.scatter.add.f32 [tilespmem:s18], [sflag:$0x3], $0x20, s19, s16, $0xb8;
	[tilespmem:$0x16E00] =	vst v63  }
0x43: {  	s21 =	simm.s32 $0x2900  }
0x44: {  	[spmem:s2] =	stream.indirect.scatter.add.f32 [tilespmem:s20], [sflag:$0x3], $0x20, s21, s16, $0xb8;
	[tilespmem:$0x16E00] =	vst v63  }
0x45: {  	s19 =	simm.s32 $0x2980  }
0x46: {  	[spmem:s2] =	stream.indirect.scatter.add.f32 [tilespmem:s22], [sflag:$0x3], $0x20, s19, s16, $0xb8;
	[tilespmem:$0x16E00] =	vst v63  }
0x47: {  	_ =	swait.ge [sflag:s23], $0x1000  }
0x48: {  	[sflag:s23] =	ssyncset.done $0x0  }
0x49: {  	[sflag:s23] =	ssyncadd.s32 $0xFFFFF000  }
0x4a: {  	_ =	swait.ge [sflag:s23], $0x1000  }
0x4b: {  	[sflag:s23] =	ssyncset.done $0x0  }
0x4c: {  	[sflag:s23] =	ssyncadd.s32 $0xFFFFF000  }
0x4d: {  	_ =	swait.ge [sflag:s23], $0x1000  }
0x4e: {  	[sflag:s23] =	ssyncset.done $0x0  }
0x4f: {  	[sflag:s23] =	ssyncadd.s32 $0xFFFFF000  }
0x50: {  	_ =	swait.ge [sflag:s23], $0x1000  }
0x51: {  	[sflag:s23] =	ssyncset.done $0x0  }
0x52: {  	s21 =	simm.s32 $0x400;
	[sflag:s23] =	ssyncadd.s32 $0xFFFFF000  }
0x53: {  	[tilespmem:s17], [sflag:$0x1] =	stream.indirect.gather [spmem:s3], $0x20, s21, s16, $0xb8;
	[tilespmem:$0x16E00] =	vst v63  }
0x54: {  	s19 =	simm.s32 $0x480  }
0x55: {  	[tilespmem:s18], [sflag:$0x1] =	stream.indirect.gather [spmem:s3], $0x20, s19, s16, $0xb8;
	[tilespmem:$0x16E00] =	vst v63  }
0x56: {  	s21 =	simm.s32 $0x500  }
0x57: {  	[tilespmem:s20], [sflag:$0x1] =	stream.indirect.gather [spmem:s3], $0x20, s21, s16, $0xb8;
	[tilespmem:$0x16E00] =	vst v63  }
0x58: {  	s19 =	simm.s32 $0x580  }
0x59: {  	[tilespmem:s22], [sflag:$0x1] =	stream.indirect.gather [spmem:s3], $0x20, s19, s16, $0xb8;
	[tilespmem:$0x16E00] =	vst v63  }
0x5a: {  	_ =	swait.ge [sflag:s25], $0x1000  }
0x5b: {  	[sflag:s25] =	ssyncset.done $0x0  }
0x5c: {  	[sflag:s25] =	ssyncadd.s32 $0xFFFFF000  }
0x5d: {  	_ =	swait.ge [sflag:s25], $0x1000  }
0x5e: {  	[sflag:s25] =	ssyncset.done $0x0  }
0x5f: {  	[sflag:s25] =	ssyncadd.s32 $0xFFFFF000  }
0x60: {  	_ =	swait.ge [sflag:s25], $0x1000  }
0x61: {  	[sflag:s25] =	ssyncset.done $0x0  }
0x62: {  	[sflag:s25] =	ssyncadd.s32 $0xFFFFF000  }
0x63: {  	_ =	swait.ge [sflag:s25], $0x1000  }
0x64: {  	[sflag:s25] =	ssyncset.done $0x0  }
0x65: {  	s21 =	simm.s32 $0x2A00;
	[sflag:s25] =	ssyncadd.s32 $0xFFFFF000  }
0x66: {  	[spmem:s2] =	stream.indirect.scatter.add.f32 [tilespmem:s24], [sflag:$0x4], $0x20, s21, s16, $0xb8;
	[tilespmem:$0x16E00] =	vst v63  }
0x67: {  	s19 =	simm.s32 $0x2A80  }
0x68: {  	[spmem:s2] =	stream.indirect.scatter.add.f32 [tilespmem:s26], [sflag:$0x4], $0x20, s19, s16, $0xb8;
	[tilespmem:$0x16E00] =	vst v63  }
0x69: {  	s21 =	simm.s32 $0x2B00  }
0x6a: {  	[spmem:s2] =	stream.indirect.scatter.add.f32 [tilespmem:s29], [sflag:$0x4], $0x20, s21, s16, $0xb8;
	[tilespmem:$0x16E00] =	vst v63  }
0x6b: {  	s19 =	simm.s32 $0x2B80  }
0x6c: {  	[spmem:s2] =	stream.indirect.scatter.add.f32 [tilespmem:s31], [sflag:$0x4], $0x20, s19, s16, $0xb8;
	[tilespmem:$0x16E00] =	vst v63  }
0x6d: {  	_ =	swait.ge [sflag:s28], $0x1000  }
0x6e: {  	[sflag:s28] =	ssyncset.done $0x0  }
0x6f: {  	[sflag:s28] =	ssyncadd.s32 $0xFFFFF000  }
0x70: {  	_ =	swait.ge [sflag:s28], $0x1000  }
0x71: {  	[sflag:s28] =	ssyncset.done $0x0  }
0x72: {  	[sflag:s28] =	ssyncadd.s32 $0xFFFFF000  }
0x73: {  	_ =	swait.ge [sflag:s28], $0x1000  }
0x74: {  	[sflag:s28] =	ssyncset.done $0x0  }
0x75: {  	[sflag:s28] =	ssyncadd.s32 $0xFFFFF000  }
0x76: {  	_ =	swait.ge [sflag:s28], $0x1000  }
0x77: {  	[sflag:s28] =	ssyncset.done $0x0  }
0x78: {  	s21 =	simm.s32 $0x600;
	[sflag:s28] =	ssyncadd.s32 $0xFFFFF000  }
0x79: {  	[tilespmem:s24], [sflag:$0x2] =	stream.indirect.gather [spmem:s3], $0x20, s21, s16, $0xb8;
	[tilespmem:$0x16E00] =	vst v63  }
0x7a: {  	s19 =	simm.s32 $0x680  }
0x7b: {  	[tilespmem:s26], [sflag:$0x2] =	stream.indirect.gather [spmem:s3], $0x20, s19, s16, $0xb8;
	[tilespmem:$0x16E00] =	vst v63  }
0x7c: {  	s21 =	simm.s32 $0x700  }
0x7d: {  	[tilespmem:s29], [sflag:$0x2] =	stream.indirect.gather [spmem:s3], $0x20, s21, s16, $0xb8;
	[tilespmem:$0x16E00] =	vst v63  }
0x7e: {  	s19 =	simm.s32 $0x780  }
0x7f: {  	[tilespmem:s31], [sflag:$0x2] =	stream.indirect.gather [spmem:s3], $0x20, s19, s16, $0xb8;
	[tilespmem:$0x16E00] =	vst v63  }
0x80: {  	_ =	swait.ge [sflag:s1], $0x1000  }
0x81: {  	[sflag:s1] =	ssyncset.done $0x0  }
0x82: {  	[sflag:s1] =	ssyncadd.s32 $0xFFFFF000  }
0x83: {  	_ =	swait.ge [sflag:s1], $0x1000  }
0x84: {  	[sflag:s1] =	ssyncset.done $0x0  }
0x85: {  	[sflag:s1] =	ssyncadd.s32 $0xFFFFF000  }
0x86: {  	_ =	swait.ge [sflag:s1], $0x1000  }
0x87: {  	[sflag:s1] =	ssyncset.done $0x0  }
0x88: {  	[sflag:s1] =	ssyncadd.s32 $0xFFFFF000  }
0x89: {  	_ =	swait.ge [sflag:s1], $0x1000  }
0x8a: {  	[sflag:s1] =	ssyncset.done $0x0  }
0x8b: {  	s21 =	simm.s32 $0x2C00;
	[sflag:s1] =	ssyncadd.s32 $0xFFFFF000  }
0x8c: {  	[spmem:s2] =	stream.indirect.scatter.add.f32 [tilespmem:s17], [sflag:$0x3], $0x20, s21, s16, $0xb8;
	[tilespmem:$0x16E00] =	vst v63  }
0x8d: {  	s19 =	simm.s32 $0x2C80  }
0x8e: {  	[spmem:s2] =	stream.indirect.scatter.add.f32 [tilespmem:s18], [sflag:$0x3], $0x20, s19, s16, $0xb8;
	[tilespmem:$0x16E00] =	vst v63  }
0x8f: {  	s0 =	simm.s32 $0x1000;
	s21 =	simm.s32 $0x2D00;
	s19 =	simm.s32 $0x2D80  }
0x90: {  	[spmem:s2] =	stream.indirect.scatter.add.f32 [tilespmem:s20], [sflag:$0x3], $0x20, s21, s16, $0xb8;
	[tilespmem:$0x16E00] =	vst v63  }
.LBB2_2:
0x91: {  	[spmem:s2] =	stream.indirect.scatter.add.f32 [tilespmem:s22], [sflag:$0x3], $0x20, s19, s16, $0xb8;
	[tilespmem:$0x16E00] =	vst v63  }
0x92: {  	s19 =	smov.u32 s0  }
0x93: {  	p0 =	sne.s32 s0, $0x8000;
	s0 =	sadd.s32 $0x1000, s0;
	_ =	swait.ge [sflag:s23], $0x1000  }
0x94: {  	[sflag:s23] =	ssyncset.done $0x0  }
0x95: {  	[sflag:s23] =	ssyncadd.s32 $0xFFFFF000  }
0x96: {  	_ =	swait.ge [sflag:s23], $0x1000  }
0x97: {  	[sflag:s23] =	ssyncset.done $0x0  }
0x98: {  	[sflag:s23] =	ssyncadd.s32 $0xFFFFF000  }
0x99: {  	_ =	swait.ge [sflag:s23], $0x1000  }
0x9a: {  	[sflag:s23] =	ssyncset.done $0x0  }
0x9b: {  	[sflag:s23] =	ssyncadd.s32 $0xFFFFF000  }
0x9c: {  	_ =	swait.ge [sflag:s23], $0x1000  }
0x9d: {  	s19 =	sshra.s32 s19, $0x2;
	[sflag:s23] =	ssyncset.done $0x0  }
0x9e: {  	s21 =	sadd.s32 $0x400, s19;
	[sflag:s23] =	ssyncadd.s32 $0xFFFFF000  }
0x9f: {  	[tilespmem:s17], [sflag:$0x1] =	stream.indirect.gather [spmem:s3], $0x20, s21, s16, $0xb8;
	[tilespmem:$0x16E00] =	vst v63  }
0xa0: {  	s21 =	sadd.s32 $0x480, s19  }
0xa1: {  	[tilespmem:s18], [sflag:$0x1] =	stream.indirect.gather [spmem:s3], $0x20, s21, s16, $0xb8;
	[tilespmem:$0x16E00] =	vst v63  }
0xa2: {  	s21 =	sadd.s32 $0x500, s19  }
0xa3: {  	[tilespmem:s20], [sflag:$0x1] =	stream.indirect.gather [spmem:s3], $0x20, s21, s16, $0xb8;
	[tilespmem:$0x16E00] =	vst v63  }
0xa4: {  	s21 =	sadd.s32 $0x580, s19  }
0xa5: {  	[tilespmem:s22], [sflag:$0x1] =	stream.indirect.gather [spmem:s3], $0x20, s21, s16, $0xb8;
	[tilespmem:$0x16E00] =	vst v63  }
0xa6: {  	_ =	swait.ge [sflag:s25], $0x1000  }
0xa7: {  	[sflag:s25] =	ssyncset.done $0x0  }
0xa8: {  	[sflag:s25] =	ssyncadd.s32 $0xFFFFF000  }
0xa9: {  	_ =	swait.ge [sflag:s25], $0x1000  }
0xaa: {  	[sflag:s25] =	ssyncset.done $0x0  }
0xab: {  	[sflag:s25] =	ssyncadd.s32 $0xFFFFF000  }
0xac: {  	_ =	swait.ge [sflag:s25], $0x1000  }
0xad: {  	[sflag:s25] =	ssyncset.done $0x0  }
0xae: {  	[sflag:s25] =	ssyncadd.s32 $0xFFFFF000  }
0xaf: {  	_ =	swait.ge [sflag:s25], $0x1000  }
0xb0: {  	[sflag:s25] =	ssyncset.done $0x0  }
0xb1: {  	s21 =	sadd.s32 $0x2A00, s19;
	[sflag:s25] =	ssyncadd.s32 $0xFFFFF000  }
0xb2: {  	[spmem:s2] =	stream.indirect.scatter.add.f32 [tilespmem:s24], [sflag:$0x4], $0x20, s21, s16, $0xb8;
	[tilespmem:$0x16E00] =	vst v63  }
0xb3: {  	s21 =	sadd.s32 $0x2A80, s19  }
0xb4: {  	[spmem:s2] =	stream.indirect.scatter.add.f32 [tilespmem:s26], [sflag:$0x4], $0x20, s21, s16, $0xb8;
	[tilespmem:$0x16E00] =	vst v63  }
0xb5: {  	s21 =	sadd.s32 $0x2B00, s19  }
0xb6: {  	[spmem:s2] =	stream.indirect.scatter.add.f32 [tilespmem:s29], [sflag:$0x4], $0x20, s21, s16, $0xb8;
	[tilespmem:$0x16E00] =	vst v63  }
0xb7: {  	s21 =	sadd.s32 $0x2B80, s19  }
0xb8: {  	[spmem:s2] =	stream.indirect.scatter.add.f32 [tilespmem:s31], [sflag:$0x4], $0x20, s21, s16, $0xb8;
	[tilespmem:$0x16E00] =	vst v63  }
0xb9: {  	_ =	swait.ge [sflag:s28], $0x1000  }
0xba: {  	[sflag:s28] =	ssyncset.done $0x0  }
0xbb: {  	[sflag:s28] =	ssyncadd.s32 $0xFFFFF000  }
0xbc: {  	_ =	swait.ge [sflag:s28], $0x1000  }
0xbd: {  	[sflag:s28] =	ssyncset.done $0x0  }
0xbe: {  	[sflag:s28] =	ssyncadd.s32 $0xFFFFF000  }
0xbf: {  	_ =	swait.ge [sflag:s28], $0x1000  }
0xc0: {  	[sflag:s28] =	ssyncset.done $0x0  }
0xc1: {  	[sflag:s28] =	ssyncadd.s32 $0xFFFFF000  }
0xc2: {  	_ =	swait.ge [sflag:s28], $0x1000  }
0xc3: {  	[sflag:s28] =	ssyncset.done $0x0  }
0xc4: {  	s21 =	sadd.s32 $0x600, s19;
	[sflag:s28] =	ssyncadd.s32 $0xFFFFF000  }
0xc5: {  	[tilespmem:s24], [sflag:$0x2] =	stream.indirect.gather [spmem:s3], $0x20, s21, s16, $0xb8;
	[tilespmem:$0x16E00] =	vst v63  }
0xc6: {  	s21 =	sadd.s32 $0x680, s19  }
0xc7: {  	[tilespmem:s26], [sflag:$0x2] =	stream.indirect.gather [spmem:s3], $0x20, s21, s16, $0xb8;
	[tilespmem:$0x16E00] =	vst v63  }
0xc8: {  	s21 =	sadd.s32 $0x700, s19  }
0xc9: {  	[tilespmem:s29], [sflag:$0x2] =	stream.indirect.gather [spmem:s3], $0x20, s21, s16, $0xb8;
	[tilespmem:$0x16E00] =	vst v63  }
0xca: {  	s21 =	sadd.s32 $0x780, s19  }
0xcb: {  	[tilespmem:s31], [sflag:$0x2] =	stream.indirect.gather [spmem:s3], $0x20, s21, s16, $0xb8;
	[tilespmem:$0x16E00] =	vst v63  }
0xcc: {  	_ =	swait.ge [sflag:s1], $0x1000  }
0xcd: {  	[sflag:s1] =	ssyncset.done $0x0  }
0xce: {  	[sflag:s1] =	ssyncadd.s32 $0xFFFFF000  }
0xcf: {  	_ =	swait.ge [sflag:s1], $0x1000  }
0xd0: {  	[sflag:s1] =	ssyncset.done $0x0  }
0xd1: {  	[sflag:s1] =	ssyncadd.s32 $0xFFFFF000  }
0xd2: {  	_ =	swait.ge [sflag:s1], $0x1000  }
0xd3: {  	[sflag:s1] =	ssyncset.done $0x0  }
0xd4: {  	[sflag:s1] =	ssyncadd.s32 $0xFFFFF000  }
0xd5: {  	_ =	swait.ge [sflag:s1], $0x1000  }
0xd6: {  	[sflag:s1] =	ssyncset.done $0x0  }
0xd7: {  	s21 =	sadd.s32 $0x2C00, s19;
	[sflag:s1] =	ssyncadd.s32 $0xFFFFF000  }
0xd8: {  	[spmem:s2] =	stream.indirect.scatter.add.f32 [tilespmem:s17], [sflag:$0x3], $0x20, s21, s16, $0xb8;
	[tilespmem:$0x16E00] =	vst v63  }
.Ltmp0:
0xd9: {  	s21 =	sadd.s32 $0x2C80, s19;
	(pc) =	sbr.rel @p0 .LBB2_2-.Ltmp0, $4  }
0xda: {  	[spmem:s2] =	stream.indirect.scatter.add.f32 [tilespmem:s18], [sflag:$0x3], $0x20, s21, s16, $0xb8;
	[tilespmem:$0x16E00] =	vst v63  }
0xdb: {  	s21 =	sadd.s32 $0x2D00, s19  }
0xdc: {  	[spmem:s2] =	stream.indirect.scatter.add.f32 [tilespmem:s20], [sflag:$0x3], $0x20, s21, s16, $0xb8;
	[tilespmem:$0x16E00] =	vst v63  }
0xdd: {  	s19 =	sadd.s32 $0x2D80, s19  }
0xde: {  	[spmem:s2] =	stream.indirect.scatter.add.f32 [tilespmem:s22], [sflag:$0x3], $0x20, s19, s16, $0xb8;
	[tilespmem:$0x16E00] =	vst v63  }
0xdf: {  	_ =	swait.ge [sflag:s25], $0x1000  }
0xe0: {  	[sflag:s25] =	ssyncset.done $0x0  }
0xe1: {  	[sflag:s25] =	ssyncadd.s32 $0xFFFFF000  }
0xe2: {  	_ =	swait.ge [sflag:s25], $0x1000  }
0xe3: {  	[sflag:s25] =	ssyncset.done $0x0  }
0xe4: {  	[sflag:s25] =	ssyncadd.s32 $0xFFFFF000  }
0xe5: {  	_ =	swait.ge [sflag:s25], $0x1000  }
0xe6: {  	[sflag:s25] =	ssyncset.done $0x0  }
0xe7: {  	[sflag:s25] =	ssyncadd.s32 $0xFFFFF000  }
0xe8: {  	_ =	swait.ge [sflag:s25], $0x1000  }
0xe9: {  	[sflag:s25] =	ssyncset.done $0x0  }
0xea: {  	s0 =	simm.s32 $0x4E00;
	[sflag:s25] =	ssyncadd.s32 $0xFFFFF000  }
0xeb: {  	[spmem:s2] =	stream.indirect.scatter.add.f32 [tilespmem:s24], [sflag:$0x4], $0x20, s0, s16, $0xb8;
	[tilespmem:$0x16E00] =	vst v63  }
0xec: {  	s21 =	simm.s32 $0x4E80  }
0xed: {  	[spmem:s2] =	stream.indirect.scatter.add.f32 [tilespmem:s26], [sflag:$0x4], $0x20, s21, s16, $0xb8;
	[tilespmem:$0x16E00] =	vst v63  }
0xee: {  	s19 =	simm.s32 $0x4F00  }
0xef: {  	[spmem:s2] =	stream.indirect.scatter.add.f32 [tilespmem:s29], [sflag:$0x4], $0x20, s19, s16, $0xb8;
	[tilespmem:$0x16E00] =	vst v63  }
0xf0: {  	s21 =	simm.s32 $0x4F80  }
0xf1: {  	[spmem:s2] =	stream.indirect.scatter.add.f32 [tilespmem:s31], [sflag:$0x4], $0x20, s21, s16, $0xb8;
	[tilespmem:$0x16E00] =	vst v63  }
0xf2: {  	_ =	swait.ge [sflag:s23], $0x1000  }
0xf3: {  	[sflag:s23] =	ssyncset.done $0x0  }
0xf4: {  	[sflag:s23] =	ssyncadd.s32 $0xFFFFF000  }
0xf5: {  	_ =	swait.ge [sflag:s23], $0x1000  }
0xf6: {  	[sflag:s23] =	ssyncset.done $0x0  }
0xf7: {  	[sflag:s23] =	ssyncadd.s32 $0xFFFFF000  }
0xf8: {  	_ =	swait.ge [sflag:s23], $0x1000  }
0xf9: {  	[sflag:s23] =	ssyncset.done $0x0  }
0xfa: {  	[sflag:s23] =	ssyncadd.s32 $0xFFFFF000  }
0xfb: {  	_ =	swait.ge [sflag:s23], $0x1000  }
0xfc: {  	[sflag:s23] =	ssyncset.done $0x0  }
0xfd: {  	[sflag:s23] =	ssyncadd.s32 $0xFFFFF000  }
0xfe: {  	_ =	swait.ge [sflag:s28], $0x1000  }
0xff: {  	[sflag:s28] =	ssyncset.done $0x0  }
0x100: {  	[sflag:s28] =	ssyncadd.s32 $0xFFFFF000  }
0x101: {  	_ =	swait.ge [sflag:s28], $0x1000  }
0x102: {  	[sflag:s28] =	ssyncset.done $0x0  }
0x103: {  	[sflag:s28] =	ssyncadd.s32 $0xFFFFF000  }
0x104: {  	_ =	swait.ge [sflag:s28], $0x1000  }
0x105: {  	[sflag:s28] =	ssyncset.done $0x0  }
0x106: {  	[sflag:s28] =	ssyncadd.s32 $0xFFFFF000  }
0x107: {  	_ =	swait.ge [sflag:s28], $0x1000  }
0x108: {  	s30 =	sadd.s32 $0x1, s30;
	[sflag:s28] =	ssyncset.done $0x0  }
0x109: {  	p0 =	sne.s32 s30, s11;
	[sflag:s28] =	ssyncadd.s32 $0xFFFFF000  }
.Ltmp1:
0x10a: {  	[bflag:$0x0] =	sbarrier.arrive $0xFFFF;
	(pc) =	sbr.rel @p0 .LBB2_1-.Ltmp1, $4  }
0x10b: {  	[hbm:s10], [sflag:s6] =	dma.local [spmem:s12], $0x9E0  }
0x10c: {  	_ =	swait.ge [sflag:s13], $0x9E0  }
0x10d: {  	[sflag:s13] =	ssyncset.done $0x0  }
0x10e: {  	[sflag:s13] =	ssyncadd.s32 $0xFFFFF620  }
0x10f: {  	_ =	sfence.sel $0x180000  }
0x110: {  	[bflag:$0x0] =	sbarrier.arrive $0xFFFF  }
0x111: {  	_ =	strace $0x9000004D  }
0x112: {  	s0 =	stileid.u32;
	[bflag:$0x2] =	sbarrier.arrive $0xFFFF  }
0x113: {  	p0 =	sne.s32 s0, $0x0;
	s0 =	rddreg [dreg:$0x3]  }
0x114: {  	s0 =	sadd.s32 @!p0 $0x100000, s0  }
0x115: {  	[sflag:s0] =	ssyncadd.tile.s32 @!p0 $0x1;
	_ =	shalt  }
.Lfunc_end2:
_tile_overlayer_lowered:
.L_overlay_start_2:
0x116: {  	(tag) =	ssettag $0x2  }
0x117: {  	s0 =	rddreg [dreg:$0x0];
	s2 =	stileid.u32  }
0x118: {  	s1 =	rddreg [dreg:$0x1];
	p0 =	sne.s32 s2, $0x0  }
0x119: {  	s3 =	rddreg [dreg:$0x2];
	[bflag:$0x3] =	sbarrier.arrive $0xFFFF;
	s2 =	simm.s32 @!p0 $0x1C05  }
0x11a: {  	[timem:s3], [sflag:s2] =	dma.local @!p0 [hbm:s0], s1  }
0x11b: {  	s0 =	simm.s32 @!p0 $0x5  }
0x11c: {  	_ =	swait.ge @!p0 [sflag:s0], s1  }
0x11d: {  	s1 =	ssub.s32 @!p0 $0x0, s1;
	[sflag:s0] =	ssyncset.done @!p0 $0x0  }
0x11e: {  	[sflag:s0] =	ssyncadd.s32 @!p0 s1  }
0x11f: {  	[bflag:$0x3] =	sbarrier.arrive $0xFFFF  }
0x120: {  	_ =	shalt  }

// kernel: kernel.9.cloned.1.call-start
scs
__scs_entry_jumppad:
0x0: {  	(pc) =	sbr.rel $0x88, $3  }
0x1: {  	(tag) =	ssettag $0x0;
	lr =	simm.s32 $0x1  }
0x2: {  	[smem:$0x3F99] =	sst lr;
	_ =	strace $0xD0000000  }
0x3: {  	_ = 	snop  }
0x4: {  	_ = 	snop  }
0x5: {  	_ = 	snop  }
0x6: {  	_ = 	snop  }
0x7: {  	_ = 	snop  }
__scs_overlays_trampoline_lowered:
0x8: {  	[smem:$0x3FA8] =	sst s0  }
0x9: {  	[smem:$0x3FA9] =	sst s1  }
0xa: {  	[smem:$0x3FAA] =	sst s2  }
0xb: {  	[smem:$0x3FAB] =	sst s3  }
0xc: {  	[smem:$0x3FAC] =	sst s4  }
0xd: {  	[smem:$0x3FAD] =	sst s5  }
0xe: {  	[smem:$0x3FAE] =	sst s6  }
0xf: {  	[smem:$0x3FAF] =	sst s7  }
0x10: {  	[smem:$0x3FB0] =	sst s8  }
0x11: {  	[smem:$0x3FB1] =	sst s9;
	s0 =	simm.s32 @!p0 $0x0  }
0x12: {  	s1 =	sld [smem:$0x3F97];
	s0 =	simm.s32 @p0 $0x1  }
0x13: {  	[smem:$0x3FB2] =	sst s0;
	s0 =	simm.s32 @!p1 $0x0  }
0x14: {  	s2 =	sld [smem:$0x3F96];
	s0 =	simm.s32 @p1 $0x1  }
0x15: {  	[smem:$0x3FB3] =	sst s0;
	s0 =	simm.s32 @!p2 $0x0  }
0x16: {  	s3 =	sld [smem:$0x3FDB];
	s0 =	simm.s32 @p2 $0x1  }
0x17: {  	s4 =	simm.s32 $0x1BF5;
	[smem:$0x3FB5] =	sst s0  }
0x18: {  	s0 =	sld [smem:$0x3F98];
	_ =	swait.ge [sflag:s4], $0x0  }
0x19: {  	s7 =	sld [smem:$0x3F99]  }
0x1a: {  	s8 =	sadd.s32 $0xFFFFE003, lr  }
0x1b: {  	s9 =	sadd.s32 $0xFFFFFEF7, lr;
	s5 =	simm.s32 $0xFFFFFFFF;
	p2 =	slt.u32 s8, $0xFFFFF086  }
0x1c: {  	p1 =	slt.u32 s9, $0xF7A;
	s5 =	simm.s32 @!p2 $0x0  }
0x1d: {  	s5 =	simm.s32 @p1 $0x1;
	p0 =	seq.s32 s7, s2  }
0x1e: {  	s7 =	smul.u32 @!p0 $0xF7A, s2;
	p2 =	seq.s32 @!p0 s5, $0x0  }
0x1f: {  	s9 =	smul.u32 $0xF7A, s1;
	s8 =	simm.s32 @!p0 $0x1BF5;
	p2 =	por !p2, p0  }
0x20: {  	[sflag:s8] =	ssyncset.s32 @!p0 $0xFFFFF086;
	s6 =	sadd.s32 @!p0 s3, s7;
	s7 =	simm.s32 @!p0 $0x108  }
0x21: {  	s3 =	sadd.s32 s3, s9;
	s6 =	sadd.s32 @!p0 $0x88, s6;
	s7 =	simm.s32 @p2 $0x1082  }
0x22: {  	[simem:s7], [sflag:s8] =	dma.local @!p0 [hbm:s6], $0xF7A  }
0x23: {  	s9 =	sor.u32 $0xD0000000, s2;
	s6 =	simm.s32 $0x108;
	_ =	swait.ge @!p0 [sflag:s8], $0x0  }
0x24: {  	s3 =	sadd.s32 $0x88, s3;
	s6 =	simm.s32 @!p1 $0x1082;
	[sflag:s4] =	ssyncset.s32 $0xFFFFF086  }
0x25: {  	[simem:s6], [sflag:s4] =	dma.local [hbm:s3], $0xF7A  }
0x26: {  	[smem:$0x3F99] =	sst s1;
	(tag) =	ssettag s2;
	_ =	strace s9  }
0x27: {  	s1 =	sld [smem:$0x3FA9]  }
0x28: {  	s2 =	sld [smem:$0x3FAA]  }
0x29: {  	s4 =	sld [smem:$0x3FAC]  }
0x2a: {  	p0 =	seq.s32 s5, $0x0;
	s5 =	sld [smem:$0x3FAD]  }
0x2b: {  	s6 =	sld [smem:$0x3FAE]  }
0x2c: {  	s7 =	sld [smem:$0x3FAF]  }
0x2d: {  	s3 =	simm.s32 $0x108;
	s8 =	sld [smem:$0x3FB0]  }
0x2e: {  	s3 =	simm.s32 @!p0 $0x1082;
	s9 =	sld [smem:$0x3FB1]  }
0x2f: {  	lr =	sadd.s32 s0, s3;
	s0 =	sld [smem:$0x3FA8]  }
0x30: {  	s3 =	sld [smem:$0x3FAB]  }
0x31: {  	[smem:$0x3FB4] =	sst s10  }
0x32: {  	s10 =	sld [smem:$0x3FB2];
	_ =	sdelay $0x3  }
0x33: {  	p0 =	seq.s32 s10, $0x1;
	s10 =	sld [smem:$0x3FB4];
	_ =	sdelay $0x3  }
0x34: {  	[smem:$0x3FB4] =	sst s10  }
0x35: {  	s10 =	sld [smem:$0x3FB3];
	_ =	sdelay $0x3  }
0x36: {  	p1 =	seq.s32 s10, $0x1;
	s10 =	sld [smem:$0x3FB4];
	_ =	sdelay $0x3  }
0x37: {  	[smem:$0x3FB4] =	sst s10  }
0x38: {  	s10 =	sld [smem:$0x3FB5]  }
0x39: {  	_ = 	snop;
	(pc) =	sbr.ind lr, $3  }
0x3a: {  	_ = 	snop  }
0x3b: {  	_ = 	snop  }
0x3c: {  	p2 =	seq.s32 s10, $0x1;
	s10 =	sld [smem:$0x3FB4]  }
0x3d: {  	_ =	shalt  }
0x3e: {  	_ =	shalt  }
0x3f: {  	_ =	shalt  }
0x40: {  	_ =	shalt  }
0x41: {  	_ =	shalt  }
0x42: {  	_ =	shalt  }
0x43: {  	_ =	shalt  }
0x44: {  	_ =	shalt  }
0x45: {  	_ =	shalt  }
0x46: {  	_ =	shalt  }
0x47: {  	_ =	shalt  }
0x48: {  	_ =	shalt  }
0x49: {  	_ =	shalt  }
0x4a: {  	_ =	shalt  }
0x4b: {  	_ =	shalt  }
0x4c: {  	_ =	shalt  }
0x4d: {  	_ =	shalt  }
0x4e: {  	_ =	shalt  }
0x4f: {  	_ =	shalt  }
0x50: {  	_ =	shalt  }
0x51: {  	_ =	shalt  }
0x52: {  	_ =	shalt  }
0x53: {  	_ =	shalt  }
0x54: {  	_ =	shalt  }
0x55: {  	_ =	shalt  }
0x56: {  	_ =	shalt  }
0x57: {  	_ =	shalt  }
0x58: {  	_ =	shalt  }
0x59: {  	_ =	shalt  }
0x5a: {  	_ =	shalt  }
0x5b: {  	_ =	shalt  }
0x5c: {  	_ =	shalt  }
0x5d: {  	_ =	shalt  }
0x5e: {  	_ =	shalt  }
0x5f: {  	_ =	shalt  }
0x60: {  	_ =	shalt  }
0x61: {  	_ =	shalt  }
0x62: {  	_ =	shalt  }
0x63: {  	_ =	shalt  }
0x64: {  	_ =	shalt  }
0x65: {  	_ =	shalt  }
0x66: {  	_ =	shalt  }
0x67: {  	_ =	shalt  }
0x68: {  	_ =	shalt  }
0x69: {  	_ =	shalt  }
0x6a: {  	_ =	shalt  }
0x6b: {  	_ =	shalt  }
0x6c: {  	_ =	shalt  }
0x6d: {  	_ =	shalt  }
0x6e: {  	_ =	shalt  }
0x6f: {  	_ =	shalt  }
0x70: {  	_ =	shalt  }
0x71: {  	_ =	shalt  }
0x72: {  	_ =	shalt  }
0x73: {  	_ =	shalt  }
0x74: {  	_ =	shalt  }
0x75: {  	_ =	shalt  }
0x76: {  	_ =	shalt  }
0x77: {  	_ =	shalt  }
0x78: {  	_ =	shalt  }
0x79: {  	_ =	shalt  }
0x7a: {  	_ =	shalt  }
0x7b: {  	_ =	shalt  }
0x7c: {  	_ =	shalt  }
0x7d: {  	_ =	shalt  }
0x7e: {  	_ =	shalt  }
0x7f: {  	_ =	shalt  }
0x80: {  	_ =	shalt  }
0x81: {  	_ =	shalt  }
0x82: {  	_ =	shalt  }
0x83: {  	_ =	shalt  }
0x84: {  	_ =	shalt  }
0x85: {  	_ =	shalt  }
0x86: {  	_ =	shalt  }
0x87: {  	_ =	shalt  }
.Lfunc_end0:
.L_simem_size_0:
called_computation_lowered:
.L_overlay_start_0:
0x88: {  	s2 =	sld [smem:$0x3FD9]  }
0x89: {  	s3 =	sld [smem:$0x3FFE];
	_ =	sdelay $0x1  }
0x8a: {  	s1 =	srdreg.scid  }
0x8b: {  	s0 =	sand.u32 $0x1, s1  }
0x8c: {  	s17 =	sshll.u32 s0, $0xA;
	s2 =	sadd.s32 s3, s2  }
0x8d: {  	s2 =	sadd.s32 s2, s17  }
0x8e: {  	[smem:$0x3FC0] =	sst s2  }
0x8f: {  	_ = 	snop  }
0x90: {  	s2 =	sld [smem:$0x3FD0];
	(tm) =	ssettm $0x1  }
0x91: {  	s18 =	sld [smem:$0x3FFB];
	_ =	sdelay $0x3  }
0x92: {  	_ =	strace s18  }
0x93: {  	s3 =	sld [smem:$0x3FFC];
	_ =	sdelay $0x3  }
0x94: {  	_ =	strace s3  }
0x95: {  	s3 =	sld [smem:$0x3FFD];
	_ =	sdelay $0x3  }
0x96: {  	_ =	strace s3  }
0x97: {  	_ =	strace $0x8FFFFFFF  }
0x98: {  	s19 =	sld [smem:$0x3FDB];
	_ =	sdelay $0x1  }
0x99: {  	s4 =	simm.s32 $_scs_section_size  }
0x9a: {  	s5 =	simm.s32 $_size__tile_overlayer_lowered;
	s6 =	simm.s32 $_tile_overlayer_lowered  }
0x9b: {  	s22 =	simm.s32 $0x1BFF;
	s21 =	sshll.u32 s6, $0x1;
	s3 =	sadd.s32 s4, s19  }
0x9c: {  	s7 =	simm.s32 $0x0;
	s20 =	sshll.u32 s5, $0x1;
	s5 =	sadd.s32 s21, s3  }
0x9d: {  	[timem:s7], [sflag:s22] =	dma.local [hbm:s5], s20  }
0x9e: {  	_ =	swait.ge [sflag:s22], s20  }
0x9f: {  	s4 =	ssub.s32 $0x0, s20;
	[sflag:s22] =	ssyncset.done $0x0  }
0xa0: {  	[sflag:s22] =	ssyncadd.s32 s4;
	_ =	sdelay $0x1  }
0xa1: {  	s23 =	simm.s32 $0x1B8B  }
0xa2: {  	_ =	swait.ge [sflag:s23], $0x1  }
0xa3: {  	[sflag:s23] =	ssyncset.done $0x0  }
0xa4: {  	s25 =	simm.s32 $0x1B8E;
	s24 =	sld [smem:$0x3FFE];
	[sflag:s23] =	ssyncadd.s32 $0xFFFFFFFF  }
0xa5: {  	s26 =	simm.s32 $execute0_lowered;
	[smem:$0x3FD2] =	sst s25  }
0xa6: {  	s5 =	sshll.u32 s26, $0x1;
	_ =	strace $0x80000046;
	[dreg:$0x1] =	wrdreg $0xFFFFFFFF  }
0xa7: {  	s28 =	simm.s32 $_size_execute0_lowered;
	s3 =	sadd.s32 s3, s5;
	[dreg:$0x0] =	wrdreg $0x0  }
0xa8: {  	s5 =	sshll.u32 s28, $0x1;
	[dreg:$0x2] =	wrdreg s3  }
0xa9: {  	[dreg:$0x3] =	wrdreg s5  }
0xaa: {  	[dreg:$0x4] =	wrdreg $0xC0  }
0xab: {  	_ =	task [dreg:s7], $0x5FFFF  }
0xac: {  	[dreg:$0x1] =	wrdreg $0xFFFFFFFF  }
0xad: {  	[dreg:$0x0] =	wrdreg $0x60  }
0xae: {  	[dreg:$0x2] =	wrdreg s24  }
0xaf: {  	[dreg:$0x3] =	wrdreg s2  }
0xb0: {  	[dreg:$0x4] =	wrdreg $0x28800  }
0xb1: {  	[dreg:$0x5] =	wrdreg $0x9  }
0xb2: {  	_ =	task.clear_ibuf [dreg:s7], $0x6FFFF;
	_ =	strace $0x90000046  }
0xb3: {  	s29 =	simm.s32 $0x9;
	_ =	strace $0x80000048  }
0xb4: {  	_ =	swait.ge [sflag:s29], $0x1  }
0xb5: {  	[sflag:s29] =	ssyncadd.s32 $0xFFFFFFFF  }
0xb6: {  	_ =	strace $0x90000048  }
0xb7: {  	_ =	sfence  }
0xb8: {  	s30 =	sld [smem:$0x0];
	_ =	sdelay $0x2  }
0xb9: {  	s31 =	sshll.u32 s1, $0xD;
	s1 =	sshrl.u32 s1, $0x2  }
0xba: {  	s3 =	sand.u32 $0x4000, s31;
	s1 =	sadd.s32 s1, s30  }
0xbb: {  	s0 =	sor.u32 s3, s0;
	s1 =	sshll.u32 s1, $0x11  }
0xbc: {  	s0 =	sor.u32 s1, s0  }
0xbd: {  	s0 =	sadd.s32 $0x8F2B, s0  }
0xbe: {  	[sflag:s0] =	ssyncadd.remote.s32 $0x1  }
0xbf: {  	_ =	sfence.sel $0xFFFF  }
0xc0: {  	[dreg:$0x0] =	wrdreg $0xFFFFFFFF;
	(pc) =	sbr.abs _section_cstart, $3  }
0xc1: {  	[dreg:$0x1] =	wrdreg $0xFFFFFFFF  }
0xc2: {  	_ =	task.clear_ibuf [dreg:s7], $0x2FFFF;
	_ =	strace $0x9FFFFFFF  }
0xc3: {  	(tm) =	ssettm $0x7FFFFFFF  }
tec
execute0_lowered:
.L_overlay_start_1:
0x0: {  	(tag) =	ssettag $0x1  }
0x1: {  	s0 =	rddreg [dreg:$0x0]  }
0x2: {  	s3 =	rddreg [dreg:$0x2]  }
0x3: {  	s2 =	stileid.u32;
	s1 =	srdreg.scid;
	s4 =	simm.s32 $0x0  }
0x4: {  	s11 =	simm.s32 $0x3;
	s12 =	simm.s32 $0x2800;
	s13 =	simm.s32 $0x80  }
0x5: {  	s14 =	simm.s32 $0x100;
	s15 =	simm.s32 $0x180;
	s16 =	simm.s32 $0x200  }
0x6: {  	s17 =	simm.s32 $0x280;
	s18 =	simm.s32 $0x300;
	s19 =	simm.s32 $0x380  }
0x7: {  	s20 =	simm.s32 $0x400;
	s21 =	simm.s32 $0x480;
	s22 =	simm.s32 $0x500  }
0x8: {  	s23 =	simm.s32 $0x580;
	s28 =	simm.s32 $0x780;
	s29 =	simm.s32 $0x1  }
0x9: {  	s30 =	simm.s32 $0x2;
	s31 =	simm.s32 $0x0;
	s5 =	smul.u32 $0x2800, s2  }
0xa: {  	s1 =	sand.u32 $0x1, s1;
	s7 =	smul.u32 $0x280, s2;
	[smem:$0x7FF] =	sst s4  }
0xb: {  	s9 =	sshll.u32 s2, $0x6;
	p0 =	seq.s32 s1, $0x0;
	s24 =	smul.u32 $0x2800, s1  }
0xc: {  	_ =	strace $0x80000047;
	s1 =	ssub.s32 $0x2, s1;
	s6 =	sadd.s32 $0x28000, s5  }
0xd: {  	s26 =	sshrl.u32 s1, $0x1;
	s10 =	sadd.s32 s7, s3;
	s6 =	smov.u32 @p0 s5  }
0xe: {  	s25 =	sadd.s32 s7, s24;
	s5 =	sadd.s32 $0xC000, s0;
	s1 =	ssub.s32 s1, s26  }
0xf: {  	s10 =	sshrl.u32 s10, $0x3;
	s24 =	simm.s32 $0x600;
	s6 =	sshrl.u32 s6, $0x3  }
0x10: {  	s26 =	simm.s32 $0x700;
	s8 =	sadd.s32 s6, s0;
	s6 =	sshrl.u32 s25, $0x3  }
0x11: {  	s25 =	simm.s32 $0x680;
	s0 =	sadd.s32 s6, s0;
	s6 =	sor.u32 $0x1C03, s9  }
0x12: {  	s7 =	sadd.s32 $0x2000, s8;
	s9 =	smax.u32 s1, $0x1;
	s8 =	sadd.s32 $0xC200, s0  }
.LBB2_1:
0x13: {  	s0 =	rddreg [dreg:$0x1]  }
0x14: {  	[spmem:s10], [sflag:s6] =	dma.local [hbm:s0], $0x50  }
0x15: {  	_ =	swait.ge [sflag:s11], $0x50  }
0x16: {  	[sflag:s11] =	ssyncset.done $0x0  }
0x17: {  	[sflag:s11] =	ssyncadd.s32 $0xFFFFFFB0  }
0x18: {  	[tilespmem:s12], [sflag:$0x3] =	stream.linear.gather [hbm4b:s5+s4], $0x80, $0x38;
	[tilespmem:$0x2B00] =	vst v63  }
0x19: {  	_ =	swait.ge [sflag:s11], $0x80  }
0x1a: {  	[sflag:s11] =	ssyncset.done $0x0  }
0x1b: {  	[sflag:s11] =	ssyncadd.s32 $0xFFFFFF80  }
0x1c: {  	[tilespmem:s4], [sflag:$0x3] =	stream.linear.gather [hbm4b:s7+s4], $0x2800, $0x38;
	[tilespmem:$0x2B00] =	vst v63  }
0x1d: {  	_ =	swait.ge [sflag:s11], $0x2800  }
0x1e: {  	[sflag:s11] =	ssyncset.done $0x0  }
0x1f: {  	[sflag:s11] =	ssyncadd.s32 $0xFFFFD800  }
0x20: {  	[bflag:$0x0] =	sbarrier.arrive $0xFFFF  }
0x21: {  	[spmem:s3] =	stream.indirect.scatter.add.f32 [tilespmem:s12], [sflag:$0x1], $0x1, s4, s13, $0xb8;
	[tilespmem:$0x2B00] =	vst v63  }
0x22: {  	_ = 	snop  }
0x23: {  	[spmem:s3] =	stream.indirect.scatter.add.f32 [tilespmem:s12], [sflag:$0x1], $0x1, s13, s13, $0xb8;
	[tilespmem:$0x2B00] =	vst v63  }
0x24: {  	_ = 	snop  }
0x25: {  	[spmem:s3] =	stream.indirect.scatter.add.f32 [tilespmem:s12], [sflag:$0x1], $0x1, s14, s13, $0xb8;
	[tilespmem:$0x2B00] =	vst v63  }
0x26: {  	_ = 	snop  }
0x27: {  	[spmem:s3] =	stream.indirect.scatter.add.f32 [tilespmem:s12], [sflag:$0x1], $0x1, s15, s13, $0xb8;
	[tilespmem:$0x2B00] =	vst v63  }
0x28: {  	_ = 	snop  }
0x29: {  	[spmem:s3] =	stream.indirect.scatter.add.f32 [tilespmem:s12], [sflag:$0x1], $0x1, s16, s13, $0xb8;
	[tilespmem:$0x2B00] =	vst v63  }
0x2a: {  	_ = 	snop  }
0x2b: {  	[spmem:s3] =	stream.indirect.scatter.add.f32 [tilespmem:s12], [sflag:$0x1], $0x1, s17, s13, $0xb8;
	[tilespmem:$0x2B00] =	vst v63  }
0x2c: {  	_ = 	snop  }
0x2d: {  	[spmem:s3] =	stream.indirect.scatter.add.f32 [tilespmem:s12], [sflag:$0x1], $0x1, s18, s13, $0xb8;
	[tilespmem:$0x2B00] =	vst v63  }
0x2e: {  	_ = 	snop  }
0x2f: {  	[spmem:s3] =	stream.indirect.scatter.add.f32 [tilespmem:s12], [sflag:$0x1], $0x1, s19, s13, $0xb8;
	[tilespmem:$0x2B00] =	vst v63  }
0x30: {  	_ = 	snop  }
0x31: {  	[spmem:s3] =	stream.indirect.scatter.add.f32 [tilespmem:s12], [sflag:$0x2], $0x1, s20, s13, $0xb8;
	[tilespmem:$0x2B00] =	vst v63  }
0x32: {  	_ = 	snop  }
0x33: {  	[spmem:s3] =	stream.indirect.scatter.add.f32 [tilespmem:s12], [sflag:$0x2], $0x1, s21, s13, $0xb8;
	[tilespmem:$0x2B00] =	vst v63  }
0x34: {  	_ = 	snop  }
0x35: {  	[spmem:s3] =	stream.indirect.scatter.add.f32 [tilespmem:s12], [sflag:$0x2], $0x1, s22, s13, $0xb8;
	[tilespmem:$0x2B00] =	vst v63  }
0x36: {  	_ = 	snop  }
0x37: {  	[spmem:s3] =	stream.indirect.scatter.add.f32 [tilespmem:s12], [sflag:$0x2], $0x1, s23, s13, $0xb8;
	[tilespmem:$0x2B00] =	vst v63  }
0x38: {  	_ = 	snop  }
0x39: {  	[spmem:s3] =	stream.indirect.scatter.add.f32 [tilespmem:s12], [sflag:$0x2], $0x1, s24, s13, $0xb8;
	[tilespmem:$0x2B00] =	vst v63  }
0x3a: {  	_ = 	snop  }
0x3b: {  	[spmem:s3] =	stream.indirect.scatter.add.f32 [tilespmem:s12], [sflag:$0x2], $0x1, s25, s13, $0xb8;
	[tilespmem:$0x2B00] =	vst v63  }
0x3c: {  	_ = 	snop  }
0x3d: {  	[spmem:s3] =	stream.indirect.scatter.add.f32 [tilespmem:s12], [sflag:$0x2], $0x1, s26, s13, $0xb8;
	[tilespmem:$0x2B00] =	vst v63  }
0x3e: {  	_ = 	snop  }
0x3f: {  	[spmem:s3] =	stream.indirect.scatter.add.f32 [tilespmem:s12], [sflag:$0x2], $0x1, s28, s13, $0xb8;
	[tilespmem:$0x2B00] =	vst v63  }
0x40: {  	_ =	swait.ge [sflag:s29], $0x80  }
0x41: {  	[sflag:s29] =	ssyncset.done $0x0  }
0x42: {  	[sflag:s29] =	ssyncadd.s32 $0xFFFFFF80  }
0x43: {  	_ =	swait.ge [sflag:s29], $0x80  }
0x44: {  	[sflag:s29] =	ssyncset.done $0x0  }
0x45: {  	[sflag:s29] =	ssyncadd.s32 $0xFFFFFF80  }
0x46: {  	_ =	swait.ge [sflag:s29], $0x80  }
0x47: {  	[sflag:s29] =	ssyncset.done $0x0  }
0x48: {  	[sflag:s29] =	ssyncadd.s32 $0xFFFFFF80  }
0x49: {  	_ =	swait.ge [sflag:s29], $0x80  }
0x4a: {  	[sflag:s29] =	ssyncset.done $0x0  }
0x4b: {  	[sflag:s29] =	ssyncadd.s32 $0xFFFFFF80  }
0x4c: {  	_ =	swait.ge [sflag:s29], $0x80  }
0x4d: {  	[sflag:s29] =	ssyncset.done $0x0  }
0x4e: {  	[sflag:s29] =	ssyncadd.s32 $0xFFFFFF80  }
0x4f: {  	_ =	swait.ge [sflag:s29], $0x80  }
0x50: {  	[sflag:s29] =	ssyncset.done $0x0  }
0x51: {  	[sflag:s29] =	ssyncadd.s32 $0xFFFFFF80  }
0x52: {  	_ =	swait.ge [sflag:s29], $0x80  }
0x53: {  	[sflag:s29] =	ssyncset.done $0x0  }
0x54: {  	[sflag:s29] =	ssyncadd.s32 $0xFFFFFF80  }
0x55: {  	_ =	swait.ge [sflag:s29], $0x80  }
0x56: {  	[sflag:s29] =	ssyncset.done $0x0  }
0x57: {  	s2 =	simm.s32 $0x800;
	[sflag:s29] =	ssyncadd.s32 $0xFFFFFF80  }
0x58: {  	[spmem:s3] =	stream.indirect.scatter.add.f32 [tilespmem:s12], [sflag:$0x1], $0x1, s2, s13, $0xb8;
	[tilespmem:$0x2B00] =	vst v63  }
0x59: {  	s1 =	simm.s32 $0x880  }
0x5a: {  	[spmem:s3] =	stream.indirect.scatter.add.f32 [tilespmem:s12], [sflag:$0x1], $0x1, s1, s13, $0xb8;
	[tilespmem:$0x2B00] =	vst v63  }
0x5b: {  	s2 =	simm.s32 $0x900  }
0x5c: {  	[spmem:s3] =	stream.indirect.scatter.add.f32 [tilespmem:s12], [sflag:$0x1], $0x1, s2, s13, $0xb8;
	[tilespmem:$0x2B00] =	vst v63  }
0x5d: {  	s1 =	simm.s32 $0x980  }
0x5e: {  	[spmem:s3] =	stream.indirect.scatter.add.f32 [tilespmem:s12], [sflag:$0x1], $0x1, s1, s13, $0xb8;
	[tilespmem:$0x2B00] =	vst v63  }
0x5f: {  	s2 =	simm.s32 $0xA00  }
0x60: {  	[spmem:s3] =	stream.indirect.scatter.add.f32 [tilespmem:s12], [sflag:$0x1], $0x1, s2, s13, $0xb8;
	[tilespmem:$0x2B00] =	vst v63  }
0x61: {  	s1 =	simm.s32 $0xA80  }
0x62: {  	[spmem:s3] =	stream.indirect.scatter.add.f32 [tilespmem:s12], [sflag:$0x1], $0x1, s1, s13, $0xb8;
	[tilespmem:$0x2B00] =	vst v63  }
0x63: {  	s2 =	simm.s32 $0xB00  }
0x64: {  	[spmem:s3] =	stream.indirect.scatter.add.f32 [tilespmem:s12], [sflag:$0x1], $0x1, s2, s13, $0xb8;
	[tilespmem:$0x2B00] =	vst v63  }
0x65: {  	s1 =	simm.s32 $0xB80  }
0x66: {  	[spmem:s3] =	stream.indirect.scatter.add.f32 [tilespmem:s12], [sflag:$0x1], $0x1, s1, s13, $0xb8;
	[tilespmem:$0x2B00] =	vst v63  }
0x67: {  	_ =	swait.ge [sflag:s30], $0x80  }
0x68: {  	[sflag:s30] =	ssyncset.done $0x0  }
0x69: {  	[sflag:s30] =	ssyncadd.s32 $0xFFFFFF80  }
0x6a: {  	_ =	swait.ge [sflag:s30], $0x80  }
0x6b: {  	[sflag:s30] =	ssyncset.done $0x0  }
0x6c: {  	[sflag:s30] =	ssyncadd.s32 $0xFFFFFF80  }
0x6d: {  	_ =	swait.ge [sflag:s30], $0x80  }
0x6e: {  	[sflag:s30] =	ssyncset.done $0x0  }
0x6f: {  	[sflag:s30] =	ssyncadd.s32 $0xFFFFFF80  }
0x70: {  	_ =	swait.ge [sflag:s30], $0x80  }
0x71: {  	[sflag:s30] =	ssyncset.done $0x0  }
0x72: {  	[sflag:s30] =	ssyncadd.s32 $0xFFFFFF80  }
0x73: {  	_ =	swait.ge [sflag:s30], $0x80  }
0x74: {  	[sflag:s30] =	ssyncset.done $0x0  }
0x75: {  	[sflag:s30] =	ssyncadd.s32 $0xFFFFFF80  }
0x76: {  	_ =	swait.ge [sflag:s30], $0x80  }
0x77: {  	[sflag:s30] =	ssyncset.done $0x0  }
0x78: {  	[sflag:s30] =	ssyncadd.s32 $0xFFFFFF80  }
0x79: {  	_ =	swait.ge [sflag:s30], $0x80  }
0x7a: {  	[sflag:s30] =	ssyncset.done $0x0  }
0x7b: {  	[sflag:s30] =	ssyncadd.s32 $0xFFFFFF80  }
0x7c: {  	_ =	swait.ge [sflag:s30], $0x80  }
0x7d: {  	[sflag:s30] =	ssyncset.done $0x0  }
0x7e: {  	s2 =	simm.s32 $0xC00;
	[sflag:s30] =	ssyncadd.s32 $0xFFFFFF80  }
0x7f: {  	[spmem:s3] =	stream.indirect.scatter.add.f32 [tilespmem:s12], [sflag:$0x2], $0x1, s2, s13, $0xb8;
	[tilespmem:$0x2B00] =	vst v63  }
0x80: {  	s1 =	simm.s32 $0xC80  }
0x81: {  	[spmem:s3] =	stream.indirect.scatter.add.f32 [tilespmem:s12], [sflag:$0x2], $0x1, s1, s13, $0xb8;
	[tilespmem:$0x2B00] =	vst v63  }
0x82: {  	s2 =	simm.s32 $0xD00  }
0x83: {  	[spmem:s3] =	stream.indirect.scatter.add.f32 [tilespmem:s12], [sflag:$0x2], $0x1, s2, s13, $0xb8;
	[tilespmem:$0x2B00] =	vst v63  }
0x84: {  	s1 =	simm.s32 $0xD80  }
0x85: {  	[spmem:s3] =	stream.indirect.scatter.add.f32 [tilespmem:s12], [sflag:$0x2], $0x1, s1, s13, $0xb8;
	[tilespmem:$0x2B00] =	vst v63  }
0x86: {  	s2 =	simm.s32 $0xE00  }
0x87: {  	[spmem:s3] =	stream.indirect.scatter.add.f32 [tilespmem:s12], [sflag:$0x2], $0x1, s2, s13, $0xb8;
	[tilespmem:$0x2B00] =	vst v63  }
0x88: {  	s1 =	simm.s32 $0xE80  }
0x89: {  	[spmem:s3] =	stream.indirect.scatter.add.f32 [tilespmem:s12], [sflag:$0x2], $0x1, s1, s13, $0xb8;
	[tilespmem:$0x2B00] =	vst v63  }
0x8a: {  	s0 =	simm.s32 $0xF80;
	s2 =	simm.s32 $0xF00;
	s1 =	simm.s32 $0x2000  }
0x8b: {  	[spmem:s3] =	stream.indirect.scatter.add.f32 [tilespmem:s12], [sflag:$0x2], $0x1, s2, s13, $0xb8;
	[tilespmem:$0x2B00] =	vst v63  }
.LBB2_2:
0x8c: {  	[spmem:s3] =	stream.indirect.scatter.add.f32 [tilespmem:s12], [sflag:$0x2], $0x1, s0, s13, $0xb8;
	[tilespmem:$0x2B00] =	vst v63  }
0x8d: {  	s0 =	smov.u32 s1  }
0x8e: {  	p0 =	sne.s32 s1, $0x6000;
	s1 =	sadd.s32 $0x2000, s1;
	_ =	swait.ge [sflag:s29], $0x80  }
0x8f: {  	[sflag:s29] =	ssyncset.done $0x0  }
0x90: {  	[sflag:s29] =	ssyncadd.s32 $0xFFFFFF80  }
0x91: {  	_ =	swait.ge [sflag:s29], $0x80  }
0x92: {  	[sflag:s29] =	ssyncset.done $0x0  }
0x93: {  	[sflag:s29] =	ssyncadd.s32 $0xFFFFFF80  }
0x94: {  	_ =	swait.ge [sflag:s29], $0x80  }
0x95: {  	[sflag:s29] =	ssyncset.done $0x0  }
0x96: {  	[sflag:s29] =	ssyncadd.s32 $0xFFFFFF80  }
0x97: {  	_ =	swait.ge [sflag:s29], $0x80  }
0x98: {  	[sflag:s29] =	ssyncset.done $0x0  }
0x99: {  	[sflag:s29] =	ssyncadd.s32 $0xFFFFFF80  }
0x9a: {  	_ =	swait.ge [sflag:s29], $0x80  }
0x9b: {  	[sflag:s29] =	ssyncset.done $0x0  }
0x9c: {  	[sflag:s29] =	ssyncadd.s32 $0xFFFFFF80  }
0x9d: {  	_ =	swait.ge [sflag:s29], $0x80  }
0x9e: {  	[sflag:s29] =	ssyncset.done $0x0  }
0x9f: {  	[sflag:s29] =	ssyncadd.s32 $0xFFFFFF80  }
0xa0: {  	_ =	swait.ge [sflag:s29], $0x80  }
0xa1: {  	[sflag:s29] =	ssyncset.done $0x0  }
0xa2: {  	[sflag:s29] =	ssyncadd.s32 $0xFFFFFF80  }
0xa3: {  	_ =	swait.ge [sflag:s29], $0x80  }
0xa4: {  	s0 =	sshra.s32 s0, $0x2;
	[sflag:s29] =	ssyncset.done $0x0  }
0xa5: {  	s2 =	sadd.s32 $0x800, s0;
	[sflag:s29] =	ssyncadd.s32 $0xFFFFFF80  }
0xa6: {  	[spmem:s3] =	stream.indirect.scatter.add.f32 [tilespmem:s12], [sflag:$0x1], $0x1, s2, s13, $0xb8;
	[tilespmem:$0x2B00] =	vst v63  }
0xa7: {  	s2 =	sadd.s32 $0x880, s0  }
0xa8: {  	[spmem:s3] =	stream.indirect.scatter.add.f32 [tilespmem:s12], [sflag:$0x1], $0x1, s2, s13, $0xb8;
	[tilespmem:$0x2B00] =	vst v63  }
0xa9: {  	s2 =	sadd.s32 $0x900, s0  }
0xaa: {  	[spmem:s3] =	stream.indirect.scatter.add.f32 [tilespmem:s12], [sflag:$0x1], $0x1, s2, s13, $0xb8;
	[tilespmem:$0x2B00] =	vst v63  }
0xab: {  	s2 =	sadd.s32 $0x980, s0  }
0xac: {  	[spmem:s3] =	stream.indirect.scatter.add.f32 [tilespmem:s12], [sflag:$0x1], $0x1, s2, s13, $0xb8;
	[tilespmem:$0x2B00] =	vst v63  }
0xad: {  	s2 =	sadd.s32 $0xA00, s0  }
0xae: {  	[spmem:s3] =	stream.indirect.scatter.add.f32 [tilespmem:s12], [sflag:$0x1], $0x1, s2, s13, $0xb8;
	[tilespmem:$0x2B00] =	vst v63  }
0xaf: {  	s2 =	sadd.s32 $0xA80, s0  }
0xb0: {  	[spmem:s3] =	stream.indirect.scatter.add.f32 [tilespmem:s12], [sflag:$0x1], $0x1, s2, s13, $0xb8;
	[tilespmem:$0x2B00] =	vst v63  }
0xb1: {  	s2 =	sadd.s32 $0xB00, s0  }
0xb2: {  	[spmem:s3] =	stream.indirect.scatter.add.f32 [tilespmem:s12], [sflag:$0x1], $0x1, s2, s13, $0xb8;
	[tilespmem:$0x2B00] =	vst v63  }
0xb3: {  	s2 =	sadd.s32 $0xB80, s0  }
0xb4: {  	[spmem:s3] =	stream.indirect.scatter.add.f32 [tilespmem:s12], [sflag:$0x1], $0x1, s2, s13, $0xb8;
	[tilespmem:$0x2B00] =	vst v63  }
0xb5: {  	_ =	swait.ge [sflag:s30], $0x80  }
0xb6: {  	[sflag:s30] =	ssyncset.done $0x0  }
0xb7: {  	[sflag:s30] =	ssyncadd.s32 $0xFFFFFF80  }
0xb8: {  	_ =	swait.ge [sflag:s30], $0x80  }
0xb9: {  	[sflag:s30] =	ssyncset.done $0x0  }
0xba: {  	[sflag:s30] =	ssyncadd.s32 $0xFFFFFF80  }
0xbb: {  	_ =	swait.ge [sflag:s30], $0x80  }
0xbc: {  	[sflag:s30] =	ssyncset.done $0x0  }
0xbd: {  	[sflag:s30] =	ssyncadd.s32 $0xFFFFFF80  }
0xbe: {  	_ =	swait.ge [sflag:s30], $0x80  }
0xbf: {  	[sflag:s30] =	ssyncset.done $0x0  }
0xc0: {  	[sflag:s30] =	ssyncadd.s32 $0xFFFFFF80  }
0xc1: {  	_ =	swait.ge [sflag:s30], $0x80  }
0xc2: {  	[sflag:s30] =	ssyncset.done $0x0  }
0xc3: {  	[sflag:s30] =	ssyncadd.s32 $0xFFFFFF80  }
0xc4: {  	_ =	swait.ge [sflag:s30], $0x80  }
0xc5: {  	[sflag:s30] =	ssyncset.done $0x0  }
0xc6: {  	[sflag:s30] =	ssyncadd.s32 $0xFFFFFF80  }
0xc7: {  	_ =	swait.ge [sflag:s30], $0x80  }
0xc8: {  	[sflag:s30] =	ssyncset.done $0x0  }
0xc9: {  	[sflag:s30] =	ssyncadd.s32 $0xFFFFFF80  }
0xca: {  	_ =	swait.ge [sflag:s30], $0x80  }
0xcb: {  	[sflag:s30] =	ssyncset.done $0x0  }
0xcc: {  	s2 =	sadd.s32 $0xC00, s0;
	[sflag:s30] =	ssyncadd.s32 $0xFFFFFF80  }
0xcd: {  	[spmem:s3] =	stream.indirect.scatter.add.f32 [tilespmem:s12], [sflag:$0x2], $0x1, s2, s13, $0xb8;
	[tilespmem:$0x2B00] =	vst v63  }
0xce: {  	s2 =	sadd.s32 $0xC80, s0  }
0xcf: {  	[spmem:s3] =	stream.indirect.scatter.add.f32 [tilespmem:s12], [sflag:$0x2], $0x1, s2, s13, $0xb8;
	[tilespmem:$0x2B00] =	vst v63  }
0xd0: {  	s2 =	sadd.s32 $0xD00, s0  }
0xd1: {  	[spmem:s3] =	stream.indirect.scatter.add.f32 [tilespmem:s12], [sflag:$0x2], $0x1, s2, s13, $0xb8;
	[tilespmem:$0x2B00] =	vst v63  }
0xd2: {  	s2 =	sadd.s32 $0xD80, s0  }
0xd3: {  	[spmem:s3] =	stream.indirect.scatter.add.f32 [tilespmem:s12], [sflag:$0x2], $0x1, s2, s13, $0xb8;
	[tilespmem:$0x2B00] =	vst v63  }
0xd4: {  	s2 =	sadd.s32 $0xE00, s0  }
0xd5: {  	[spmem:s3] =	stream.indirect.scatter.add.f32 [tilespmem:s12], [sflag:$0x2], $0x1, s2, s13, $0xb8;
	[tilespmem:$0x2B00] =	vst v63  }
.Ltmp0:
0xd6: {  	s2 =	sadd.s32 $0xE80, s0;
	(pc) =	sbr.rel @p0 .LBB2_2-.Ltmp0, $4  }
0xd7: {  	[spmem:s3] =	stream.indirect.scatter.add.f32 [tilespmem:s12], [sflag:$0x2], $0x1, s2, s13, $0xb8;
	[tilespmem:$0x2B00] =	vst v63  }
0xd8: {  	s2 =	sadd.s32 $0xF00, s0  }
0xd9: {  	[spmem:s3] =	stream.indirect.scatter.add.f32 [tilespmem:s12], [sflag:$0x2], $0x1, s2, s13, $0xb8;
	[tilespmem:$0x2B00] =	vst v63  }
0xda: {  	s0 =	sadd.s32 $0xF80, s0  }
0xdb: {  	[spmem:s3] =	stream.indirect.scatter.add.f32 [tilespmem:s12], [sflag:$0x2], $0x1, s0, s13, $0xb8;
	[tilespmem:$0x2B00] =	vst v63  }
0xdc: {  	_ =	swait.ge [sflag:s29], $0x80  }
0xdd: {  	[sflag:s29] =	ssyncset.done $0x0  }
0xde: {  	[sflag:s29] =	ssyncadd.s32 $0xFFFFFF80  }
0xdf: {  	_ =	swait.ge [sflag:s29], $0x80  }
0xe0: {  	[sflag:s29] =	ssyncset.done $0x0  }
0xe1: {  	[sflag:s29] =	ssyncadd.s32 $0xFFFFFF80  }
0xe2: {  	_ =	swait.ge [sflag:s29], $0x80  }
0xe3: {  	[sflag:s29] =	ssyncset.done $0x0  }
0xe4: {  	[sflag:s29] =	ssyncadd.s32 $0xFFFFFF80  }
0xe5: {  	_ =	swait.ge [sflag:s29], $0x80  }
0xe6: {  	[sflag:s29] =	ssyncset.done $0x0  }
0xe7: {  	[sflag:s29] =	ssyncadd.s32 $0xFFFFFF80  }
0xe8: {  	_ =	swait.ge [sflag:s29], $0x80  }
0xe9: {  	[sflag:s29] =	ssyncset.done $0x0  }
0xea: {  	[sflag:s29] =	ssyncadd.s32 $0xFFFFFF80  }
0xeb: {  	_ =	swait.ge [sflag:s29], $0x80  }
0xec: {  	[sflag:s29] =	ssyncset.done $0x0  }
0xed: {  	[sflag:s29] =	ssyncadd.s32 $0xFFFFFF80  }
0xee: {  	_ =	swait.ge [sflag:s29], $0x80  }
0xef: {  	[sflag:s29] =	ssyncset.done $0x0  }
0xf0: {  	[sflag:s29] =	ssyncadd.s32 $0xFFFFFF80  }
0xf1: {  	_ =	swait.ge [sflag:s29], $0x80  }
0xf2: {  	[sflag:s29] =	ssyncset.done $0x0  }
0xf3: {  	[sflag:s29] =	ssyncadd.s32 $0xFFFFFF80  }
0xf4: {  	_ =	swait.ge [sflag:s30], $0x80  }
0xf5: {  	[sflag:s30] =	ssyncset.done $0x0  }
0xf6: {  	[sflag:s30] =	ssyncadd.s32 $0xFFFFFF80  }
0xf7: {  	_ =	swait.ge [sflag:s30], $0x80  }
0xf8: {  	[sflag:s30] =	ssyncset.done $0x0  }
0xf9: {  	[sflag:s30] =	ssyncadd.s32 $0xFFFFFF80  }
0xfa: {  	_ =	swait.ge [sflag:s30], $0x80  }
0xfb: {  	[sflag:s30] =	ssyncset.done $0x0  }
0xfc: {  	[sflag:s30] =	ssyncadd.s32 $0xFFFFFF80  }
0xfd: {  	_ =	swait.ge [sflag:s30], $0x80  }
0xfe: {  	[sflag:s30] =	ssyncset.done $0x0  }
0xff: {  	[sflag:s30] =	ssyncadd.s32 $0xFFFFFF80  }
0x100: {  	_ =	swait.ge [sflag:s30], $0x80  }
0x101: {  	[sflag:s30] =	ssyncset.done $0x0  }
0x102: {  	[sflag:s30] =	ssyncadd.s32 $0xFFFFFF80  }
0x103: {  	_ =	swait.ge [sflag:s30], $0x80  }
0x104: {  	[sflag:s30] =	ssyncset.done $0x0  }
0x105: {  	[sflag:s30] =	ssyncadd.s32 $0xFFFFFF80  }
0x106: {  	_ =	swait.ge [sflag:s30], $0x80  }
0x107: {  	[sflag:s30] =	ssyncset.done $0x0  }
0x108: {  	[sflag:s30] =	ssyncadd.s32 $0xFFFFFF80  }
0x109: {  	_ =	swait.ge [sflag:s30], $0x80  }
0x10a: {  	s31 =	sadd.s32 $0x1, s31;
	[sflag:s30] =	ssyncset.done $0x0  }
0x10b: {  	p0 =	sne.s32 s31, s9;
	[sflag:s30] =	ssyncadd.s32 $0xFFFFFF80  }
.Ltmp1:
0x10c: {  	[bflag:$0x0] =	sbarrier.arrive $0xFFFF;
	(pc) =	sbr.rel @p0 .LBB2_1-.Ltmp1, $4  }
0x10d: {  	[hbm:s8], [sflag:s6] =	dma.local [spmem:s10], $0x50  }
0x10e: {  	_ =	swait.ge [sflag:s11], $0x50  }
0x10f: {  	[sflag:s11] =	ssyncset.done $0x0  }
0x110: {  	[sflag:s11] =	ssyncadd.s32 $0xFFFFFFB0  }
0x111: {  	_ =	sfence.sel $0x180000  }
0x112: {  	[bflag:$0x0] =	sbarrier.arrive $0xFFFF  }
0x113: {  	_ =	strace $0x90000047  }
0x114: {  	s0 =	stileid.u32;
	[bflag:$0x2] =	sbarrier.arrive $0xFFFF  }
0x115: {  	p0 =	sne.s32 s0, $0x0;
	s0 =	rddreg [dreg:$0x3]  }
0x116: {  	s0 =	sadd.s32 @!p0 $0x100000, s0  }
0x117: {  	[sflag:s0] =	ssyncadd.tile.s32 @!p0 $0x1;
	_ =	shalt  }
.Lfunc_end2:
_tile_overlayer_lowered:
.L_overlay_start_2:
0x118: {  	(tag) =	ssettag $0x2  }
0x119: {  	s0 =	rddreg [dreg:$0x0];
	s2 =	stileid.u32  }
0x11a: {  	s1 =	rddreg [dreg:$0x1];
	p0 =	sne.s32 s2, $0x0  }
0x11b: {  	s3 =	rddreg [dreg:$0x2];
	[bflag:$0x3] =	sbarrier.arrive $0xFFFF;
	s2 =	simm.s32 @!p0 $0x1C03  }
0x11c: {  	[timem:s3], [sflag:s2] =	dma.local @!p0 [hbm:s0], s1  }
0x11d: {  	s0 =	simm.s32 @!p0 $0x3  }
0x11e: {  	_ =	swait.ge @!p0 [sflag:s0], s1  }
0x11f: {  	s1 =	ssub.s32 @!p0 $0x0, s1;
	[sflag:s0] =	ssyncset.done @!p0 $0x0  }
0x120: {  	[sflag:s0] =	ssyncadd.s32 @!p0 s1  }
0x121: {  	[bflag:$0x3] =	sbarrier.arrive $0xFFFF  }
0x122: {  	_ =	shalt  }

</sc_bundles>
